<compile_context>
chip_gen: v7x
topology: tpu7x:2x2x1
jax: 0.10.2.dev20260603
libtpu: 0.0.44.dev20260713+nightly
codegen_flags: <defaults>
</compile_context>

<pallas_src>
import jax
import jax.numpy as jnp
from jax import lax
from jax.experimental import pallas as pl
from jax.experimental.pallas import tpu as pltpu
from jax.experimental.pallas import tpu_sc as plsc

NC = 2
NS = 16
NW = NC * NS
CH = 128
BB = 4096


def _sc_gather_body(pt_hbm, mt_hbm, idx_hbm, out_hbm, idx_v, gbuf_v, ebuf_v,
                    gsem, ssem):
    wid = lax.axis_index("s") * NC + lax.axis_index("c")
    nch = idx_v.shape[0] // 6
    bpw = nch * CH
    rb_base = wid * (bpw // 8)

    pltpu.sync_copy(idx_hbm.at[wid], idx_v)

    def zrow(i, _):
        rb, r = i // 8, i % 8
        for p in range(2):
            for q in range(4):
                ebuf_v[p, rb, 1, r, pl.ds(64 + 16 * q, 16)] = (
                    jnp.zeros((16,), jnp.float32))
        return 0
    lax.fori_loop(0, (CH // 8) * 8, zrow, 0)

    def fire(k):
        copies = []
        for j in range(6):
            tab = pt_hbm if j < 2 else mt_hbm
            copies.append(
                pltpu.async_copy(tab.at[idx_v.at[j * nch + k]],
                                 gbuf_v.at[k % 2, j], gsem))
        return copies

    store = [None, None]
    gcop = [None, None]
    gcop[0] = fire(0)
    for k in range(nch):
        if k + 1 < nch:
            gcop[(k + 1) % 2] = fire(k + 1)
        for c in gcop[k % 2]:
            c.wait()
        if store[k % 2] is not None:
            store[k % 2].wait()

        ebuf = ebuf_v.at[k % 2]
        gbuf = gbuf_v.at[k % 2]

        @plsc.parallel_loop(0, CH, unroll=4)
        def rearrange(rr):
            rbq, rq = rr // 8, rr % 8
            for j in range(6):
                for h in range(2):
                    lq = 32 * j + 16 * h
                    v = gbuf[j, rr, pl.ds(16 * h, 16)]
                    ebuf[rbq, lq // 128, rq, pl.ds(lq % 128, 16)] = v

        store[k % 2] = pltpu.async_copy(
            ebuf_v.at[k % 2],
            out_hbm.at[pl.ds(rb_base + k * (CH // 8), CH // 8)], ssem)
    for cp in store:
        if cp is not None:
            cp.wait()


def _mlp_body(act_ref, x_ref, w1a_ref, w1b_ref, w1n_ref, b1_ref, w2_ref,
              b2_ref, w3_ref, b3_ref, out_ref):
    nb = act_ref.shape[0] * 8
    lo = act_ref[:, 0].reshape(nb, 128)
    hi = act_ref[:, 1].reshape(nb, 128)
    h1 = jnp.dot(lo, w1a_ref[:, :], preferred_element_type=jnp.float32)
    h1 += jnp.dot(hi, w1b_ref[:, :], preferred_element_type=jnp.float32)
    h1 += jnp.dot(x_ref[:, 6:10], w1n_ref[:, :],
                  preferred_element_type=jnp.float32)
    h1 = jnp.maximum(h1 + b1_ref[:, :], 0.0)
    h2 = jnp.maximum(jnp.dot(h1, w2_ref[:, :],
                             preferred_element_type=jnp.float32)
                     + b2_ref[:, :], 0.0)
    out_ref[:, :] = (jnp.dot(h2, w3_ref[:, :],
                             preferred_element_type=jnp.float32)
                     + b3_ref[:, :])


def kernel(x, pokemon_table, move_table, W1, b1, W2, b2, W3, b3):
    B = x.shape[0]
    bpw = B // NW
    nch = bpw // CH
    ids = x[:, :6].astype(jnp.int32)
    idx = ids.T.reshape(6, NW, nch, CH).transpose(1, 0, 2, 3)
    idx = idx.reshape(NW, 6 * nch, CH)

    acts = pl.kernel(
        _sc_gather_body,
        out_type=jax.ShapeDtypeStruct((B // 8, 2, 8, 128), jnp.float32),
        scratch_types=[
            pltpu.VMEM((6 * nch, CH), jnp.int32),
            pltpu.VMEM((2, 6, CH, 32), jnp.float32),
            pltpu.VMEM((2, CH // 8, 2, 8, 128), jnp.float32),
            pltpu.SemaphoreType.DMA,
            pltpu.SemaphoreType.DMA,
        ],
        mesh=plsc.VectorSubcoreMesh(core_axis_name="c", subcore_axis_name="s"),
        compiler_params=pltpu.CompilerParams(
            use_tc_tiling_on_sc=False, needs_layout_passes=False),
    )(pokemon_table, move_table, idx)

    W1a = W1[:128]
    W1b = jnp.pad(W1[128:192], ((0, 64), (0, 0)))
    W1n = W1[192:196]

    grid = B // BB
    full = lambda shape: pl.BlockSpec(shape, lambda i: (0,) * len(shape))
    return pl.pallas_call(
        _mlp_body,
        grid=(grid,),
        in_specs=[
            pl.BlockSpec((BB // 8, 2, 8, 128), lambda i: (i, 0, 0, 0)),
            pl.BlockSpec((BB, 10), lambda i: (i, 0)),
            full((128, 128)),
            full((128, 128)),
            full((4, 128)),
            full((1, 128)),
            full(W2.shape),
            full((1, 64)),
            full(W3.shape),
            full((1, 18)),
        ],
        out_specs=pl.BlockSpec((BB, 18), lambda i: (i, 0)),
        out_shape=jax.ShapeDtypeStruct((B, 18), jnp.float32),
    )(acts, x, W1a, W1b, W1n, b1.reshape(1, 128), W2, b2.reshape(1, 64), W3,
      b3.reshape(1, 18))

# --- scband reference (transcript-rebuilt; emitter-appended) ---
"""Pipeline reference for scband-embedding-dqn-60902636257481 (READ-ONLY COPY).

The authoritative reference and input builder live on the scoring server;
editing this copy changes nothing except your own understanding.
"""

import jax, jax.numpy as jnp
import numpy as np

B = 16384
VOCAB = 1000
PEMB = 32
MEMB = 32
IN = 10
H1 = 128
H2 = 64
OUT = 18
FIRST = 2 * PEMB + 4 * MEMB + IN - 6


def setup_inputs(seed: int = 0) -> dict:
    key = jax.random.key(seed)
    ks = jax.random.split(key, 12)
    ids = jax.random.randint(ks[0], (B, 6), 0, VOCAB).astype(jnp.float32)
    numeric = jax.random.normal(ks[1], (B, IN - 6), dtype=jnp.float32)
    x = jnp.concatenate([ids, numeric], axis=1)
    pokemon_table = jax.random.normal(ks[2], (VOCAB, PEMB), dtype=jnp.float32)
    move_table = jax.random.normal(ks[3], (VOCAB, MEMB), dtype=jnp.float32)
    W1 = jax.random.normal(ks[4], (FIRST, H1), dtype=jnp.float32) * (1.0 / np.sqrt(FIRST))
    b1 = jnp.zeros((H1,), dtype=jnp.float32)
    W2 = jax.random.normal(ks[5], (H1, H2), dtype=jnp.float32) * (1.0 / np.sqrt(H1))
    b2 = jnp.zeros((H2,), dtype=jnp.float32)
    W3 = jax.random.normal(ks[6], (H2, OUT), dtype=jnp.float32) * (1.0 / np.sqrt(H2))
    b3 = jnp.zeros((OUT,), dtype=jnp.float32)
    return {"x": x, "pokemon_table": pokemon_table, "move_table": move_table,
            "W1": W1, "b1": b1, "W2": W2, "b2": b2, "W3": W3, "b3": b3}


def reference(x, pokemon_table, move_table, W1, b1, W2, b2, W3, b3):
    pid = x[:, 0].astype(jnp.int32)
    opid = x[:, 1].astype(jnp.int32)
    mids = x[:, 2:6].astype(jnp.int32)
    numeric = x[:, 6:]
    our_active_embs = jnp.take(pokemon_table, pid, axis=0)
    opponent_active_embs = jnp.take(pokemon_table, opid, axis=0)
    move_embs = jnp.take(move_table, mids, axis=0).reshape(x.shape[0], 4 * MEMB)
    h = jnp.concatenate([our_active_embs, opponent_active_embs, move_embs, numeric], axis=1)
    h = jax.nn.relu(h @ W1 + b1)
    h = jax.nn.relu(h @ W2 + b2)
    out = h @ W3 + b3
    return out

if __name__ == "__main__":
    import jax
    _d = setup_inputs()
    print(jax.jit(kernel)(*tuple(_d.values())))

</pallas_src>

<mosaic_0001>
#map = affine_map<(d0, d1) -> (0, 0)>
#map1 = affine_map<(d0, d1) -> (0, 0, 0)>
#map2 = affine_map<(d0, d1) -> (0, 0, 0, 0)>
module attributes {stable_mosaic.version = 14 : i64} {
  func.func @_sc_gather_body(%arg0: i32, %arg1: i32, %arg2: memref<1000x32xf32, #tpu.memory_space<hbm>>, %arg3: memref<1000x32xf32, #tpu.memory_space<hbm>>, %arg4: memref<32x24x128xi32, #tpu.memory_space<hbm>>, %arg5: memref<2048x2x8x128xf32, #tpu.memory_space<hbm>>, %arg6: memref<24x128xi32, #tpu.memory_space<vmem>>, %arg7: memref<2x6x128x32xf32, #tpu.memory_space<vmem>>, %arg8: memref<2x16x2x8x128xf32, #tpu.memory_space<vmem>>, %arg9: memref<!tpu.dma_semaphore, #tpu.memory_space<semaphore_mem>>, %arg10: memref<!tpu.dma_semaphore, #tpu.memory_space<semaphore_mem>>) attributes {dimension_semantics = [#tpu.dimension_semantics<core_parallel>, #tpu.dimension_semantics<subcore_parallel>], iteration_bounds = array<i64: 2, 16>, scalar_prefetch = 0 : i64, scratch_operands = 5 : i64, tpu.core_type = #tpu.core_type<sc_vector_subcore>, window_params = [{transform_indices = #map}, {transform_indices = #map}, {transform_indices = #map1}, {transform_indices = #map2}]} {
    %mul3A = arith.constant 2 : i32
    %mul3A_0 = arith.muli %arg1, %mul3A : i32
    %add3A = arith.addi %mul3A_0, %arg0 : i32
    %mul3A_1 = arith.constant 64 : i32
    %mul3A_2 = arith.muli %add3A, %mul3A_1 : i32
    "tpu.region"() ({
      %run_scoped3A = tpu.sem_alloc : memref<!tpu.dma_semaphore, #tpu.memory_space<semaphore_mem>>
      %dma_start3A_826 = arith.constant 0 : i32
      %dma_start3A_827 = arith.constant 0 : i32
      %dma_start3A_828 = tpu.memref_slice %arg4[%add3A, %dma_start3A_826, %dma_start3A_827] : memref<32x24x128xi32, #tpu.memory_space<hbm>> -> memref<1x24x128xi32, #tpu.memory_space<hbm>>
      %dma_start3A_829 = tpu.memref_squeeze %dma_start3A_828 : memref<1x24x128xi32, #tpu.memory_space<hbm>> -> memref<24x128xi32, #tpu.memory_space<hbm>>
      %dma_start3A_830 = arith.constant 0 : i32
      %dma_start3A_831 = arith.constant 0 : i32
      %dma_start3A_832 = tpu.memref_slice %arg4[%add3A, %dma_start3A_830, %dma_start3A_831] : memref<32x24x128xi32, #tpu.memory_space<hbm>> -> memref<1x24x128xi32, #tpu.memory_space<hbm>>
      %dma_start3A_833 = tpu.memref_squeeze %dma_start3A_832 : memref<1x24x128xi32, #tpu.memory_space<hbm>> -> memref<24x128xi32, #tpu.memory_space<hbm>>
      tpu.enqueue_dma source(%dma_start3A_833 : memref<24x128xi32, #tpu.memory_space<hbm>>) target(%arg6 : memref<24x128xi32, #tpu.memory_space<vmem>>) target_semaphore(%run_scoped3A : memref<!tpu.dma_semaphore, #tpu.memory_space<semaphore_mem>>)
      %dma_wait3A_834 = arith.constant 0 : i32
      %dma_wait3A_835 = arith.constant 0 : i32
      %dma_wait3A_836 = tpu.memref_slice %arg4[%add3A, %dma_wait3A_834, %dma_wait3A_835] : memref<32x24x128xi32, #tpu.memory_space<hbm>> -> memref<1x24x128xi32, #tpu.memory_space<hbm>>
      %dma_wait3A_837 = tpu.memref_squeeze %dma_wait3A_836 : memref<1x24x128xi32, #tpu.memory_space<hbm>> -> memref<24x128xi32, #tpu.memory_space<hbm>>
      %dma_wait3A_838 = arith.constant 0 : i32
      %dma_wait3A_839 = arith.constant 0 : i32
      %dma_wait3A_840 = tpu.memref_slice %arg4[%add3A, %dma_wait3A_838, %dma_wait3A_839] : memref<32x24x128xi32, #tpu.memory_space<hbm>> -> memref<1x24x128xi32, #tpu.memory_space<hbm>>
      %dma_wait3A_841 = tpu.memref_squeeze %dma_wait3A_840 : memref<1x24x128xi32, #tpu.memory_space<hbm>> -> memref<24x128xi32, #tpu.memory_space<hbm>>
      tpu.wait_dma2 semaphore(%run_scoped3A : memref<!tpu.dma_semaphore, #tpu.memory_space<semaphore_mem>>) src(%dma_wait3A_841 : memref<24x128xi32, #tpu.memory_space<hbm>>) dst(%arg6 : memref<24x128xi32, #tpu.memory_space<vmem>>)
      tpu.yield
    }) : () -> ()
    %scan3A = arith.constant 0 : i32
    %scan3A_3 = arith.constant 0 : i32
    %scan3A_4 = arith.constant 128 : i32
    %scan3A_5 = arith.addi %scan3A_3, %scan3A_4 : i32
    %scan3A_6 = arith.constant 1 : i32
    %scan3A_7 = scf.for %scan3A_826 = %scan3A_3 to %scan3A_5 step %scan3A_6 iter_args(%scan3A_827 = %scan3A) -> (i32)  : i32 {
      %jit3A = arith.constant 8 : i32
      %div3A = arith.divsi %scan3A_826, %jit3A : i32
      %sign3A = arith.constant 0 : i32
      %sign3A_828 = arith.cmpi sgt, %scan3A_826, %sign3A : i32
      %sign3A_829 = arith.extui %sign3A_828 : i1 to i32
      %sign3A_830 = arith.constant 0 : i32
      %sign3A_831 = arith.cmpi slt, %scan3A_826, %sign3A_830 : i32
      %sign3A_832 = arith.extui %sign3A_831 : i1 to i32
      %sign3A_833 = arith.subi %sign3A_829, %sign3A_832 : i32
      %sign3A_834 = arith.constant 0 : i32
      %sign3A_835 = arith.cmpi sgt, %jit3A, %sign3A_834 : i32
      %sign3A_836 = arith.extui %sign3A_835 : i1 to i32
      %sign3A_837 = arith.constant 0 : i32
      %sign3A_838 = arith.cmpi slt, %jit3A, %sign3A_837 : i32
      %sign3A_839 = arith.extui %sign3A_838 : i1 to i32
      %sign3A_840 = arith.subi %sign3A_836, %sign3A_839 : i32
      %ne3A = arith.cmpi ne, %sign3A_833, %sign3A_840 : i32
      %rem3A = arith.remsi %scan3A_826, %jit3A : i32
      %ne3A_841 = arith.constant 0 : i32
      %ne3A_842 = arith.cmpi ne, %rem3A, %ne3A_841 : i32
      %and3A = arith.andi %ne3A, %ne3A_842 : i1
      %sub3A = arith.constant 1 : i32
      %sub3A_843 = arith.subi %div3A, %sub3A : i32
      %select_n3A = arith.select %and3A, %sub3A_843, %div3A : i32
      %jit3A_844 = arith.constant 8 : i32
      %eq3A = arith.constant 0 : i32
      %eq3A_845 = arith.cmpi eq, %jit3A_844, %eq3A : i32
      %jit3A_846 = arith.constant 1 : i32
      %select_n3A_847 = arith.select %eq3A_845, %jit3A_846, %jit3A_844 : i32
      %rem3A_848 = arith.remsi %scan3A_826, %select_n3A_847 : i32
      %ne3A_849 = arith.constant 0 : i32
      %ne3A_850 = arith.cmpi ne, %rem3A_848, %ne3A_849 : i32
      %lt3A = arith.constant 0 : i32
      %lt3A_851 = arith.cmpi slt, %rem3A_848, %lt3A : i32
      %lt3A_852 = arith.constant 0 : i32
      %lt3A_853 = arith.cmpi slt, %select_n3A_847, %lt3A_852 : i32
      %ne3A_854 = arith.xori %lt3A_851, %lt3A_853 : i1
      %and3A_855 = arith.andi %ne3A_854, %ne3A_850 : i1
      %add3A_856 = arith.addi %rem3A_848, %select_n3A_847 : i32
      %select_n3A_857 = arith.select %and3A_855, %add3A_856, %rem3A_848 : i32
      %broadcast_in_dim3A = arith.constant 0.000000e+00 : f32
      %broadcast_in_dim3A_858 = vector.broadcast %broadcast_in_dim3A : f32 to vector<16xf32>
      %swap3A = arith.constant 0 : i32
      %swap3A_859 = arith.constant 1 : i32
      %swap3A_860 = arith.index_cast %swap3A : i32 to index
      %swap3A_861 = arith.index_cast %select_n3A : i32 to index
      %swap3A_862 = arith.index_cast %swap3A_859 : i32 to index
      %swap3A_863 = arith.index_cast %select_n3A_857 : i32 to index
      %swap3A_864 = arith.constant 64 : index
      %swap3A_865 = tpu.vector_load %arg8[%swap3A_860, %swap3A_861, %swap3A_862, %swap3A_863, %swap3A_864] {strides = array<i32>} : memref<2x16x2x8x128xf32, #tpu.memory_space<vmem>>, vector<16xf32>,
      tpu.vector_store %arg8[%swap3A_860, %swap3A_861, %swap3A_862, %swap3A_863, %swap3A_864], %broadcast_in_dim3A_858 {strides = array<i32>} : memref<2x16x2x8x128xf32, #tpu.memory_space<vmem>>, vector<16xf32>,
      %broadcast_in_dim3A_866 = arith.constant 0.000000e+00 : f32
      %broadcast_in_dim3A_867 = vector.broadcast %broadcast_in_dim3A_866 : f32 to vector<16xf32>
      %swap3A_868 = arith.constant 0 : i32
      %swap3A_869 = arith.constant 1 : i32
      %swap3A_870 = arith.index_cast %swap3A_868 : i32 to index
      %swap3A_871 = arith.index_cast %select_n3A : i32 to index
      %swap3A_872 = arith.index_cast %swap3A_869 : i32 to index
      %swap3A_873 = arith.index_cast %select_n3A_857 : i32 to index
      %swap3A_874 = arith.constant 80 : index
      %swap3A_875 = tpu.vector_load %arg8[%swap3A_870, %swap3A_871, %swap3A_872, %swap3A_873, %swap3A_874] {strides = array<i32>} : memref<2x16x2x8x128xf32, #tpu.memory_space<vmem>>, vector<16xf32>,
      tpu.vector_store %arg8[%swap3A_870, %swap3A_871, %swap3A_872, %swap3A_873, %swap3A_874], %broadcast_in_dim3A_867 {strides = array<i32>} : memref<2x16x2x8x128xf32, #tpu.memory_space<vmem>>, vector<16xf32>,
      %broadcast_in_dim3A_876 = arith.constant 0.000000e+00 : f32
      %broadcast_in_dim3A_877 = vector.broadcast %broadcast_in_dim3A_876 : f32 to vector<16xf32>
      %swap3A_878 = arith.constant 0 : i32
      %swap3A_879 = arith.constant 1 : i32
      %swap3A_880 = arith.index_cast %swap3A_878 : i32 to index
      %swap3A_881 = arith.index_cast %select_n3A : i32 to index
      %swap3A_882 = arith.index_cast %swap3A_879 : i32 to index
      %swap3A_883 = arith.index_cast %select_n3A_857 : i32 to index
      %swap3A_884 = arith.constant 96 : index
      %swap3A_885 = tpu.vector_load %arg8[%swap3A_880, %swap3A_881, %swap3A_882, %swap3A_883, %swap3A_884] {strides = array<i32>} : memref<2x16x2x8x128xf32, #tpu.memory_space<vmem>>, vector<16xf32>,
      tpu.vector_store %arg8[%swap3A_880, %swap3A_881, %swap3A_882, %swap3A_883, %swap3A_884], %broadcast_in_dim3A_877 {strides = array<i32>} : memref<2x16x2x8x128xf32, #tpu.memory_space<vmem>>, vector<16xf32>,
      %broadcast_in_dim3A_886 = arith.constant 0.000000e+00 : f32
      %broadcast_in_dim3A_887 = vector.broadcast %broadcast_in_dim3A_886 : f32 to vector<16xf32>
      %swap3A_888 = arith.constant 0 : i32
      %swap3A_889 = arith.constant 1 : i32
      %swap3A_890 = arith.index_cast %swap3A_888 : i32 to index
      %swap3A_891 = arith.index_cast %select_n3A : i32 to index
      %swap3A_892 = arith.index_cast %swap3A_889 : i32 to index
      %swap3A_893 = arith.index_cast %select_n3A_857 : i32 to index
      %swap3A_894 = arith.constant 112 : index
      %swap3A_895 = tpu.vector_load %arg8[%swap3A_890, %swap3A_891, %swap3A_892, %swap3A_893, %swap3A_894] {strides = array<i32>} : memref<2x16x2x8x128xf32, #tpu.memory_space<vmem>>, vector<16xf32>,
      tpu.vector_store %arg8[%swap3A_890, %swap3A_891, %swap3A_892, %swap3A_893, %swap3A_894], %broadcast_in_dim3A_887 {strides = array<i32>} : memref<2x16x2x8x128xf32, #tpu.memory_space<vmem>>, vector<16xf32>,
      %broadcast_in_dim3A_896 = arith.constant 0.000000e+00 : f32
      %broadcast_in_dim3A_897 = vector.broadcast %broadcast_in_dim3A_896 : f32 to vector<16xf32>
      %swap3A_898 = arith.constant 1 : i32
      %swap3A_899 = arith.constant 1 : i32
      %swap3A_900 = arith.index_cast %swap3A_898 : i32 to index
      %swap3A_901 = arith.index_cast %select_n3A : i32 to index
      %swap3A_902 = arith.index_cast %swap3A_899 : i32 to index
      %swap3A_903 = arith.index_cast %select_n3A_857 : i32 to index
      %swap3A_904 = arith.constant 64 : index
      %swap3A_905 = tpu.vector_load %arg8[%swap3A_900, %swap3A_901, %swap3A_902, %swap3A_903, %swap3A_904] {strides = array<i32>} : memref<2x16x2x8x128xf32, #tpu.memory_space<vmem>>, vector<16xf32>,
      tpu.vector_store %arg8[%swap3A_900, %swap3A_901, %swap3A_902, %swap3A_903, %swap3A_904], %broadcast_in_dim3A_897 {strides = array<i32>} : memref<2x16x2x8x128xf32, #tpu.memory_space<vmem>>, vector<16xf32>,
      %broadcast_in_dim3A_906 = arith.constant 0.000000e+00 : f32
      %broadcast_in_dim3A_907 = vector.broadcast %broadcast_in_dim3A_906 : f32 to vector<16xf32>
      %swap3A_908 = arith.constant 1 : i32
      %swap3A_909 = arith.constant 1 : i32
      %swap3A_910 = arith.index_cast %swap3A_908 : i32 to index
      %swap3A_911 = arith.index_cast %select_n3A : i32 to index
      %swap3A_912 = arith.index_cast %swap3A_909 : i32 to index
      %swap3A_913 = arith.index_cast %select_n3A_857 : i32 to index
      %swap3A_914 = arith.constant 80 : index
      %swap3A_915 = tpu.vector_load %arg8[%swap3A_910, %swap3A_911, %swap3A_912, %swap3A_913, %swap3A_914] {strides = array<i32>} : memref<2x16x2x8x128xf32, #tpu.memory_space<vmem>>, vector<16xf32>,
      tpu.vector_store %arg8[%swap3A_910, %swap3A_911, %swap3A_912, %swap3A_913, %swap3A_914], %broadcast_in_dim3A_907 {strides = array<i32>} : memref<2x16x2x8x128xf32, #tpu.memory_space<vmem>>, vector<16xf32>,
      %broadcast_in_dim3A_916 = arith.constant 0.000000e+00 : f32
      %broadcast_in_dim3A_917 = vector.broadcast %broadcast_in_dim3A_916 : f32 to vector<16xf32>
      %swap3A_918 = arith.constant 1 : i32
      %swap3A_919 = arith.constant 1 : i32
      %swap3A_920 = arith.index_cast %swap3A_918 : i32 to index
      %swap3A_921 = arith.index_cast %select_n3A : i32 to index
      %swap3A_922 = arith.index_cast %swap3A_919 : i32 to index
      %swap3A_923 = arith.index_cast %select_n3A_857 : i32 to index
      %swap3A_924 = arith.constant 96 : index
      %swap3A_925 = tpu.vector_load %arg8[%swap3A_920, %swap3A_921, %swap3A_922, %swap3A_923, %swap3A_924] {strides = array<i32>} : memref<2x16x2x8x128xf32, #tpu.memory_space<vmem>>, vector<16xf32>,
      tpu.vector_store %arg8[%swap3A_920, %swap3A_921, %swap3A_922, %swap3A_923, %swap3A_924], %broadcast_in_dim3A_917 {strides = array<i32>} : memref<2x16x2x8x128xf32, #tpu.memory_space<vmem>>, vector<16xf32>,
      %broadcast_in_dim3A_926 = arith.constant 0.000000e+00 : f32
      %broadcast_in_dim3A_927 = vector.broadcast %broadcast_in_dim3A_926 : f32 to vector<16xf32>
      %swap3A_928 = arith.constant 1 : i32
      %swap3A_929 = arith.constant 1 : i32
      %swap3A_930 = arith.index_cast %swap3A_928 : i32 to index
      %swap3A_931 = arith.index_cast %select_n3A : i32 to index
      %swap3A_932 = arith.index_cast %swap3A_929 : i32 to index
      %swap3A_933 = arith.index_cast %select_n3A_857 : i32 to index
      %swap3A_934 = arith.constant 112 : index
      %swap3A_935 = tpu.vector_load %arg8[%swap3A_930, %swap3A_931, %swap3A_932, %swap3A_933, %swap3A_934] {strides = array<i32>} : memref<2x16x2x8x128xf32, #tpu.memory_space<vmem>>, vector<16xf32>,
      tpu.vector_store %arg8[%swap3A_930, %swap3A_931, %swap3A_932, %swap3A_933, %swap3A_934], %broadcast_in_dim3A_927 {strides = array<i32>} : memref<2x16x2x8x128xf32, #tpu.memory_space<vmem>>, vector<16xf32>,
      %scan3A_936 = arith.constant 0 : i32
      scf.yield %scan3A_936 : i32
    }
    %scan3A_8 = arith.constant 128 : i32
    %dma_start3A = arith.constant 0 : i32
    %dma_start3A_9 = arith.constant 0 : i32
    %dma_start3A_10 = arith.constant 0 : i32
    %dma_start3A_11 = arith.constant 0 : i32
    %dma_start3A_12 = arith.constant 0 : i32
    %dma_start3A_13 = tpu.memref_slice %arg7[%dma_start3A_9, %dma_start3A_10, %dma_start3A_11, %dma_start3A_12] : memref<2x6x128x32xf32, #tpu.memory_space<vmem>> -> memref<1x1x128x32xf32, #tpu.memory_space<vmem>>
    %dma_start3A_14 = tpu.memref_squeeze %dma_start3A_13 : memref<1x1x128x32xf32, #tpu.memory_space<vmem>> -> memref<128x32xf32, #tpu.memory_space<vmem>>
    %dma_start3A_15 = arith.constant 0 : i32
    %dma_start3A_16 = tpu.memref_slice %arg6[%dma_start3A, %dma_start3A_15] : memref<24x128xi32, #tpu.memory_space<vmem>> -> memref<1x128xi32, #tpu.memory_space<vmem>>
    %dma_start3A_17 = tpu.memref_squeeze %dma_start3A_16 : memref<1x128xi32, #tpu.memory_space<vmem>> -> memref<128xi32, #tpu.memory_space<vmem>>
    %dma_start3A_18 = arith.constant 0 : i32
    %dma_start3A_19 = arith.constant 0 : i32
    %dma_start3A_20 = tpu.memref_slice %arg2[%dma_start3A_18, %dma_start3A_19] : memref<1000x32xf32, #tpu.memory_space<hbm>> -> memref<1000x32xf32, #tpu.memory_space<hbm>>
    tpu.enqueue_indirect_dma source(%dma_start3A_20 : memref<1000x32xf32, #tpu.memory_space<hbm>>) target(%dma_start3A_14 : memref<128x32xf32, #tpu.memory_space<vmem>>) offsets(%dma_start3A_17 : memref<128xi32, #tpu.memory_space<vmem>>) semaphore(%arg9 : memref<!tpu.dma_semaphore, #tpu.memory_space<semaphore_mem>>)
    %dma_start3A_21 = arith.constant 4 : i32
    %dma_start3A_22 = arith.constant 0 : i32
    %dma_start3A_23 = arith.constant 1 : i32
    %dma_start3A_24 = arith.constant 0 : i32
    %dma_start3A_25 = arith.constant 0 : i32
    %dma_start3A_26 = tpu.memref_slice %arg7[%dma_start3A_22, %dma_start3A_23, %dma_start3A_24, %dma_start3A_25] : memref<2x6x128x32xf32, #tpu.memory_space<vmem>> -> memref<1x1x128x32xf32, #tpu.memory_space<vmem>>
    %dma_start3A_27 = tpu.memref_squeeze %dma_start3A_26 : memref<1x1x128x32xf32, #tpu.memory_space<vmem>> -> memref<128x32xf32, #tpu.memory_space<vmem>>
    %dma_start3A_28 = arith.constant 0 : i32
    %dma_start3A_29 = tpu.memref_slice %arg6[%dma_start3A_21, %dma_start3A_28] : memref<24x128xi32, #tpu.memory_space<vmem>> -> memref<1x128xi32, #tpu.memory_space<vmem>>
    %dma_start3A_30 = tpu.memref_squeeze %dma_start3A_29 : memref<1x128xi32, #tpu.memory_space<vmem>> -> memref<128xi32, #tpu.memory_space<vmem>>
    %dma_start3A_31 = arith.constant 0 : i32
    %dma_start3A_32 = arith.constant 0 : i32
    %dma_start3A_33 = tpu.memref_slice %arg2[%dma_start3A_31, %dma_start3A_32] : memref<1000x32xf32, #tpu.memory_space<hbm>> -> memref<1000x32xf32, #tpu.memory_space<hbm>>
    tpu.enqueue_indirect_dma source(%dma_start3A_33 : memref<1000x32xf32, #tpu.memory_space<hbm>>) target(%dma_start3A_27 : memref<128x32xf32, #tpu.memory_space<vmem>>) offsets(%dma_start3A_30 : memref<128xi32, #tpu.memory_space<vmem>>) semaphore(%arg9 : memref<!tpu.dma_semaphore, #tpu.memory_space<semaphore_mem>>)
    %dma_start3A_34 = arith.constant 8 : i32
    %dma_start3A_35 = arith.constant 0 : i32
    %dma_start3A_36 = arith.constant 2 : i32
    %dma_start3A_37 = arith.constant 0 : i32
    %dma_start3A_38 = arith.constant 0 : i32
    %dma_start3A_39 = tpu.memref_slice %arg7[%dma_start3A_35, %dma_start3A_36, %dma_start3A_37, %dma_start3A_38] : memref<2x6x128x32xf32, #tpu.memory_space<vmem>> -> memref<1x1x128x32xf32, #tpu.memory_space<vmem>>
    %dma_start3A_40 = tpu.memref_squeeze %dma_start3A_39 : memref<1x1x128x32xf32, #tpu.memory_space<vmem>> -> memref<128x32xf32, #tpu.memory_space<vmem>>
    %dma_start3A_41 = arith.constant 0 : i32
    %dma_start3A_42 = tpu.memref_slice %arg6[%dma_start3A_34, %dma_start3A_41] : memref<24x128xi32, #tpu.memory_space<vmem>> -> memref<1x128xi32, #tpu.memory_space<vmem>>
    %dma_start3A_43 = tpu.memref_squeeze %dma_start3A_42 : memref<1x128xi32, #tpu.memory_space<vmem>> -> memref<128xi32, #tpu.memory_space<vmem>>
    %dma_start3A_44 = arith.constant 0 : i32
    %dma_start3A_45 = arith.constant 0 : i32
    %dma_start3A_46 = tpu.memref_slice %arg3[%dma_start3A_44, %dma_start3A_45] : memref<1000x32xf32, #tpu.memory_space<hbm>> -> memref<1000x32xf32, #tpu.memory_space<hbm>>
    tpu.enqueue_indirect_dma source(%dma_start3A_46 : memref<1000x32xf32, #tpu.memory_space<hbm>>) target(%dma_start3A_40 : memref<128x32xf32, #tpu.memory_space<vmem>>) offsets(%dma_start3A_43 : memref<128xi32, #tpu.memory_space<vmem>>) semaphore(%arg9 : memref<!tpu.dma_semaphore, #tpu.memory_space<semaphore_mem>>)
    %dma_start3A_47 = arith.constant 12 : i32
    %dma_start3A_48 = arith.constant 0 : i32
    %dma_start3A_49 = arith.constant 3 : i32
    %dma_start3A_50 = arith.constant 0 : i32
    %dma_start3A_51 = arith.constant 0 : i32
    %dma_start3A_52 = tpu.memref_slice %arg7[%dma_start3A_48, %dma_start3A_49, %dma_start3A_50, %dma_start3A_51] : memref<2x6x128x32xf32, #tpu.memory_space<vmem>> -> memref<1x1x128x32xf32, #tpu.memory_space<vmem>>
    %dma_start3A_53 = tpu.memref_squeeze %dma_start3A_52 : memref<1x1x128x32xf32, #tpu.memory_space<vmem>> -> memref<128x32xf32, #tpu.memory_space<vmem>>
    %dma_start3A_54 = arith.constant 0 : i32
    %dma_start3A_55 = tpu.memref_slice %arg6[%dma_start3A_47, %dma_start3A_54] : memref<24x128xi32, #tpu.memory_space<vmem>> -> memref<1x128xi32, #tpu.memory_space<vmem>>
    %dma_start3A_56 = tpu.memref_squeeze %dma_start3A_55 : memref<1x128xi32, #tpu.memory_space<vmem>> -> memref<128xi32, #tpu.memory_space<vmem>>
    %dma_start3A_57 = arith.constant 0 : i32
    %dma_start3A_58 = arith.constant 0 : i32
    %dma_start3A_59 = tpu.memref_slice %arg3[%dma_start3A_57, %dma_start3A_58] : memref<1000x32xf32, #tpu.memory_space<hbm>> -> memref<1000x32xf32, #tpu.memory_space<hbm>>
    tpu.enqueue_indirect_dma source(%dma_start3A_59 : memref<1000x32xf32, #tpu.memory_space<hbm>>) target(%dma_start3A_53 : memref<128x32xf32, #tpu.memory_space<vmem>>) offsets(%dma_start3A_56 : memref<128xi32, #tpu.memory_space<vmem>>) semaphore(%arg9 : memref<!tpu.dma_semaphore, #tpu.memory_space<semaphore_mem>>)
    %dma_start3A_60 = arith.constant 16 : i32
    %dma_start3A_61 = arith.constant 0 : i32
    %dma_start3A_62 = arith.constant 4 : i32
    %dma_start3A_63 = arith.constant 0 : i32
    %dma_start3A_64 = arith.constant 0 : i32
    %dma_start3A_65 = tpu.memref_slice %arg7[%dma_start3A_61, %dma_start3A_62, %dma_start3A_63, %dma_start3A_64] : memref<2x6x128x32xf32, #tpu.memory_space<vmem>> -> memref<1x1x128x32xf32, #tpu.memory_space<vmem>>
    %dma_start3A_66 = tpu.memref_squeeze %dma_start3A_65 : memref<1x1x128x32xf32, #tpu.memory_space<vmem>> -> memref<128x32xf32, #tpu.memory_space<vmem>>
    %dma_start3A_67 = arith.constant 0 : i32
    %dma_start3A_68 = tpu.memref_slice %arg6[%dma_start3A_60, %dma_start3A_67] : memref<24x128xi32, #tpu.memory_space<vmem>> -> memref<1x128xi32, #tpu.memory_space<vmem>>
    %dma_start3A_69 = tpu.memref_squeeze %dma_start3A_68 : memref<1x128xi32, #tpu.memory_space<vmem>> -> memref<128xi32, #tpu.memory_space<vmem>>
    %dma_start3A_70 = arith.constant 0 : i32
    %dma_start3A_71 = arith.constant 0 : i32
    %dma_start3A_72 = tpu.memref_slice %arg3[%dma_start3A_70, %dma_start3A_71] : memref<1000x32xf32, #tpu.memory_space<hbm>> -> memref<1000x32xf32, #tpu.memory_space<hbm>>
    tpu.enqueue_indirect_dma source(%dma_start3A_72 : memref<1000x32xf32, #tpu.memory_space<hbm>>) target(%dma_start3A_66 : memref<128x32xf32, #tpu.memory_space<vmem>>) offsets(%dma_start3A_69 : memref<128xi32, #tpu.memory_space<vmem>>) semaphore(%arg9 : memref<!tpu.dma_semaphore, #tpu.memory_space<semaphore_mem>>)
    %dma_start3A_73 = arith.constant 20 : i32
    %dma_start3A_74 = arith.constant 0 : i32
    %dma_start3A_75 = arith.constant 5 : i32
    %dma_start3A_76 = arith.constant 0 : i32
    %dma_start3A_77 = arith.constant 0 : i32
    %dma_start3A_78 = tpu.memref_slice %arg7[%dma_start3A_74, %dma_start3A_75, %dma_start3A_76, %dma_start3A_77] : memref<2x6x128x32xf32, #tpu.memory_space<vmem>> -> memref<1x1x128x32xf32, #tpu.memory_space<vmem>>
    %dma_start3A_79 = tpu.memref_squeeze %dma_start3A_78 : memref<1x1x128x32xf32, #tpu.memory_space<vmem>> -> memref<128x32xf32, #tpu.memory_space<vmem>>
    %dma_start3A_80 = arith.constant 0 : i32
    %dma_start3A_81 = tpu.memref_slice %arg6[%dma_start3A_73, %dma_start3A_80] : memref<24x128xi32, #tpu.memory_space<vmem>> -> memref<1x128xi32, #tpu.memory_space<vmem>>
    %dma_start3A_82 = tpu.memref_squeeze %dma_start3A_81 : memref<1x128xi32, #tpu.memory_space<vmem>> -> memref<128xi32, #tpu.memory_space<vmem>>
    %dma_start3A_83 = arith.constant 0 : i32
    %dma_start3A_84 = arith.constant 0 : i32
    %dma_start3A_85 = tpu.memref_slice %arg3[%dma_start3A_83, %dma_start3A_84] : memref<1000x32xf32, #tpu.memory_space<hbm>> -> memref<1000x32xf32, #tpu.memory_space<hbm>>
    tpu.enqueue_indirect_dma source(%dma_start3A_85 : memref<1000x32xf32, #tpu.memory_space<hbm>>) target(%dma_start3A_79 : memref<128x32xf32, #tpu.memory_space<vmem>>) offsets(%dma_start3A_82 : memref<128xi32, #tpu.memory_space<vmem>>) semaphore(%arg9 : memref<!tpu.dma_semaphore, #tpu.memory_space<semaphore_mem>>)
    %dma_start3A_86 = arith.constant 1 : i32
    %dma_start3A_87 = arith.constant 1 : i32
    %dma_start3A_88 = arith.constant 0 : i32
    %dma_start3A_89 = arith.constant 0 : i32
    %dma_start3A_90 = arith.constant 0 : i32
    %dma_start3A_91 = tpu.memref_slice %arg7[%dma_start3A_87, %dma_start3A_88, %dma_start3A_89, %dma_start3A_90] : memref<2x6x128x32xf32, #tpu.memory_space<vmem>> -> memref<1x1x128x32xf32, #tpu.memory_space<vmem>>
    %dma_start3A_92 = tpu.memref_squeeze %dma_start3A_91 : memref<1x1x128x32xf32, #tpu.memory_space<vmem>> -> memref<128x32xf32, #tpu.memory_space<vmem>>
    %dma_start3A_93 = arith.constant 0 : i32
    %dma_start3A_94 = tpu.memref_slice %arg6[%dma_start3A_86, %dma_start3A_93] : memref<24x128xi32, #tpu.memory_space<vmem>> -> memref<1x128xi32, #tpu.memory_space<vmem>>
    %dma_start3A_95 = tpu.memref_squeeze %dma_start3A_94 : memref<1x128xi32, #tpu.memory_space<vmem>> -> memref<128xi32, #tpu.memory_space<vmem>>
    %dma_start3A_96 = arith.constant 0 : i32
    %dma_start3A_97 = arith.constant 0 : i32
    %dma_start3A_98 = tpu.memref_slice %arg2[%dma_start3A_96, %dma_start3A_97] : memref<1000x32xf32, #tpu.memory_space<hbm>> -> memref<1000x32xf32, #tpu.memory_space<hbm>>
    tpu.enqueue_indirect_dma source(%dma_start3A_98 : memref<1000x32xf32, #tpu.memory_space<hbm>>) target(%dma_start3A_92 : memref<128x32xf32, #tpu.memory_space<vmem>>) offsets(%dma_start3A_95 : memref<128xi32, #tpu.memory_space<vmem>>) semaphore(%arg9 : memref<!tpu.dma_semaphore, #tpu.memory_space<semaphore_mem>>)
    %dma_start3A_99 = arith.constant 5 : i32
    %dma_start3A_100 = arith.constant 1 : i32
    %dma_start3A_101 = arith.constant 1 : i32
    %dma_start3A_102 = arith.constant 0 : i32
    %dma_start3A_103 = arith.constant 0 : i32
    %dma_start3A_104 = tpu.memref_slice %arg7[%dma_start3A_100, %dma_start3A_101, %dma_start3A_102, %dma_start3A_103] : memref<2x6x128x32xf32, #tpu.memory_space<vmem>> -> memref<1x1x128x32xf32, #tpu.memory_space<vmem>>
    %dma_start3A_105 = tpu.memref_squeeze %dma_start3A_104 : memref<1x1x128x32xf32, #tpu.memory_space<vmem>> -> memref<128x32xf32, #tpu.memory_space<vmem>>
    %dma_start3A_106 = arith.constant 0 : i32
    %dma_start3A_107 = tpu.memref_slice %arg6[%dma_start3A_99, %dma_start3A_106] : memref<24x128xi32, #tpu.memory_space<vmem>> -> memref<1x128xi32, #tpu.memory_space<vmem>>
    %dma_start3A_108 = tpu.memref_squeeze %dma_start3A_107 : memref<1x128xi32, #tpu.memory_space<vmem>> -> memref<128xi32, #tpu.memory_space<vmem>>
    %dma_start3A_109 = arith.constant 0 : i32
    %dma_start3A_110 = arith.constant 0 : i32
    %dma_start3A_111 = tpu.memref_slice %arg2[%dma_start3A_109, %dma_start3A_110] : memref<1000x32xf32, #tpu.memory_space<hbm>> -> memref<1000x32xf32, #tpu.memory_space<hbm>>
    tpu.enqueue_indirect_dma source(%dma_start3A_111 : memref<1000x32xf32, #tpu.memory_space<hbm>>) target(%dma_start3A_105 : memref<128x32xf32, #tpu.memory_space<vmem>>) offsets(%dma_start3A_108 : memref<128xi32, #tpu.memory_space<vmem>>) semaphore(%arg9 : memref<!tpu.dma_semaphore, #tpu.memory_space<semaphore_mem>>)
    %dma_start3A_112 = arith.constant 9 : i32
    %dma_start3A_113 = arith.constant 1 : i32
    %dma_start3A_114 = arith.constant 2 : i32
    %dma_start3A_115 = arith.constant 0 : i32
    %dma_start3A_116 = arith.constant 0 : i32
    %dma_start3A_117 = tpu.memref_slice %arg7[%dma_start3A_113, %dma_start3A_114, %dma_start3A_115, %dma_start3A_116] : memref<2x6x128x32xf32, #tpu.memory_space<vmem>> -> memref<1x1x128x32xf32, #tpu.memory_space<vmem>>
    %dma_start3A_118 = tpu.memref_squeeze %dma_start3A_117 : memref<1x1x128x32xf32, #tpu.memory_space<vmem>> -> memref<128x32xf32, #tpu.memory_space<vmem>>
    %dma_start3A_119 = arith.constant 0 : i32
    %dma_start3A_120 = tpu.memref_slice %arg6[%dma_start3A_112, %dma_start3A_119] : memref<24x128xi32, #tpu.memory_space<vmem>> -> memref<1x128xi32, #tpu.memory_space<vmem>>
    %dma_start3A_121 = tpu.memref_squeeze %dma_start3A_120 : memref<1x128xi32, #tpu.memory_space<vmem>> -> memref<128xi32, #tpu.memory_space<vmem>>
    %dma_start3A_122 = arith.constant 0 : i32
    %dma_start3A_123 = arith.constant 0 : i32
    %dma_start3A_124 = tpu.memref_slice %arg3[%dma_start3A_122, %dma_start3A_123] : memref<1000x32xf32, #tpu.memory_space<hbm>> -> memref<1000x32xf32, #tpu.memory_space<hbm>>
    tpu.enqueue_indirect_dma source(%dma_start3A_124 : memref<1000x32xf32, #tpu.memory_space<hbm>>) target(%dma_start3A_118 : memref<128x32xf32, #tpu.memory_space<vmem>>) offsets(%dma_start3A_121 : memref<128xi32, #tpu.memory_space<vmem>>) semaphore(%arg9 : memref<!tpu.dma_semaphore, #tpu.memory_space<semaphore_mem>>)
    %dma_start3A_125 = arith.constant 13 : i32
    %dma_start3A_126 = arith.constant 1 : i32
    %dma_start3A_127 = arith.constant 3 : i32
    %dma_start3A_128 = arith.constant 0 : i32
    %dma_start3A_129 = arith.constant 0 : i32
    %dma_start3A_130 = tpu.memref_slice %arg7[%dma_start3A_126, %dma_start3A_127, %dma_start3A_128, %dma_start3A_129] : memref<2x6x128x32xf32, #tpu.memory_space<vmem>> -> memref<1x1x128x32xf32, #tpu.memory_space<vmem>>
    %dma_start3A_131 = tpu.memref_squeeze %dma_start3A_130 : memref<1x1x128x32xf32, #tpu.memory_space<vmem>> -> memref<128x32xf32, #tpu.memory_space<vmem>>
    %dma_start3A_132 = arith.constant 0 : i32
    %dma_start3A_133 = tpu.memref_slice %arg6[%dma_start3A_125, %dma_start3A_132] : memref<24x128xi32, #tpu.memory_space<vmem>> -> memref<1x128xi32, #tpu.memory_space<vmem>>
    %dma_start3A_134 = tpu.memref_squeeze %dma_start3A_133 : memref<1x128xi32, #tpu.memory_space<vmem>> -> memref<128xi32, #tpu.memory_space<vmem>>
    %dma_start3A_135 = arith.constant 0 : i32
    %dma_start3A_136 = arith.constant 0 : i32
    %dma_start3A_137 = tpu.memref_slice %arg3[%dma_start3A_135, %dma_start3A_136] : memref<1000x32xf32, #tpu.memory_space<hbm>> -> memref<1000x32xf32, #tpu.memory_space<hbm>>
    tpu.enqueue_indirect_dma source(%dma_start3A_137 : memref<1000x32xf32, #tpu.memory_space<hbm>>) target(%dma_start3A_131 : memref<128x32xf32, #tpu.memory_space<vmem>>) offsets(%dma_start3A_134 : memref<128xi32, #tpu.memory_space<vmem>>) semaphore(%arg9 : memref<!tpu.dma_semaphore, #tpu.memory_space<semaphore_mem>>)
    %dma_start3A_138 = arith.constant 17 : i32
    %dma_start3A_139 = arith.constant 1 : i32
    %dma_start3A_140 = arith.constant 4 : i32
    %dma_start3A_141 = arith.constant 0 : i32
    %dma_start3A_142 = arith.constant 0 : i32
    %dma_start3A_143 = tpu.memref_slice %arg7[%dma_start3A_139, %dma_start3A_140, %dma_start3A_141, %dma_start3A_142] : memref<2x6x128x32xf32, #tpu.memory_space<vmem>> -> memref<1x1x128x32xf32, #tpu.memory_space<vmem>>
    %dma_start3A_144 = tpu.memref_squeeze %dma_start3A_143 : memref<1x1x128x32xf32, #tpu.memory_space<vmem>> -> memref<128x32xf32, #tpu.memory_space<vmem>>
    %dma_start3A_145 = arith.constant 0 : i32
    %dma_start3A_146 = tpu.memref_slice %arg6[%dma_start3A_138, %dma_start3A_145] : memref<24x128xi32, #tpu.memory_space<vmem>> -> memref<1x128xi32, #tpu.memory_space<vmem>>
    %dma_start3A_147 = tpu.memref_squeeze %dma_start3A_146 : memref<1x128xi32, #tpu.memory_space<vmem>> -> memref<128xi32, #tpu.memory_space<vmem>>
    %dma_start3A_148 = arith.constant 0 : i32
    %dma_start3A_149 = arith.constant 0 : i32
    %dma_start3A_150 = tpu.memref_slice %arg3[%dma_start3A_148, %dma_start3A_149] : memref<1000x32xf32, #tpu.memory_space<hbm>> -> memref<1000x32xf32, #tpu.memory_space<hbm>>
    tpu.enqueue_indirect_dma source(%dma_start3A_150 : memref<1000x32xf32, #tpu.memory_space<hbm>>) target(%dma_start3A_144 : memref<128x32xf32, #tpu.memory_space<vmem>>) offsets(%dma_start3A_147 : memref<128xi32, #tpu.memory_space<vmem>>) semaphore(%arg9 : memref<!tpu.dma_semaphore, #tpu.memory_space<semaphore_mem>>)
    %dma_start3A_151 = arith.constant 21 : i32
    %dma_start3A_152 = arith.constant 1 : i32
    %dma_start3A_153 = arith.constant 5 : i32
    %dma_start3A_154 = arith.constant 0 : i32
    %dma_start3A_155 = arith.constant 0 : i32
    %dma_start3A_156 = tpu.memref_slice %arg7[%dma_start3A_152, %dma_start3A_153, %dma_start3A_154, %dma_start3A_155] : memref<2x6x128x32xf32, #tpu.memory_space<vmem>> -> memref<1x1x128x32xf32, #tpu.memory_space<vmem>>
    %dma_start3A_157 = tpu.memref_squeeze %dma_start3A_156 : memref<1x1x128x32xf32, #tpu.memory_space<vmem>> -> memref<128x32xf32, #tpu.memory_space<vmem>>
    %dma_start3A_158 = arith.constant 0 : i32
    %dma_start3A_159 = tpu.memref_slice %arg6[%dma_start3A_151, %dma_start3A_158] : memref<24x128xi32, #tpu.memory_space<vmem>> -> memref<1x128xi32, #tpu.memory_space<vmem>>
    %dma_start3A_160 = tpu.memref_squeeze %dma_start3A_159 : memref<1x128xi32, #tpu.memory_space<vmem>> -> memref<128xi32, #tpu.memory_space<vmem>>
    %dma_start3A_161 = arith.constant 0 : i32
    %dma_start3A_162 = arith.constant 0 : i32
    %dma_start3A_163 = tpu.memref_slice %arg3[%dma_start3A_161, %dma_start3A_162] : memref<1000x32xf32, #tpu.memory_space<hbm>> -> memref<1000x32xf32, #tpu.memory_space<hbm>>
    tpu.enqueue_indirect_dma source(%dma_start3A_163 : memref<1000x32xf32, #tpu.memory_space<hbm>>) target(%dma_start3A_157 : memref<128x32xf32, #tpu.memory_space<vmem>>) offsets(%dma_start3A_160 : memref<128xi32, #tpu.memory_space<vmem>>) semaphore(%arg9 : memref<!tpu.dma_semaphore, #tpu.memory_space<semaphore_mem>>)
    %dma_wait3A = arith.constant 0 : i32
    %dma_wait3A_164 = arith.constant 0 : i32
    %dma_wait3A_165 = arith.constant 0 : i32
    %dma_wait3A_166 = arith.constant 0 : i32
    %dma_wait3A_167 = arith.constant 0 : i32
    %dma_wait3A_168 = tpu.memref_slice %arg7[%dma_wait3A_164, %dma_wait3A_165, %dma_wait3A_166, %dma_wait3A_167] : memref<2x6x128x32xf32, #tpu.memory_space<vmem>> -> memref<1x1x128x32xf32, #tpu.memory_space<vmem>>
    %dma_wait3A_169 = tpu.memref_squeeze %dma_wait3A_168 : memref<1x1x128x32xf32, #tpu.memory_space<vmem>> -> memref<128x32xf32, #tpu.memory_space<vmem>>
    %dma_wait3A_170 = arith.constant 0 : i32
    %dma_wait3A_171 = tpu.memref_slice %arg6[%dma_wait3A, %dma_wait3A_170] : memref<24x128xi32, #tpu.memory_space<vmem>> -> memref<1x128xi32, #tpu.memory_space<vmem>>
    %dma_wait3A_172 = tpu.memref_squeeze %dma_wait3A_171 : memref<1x128xi32, #tpu.memory_space<vmem>> -> memref<128xi32, #tpu.memory_space<vmem>>
    %dma_wait3A_173 = arith.constant 0 : i32
    %dma_wait3A_174 = arith.constant 0 : i32
    %dma_wait3A_175 = tpu.memref_slice %arg2[%dma_wait3A_173, %dma_wait3A_174] : memref<1000x32xf32, #tpu.memory_space<hbm>> -> memref<1000x32xf32, #tpu.memory_space<hbm>>
    tpu.wait_indirect_dma semaphore(%arg9 : memref<!tpu.dma_semaphore, #tpu.memory_space<semaphore_mem>>) src(%dma_wait3A_175 : memref<1000x32xf32, #tpu.memory_space<hbm>>) dst(%dma_wait3A_169 : memref<128x32xf32, #tpu.memory_space<vmem>>)
    %dma_wait3A_176 = arith.constant 4 : i32
    %dma_wait3A_177 = arith.constant 0 : i32
    %dma_wait3A_178 = arith.constant 1 : i32
    %dma_wait3A_179 = arith.constant 0 : i32
    %dma_wait3A_180 = arith.constant 0 : i32
    %dma_wait3A_181 = tpu.memref_slice %arg7[%dma_wait3A_177, %dma_wait3A_178, %dma_wait3A_179, %dma_wait3A_180] : memref<2x6x128x32xf32, #tpu.memory_space<vmem>> -> memref<1x1x128x32xf32, #tpu.memory_space<vmem>>
    %dma_wait3A_182 = tpu.memref_squeeze %dma_wait3A_181 : memref<1x1x128x32xf32, #tpu.memory_space<vmem>> -> memref<128x32xf32, #tpu.memory_space<vmem>>
    %dma_wait3A_183 = arith.constant 0 : i32
    %dma_wait3A_184 = tpu.memref_slice %arg6[%dma_wait3A_176, %dma_wait3A_183] : memref<24x128xi32, #tpu.memory_space<vmem>> -> memref<1x128xi32, #tpu.memory_space<vmem>>
    %dma_wait3A_185 = tpu.memref_squeeze %dma_wait3A_184 : memref<1x128xi32, #tpu.memory_space<vmem>> -> memref<128xi32, #tpu.memory_space<vmem>>
    %dma_wait3A_186 = arith.constant 0 : i32
    %dma_wait3A_187 = arith.constant 0 : i32
    %dma_wait3A_188 = tpu.memref_slice %arg2[%dma_wait3A_186, %dma_wait3A_187] : memref<1000x32xf32, #tpu.memory_space<hbm>> -> memref<1000x32xf32, #tpu.memory_space<hbm>>
    tpu.wait_indirect_dma semaphore(%arg9 : memref<!tpu.dma_semaphore, #tpu.memory_space<semaphore_mem>>) src(%dma_wait3A_188 : memref<1000x32xf32, #tpu.memory_space<hbm>>) dst(%dma_wait3A_182 : memref<128x32xf32, #tpu.memory_space<vmem>>)
    %dma_wait3A_189 = arith.constant 8 : i32
    %dma_wait3A_190 = arith.constant 0 : i32
    %dma_wait3A_191 = arith.constant 2 : i32
    %dma_wait3A_192 = arith.constant 0 : i32
    %dma_wait3A_193 = arith.constant 0 : i32
    %dma_wait3A_194 = tpu.memref_slice %arg7[%dma_wait3A_190, %dma_wait3A_191, %dma_wait3A_192, %dma_wait3A_193] : memref<2x6x128x32xf32, #tpu.memory_space<vmem>> -> memref<1x1x128x32xf32, #tpu.memory_space<vmem>>
    %dma_wait3A_195 = tpu.memref_squeeze %dma_wait3A_194 : memref<1x1x128x32xf32, #tpu.memory_space<vmem>> -> memref<128x32xf32, #tpu.memory_space<vmem>>
    %dma_wait3A_196 = arith.constant 0 : i32
    %dma_wait3A_197 = tpu.memref_slice %arg6[%dma_wait3A_189, %dma_wait3A_196] : memref<24x128xi32, #tpu.memory_space<vmem>> -> memref<1x128xi32, #tpu.memory_space<vmem>>
    %dma_wait3A_198 = tpu.memref_squeeze %dma_wait3A_197 : memref<1x128xi32, #tpu.memory_space<vmem>> -> memref<128xi32, #tpu.memory_space<vmem>>
    %dma_wait3A_199 = arith.constant 0 : i32
    %dma_wait3A_200 = arith.constant 0 : i32
    %dma_wait3A_201 = tpu.memref_slice %arg3[%dma_wait3A_199, %dma_wait3A_200] : memref<1000x32xf32, #tpu.memory_space<hbm>> -> memref<1000x32xf32, #tpu.memory_space<hbm>>
    tpu.wait_indirect_dma semaphore(%arg9 : memref<!tpu.dma_semaphore, #tpu.memory_space<semaphore_mem>>) src(%dma_wait3A_201 : memref<1000x32xf32, #tpu.memory_space<hbm>>) dst(%dma_wait3A_195 : memref<128x32xf32, #tpu.memory_space<vmem>>)
    %dma_wait3A_202 = arith.constant 12 : i32
    %dma_wait3A_203 = arith.constant 0 : i32
    %dma_wait3A_204 = arith.constant 3 : i32
    %dma_wait3A_205 = arith.constant 0 : i32
    %dma_wait3A_206 = arith.constant 0 : i32
    %dma_wait3A_207 = tpu.memref_slice %arg7[%dma_wait3A_203, %dma_wait3A_204, %dma_wait3A_205, %dma_wait3A_206] : memref<2x6x128x32xf32, #tpu.memory_space<vmem>> -> memref<1x1x128x32xf32, #tpu.memory_space<vmem>>
    %dma_wait3A_208 = tpu.memref_squeeze %dma_wait3A_207 : memref<1x1x128x32xf32, #tpu.memory_space<vmem>> -> memref<128x32xf32, #tpu.memory_space<vmem>>
    %dma_wait3A_209 = arith.constant 0 : i32
    %dma_wait3A_210 = tpu.memref_slice %arg6[%dma_wait3A_202, %dma_wait3A_209] : memref<24x128xi32, #tpu.memory_space<vmem>> -> memref<1x128xi32, #tpu.memory_space<vmem>>
    %dma_wait3A_211 = tpu.memref_squeeze %dma_wait3A_210 : memref<1x128xi32, #tpu.memory_space<vmem>> -> memref<128xi32, #tpu.memory_space<vmem>>
    %dma_wait3A_212 = arith.constant 0 : i32
    %dma_wait3A_213 = arith.constant 0 : i32
    %dma_wait3A_214 = tpu.memref_slice %arg3[%dma_wait3A_212, %dma_wait3A_213] : memref<1000x32xf32, #tpu.memory_space<hbm>> -> memref<1000x32xf32, #tpu.memory_space<hbm>>
    tpu.wait_indirect_dma semaphore(%arg9 : memref<!tpu.dma_semaphore, #tpu.memory_space<semaphore_mem>>) src(%dma_wait3A_214 : memref<1000x32xf32, #tpu.memory_space<hbm>>) dst(%dma_wait3A_208 : memref<128x32xf32, #tpu.memory_space<vmem>>)
    %dma_wait3A_215 = arith.constant 16 : i32
    %dma_wait3A_216 = arith.constant 0 : i32
    %dma_wait3A_217 = arith.constant 4 : i32
    %dma_wait3A_218 = arith.constant 0 : i32
    %dma_wait3A_219 = arith.constant 0 : i32
    %dma_wait3A_220 = tpu.memref_slice %arg7[%dma_wait3A_216, %dma_wait3A_217, %dma_wait3A_218, %dma_wait3A_219] : memref<2x6x128x32xf32, #tpu.memory_space<vmem>> -> memref<1x1x128x32xf32, #tpu.memory_space<vmem>>
    %dma_wait3A_221 = tpu.memref_squeeze %dma_wait3A_220 : memref<1x1x128x32xf32, #tpu.memory_space<vmem>> -> memref<128x32xf32, #tpu.memory_space<vmem>>
    %dma_wait3A_222 = arith.constant 0 : i32
    %dma_wait3A_223 = tpu.memref_slice %arg6[%dma_wait3A_215, %dma_wait3A_222] : memref<24x128xi32, #tpu.memory_space<vmem>> -> memref<1x128xi32, #tpu.memory_space<vmem>>
    %dma_wait3A_224 = tpu.memref_squeeze %dma_wait3A_223 : memref<1x128xi32, #tpu.memory_space<vmem>> -> memref<128xi32, #tpu.memory_space<vmem>>
    %dma_wait3A_225 = arith.constant 0 : i32
    %dma_wait3A_226 = arith.constant 0 : i32
    %dma_wait3A_227 = tpu.memref_slice %arg3[%dma_wait3A_225, %dma_wait3A_226] : memref<1000x32xf32, #tpu.memory_space<hbm>> -> memref<1000x32xf32, #tpu.memory_space<hbm>>
    tpu.wait_indirect_dma semaphore(%arg9 : memref<!tpu.dma_semaphore, #tpu.memory_space<semaphore_mem>>) src(%dma_wait3A_227 : memref<1000x32xf32, #tpu.memory_space<hbm>>) dst(%dma_wait3A_221 : memref<128x32xf32, #tpu.memory_space<vmem>>)
    %dma_wait3A_228 = arith.constant 20 : i32
    %dma_wait3A_229 = arith.constant 0 : i32
    %dma_wait3A_230 = arith.constant 5 : i32
    %dma_wait3A_231 = arith.constant 0 : i32
    %dma_wait3A_232 = arith.constant 0 : i32
    %dma_wait3A_233 = tpu.memref_slice %arg7[%dma_wait3A_229, %dma_wait3A_230, %dma_wait3A_231, %dma_wait3A_232] : memref<2x6x128x32xf32, #tpu.memory_space<vmem>> -> memref<1x1x128x32xf32, #tpu.memory_space<vmem>>
    %dma_wait3A_234 = tpu.memref_squeeze %dma_wait3A_233 : memref<1x1x128x32xf32, #tpu.memory_space<vmem>> -> memref<128x32xf32, #tpu.memory_space<vmem>>
    %dma_wait3A_235 = arith.constant 0 : i32
    %dma_wait3A_236 = tpu.memref_slice %arg6[%dma_wait3A_228, %dma_wait3A_235] : memref<24x128xi32, #tpu.memory_space<vmem>> -> memref<1x128xi32, #tpu.memory_space<vmem>>
    %dma_wait3A_237 = tpu.memref_squeeze %dma_wait3A_236 : memref<1x128xi32, #tpu.memory_space<vmem>> -> memref<128xi32, #tpu.memory_space<vmem>>
    %dma_wait3A_238 = arith.constant 0 : i32
    %dma_wait3A_239 = arith.constant 0 : i32
    %dma_wait3A_240 = tpu.memref_slice %arg3[%dma_wait3A_238, %dma_wait3A_239] : memref<1000x32xf32, #tpu.memory_space<hbm>> -> memref<1000x32xf32, #tpu.memory_space<hbm>>
    tpu.wait_indirect_dma semaphore(%arg9 : memref<!tpu.dma_semaphore, #tpu.memory_space<semaphore_mem>>) src(%dma_wait3A_240 : memref<1000x32xf32, #tpu.memory_space<hbm>>) dst(%dma_wait3A_234 : memref<128x32xf32, #tpu.memory_space<vmem>>)
    %parallel_loop3A = arith.constant 0 : i32
    %parallel_loop3A_241 = arith.constant 128 : i32
    %parallel_loop3A_242 = arith.constant 1 : i32
    %parallel_loop3A_243 = arith.constant 0 : i32
    %parallel_loop3A_244 = arith.constant 0 : i32
    scf.for %parallel_loop3A_826 = %parallel_loop3A to %parallel_loop3A_241 step %parallel_loop3A_242  : i32 {
      %parallel_loop3A_827 = arith.constant 8 : i32
      %parallel_loop3A_828 = arith.divsi %parallel_loop3A_826, %parallel_loop3A_827 : i32
      %parallel_loop3A_829 = arith.constant 0 : i32
      %parallel_loop3A_830 = arith.cmpi sgt, %parallel_loop3A_826, %parallel_loop3A_829 : i32
      %parallel_loop3A_831 = arith.extui %parallel_loop3A_830 : i1 to i32
      %parallel_loop3A_832 = arith.constant 0 : i32
      %parallel_loop3A_833 = arith.cmpi slt, %parallel_loop3A_826, %parallel_loop3A_832 : i32
      %parallel_loop3A_834 = arith.extui %parallel_loop3A_833 : i1 to i32
      %parallel_loop3A_835 = arith.subi %parallel_loop3A_831, %parallel_loop3A_834 : i32
      %parallel_loop3A_836 = arith.constant 0 : i32
      %parallel_loop3A_837 = arith.cmpi sgt, %parallel_loop3A_827, %parallel_loop3A_836 : i32
      %parallel_loop3A_838 = arith.extui %parallel_loop3A_837 : i1 to i32
      %parallel_loop3A_839 = arith.constant 0 : i32
      %parallel_loop3A_840 = arith.cmpi slt, %parallel_loop3A_827, %parallel_loop3A_839 : i32
      %parallel_loop3A_841 = arith.extui %parallel_loop3A_840 : i1 to i32
      %parallel_loop3A_842 = arith.subi %parallel_loop3A_838, %parallel_loop3A_841 : i32
      %parallel_loop3A_843 = arith.cmpi ne, %parallel_loop3A_835, %parallel_loop3A_842 : i32
      %parallel_loop3A_844 = arith.remsi %parallel_loop3A_826, %parallel_loop3A_827 : i32
      %parallel_loop3A_845 = arith.constant 0 : i32
      %parallel_loop3A_846 = arith.cmpi ne, %parallel_loop3A_844, %parallel_loop3A_845 : i32
      %parallel_loop3A_847 = arith.andi %parallel_loop3A_843, %parallel_loop3A_846 : i1
      %parallel_loop3A_848 = arith.constant 1 : i32
      %parallel_loop3A_849 = arith.subi %parallel_loop3A_828, %parallel_loop3A_848 : i32
      %parallel_loop3A_850 = arith.select %parallel_loop3A_847, %parallel_loop3A_849, %parallel_loop3A_828 : i32
      %parallel_loop3A_851 = arith.constant 8 : i32
      %parallel_loop3A_852 = arith.constant 0 : i32
      %parallel_loop3A_853 = arith.cmpi eq, %parallel_loop3A_851, %parallel_loop3A_852 : i32
      %parallel_loop3A_854 = arith.constant 1 : i32
      %parallel_loop3A_855 = arith.select %parallel_loop3A_853, %parallel_loop3A_854, %parallel_loop3A_851 : i32
      %parallel_loop3A_856 = arith.remsi %parallel_loop3A_826, %parallel_loop3A_855 : i32
      %parallel_loop3A_857 = arith.constant 0 : i32
      %parallel_loop3A_858 = arith.cmpi ne, %parallel_loop3A_856, %parallel_loop3A_857 : i32
      %parallel_loop3A_859 = arith.constant 0 : i32
      %parallel_loop3A_860 = arith.cmpi slt, %parallel_loop3A_856, %parallel_loop3A_859 : i32
      %parallel_loop3A_861 = arith.constant 0 : i32
      %parallel_loop3A_862 = arith.cmpi slt, %parallel_loop3A_855, %parallel_loop3A_861 : i32
      %parallel_loop3A_863 = arith.xori %parallel_loop3A_860, %parallel_loop3A_862 : i1
      %parallel_loop3A_864 = arith.andi %parallel_loop3A_863, %parallel_loop3A_858 : i1
      %parallel_loop3A_865 = arith.addi %parallel_loop3A_856, %parallel_loop3A_855 : i32
      %parallel_loop3A_866 = arith.select %parallel_loop3A_864, %parallel_loop3A_865, %parallel_loop3A_856 : i32
      %parallel_loop3A_867 = arith.constant 0 : i32
      %parallel_loop3A_868 = arith.constant 0 : i32
      %parallel_loop3A_869 = arith.constant 0 : i32
      %parallel_loop3A_870 = arith.constant 0 : i32
      %parallel_loop3A_871 = tpu.memref_slice %arg7[%parallel_loop3A_243, %parallel_loop3A_868, %parallel_loop3A_869, %parallel_loop3A_870] : memref<2x6x128x32xf32, #tpu.memory_space<vmem>> -> memref<1x6x128x32xf32, #tpu.memory_space<vmem>>
      %parallel_loop3A_872 = tpu.memref_squeeze %parallel_loop3A_871 : memref<1x6x128x32xf32, #tpu.memory_space<vmem>> -> memref<6x128x32xf32, #tpu.memory_space<vmem>>
      %parallel_loop3A_873 = arith.index_cast %parallel_loop3A_867 : i32 to index
      %parallel_loop3A_874 = arith.index_cast %parallel_loop3A_826 : i32 to index
      %parallel_loop3A_875 = arith.constant 0 : index
      %parallel_loop3A_876 = tpu.vector_load %parallel_loop3A_872[%parallel_loop3A_873, %parallel_loop3A_874, %parallel_loop3A_875] {strides = array<i32>} : memref<6x128x32xf32, #tpu.memory_space<vmem>>, vector<16xf32>,
      %parallel_loop3A_877 = arith.constant 0 : i32
      %parallel_loop3A_878 = arith.constant 0 : i32
      %parallel_loop3A_879 = arith.constant 0 : i32
      %parallel_loop3A_880 = arith.constant 0 : i32
      %parallel_loop3A_881 = arith.constant 0 : i32
      %parallel_loop3A_882 = tpu.memref_slice %arg8[%parallel_loop3A_244, %parallel_loop3A_878, %parallel_loop3A_879, %parallel_loop3A_880, %parallel_loop3A_881] : memref<2x16x2x8x128xf32, #tpu.memory_space<vmem>> -> memref<1x16x2x8x128xf32, #tpu.memory_space<vmem>>
      %parallel_loop3A_883 = tpu.memref_squeeze %parallel_loop3A_882 : memref<1x16x2x8x128xf32, #tpu.memory_space<vmem>> -> memref<16x2x8x128xf32, #tpu.memory_space<vmem>>
      %parallel_loop3A_884 = arith.index_cast %parallel_loop3A_850 : i32 to index
      %parallel_loop3A_885 = arith.index_cast %parallel_loop3A_877 : i32 to index
      %parallel_loop3A_886 = arith.index_cast %parallel_loop3A_866 : i32 to index
      %parallel_loop3A_887 = arith.constant 0 : index
      %parallel_loop3A_888 = tpu.vector_load %parallel_loop3A_883[%parallel_loop3A_884, %parallel_loop3A_885, %parallel_loop3A_886, %parallel_loop3A_887] {strides = array<i32>} : memref<16x2x8x128xf32, #tpu.memory_space<vmem>>, vector<16xf32>,
      tpu.vector_store %parallel_loop3A_883[%parallel_loop3A_884, %parallel_loop3A_885, %parallel_loop3A_886, %parallel_loop3A_887], %parallel_loop3A_876 {strides = array<i32>} : memref<16x2x8x128xf32, #tpu.memory_space<vmem>>, vector<16xf32>,
      %parallel_loop3A_889 = arith.constant 0 : i32
      %parallel_loop3A_890 = arith.constant 0 : i32
      %parallel_loop3A_891 = arith.constant 0 : i32
      %parallel_loop3A_892 = arith.constant 0 : i32
      %parallel_loop3A_893 = tpu.memref_slice %arg7[%parallel_loop3A_243, %parallel_loop3A_890, %parallel_loop3A_891, %parallel_loop3A_892] : memref<2x6x128x32xf32, #tpu.memory_space<vmem>> -> memref<1x6x128x32xf32, #tpu.memory_space<vmem>>
      %parallel_loop3A_894 = tpu.memref_squeeze %parallel_loop3A_893 : memref<1x6x128x32xf32, #tpu.memory_space<vmem>> -> memref<6x128x32xf32, #tpu.memory_space<vmem>>
      %parallel_loop3A_895 = arith.index_cast %parallel_loop3A_889 : i32 to index
      %parallel_loop3A_896 = arith.index_cast %parallel_loop3A_826 : i32 to index
      %parallel_loop3A_897 = arith.constant 16 : index
      %parallel_loop3A_898 = tpu.vector_load %parallel_loop3A_894[%parallel_loop3A_895, %parallel_loop3A_896, %parallel_loop3A_897] {strides = array<i32>} : memref<6x128x32xf32, #tpu.memory_space<vmem>>, vector<16xf32>,
      %parallel_loop3A_899 = arith.constant 0 : i32
      %parallel_loop3A_900 = arith.constant 0 : i32
      %parallel_loop3A_901 = arith.constant 0 : i32
      %parallel_loop3A_902 = arith.constant 0 : i32
      %parallel_loop3A_903 = arith.constant 0 : i32
      %parallel_loop3A_904 = tpu.memref_slice %arg8[%parallel_loop3A_244, %parallel_loop3A_900, %parallel_loop3A_901, %parallel_loop3A_902, %parallel_loop3A_903] : memref<2x16x2x8x128xf32, #tpu.memory_space<vmem>> -> memref<1x16x2x8x128xf32, #tpu.memory_space<vmem>>
      %parallel_loop3A_905 = tpu.memref_squeeze %parallel_loop3A_904 : memref<1x16x2x8x128xf32, #tpu.memory_space<vmem>> -> memref<16x2x8x128xf32, #tpu.memory_space<vmem>>
      %parallel_loop3A_906 = arith.index_cast %parallel_loop3A_850 : i32 to index
      %parallel_loop3A_907 = arith.index_cast %parallel_loop3A_899 : i32 to index
      %parallel_loop3A_908 = arith.index_cast %parallel_loop3A_866 : i32 to index
      %parallel_loop3A_909 = arith.constant 16 : index
      %parallel_loop3A_910 = tpu.vector_load %parallel_loop3A_905[%parallel_loop3A_906, %parallel_loop3A_907, %parallel_loop3A_908, %parallel_loop3A_909] {strides = array<i32>} : memref<16x2x8x128xf32, #tpu.memory_space<vmem>>, vector<16xf32>,
      tpu.vector_store %parallel_loop3A_905[%parallel_loop3A_906, %parallel_loop3A_907, %parallel_loop3A_908, %parallel_loop3A_909], %parallel_loop3A_898 {strides = array<i32>} : memref<16x2x8x128xf32, #tpu.memory_space<vmem>>, vector<16xf32>,
      %parallel_loop3A_911 = arith.constant 1 : i32
      %parallel_loop3A_912 = arith.constant 0 : i32
      %parallel_loop3A_913 = arith.constant 0 : i32
      %parallel_loop3A_914 = arith.constant 0 : i32
      %parallel_loop3A_915 = tpu.memref_slice %arg7[%parallel_loop3A_243, %parallel_loop3A_912, %parallel_loop3A_913, %parallel_loop3A_914] : memref<2x6x128x32xf32, #tpu.memory_space<vmem>> -> memref<1x6x128x32xf32, #tpu.memory_space<vmem>>
      %parallel_loop3A_916 = tpu.memref_squeeze %parallel_loop3A_915 : memref<1x6x128x32xf32, #tpu.memory_space<vmem>> -> memref<6x128x32xf32, #tpu.memory_space<vmem>>
      %parallel_loop3A_917 = arith.index_cast %parallel_loop3A_911 : i32 to index
      %parallel_loop3A_918 = arith.index_cast %parallel_loop3A_826 : i32 to index
      %parallel_loop3A_919 = arith.constant 0 : index
      %parallel_loop3A_920 = tpu.vector_load %parallel_loop3A_916[%parallel_loop3A_917, %parallel_loop3A_918, %parallel_loop3A_919] {strides = array<i32>} : memref<6x128x32xf32, #tpu.memory_space<vmem>>, vector<16xf32>,
      %parallel_loop3A_921 = arith.constant 0 : i32
      %parallel_loop3A_922 = arith.constant 0 : i32
      %parallel_loop3A_923 = arith.constant 0 : i32
      %parallel_loop3A_924 = arith.constant 0 : i32
      %parallel_loop3A_925 = arith.constant 0 : i32
      %parallel_loop3A_926 = tpu.memref_slice %arg8[%parallel_loop3A_244, %parallel_loop3A_922, %parallel_loop3A_923, %parallel_loop3A_924, %parallel_loop3A_925] : memref<2x16x2x8x128xf32, #tpu.memory_space<vmem>> -> memref<1x16x2x8x128xf32, #tpu.memory_space<vmem>>
      %parallel_loop3A_927 = tpu.memref_squeeze %parallel_loop3A_926 : memref<1x16x2x8x128xf32, #tpu.memory_space<vmem>> -> memref<16x2x8x128xf32, #tpu.memory_space<vmem>>
      %parallel_loop3A_928 = arith.index_cast %parallel_loop3A_850 : i32 to index
      %parallel_loop3A_929 = arith.index_cast %parallel_loop3A_921 : i32 to index
      %parallel_loop3A_930 = arith.index_cast %parallel_loop3A_866 : i32 to index
      %parallel_loop3A_931 = arith.constant 32 : index
      %parallel_loop3A_932 = tpu.vector_load %parallel_loop3A_927[%parallel_loop3A_928, %parallel_loop3A_929, %parallel_loop3A_930, %parallel_loop3A_931] {strides = array<i32>} : memref<16x2x8x128xf32, #tpu.memory_space<vmem>>, vector<16xf32>,
      tpu.vector_store %parallel_loop3A_927[%parallel_loop3A_928, %parallel_loop3A_929, %parallel_loop3A_930, %parallel_loop3A_931], %parallel_loop3A_920 {strides = array<i32>} : memref<16x2x8x128xf32, #tpu.memory_space<vmem>>, vector<16xf32>,
      %parallel_loop3A_933 = arith.constant 1 : i32
      %parallel_loop3A_934 = arith.constant 0 : i32
      %parallel_loop3A_935 = arith.constant 0 : i32
      %parallel_loop3A_936 = arith.constant 0 : i32
      %parallel_loop3A_937 = tpu.memref_slice %arg7[%parallel_loop3A_243, %parallel_loop3A_934, %parallel_loop3A_935, %parallel_loop3A_936] : memref<2x6x128x32xf32, #tpu.memory_space<vmem>> -> memref<1x6x128x32xf32, #tpu.memory_space<vmem>>
      %parallel_loop3A_938 = tpu.memref_squeeze %parallel_loop3A_937 : memref<1x6x128x32xf32, #tpu.memory_space<vmem>> -> memref<6x128x32xf32, #tpu.memory_space<vmem>>
      %parallel_loop3A_939 = arith.index_cast %parallel_loop3A_933 : i32 to index
      %parallel_loop3A_940 = arith.index_cast %parallel_loop3A_826 : i32 to index
      %parallel_loop3A_941 = arith.constant 16 : index
      %parallel_loop3A_942 = tpu.vector_load %parallel_loop3A_938[%parallel_loop3A_939, %parallel_loop3A_940, %parallel_loop3A_941] {strides = array<i32>} : memref<6x128x32xf32, #tpu.memory_space<vmem>>, vector<16xf32>,
      %parallel_loop3A_943 = arith.constant 0 : i32
      %parallel_loop3A_944 = arith.constant 0 : i32
      %parallel_loop3A_945 = arith.constant 0 : i32
      %parallel_loop3A_946 = arith.constant 0 : i32
      %parallel_loop3A_947 = arith.constant 0 : i32
      %parallel_loop3A_948 = tpu.memref_slice %arg8[%parallel_loop3A_244, %parallel_loop3A_944, %parallel_loop3A_945, %parallel_loop3A_946, %parallel_loop3A_947] : memref<2x16x2x8x128xf32, #tpu.memory_space<vmem>> -> memref<1x16x2x8x128xf32, #tpu.memory_space<vmem>>
      %parallel_loop3A_949 = tpu.memref_squeeze %parallel_loop3A_948 : memref<1x16x2x8x128xf32, #tpu.memory_space<vmem>> -> memref<16x2x8x128xf32, #tpu.memory_space<vmem>>
      %parallel_loop3A_950 = arith.index_cast %parallel_loop3A_850 : i32 to index
      %parallel_loop3A_951 = arith.index_cast %parallel_loop3A_943 : i32 to index
      %parallel_loop3A_952 = arith.index_cast %parallel_loop3A_866 : i32 to index
      %parallel_loop3A_953 = arith.constant 48 : index
      %parallel_loop3A_954 = tpu.vector_load %parallel_loop3A_949[%parallel_loop3A_950, %parallel_loop3A_951, %parallel_loop3A_952, %parallel_loop3A_953] {strides = array<i32>} : memref<16x2x8x128xf32, #tpu.memory_space<vmem>>, vector<16xf32>,
      tpu.vector_store %parallel_loop3A_949[%parallel_loop3A_950, %parallel_loop3A_951, %parallel_loop3A_952, %parallel_loop3A_953], %parallel_loop3A_942 {strides = array<i32>} : memref<16x2x8x128xf32, #tpu.memory_space<vmem>>, vector<16xf32>,
      %parallel_loop3A_955 = arith.constant 2 : i32
      %parallel_loop3A_956 = arith.constant 0 : i32
      %parallel_loop3A_957 = arith.constant 0 : i32
      %parallel_loop3A_958 = arith.constant 0 : i32
      %parallel_loop3A_959 = tpu.memref_slice %arg7[%parallel_loop3A_243, %parallel_loop3A_956, %parallel_loop3A_957, %parallel_loop3A_958] : memref<2x6x128x32xf32, #tpu.memory_space<vmem>> -> memref<1x6x128x32xf32, #tpu.memory_space<vmem>>
      %parallel_loop3A_960 = tpu.memref_squeeze %parallel_loop3A_959 : memref<1x6x128x32xf32, #tpu.memory_space<vmem>> -> memref<6x128x32xf32, #tpu.memory_space<vmem>>
      %parallel_loop3A_961 = arith.index_cast %parallel_loop3A_955 : i32 to index
      %parallel_loop3A_962 = arith.index_cast %parallel_loop3A_826 : i32 to index
      %parallel_loop3A_963 = arith.constant 0 : index
      %parallel_loop3A_964 = tpu.vector_load %parallel_loop3A_960[%parallel_loop3A_961, %parallel_loop3A_962, %parallel_loop3A_963] {strides = array<i32>} : memref<6x128x32xf32, #tpu.memory_space<vmem>>, vector<16xf32>,
      %parallel_loop3A_965 = arith.constant 0 : i32
      %parallel_loop3A_966 = arith.constant 0 : i32
      %parallel_loop3A_967 = arith.constant 0 : i32
      %parallel_loop3A_968 = arith.constant 0 : i32
      %parallel_loop3A_969 = arith.constant 0 : i32
      %parallel_loop3A_970 = tpu.memref_slice %arg8[%parallel_loop3A_244, %parallel_loop3A_966, %parallel_loop3A_967, %parallel_loop3A_968, %parallel_loop3A_969] : memref<2x16x2x8x128xf32, #tpu.memory_space<vmem>> -> memref<1x16x2x8x128xf32, #tpu.memory_space<vmem>>
      %parallel_loop3A_971 = tpu.memref_squeeze %parallel_loop3A_970 : memref<1x16x2x8x128xf32, #tpu.memory_space<vmem>> -> memref<16x2x8x128xf32, #tpu.memory_space<vmem>>
      %parallel_loop3A_972 = arith.index_cast %parallel_loop3A_850 : i32 to index
      %parallel_loop3A_973 = arith.index_cast %parallel_loop3A_965 : i32 to index
      %parallel_loop3A_974 = arith.index_cast %parallel_loop3A_866 : i32 to index
      %parallel_loop3A_975 = arith.constant 64 : index
      %parallel_loop3A_976 = tpu.vector_load %parallel_loop3A_971[%parallel_loop3A_972, %parallel_loop3A_973, %parallel_loop3A_974, %parallel_loop3A_975] {strides = array<i32>} : memref<16x2x8x128xf32, #tpu.memory_space<vmem>>, vector<16xf32>,
      tpu.vector_store %parallel_loop3A_971[%parallel_loop3A_972, %parallel_loop3A_973, %parallel_loop3A_974, %parallel_loop3A_975], %parallel_loop3A_964 {strides = array<i32>} : memref<16x2x8x128xf32, #tpu.memory_space<vmem>>, vector<16xf32>,
      %parallel_loop3A_977 = arith.constant 2 : i32
      %parallel_loop3A_978 = arith.constant 0 : i32
      %parallel_loop3A_979 = arith.constant 0 : i32
      %parallel_loop3A_980 = arith.constant 0 : i32
      %parallel_loop3A_981 = tpu.memref_slice %arg7[%parallel_loop3A_243, %parallel_loop3A_978, %parallel_loop3A_979, %parallel_loop3A_980] : memref<2x6x128x32xf32, #tpu.memory_space<vmem>> -> memref<1x6x128x32xf32, #tpu.memory_space<vmem>>
      %parallel_loop3A_982 = tpu.memref_squeeze %parallel_loop3A_981 : memref<1x6x128x32xf32, #tpu.memory_space<vmem>> -> memref<6x128x32xf32, #tpu.memory_space<vmem>>
      %parallel_loop3A_983 = arith.index_cast %parallel_loop3A_977 : i32 to index
      %parallel_loop3A_984 = arith.index_cast %parallel_loop3A_826 : i32 to index
      %parallel_loop3A_985 = arith.constant 16 : index
      %parallel_loop3A_986 = tpu.vector_load %parallel_loop3A_982[%parallel_loop3A_983, %parallel_loop3A_984, %parallel_loop3A_985] {strides = array<i32>} : memref<6x128x32xf32, #tpu.memory_space<vmem>>, vector<16xf32>,
      %parallel_loop3A_987 = arith.constant 0 : i32
      %parallel_loop3A_988 = arith.constant 0 : i32
      %parallel_loop3A_989 = arith.constant 0 : i32
      %parallel_loop3A_990 = arith.constant 0 : i32
      %parallel_loop3A_991 = arith.constant 0 : i32
      %parallel_loop3A_992 = tpu.memref_slice %arg8[%parallel_loop3A_244, %parallel_loop3A_988, %parallel_loop3A_989, %parallel_loop3A_990, %parallel_loop3A_991] : memref<2x16x2x8x128xf32, #tpu.memory_space<vmem>> -> memref<1x16x2x8x128xf32, #tpu.memory_space<vmem>>
      %parallel_loop3A_993 = tpu.memref_squeeze %parallel_loop3A_992 : memref<1x16x2x8x128xf32, #tpu.memory_space<vmem>> -> memref<16x2x8x128xf32, #tpu.memory_space<vmem>>
      %parallel_loop3A_994 = arith.index_cast %parallel_loop3A_850 : i32 to index
      %parallel_loop3A_995 = arith.index_cast %parallel_loop3A_987 : i32 to index
      %parallel_loop3A_996 = arith.index_cast %parallel_loop3A_866 : i32 to index
      %parallel_loop3A_997 = arith.constant 80 : index
      %parallel_loop3A_998 = tpu.vector_load %parallel_loop3A_993[%parallel_loop3A_994, %parallel_loop3A_995, %parallel_loop3A_996, %parallel_loop3A_997] {strides = array<i32>} : memref<16x2x8x128xf32, #tpu.memory_space<vmem>>, vector<16xf32>,
      tpu.vector_store %parallel_loop3A_993[%parallel_loop3A_994, %parallel_loop3A_995, %parallel_loop3A_996, %parallel_loop3A_997], %parallel_loop3A_986 {strides = array<i32>} : memref<16x2x8x128xf32, #tpu.memory_space<vmem>>, vector<16xf32>,
      %parallel_loop3A_999 = arith.constant 3 : i32
      %parallel_loop3A_1000 = arith.constant 0 : i32
      %parallel_loop3A_1001 = arith.constant 0 : i32
      %parallel_loop3A_1002 = arith.constant 0 : i32
      %parallel_loop3A_1003 = tpu.memref_slice %arg7[%parallel_loop3A_243, %parallel_loop3A_1000, %parallel_loop3A_1001, %parallel_loop3A_1002] : memref<2x6x128x32xf32, #tpu.memory_space<vmem>> -> memref<1x6x128x32xf32, #tpu.memory_space<vmem>>
      %parallel_loop3A_1004 = tpu.memref_squeeze %parallel_loop3A_1003 : memref<1x6x128x32xf32, #tpu.memory_space<vmem>> -> memref<6x128x32xf32, #tpu.memory_space<vmem>>
      %parallel_loop3A_1005 = arith.index_cast %parallel_loop3A_999 : i32 to index
      %parallel_loop3A_1006 = arith.index_cast %parallel_loop3A_826 : i32 to index
      %parallel_loop3A_1007 = arith.constant 0 : index
      %parallel_loop3A_1008 = tpu.vector_load %parallel_loop3A_1004[%parallel_loop3A_1005, %parallel_loop3A_1006, %parallel_loop3A_1007] {strides = array<i32>} : memref<6x128x32xf32, #tpu.memory_space<vmem>>, vector<16xf32>,
      %parallel_loop3A_1009 = arith.constant 0 : i32
      %parallel_loop3A_1010 = arith.constant 0 : i32
      %parallel_loop3A_1011 = arith.constant 0 : i32
      %parallel_loop3A_1012 = arith.constant 0 : i32
      %parallel_loop3A_1013 = arith.constant 0 : i32
      %parallel_loop3A_1014 = tpu.memref_slice %arg8[%parallel_loop3A_244, %parallel_loop3A_1010, %parallel_loop3A_1011, %parallel_loop3A_1012, %parallel_loop3A_1013] : memref<2x16x2x8x128xf32, #tpu.memory_space<vmem>> -> memref<1x16x2x8x128xf32, #tpu.memory_space<vmem>>
      %parallel_loop3A_1015 = tpu.memref_squeeze %parallel_loop3A_1014 : memref<1x16x2x8x128xf32, #tpu.memory_space<vmem>> -> memref<16x2x8x128xf32, #tpu.memory_space<vmem>>
      %parallel_loop3A_1016 = arith.index_cast %parallel_loop3A_850 : i32 to index
      %parallel_loop3A_1017 = arith.index_cast %parallel_loop3A_1009 : i32 to index
      %parallel_loop3A_1018 = arith.index_cast %parallel_loop3A_866 : i32 to index
      %parallel_loop3A_1019 = arith.constant 96 : index
      %parallel_loop3A_1020 = tpu.vector_load %parallel_loop3A_1015[%parallel_loop3A_1016, %parallel_loop3A_1017, %parallel_loop3A_1018, %parallel_loop3A_1019] {strides = array<i32>} : memref<16x2x8x128xf32, #tpu.memory_space<vmem>>, vector<16xf32>,
      tpu.vector_store %parallel_loop3A_1015[%parallel_loop3A_1016, %parallel_loop3A_1017, %parallel_loop3A_1018, %parallel_loop3A_1019], %parallel_loop3A_1008 {strides = array<i32>} : memref<16x2x8x128xf32, #tpu.memory_space<vmem>>, vector<16xf32>,
      %parallel_loop3A_1021 = arith.constant 3 : i32
      %parallel_loop3A_1022 = arith.constant 0 : i32
      %parallel_loop3A_1023 = arith.constant 0 : i32
      %parallel_loop3A_1024 = arith.constant 0 : i32
      %parallel_loop3A_1025 = tpu.memref_slice %arg7[%parallel_loop3A_243, %parallel_loop3A_1022, %parallel_loop3A_1023, %parallel_loop3A_1024] : memref<2x6x128x32xf32, #tpu.memory_space<vmem>> -> memref<1x6x128x32xf32, #tpu.memory_space<vmem>>
      %parallel_loop3A_1026 = tpu.memref_squeeze %parallel_loop3A_1025 : memref<1x6x128x32xf32, #tpu.memory_space<vmem>> -> memref<6x128x32xf32, #tpu.memory_space<vmem>>
      %parallel_loop3A_1027 = arith.index_cast %parallel_loop3A_1021 : i32 to index
      %parallel_loop3A_1028 = arith.index_cast %parallel_loop3A_826 : i32 to index
      %parallel_loop3A_1029 = arith.constant 16 : index
      %parallel_loop3A_1030 = tpu.vector_load %parallel_loop3A_1026[%parallel_loop3A_1027, %parallel_loop3A_1028, %parallel_loop3A_1029] {strides = array<i32>} : memref<6x128x32xf32, #tpu.memory_space<vmem>>, vector<16xf32>,
      %parallel_loop3A_1031 = arith.constant 0 : i32
      %parallel_loop3A_1032 = arith.constant 0 : i32
      %parallel_loop3A_1033 = arith.constant 0 : i32
      %parallel_loop3A_1034 = arith.constant 0 : i32
      %parallel_loop3A_1035 = arith.constant 0 : i32
      %parallel_loop3A_1036 = tpu.memref_slice %arg8[%parallel_loop3A_244, %parallel_loop3A_1032, %parallel_loop3A_1033, %parallel_loop3A_1034, %parallel_loop3A_1035] : memref<2x16x2x8x128xf32, #tpu.memory_space<vmem>> -> memref<1x16x2x8x128xf32, #tpu.memory_space<vmem>>
      %parallel_loop3A_1037 = tpu.memref_squeeze %parallel_loop3A_1036 : memref<1x16x2x8x128xf32, #tpu.memory_space<vmem>> -> memref<16x2x8x128xf32, #tpu.memory_space<vmem>>
      %parallel_loop3A_1038 = arith.index_cast %parallel_loop3A_850 : i32 to index
      %parallel_loop3A_1039 = arith.index_cast %parallel_loop3A_1031 : i32 to index
      %parallel_loop3A_1040 = arith.index_cast %parallel_loop3A_866 : i32 to index
      %parallel_loop3A_1041 = arith.constant 112 : index
      %parallel_loop3A_1042 = tpu.vector_load %parallel_loop3A_1037[%parallel_loop3A_1038, %parallel_loop3A_1039, %parallel_loop3A_1040, %parallel_loop3A_1041] {strides = array<i32>} : memref<16x2x8x128xf32, #tpu.memory_space<vmem>>, vector<16xf32>,
      tpu.vector_store %parallel_loop3A_1037[%parallel_loop3A_1038, %parallel_loop3A_1039, %parallel_loop3A_1040, %parallel_loop3A_1041], %parallel_loop3A_1030 {strides = array<i32>} : memref<16x2x8x128xf32, #tpu.memory_space<vmem>>, vector<16xf32>,
      %parallel_loop3A_1043 = arith.constant 4 : i32
      %parallel_loop3A_1044 = arith.constant 0 : i32
      %parallel_loop3A_1045 = arith.constant 0 : i32
      %parallel_loop3A_1046 = arith.constant 0 : i32
      %parallel_loop3A_1047 = tpu.memref_slice %arg7[%parallel_loop3A_243, %parallel_loop3A_1044, %parallel_loop3A_1045, %parallel_loop3A_1046] : memref<2x6x128x32xf32, #tpu.memory_space<vmem>> -> memref<1x6x128x32xf32, #tpu.memory_space<vmem>>
      %parallel_loop3A_1048 = tpu.memref_squeeze %parallel_loop3A_1047 : memref<1x6x128x32xf32, #tpu.memory_space<vmem>> -> memref<6x128x32xf32, #tpu.memory_space<vmem>>
      %parallel_loop3A_1049 = arith.index_cast %parallel_loop3A_1043 : i32 to index
      %parallel_loop3A_1050 = arith.index_cast %parallel_loop3A_826 : i32 to index
      %parallel_loop3A_1051 = arith.constant 0 : index
      %parallel_loop3A_1052 = tpu.vector_load %parallel_loop3A_1048[%parallel_loop3A_1049, %parallel_loop3A_1050, %parallel_loop3A_1051] {strides = array<i32>} : memref<6x128x32xf32, #tpu.memory_space<vmem>>, vector<16xf32>,
      %parallel_loop3A_1053 = arith.constant 1 : i32
      %parallel_loop3A_1054 = arith.constant 0 : i32
      %parallel_loop3A_1055 = arith.constant 0 : i32
      %parallel_loop3A_1056 = arith.constant 0 : i32
      %parallel_loop3A_1057 = arith.constant 0 : i32
      %parallel_loop3A_1058 = tpu.memref_slice %arg8[%parallel_loop3A_244, %parallel_loop3A_1054, %parallel_loop3A_1055, %parallel_loop3A_1056, %parallel_loop3A_1057] : memref<2x16x2x8x128xf32, #tpu.memory_space<vmem>> -> memref<1x16x2x8x128xf32, #tpu.memory_space<vmem>>
      %parallel_loop3A_1059 = tpu.memref_squeeze %parallel_loop3A_1058 : memref<1x16x2x8x128xf32, #tpu.memory_space<vmem>> -> memref<16x2x8x128xf32, #tpu.memory_space<vmem>>
      %parallel_loop3A_1060 = arith.index_cast %parallel_loop3A_850 : i32 to index
      %parallel_loop3A_1061 = arith.index_cast %parallel_loop3A_1053 : i32 to index
      %parallel_loop3A_1062 = arith.index_cast %parallel_loop3A_866 : i32 to index
      %parallel_loop3A_1063 = arith.constant 0 : index
      %parallel_loop3A_1064 = tpu.vector_load %parallel_loop3A_1059[%parallel_loop3A_1060, %parallel_loop3A_1061, %parallel_loop3A_1062, %parallel_loop3A_1063] {strides = array<i32>} : memref<16x2x8x128xf32, #tpu.memory_space<vmem>>, vector<16xf32>,
      tpu.vector_store %parallel_loop3A_1059[%parallel_loop3A_1060, %parallel_loop3A_1061, %parallel_loop3A_1062, %parallel_loop3A_1063], %parallel_loop3A_1052 {strides = array<i32>} : memref<16x2x8x128xf32, #tpu.memory_space<vmem>>, vector<16xf32>,
      %parallel_loop3A_1065 = arith.constant 4 : i32
      %parallel_loop3A_1066 = arith.constant 0 : i32
      %parallel_loop3A_1067 = arith.constant 0 : i32
      %parallel_loop3A_1068 = arith.constant 0 : i32
      %parallel_loop3A_1069 = tpu.memref_slice %arg7[%parallel_loop3A_243, %parallel_loop3A_1066, %parallel_loop3A_1067, %parallel_loop3A_1068] : memref<2x6x128x32xf32, #tpu.memory_space<vmem>> -> memref<1x6x128x32xf32, #tpu.memory_space<vmem>>
      %parallel_loop3A_1070 = tpu.memref_squeeze %parallel_loop3A_1069 : memref<1x6x128x32xf32, #tpu.memory_space<vmem>> -> memref<6x128x32xf32, #tpu.memory_space<vmem>>
      %parallel_loop3A_1071 = arith.index_cast %parallel_loop3A_1065 : i32 to index
      %parallel_loop3A_1072 = arith.index_cast %parallel_loop3A_826 : i32 to index
      %parallel_loop3A_1073 = arith.constant 16 : index
      %parallel_loop3A_1074 = tpu.vector_load %parallel_loop3A_1070[%parallel_loop3A_1071, %parallel_loop3A_1072, %parallel_loop3A_1073] {strides = array<i32>} : memref<6x128x32xf32, #tpu.memory_space<vmem>>, vector<16xf32>,
      %parallel_loop3A_1075 = arith.constant 1 : i32
      %parallel_loop3A_1076 = arith.constant 0 : i32
      %parallel_loop3A_1077 = arith.constant 0 : i32
      %parallel_loop3A_1078 = arith.constant 0 : i32
      %parallel_loop3A_1079 = arith.constant 0 : i32
      %parallel_loop3A_1080 = tpu.memref_slice %arg8[%parallel_loop3A_244, %parallel_loop3A_1076, %parallel_loop3A_1077, %parallel_loop3A_1078, %parallel_loop3A_1079] : memref<2x16x2x8x128xf32, #tpu.memory_space<vmem>> -> memref<1x16x2x8x128xf32, #tpu.memory_space<vmem>>
      %parallel_loop3A_1081 = tpu.memref_squeeze %parallel_loop3A_1080 : memref<1x16x2x8x128xf32, #tpu.memory_space<vmem>> -> memref<16x2x8x128xf32, #tpu.memory_space<vmem>>
      %parallel_loop3A_1082 = arith.index_cast %parallel_loop3A_850 : i32 to index
      %parallel_loop3A_1083 = arith.index_cast %parallel_loop3A_1075 : i32 to index
      %parallel_loop3A_1084 = arith.index_cast %parallel_loop3A_866 : i32 to index
      %parallel_loop3A_1085 = arith.constant 16 : index
      %parallel_loop3A_1086 = tpu.vector_load %parallel_loop3A_1081[%parallel_loop3A_1082, %parallel_loop3A_1083, %parallel_loop3A_1084, %parallel_loop3A_1085] {strides = array<i32>} : memref<16x2x8x128xf32, #tpu.memory_space<vmem>>, vector<16xf32>,
      tpu.vector_store %parallel_loop3A_1081[%parallel_loop3A_1082, %parallel_loop3A_1083, %parallel_loop3A_1084, %parallel_loop3A_1085], %parallel_loop3A_1074 {strides = array<i32>} : memref<16x2x8x128xf32, #tpu.memory_space<vmem>>, vector<16xf32>,
      %parallel_loop3A_1087 = arith.constant 5 : i32
      %parallel_loop3A_1088 = arith.constant 0 : i32
      %parallel_loop3A_1089 = arith.constant 0 : i32
      %parallel_loop3A_1090 = arith.constant 0 : i32
      %parallel_loop3A_1091 = tpu.memref_slice %arg7[%parallel_loop3A_243, %parallel_loop3A_1088, %parallel_loop3A_1089, %parallel_loop3A_1090] : memref<2x6x128x32xf32, #tpu.memory_space<vmem>> -> memref<1x6x128x32xf32, #tpu.memory_space<vmem>>
      %parallel_loop3A_1092 = tpu.memref_squeeze %parallel_loop3A_1091 : memref<1x6x128x32xf32, #tpu.memory_space<vmem>> -> memref<6x128x32xf32, #tpu.memory_space<vmem>>
      %parallel_loop3A_1093 = arith.index_cast %parallel_loop3A_1087 : i32 to index
      %parallel_loop3A_1094 = arith.index_cast %parallel_loop3A_826 : i32 to index
      %parallel_loop3A_1095 = arith.constant 0 : index
      %parallel_loop3A_1096 = tpu.vector_load %parallel_loop3A_1092[%parallel_loop3A_1093, %parallel_loop3A_1094, %parallel_loop3A_1095] {strides = array<i32>} : memref<6x128x32xf32, #tpu.memory_space<vmem>>, vector<16xf32>,
      %parallel_loop3A_1097 = arith.constant 1 : i32
      %parallel_loop3A_1098 = arith.constant 0 : i32
      %parallel_loop3A_1099 = arith.constant 0 : i32
      %parallel_loop3A_1100 = arith.constant 0 : i32
      %parallel_loop3A_1101 = arith.constant 0 : i32
      %parallel_loop3A_1102 = tpu.memref_slice %arg8[%parallel_loop3A_244, %parallel_loop3A_1098, %parallel_loop3A_1099, %parallel_loop3A_1100, %parallel_loop3A_1101] : memref<2x16x2x8x128xf32, #tpu.memory_space<vmem>> -> memref<1x16x2x8x128xf32, #tpu.memory_space<vmem>>
      %parallel_loop3A_1103 = tpu.memref_squeeze %parallel_loop3A_1102 : memref<1x16x2x8x128xf32, #tpu.memory_space<vmem>> -> memref<16x2x8x128xf32, #tpu.memory_space<vmem>>
      %parallel_loop3A_1104 = arith.index_cast %parallel_loop3A_850 : i32 to index
      %parallel_loop3A_1105 = arith.index_cast %parallel_loop3A_1097 : i32 to index
      %parallel_loop3A_1106 = arith.index_cast %parallel_loop3A_866 : i32 to index
      %parallel_loop3A_1107 = arith.constant 32 : index
      %parallel_loop3A_1108 = tpu.vector_load %parallel_loop3A_1103[%parallel_loop3A_1104, %parallel_loop3A_1105, %parallel_loop3A_1106, %parallel_loop3A_1107] {strides = array<i32>} : memref<16x2x8x128xf32, #tpu.memory_space<vmem>>, vector<16xf32>,
      tpu.vector_store %parallel_loop3A_1103[%parallel_loop3A_1104, %parallel_loop3A_1105, %parallel_loop3A_1106, %parallel_loop3A_1107], %parallel_loop3A_1096 {strides = array<i32>} : memref<16x2x8x128xf32, #tpu.memory_space<vmem>>, vector<16xf32>,
      %parallel_loop3A_1109 = arith.constant 5 : i32
      %parallel_loop3A_1110 = arith.constant 0 : i32
      %parallel_loop3A_1111 = arith.constant 0 : i32
      %parallel_loop3A_1112 = arith.constant 0 : i32
      %parallel_loop3A_1113 = tpu.memref_slice %arg7[%parallel_loop3A_243, %parallel_loop3A_1110, %parallel_loop3A_1111, %parallel_loop3A_1112] : memref<2x6x128x32xf32, #tpu.memory_space<vmem>> -> memref<1x6x128x32xf32, #tpu.memory_space<vmem>>
      %parallel_loop3A_1114 = tpu.memref_squeeze %parallel_loop3A_1113 : memref<1x6x128x32xf32, #tpu.memory_space<vmem>> -> memref<6x128x32xf32, #tpu.memory_space<vmem>>
      %parallel_loop3A_1115 = arith.index_cast %parallel_loop3A_1109 : i32 to index
      %parallel_loop3A_1116 = arith.index_cast %parallel_loop3A_826 : i32 to index
      %parallel_loop3A_1117 = arith.constant 16 : index
      %parallel_loop3A_1118 = tpu.vector_load %parallel_loop3A_1114[%parallel_loop3A_1115, %parallel_loop3A_1116, %parallel_loop3A_1117] {strides = array<i32>} : memref<6x128x32xf32, #tpu.memory_space<vmem>>, vector<16xf32>,
      %parallel_loop3A_1119 = arith.constant 1 : i32
      %parallel_loop3A_1120 = arith.constant 0 : i32
      %parallel_loop3A_1121 = arith.constant 0 : i32
      %parallel_loop3A_1122 = arith.constant 0 : i32
      %parallel_loop3A_1123 = arith.constant 0 : i32
      %parallel_loop3A_1124 = tpu.memref_slice %arg8[%parallel_loop3A_244, %parallel_loop3A_1120, %parallel_loop3A_1121, %parallel_loop3A_1122, %parallel_loop3A_1123] : memref<2x16x2x8x128xf32, #tpu.memory_space<vmem>> -> memref<1x16x2x8x128xf32, #tpu.memory_space<vmem>>
      %parallel_loop3A_1125 = tpu.memref_squeeze %parallel_loop3A_1124 : memref<1x16x2x8x128xf32, #tpu.memory_space<vmem>> -> memref<16x2x8x128xf32, #tpu.memory_space<vmem>>
      %parallel_loop3A_1126 = arith.index_cast %parallel_loop3A_850 : i32 to index
      %parallel_loop3A_1127 = arith.index_cast %parallel_loop3A_1119 : i32 to index
      %parallel_loop3A_1128 = arith.index_cast %parallel_loop3A_866 : i32 to index
      %parallel_loop3A_1129 = arith.constant 48 : index
      %parallel_loop3A_1130 = tpu.vector_load %parallel_loop3A_1125[%parallel_loop3A_1126, %parallel_loop3A_1127, %parallel_loop3A_1128, %parallel_loop3A_1129] {strides = array<i32>} : memref<16x2x8x128xf32, #tpu.memory_space<vmem>>, vector<16xf32>,
      tpu.vector_store %parallel_loop3A_1125[%parallel_loop3A_1126, %parallel_loop3A_1127, %parallel_loop3A_1128, %parallel_loop3A_1129], %parallel_loop3A_1118 {strides = array<i32>} : memref<16x2x8x128xf32, #tpu.memory_space<vmem>>, vector<16xf32>,
    } {sc.loop_unroll_factor = 4 : i64, sc.parallel_access}
    %add3A_245 = arith.constant 0 : i32
    %add3A_246 = arith.addi %mul3A_2, %add3A_245 : i32
    %dma_start3A_247 = arith.constant 0 : i32
    %dma_start3A_248 = arith.constant 0 : i32
    %dma_start3A_249 = arith.constant 0 : i32
    %dma_start3A_250 = arith.constant 0 : i32
    %dma_start3A_251 = arith.constant 0 : i32
    %dma_start3A_252 = tpu.memref_slice %arg8[%dma_start3A_247, %dma_start3A_248, %dma_start3A_249, %dma_start3A_250, %dma_start3A_251] : memref<2x16x2x8x128xf32, #tpu.memory_space<vmem>> -> memref<1x16x2x8x128xf32, #tpu.memory_space<vmem>>
    %dma_start3A_253 = tpu.memref_squeeze %dma_start3A_252 : memref<1x16x2x8x128xf32, #tpu.memory_space<vmem>> -> memref<16x2x8x128xf32, #tpu.memory_space<vmem>>
    %dma_start3A_254 = arith.constant 0 : i32
    %dma_start3A_255 = arith.constant 0 : i32
    %dma_start3A_256 = arith.constant 0 : i32
    %dma_start3A_257 = tpu.memref_slice %arg5[%add3A_246, %dma_start3A_254, %dma_start3A_255, %dma_start3A_256] : memref<2048x2x8x128xf32, #tpu.memory_space<hbm>> -> memref<16x2x8x128xf32, #tpu.memory_space<hbm>>
    %dma_start3A_258 = arith.constant 0 : i32
    %dma_start3A_259 = arith.constant 0 : i32
    %dma_start3A_260 = arith.constant 0 : i32
    %dma_start3A_261 = tpu.memref_slice %arg5[%add3A_246, %dma_start3A_258, %dma_start3A_259, %dma_start3A_260] : memref<2048x2x8x128xf32, #tpu.memory_space<hbm>> -> memref<16x2x8x128xf32, #tpu.memory_space<hbm>>
    %dma_start3A_262 = arith.constant 0 : i32
    %dma_start3A_263 = arith.constant 0 : i32
    %dma_start3A_264 = arith.constant 0 : i32
    %dma_start3A_265 = arith.constant 0 : i32
    %dma_start3A_266 = tpu.memref_slice %arg8[%dma_start3A_247, %dma_start3A_262, %dma_start3A_263, %dma_start3A_264, %dma_start3A_265] : memref<2x16x2x8x128xf32, #tpu.memory_space<vmem>> -> memref<1x16x2x8x128xf32, #tpu.memory_space<vmem>>
    %dma_start3A_267 = tpu.memref_squeeze %dma_start3A_266 : memref<1x16x2x8x128xf32, #tpu.memory_space<vmem>> -> memref<16x2x8x128xf32, #tpu.memory_space<vmem>>
    tpu.enqueue_dma source(%dma_start3A_267 : memref<16x2x8x128xf32, #tpu.memory_space<vmem>>) target(%dma_start3A_261 : memref<16x2x8x128xf32, #tpu.memory_space<hbm>>) target_semaphore(%arg10 : memref<!tpu.dma_semaphore, #tpu.memory_space<semaphore_mem>>)
    %dma_start3A_268 = arith.constant 2 : i32
    %dma_start3A_269 = arith.constant 0 : i32
    %dma_start3A_270 = arith.constant 0 : i32
    %dma_start3A_271 = arith.constant 0 : i32
    %dma_start3A_272 = arith.constant 0 : i32
    %dma_start3A_273 = tpu.memref_slice %arg7[%dma_start3A_269, %dma_start3A_270, %dma_start3A_271, %dma_start3A_272] : memref<2x6x128x32xf32, #tpu.memory_space<vmem>> -> memref<1x1x128x32xf32, #tpu.memory_space<vmem>>
    %dma_start3A_274 = tpu.memref_squeeze %dma_start3A_273 : memref<1x1x128x32xf32, #tpu.memory_space<vmem>> -> memref<128x32xf32, #tpu.memory_space<vmem>>
    %dma_start3A_275 = arith.constant 0 : i32
    %dma_start3A_276 = tpu.memref_slice %arg6[%dma_start3A_268, %dma_start3A_275] : memref<24x128xi32, #tpu.memory_space<vmem>> -> memref<1x128xi32, #tpu.memory_space<vmem>>
    %dma_start3A_277 = tpu.memref_squeeze %dma_start3A_276 : memref<1x128xi32, #tpu.memory_space<vmem>> -> memref<128xi32, #tpu.memory_space<vmem>>
    %dma_start3A_278 = arith.constant 0 : i32
    %dma_start3A_279 = arith.constant 0 : i32
    %dma_start3A_280 = tpu.memref_slice %arg2[%dma_start3A_278, %dma_start3A_279] : memref<1000x32xf32, #tpu.memory_space<hbm>> -> memref<1000x32xf32, #tpu.memory_space<hbm>>
    tpu.enqueue_indirect_dma source(%dma_start3A_280 : memref<1000x32xf32, #tpu.memory_space<hbm>>) target(%dma_start3A_274 : memref<128x32xf32, #tpu.memory_space<vmem>>) offsets(%dma_start3A_277 : memref<128xi32, #tpu.memory_space<vmem>>) semaphore(%arg9 : memref<!tpu.dma_semaphore, #tpu.memory_space<semaphore_mem>>)
    %dma_start3A_281 = arith.constant 6 : i32
    %dma_start3A_282 = arith.constant 0 : i32
    %dma_start3A_283 = arith.constant 1 : i32
    %dma_start3A_284 = arith.constant 0 : i32
    %dma_start3A_285 = arith.constant 0 : i32
    %dma_start3A_286 = tpu.memref_slice %arg7[%dma_start3A_282, %dma_start3A_283, %dma_start3A_284, %dma_start3A_285] : memref<2x6x128x32xf32, #tpu.memory_space<vmem>> -> memref<1x1x128x32xf32, #tpu.memory_space<vmem>>
    %dma_start3A_287 = tpu.memref_squeeze %dma_start3A_286 : memref<1x1x128x32xf32, #tpu.memory_space<vmem>> -> memref<128x32xf32, #tpu.memory_space<vmem>>
    %dma_start3A_288 = arith.constant 0 : i32
    %dma_start3A_289 = tpu.memref_slice %arg6[%dma_start3A_281, %dma_start3A_288] : memref<24x128xi32, #tpu.memory_space<vmem>> -> memref<1x128xi32, #tpu.memory_space<vmem>>
    %dma_start3A_290 = tpu.memref_squeeze %dma_start3A_289 : memref<1x128xi32, #tpu.memory_space<vmem>> -> memref<128xi32, #tpu.memory_space<vmem>>
    %dma_start3A_291 = arith.constant 0 : i32
    %dma_start3A_292 = arith.constant 0 : i32
    %dma_start3A_293 = tpu.memref_slice %arg2[%dma_start3A_291, %dma_start3A_292] : memref<1000x32xf32, #tpu.memory_space<hbm>> -> memref<1000x32xf32, #tpu.memory_space<hbm>>
    tpu.enqueue_indirect_dma source(%dma_start3A_293 : memref<1000x32xf32, #tpu.memory_space<hbm>>) target(%dma_start3A_287 : memref<128x32xf32, #tpu.memory_space<vmem>>) offsets(%dma_start3A_290 : memref<128xi32, #tpu.memory_space<vmem>>) semaphore(%arg9 : memref<!tpu.dma_semaphore, #tpu.memory_space<semaphore_mem>>)
    %dma_start3A_294 = arith.constant 10 : i32
    %dma_start3A_295 = arith.constant 0 : i32
    %dma_start3A_296 = arith.constant 2 : i32
    %dma_start3A_297 = arith.constant 0 : i32
    %dma_start3A_298 = arith.constant 0 : i32
    %dma_start3A_299 = tpu.memref_slice %arg7[%dma_start3A_295, %dma_start3A_296, %dma_start3A_297, %dma_start3A_298] : memref<2x6x128x32xf32, #tpu.memory_space<vmem>> -> memref<1x1x128x32xf32, #tpu.memory_space<vmem>>
    %dma_start3A_300 = tpu.memref_squeeze %dma_start3A_299 : memref<1x1x128x32xf32, #tpu.memory_space<vmem>> -> memref<128x32xf32, #tpu.memory_space<vmem>>
    %dma_start3A_301 = arith.constant 0 : i32
    %dma_start3A_302 = tpu.memref_slice %arg6[%dma_start3A_294, %dma_start3A_301] : memref<24x128xi32, #tpu.memory_space<vmem>> -> memref<1x128xi32, #tpu.memory_space<vmem>>
    %dma_start3A_303 = tpu.memref_squeeze %dma_start3A_302 : memref<1x128xi32, #tpu.memory_space<vmem>> -> memref<128xi32, #tpu.memory_space<vmem>>
    %dma_start3A_304 = arith.constant 0 : i32
    %dma_start3A_305 = arith.constant 0 : i32
    %dma_start3A_306 = tpu.memref_slice %arg3[%dma_start3A_304, %dma_start3A_305] : memref<1000x32xf32, #tpu.memory_space<hbm>> -> memref<1000x32xf32, #tpu.memory_space<hbm>>
    tpu.enqueue_indirect_dma source(%dma_start3A_306 : memref<1000x32xf32, #tpu.memory_space<hbm>>) target(%dma_start3A_300 : memref<128x32xf32, #tpu.memory_space<vmem>>) offsets(%dma_start3A_303 : memref<128xi32, #tpu.memory_space<vmem>>) semaphore(%arg9 : memref<!tpu.dma_semaphore, #tpu.memory_space<semaphore_mem>>)
    %dma_start3A_307 = arith.constant 14 : i32
    %dma_start3A_308 = arith.constant 0 : i32
    %dma_start3A_309 = arith.constant 3 : i32
    %dma_start3A_310 = arith.constant 0 : i32
    %dma_start3A_311 = arith.constant 0 : i32
    %dma_start3A_312 = tpu.memref_slice %arg7[%dma_start3A_308, %dma_start3A_309, %dma_start3A_310, %dma_start3A_311] : memref<2x6x128x32xf32, #tpu.memory_space<vmem>> -> memref<1x1x128x32xf32, #tpu.memory_space<vmem>>
    %dma_start3A_313 = tpu.memref_squeeze %dma_start3A_312 : memref<1x1x128x32xf32, #tpu.memory_space<vmem>> -> memref<128x32xf32, #tpu.memory_space<vmem>>
    %dma_start3A_314 = arith.constant 0 : i32
    %dma_start3A_315 = tpu.memref_slice %arg6[%dma_start3A_307, %dma_start3A_314] : memref<24x128xi32, #tpu.memory_space<vmem>> -> memref<1x128xi32, #tpu.memory_space<vmem>>
    %dma_start3A_316 = tpu.memref_squeeze %dma_start3A_315 : memref<1x128xi32, #tpu.memory_space<vmem>> -> memref<128xi32, #tpu.memory_space<vmem>>
    %dma_start3A_317 = arith.constant 0 : i32
    %dma_start3A_318 = arith.constant 0 : i32
    %dma_start3A_319 = tpu.memref_slice %arg3[%dma_start3A_317, %dma_start3A_318] : memref<1000x32xf32, #tpu.memory_space<hbm>> -> memref<1000x32xf32, #tpu.memory_space<hbm>>
    tpu.enqueue_indirect_dma source(%dma_start3A_319 : memref<1000x32xf32, #tpu.memory_space<hbm>>) target(%dma_start3A_313 : memref<128x32xf32, #tpu.memory_space<vmem>>) offsets(%dma_start3A_316 : memref<128xi32, #tpu.memory_space<vmem>>) semaphore(%arg9 : memref<!tpu.dma_semaphore, #tpu.memory_space<semaphore_mem>>)
    %dma_start3A_320 = arith.constant 18 : i32
    %dma_start3A_321 = arith.constant 0 : i32
    %dma_start3A_322 = arith.constant 4 : i32
    %dma_start3A_323 = arith.constant 0 : i32
    %dma_start3A_324 = arith.constant 0 : i32
    %dma_start3A_325 = tpu.memref_slice %arg7[%dma_start3A_321, %dma_start3A_322, %dma_start3A_323, %dma_start3A_324] : memref<2x6x128x32xf32, #tpu.memory_space<vmem>> -> memref<1x1x128x32xf32, #tpu.memory_space<vmem>>
    %dma_start3A_326 = tpu.memref_squeeze %dma_start3A_325 : memref<1x1x128x32xf32, #tpu.memory_space<vmem>> -> memref<128x32xf32, #tpu.memory_space<vmem>>
    %dma_start3A_327 = arith.constant 0 : i32
    %dma_start3A_328 = tpu.memref_slice %arg6[%dma_start3A_320, %dma_start3A_327] : memref<24x128xi32, #tpu.memory_space<vmem>> -> memref<1x128xi32, #tpu.memory_space<vmem>>
    %dma_start3A_329 = tpu.memref_squeeze %dma_start3A_328 : memref<1x128xi32, #tpu.memory_space<vmem>> -> memref<128xi32, #tpu.memory_space<vmem>>
    %dma_start3A_330 = arith.constant 0 : i32
    %dma_start3A_331 = arith.constant 0 : i32
    %dma_start3A_332 = tpu.memref_slice %arg3[%dma_start3A_330, %dma_start3A_331] : memref<1000x32xf32, #tpu.memory_space<hbm>> -> memref<1000x32xf32, #tpu.memory_space<hbm>>
    tpu.enqueue_indirect_dma source(%dma_start3A_332 : memref<1000x32xf32, #tpu.memory_space<hbm>>) target(%dma_start3A_326 : memref<128x32xf32, #tpu.memory_space<vmem>>) offsets(%dma_start3A_329 : memref<128xi32, #tpu.memory_space<vmem>>) semaphore(%arg9 : memref<!tpu.dma_semaphore, #tpu.memory_space<semaphore_mem>>)
    %dma_start3A_333 = arith.constant 22 : i32
    %dma_start3A_334 = arith.constant 0 : i32
    %dma_start3A_335 = arith.constant 5 : i32
    %dma_start3A_336 = arith.constant 0 : i32
    %dma_start3A_337 = arith.constant 0 : i32
    %dma_start3A_338 = tpu.memref_slice %arg7[%dma_start3A_334, %dma_start3A_335, %dma_start3A_336, %dma_start3A_337] : memref<2x6x128x32xf32, #tpu.memory_space<vmem>> -> memref<1x1x128x32xf32, #tpu.memory_space<vmem>>
    %dma_start3A_339 = tpu.memref_squeeze %dma_start3A_338 : memref<1x1x128x32xf32, #tpu.memory_space<vmem>> -> memref<128x32xf32, #tpu.memory_space<vmem>>
    %dma_start3A_340 = arith.constant 0 : i32
    %dma_start3A_341 = tpu.memref_slice %arg6[%dma_start3A_333, %dma_start3A_340] : memref<24x128xi32, #tpu.memory_space<vmem>> -> memref<1x128xi32, #tpu.memory_space<vmem>>
    %dma_start3A_342 = tpu.memref_squeeze %dma_start3A_341 : memref<1x128xi32, #tpu.memory_space<vmem>> -> memref<128xi32, #tpu.memory_space<vmem>>
    %dma_start3A_343 = arith.constant 0 : i32
    %dma_start3A_344 = arith.constant 0 : i32
    %dma_start3A_345 = tpu.memref_slice %arg3[%dma_start3A_343, %dma_start3A_344] : memref<1000x32xf32, #tpu.memory_space<hbm>> -> memref<1000x32xf32, #tpu.memory_space<hbm>>
    tpu.enqueue_indirect_dma source(%dma_start3A_345 : memref<1000x32xf32, #tpu.memory_space<hbm>>) target(%dma_start3A_339 : memref<128x32xf32, #tpu.memory_space<vmem>>) offsets(%dma_start3A_342 : memref<128xi32, #tpu.memory_space<vmem>>) semaphore(%arg9 : memref<!tpu.dma_semaphore, #tpu.memory_space<semaphore_mem>>)
    %dma_wait3A_346 = arith.constant 1 : i32
    %dma_wait3A_347 = arith.constant 1 : i32
    %dma_wait3A_348 = arith.constant 0 : i32
    %dma_wait3A_349 = arith.constant 0 : i32
    %dma_wait3A_350 = arith.constant 0 : i32
    %dma_wait3A_351 = tpu.memref_slice %arg7[%dma_wait3A_347, %dma_wait3A_348, %dma_wait3A_349, %dma_wait3A_350] : memref<2x6x128x32xf32, #tpu.memory_space<vmem>> -> memref<1x1x128x32xf32, #tpu.memory_space<vmem>>
    %dma_wait3A_352 = tpu.memref_squeeze %dma_wait3A_351 : memref<1x1x128x32xf32, #tpu.memory_space<vmem>> -> memref<128x32xf32, #tpu.memory_space<vmem>>
    %dma_wait3A_353 = arith.constant 0 : i32
    %dma_wait3A_354 = tpu.memref_slice %arg6[%dma_wait3A_346, %dma_wait3A_353] : memref<24x128xi32, #tpu.memory_space<vmem>> -> memref<1x128xi32, #tpu.memory_space<vmem>>
    %dma_wait3A_355 = tpu.memref_squeeze %dma_wait3A_354 : memref<1x128xi32, #tpu.memory_space<vmem>> -> memref<128xi32, #tpu.memory_space<vmem>>
    %dma_wait3A_356 = arith.constant 0 : i32
    %dma_wait3A_357 = arith.constant 0 : i32
    %dma_wait3A_358 = tpu.memref_slice %arg2[%dma_wait3A_356, %dma_wait3A_357] : memref<1000x32xf32, #tpu.memory_space<hbm>> -> memref<1000x32xf32, #tpu.memory_space<hbm>>
    tpu.wait_indirect_dma semaphore(%arg9 : memref<!tpu.dma_semaphore, #tpu.memory_space<semaphore_mem>>) src(%dma_wait3A_358 : memref<1000x32xf32, #tpu.memory_space<hbm>>) dst(%dma_wait3A_352 : memref<128x32xf32, #tpu.memory_space<vmem>>)
    %dma_wait3A_359 = arith.constant 5 : i32
    %dma_wait3A_360 = arith.constant 1 : i32
    %dma_wait3A_361 = arith.constant 1 : i32
    %dma_wait3A_362 = arith.constant 0 : i32
    %dma_wait3A_363 = arith.constant 0 : i32
    %dma_wait3A_364 = tpu.memref_slice %arg7[%dma_wait3A_360, %dma_wait3A_361, %dma_wait3A_362, %dma_wait3A_363] : memref<2x6x128x32xf32, #tpu.memory_space<vmem>> -> memref<1x1x128x32xf32, #tpu.memory_space<vmem>>
    %dma_wait3A_365 = tpu.memref_squeeze %dma_wait3A_364 : memref<1x1x128x32xf32, #tpu.memory_space<vmem>> -> memref<128x32xf32, #tpu.memory_space<vmem>>
    %dma_wait3A_366 = arith.constant 0 : i32
    %dma_wait3A_367 = tpu.memref_slice %arg6[%dma_wait3A_359, %dma_wait3A_366] : memref<24x128xi32, #tpu.memory_space<vmem>> -> memref<1x128xi32, #tpu.memory_space<vmem>>
    %dma_wait3A_368 = tpu.memref_squeeze %dma_wait3A_367 : memref<1x128xi32, #tpu.memory_space<vmem>> -> memref<128xi32, #tpu.memory_space<vmem>>
    %dma_wait3A_369 = arith.constant 0 : i32
    %dma_wait3A_370 = arith.constant 0 : i32
    %dma_wait3A_371 = tpu.memref_slice %arg2[%dma_wait3A_369, %dma_wait3A_370] : memref<1000x32xf32, #tpu.memory_space<hbm>> -> memref<1000x32xf32, #tpu.memory_space<hbm>>
    tpu.wait_indirect_dma semaphore(%arg9 : memref<!tpu.dma_semaphore, #tpu.memory_space<semaphore_mem>>) src(%dma_wait3A_371 : memref<1000x32xf32, #tpu.memory_space<hbm>>) dst(%dma_wait3A_365 : memref<128x32xf32, #tpu.memory_space<vmem>>)
    %dma_wait3A_372 = arith.constant 9 : i32
    %dma_wait3A_373 = arith.constant 1 : i32
    %dma_wait3A_374 = arith.constant 2 : i32
    %dma_wait3A_375 = arith.constant 0 : i32
    %dma_wait3A_376 = arith.constant 0 : i32
    %dma_wait3A_377 = tpu.memref_slice %arg7[%dma_wait3A_373, %dma_wait3A_374, %dma_wait3A_375, %dma_wait3A_376] : memref<2x6x128x32xf32, #tpu.memory_space<vmem>> -> memref<1x1x128x32xf32, #tpu.memory_space<vmem>>
    %dma_wait3A_378 = tpu.memref_squeeze %dma_wait3A_377 : memref<1x1x128x32xf32, #tpu.memory_space<vmem>> -> memref<128x32xf32, #tpu.memory_space<vmem>>
    %dma_wait3A_379 = arith.constant 0 : i32
    %dma_wait3A_380 = tpu.memref_slice %arg6[%dma_wait3A_372, %dma_wait3A_379] : memref<24x128xi32, #tpu.memory_space<vmem>> -> memref<1x128xi32, #tpu.memory_space<vmem>>
    %dma_wait3A_381 = tpu.memref_squeeze %dma_wait3A_380 : memref<1x128xi32, #tpu.memory_space<vmem>> -> memref<128xi32, #tpu.memory_space<vmem>>
    %dma_wait3A_382 = arith.constant 0 : i32
    %dma_wait3A_383 = arith.constant 0 : i32
    %dma_wait3A_384 = tpu.memref_slice %arg3[%dma_wait3A_382, %dma_wait3A_383] : memref<1000x32xf32, #tpu.memory_space<hbm>> -> memref<1000x32xf32, #tpu.memory_space<hbm>>
    tpu.wait_indirect_dma semaphore(%arg9 : memref<!tpu.dma_semaphore, #tpu.memory_space<semaphore_mem>>) src(%dma_wait3A_384 : memref<1000x32xf32, #tpu.memory_space<hbm>>) dst(%dma_wait3A_378 : memref<128x32xf32, #tpu.memory_space<vmem>>)
    %dma_wait3A_385 = arith.constant 13 : i32
    %dma_wait3A_386 = arith.constant 1 : i32
    %dma_wait3A_387 = arith.constant 3 : i32
    %dma_wait3A_388 = arith.constant 0 : i32
    %dma_wait3A_389 = arith.constant 0 : i32
    %dma_wait3A_390 = tpu.memref_slice %arg7[%dma_wait3A_386, %dma_wait3A_387, %dma_wait3A_388, %dma_wait3A_389] : memref<2x6x128x32xf32, #tpu.memory_space<vmem>> -> memref<1x1x128x32xf32, #tpu.memory_space<vmem>>
    %dma_wait3A_391 = tpu.memref_squeeze %dma_wait3A_390 : memref<1x1x128x32xf32, #tpu.memory_space<vmem>> -> memref<128x32xf32, #tpu.memory_space<vmem>>
    %dma_wait3A_392 = arith.constant 0 : i32
    %dma_wait3A_393 = tpu.memref_slice %arg6[%dma_wait3A_385, %dma_wait3A_392] : memref<24x128xi32, #tpu.memory_space<vmem>> -> memref<1x128xi32, #tpu.memory_space<vmem>>
    %dma_wait3A_394 = tpu.memref_squeeze %dma_wait3A_393 : memref<1x128xi32, #tpu.memory_space<vmem>> -> memref<128xi32, #tpu.memory_space<vmem>>
    %dma_wait3A_395 = arith.constant 0 : i32
    %dma_wait3A_396 = arith.constant 0 : i32
    %dma_wait3A_397 = tpu.memref_slice %arg3[%dma_wait3A_395, %dma_wait3A_396] : memref<1000x32xf32, #tpu.memory_space<hbm>> -> memref<1000x32xf32, #tpu.memory_space<hbm>>
    tpu.wait_indirect_dma semaphore(%arg9 : memref<!tpu.dma_semaphore, #tpu.memory_space<semaphore_mem>>) src(%dma_wait3A_397 : memref<1000x32xf32, #tpu.memory_space<hbm>>) dst(%dma_wait3A_391 : memref<128x32xf32, #tpu.memory_space<vmem>>)
    %dma_wait3A_398 = arith.constant 17 : i32
    %dma_wait3A_399 = arith.constant 1 : i32
    %dma_wait3A_400 = arith.constant 4 : i32
    %dma_wait3A_401 = arith.constant 0 : i32
    %dma_wait3A_402 = arith.constant 0 : i32
    %dma_wait3A_403 = tpu.memref_slice %arg7[%dma_wait3A_399, %dma_wait3A_400, %dma_wait3A_401, %dma_wait3A_402] : memref<2x6x128x32xf32, #tpu.memory_space<vmem>> -> memref<1x1x128x32xf32, #tpu.memory_space<vmem>>
    %dma_wait3A_404 = tpu.memref_squeeze %dma_wait3A_403 : memref<1x1x128x32xf32, #tpu.memory_space<vmem>> -> memref<128x32xf32, #tpu.memory_space<vmem>>
    %dma_wait3A_405 = arith.constant 0 : i32
    %dma_wait3A_406 = tpu.memref_slice %arg6[%dma_wait3A_398, %dma_wait3A_405] : memref<24x128xi32, #tpu.memory_space<vmem>> -> memref<1x128xi32, #tpu.memory_space<vmem>>
    %dma_wait3A_407 = tpu.memref_squeeze %dma_wait3A_406 : memref<1x128xi32, #tpu.memory_space<vmem>> -> memref<128xi32, #tpu.memory_space<vmem>>
    %dma_wait3A_408 = arith.constant 0 : i32
    %dma_wait3A_409 = arith.constant 0 : i32
    %dma_wait3A_410 = tpu.memref_slice %arg3[%dma_wait3A_408, %dma_wait3A_409] : memref<1000x32xf32, #tpu.memory_space<hbm>> -> memref<1000x32xf32, #tpu.memory_space<hbm>>
    tpu.wait_indirect_dma semaphore(%arg9 : memref<!tpu.dma_semaphore, #tpu.memory_space<semaphore_mem>>) src(%dma_wait3A_410 : memref<1000x32xf32, #tpu.memory_space<hbm>>) dst(%dma_wait3A_404 : memref<128x32xf32, #tpu.memory_space<vmem>>)
    %dma_wait3A_411 = arith.constant 21 : i32
    %dma_wait3A_412 = arith.constant 1 : i32
    %dma_wait3A_413 = arith.constant 5 : i32
    %dma_wait3A_414 = arith.constant 0 : i32
    %dma_wait3A_415 = arith.constant 0 : i32
    %dma_wait3A_416 = tpu.memref_slice %arg7[%dma_wait3A_412, %dma_wait3A_413, %dma_wait3A_414, %dma_wait3A_415] : memref<2x6x128x32xf32, #tpu.memory_space<vmem>> -> memref<1x1x128x32xf32, #tpu.memory_space<vmem>>
    %dma_wait3A_417 = tpu.memref_squeeze %dma_wait3A_416 : memref<1x1x128x32xf32, #tpu.memory_space<vmem>> -> memref<128x32xf32, #tpu.memory_space<vmem>>
    %dma_wait3A_418 = arith.constant 0 : i32
    %dma_wait3A_419 = tpu.memref_slice %arg6[%dma_wait3A_411, %dma_wait3A_418] : memref<24x128xi32, #tpu.memory_space<vmem>> -> memref<1x128xi32, #tpu.memory_space<vmem>>
    %dma_wait3A_420 = tpu.memref_squeeze %dma_wait3A_419 : memref<1x128xi32, #tpu.memory_space<vmem>> -> memref<128xi32, #tpu.memory_space<vmem>>
    %dma_wait3A_421 = arith.constant 0 : i32
    %dma_wait3A_422 = arith.constant 0 : i32
    %dma_wait3A_423 = tpu.memref_slice %arg3[%dma_wait3A_421, %dma_wait3A_422] : memref<1000x32xf32, #tpu.memory_space<hbm>> -> memref<1000x32xf32, #tpu.memory_space<hbm>>
    tpu.wait_indirect_dma semaphore(%arg9 : memref<!tpu.dma_semaphore, #tpu.memory_space<semaphore_mem>>) src(%dma_wait3A_423 : memref<1000x32xf32, #tpu.memory_space<hbm>>) dst(%dma_wait3A_417 : memref<128x32xf32, #tpu.memory_space<vmem>>)
    %parallel_loop3A_424 = arith.constant 0 : i32
    %parallel_loop3A_425 = arith.constant 128 : i32
    %parallel_loop3A_426 = arith.constant 1 : i32
    %parallel_loop3A_427 = arith.constant 1 : i32
    %parallel_loop3A_428 = arith.constant 1 : i32
    scf.for %parallel_loop3A_826 = %parallel_loop3A_424 to %parallel_loop3A_425 step %parallel_loop3A_426  : i32 {
      %parallel_loop3A_827 = arith.constant 8 : i32
      %parallel_loop3A_828 = arith.divsi %parallel_loop3A_826, %parallel_loop3A_827 : i32
      %parallel_loop3A_829 = arith.constant 0 : i32
      %parallel_loop3A_830 = arith.cmpi sgt, %parallel_loop3A_826, %parallel_loop3A_829 : i32
      %parallel_loop3A_831 = arith.extui %parallel_loop3A_830 : i1 to i32
      %parallel_loop3A_832 = arith.constant 0 : i32
      %parallel_loop3A_833 = arith.cmpi slt, %parallel_loop3A_826, %parallel_loop3A_832 : i32
      %parallel_loop3A_834 = arith.extui %parallel_loop3A_833 : i1 to i32
      %parallel_loop3A_835 = arith.subi %parallel_loop3A_831, %parallel_loop3A_834 : i32
      %parallel_loop3A_836 = arith.constant 0 : i32
      %parallel_loop3A_837 = arith.cmpi sgt, %parallel_loop3A_827, %parallel_loop3A_836 : i32
      %parallel_loop3A_838 = arith.extui %parallel_loop3A_837 : i1 to i32
      %parallel_loop3A_839 = arith.constant 0 : i32
      %parallel_loop3A_840 = arith.cmpi slt, %parallel_loop3A_827, %parallel_loop3A_839 : i32
      %parallel_loop3A_841 = arith.extui %parallel_loop3A_840 : i1 to i32
      %parallel_loop3A_842 = arith.subi %parallel_loop3A_838, %parallel_loop3A_841 : i32
      %parallel_loop3A_843 = arith.cmpi ne, %parallel_loop3A_835, %parallel_loop3A_842 : i32
      %parallel_loop3A_844 = arith.remsi %parallel_loop3A_826, %parallel_loop3A_827 : i32
      %parallel_loop3A_845 = arith.constant 0 : i32
      %parallel_loop3A_846 = arith.cmpi ne, %parallel_loop3A_844, %parallel_loop3A_845 : i32
      %parallel_loop3A_847 = arith.andi %parallel_loop3A_843, %parallel_loop3A_846 : i1
      %parallel_loop3A_848 = arith.constant 1 : i32
      %parallel_loop3A_849 = arith.subi %parallel_loop3A_828, %parallel_loop3A_848 : i32
      %parallel_loop3A_850 = arith.select %parallel_loop3A_847, %parallel_loop3A_849, %parallel_loop3A_828 : i32
      %parallel_loop3A_851 = arith.constant 8 : i32
      %parallel_loop3A_852 = arith.constant 0 : i32
      %parallel_loop3A_853 = arith.cmpi eq, %parallel_loop3A_851, %parallel_loop3A_852 : i32
      %parallel_loop3A_854 = arith.constant 1 : i32
      %parallel_loop3A_855 = arith.select %parallel_loop3A_853, %parallel_loop3A_854, %parallel_loop3A_851 : i32
      %parallel_loop3A_856 = arith.remsi %parallel_loop3A_826, %parallel_loop3A_855 : i32
      %parallel_loop3A_857 = arith.constant 0 : i32
      %parallel_loop3A_858 = arith.cmpi ne, %parallel_loop3A_856, %parallel_loop3A_857 : i32
      %parallel_loop3A_859 = arith.constant 0 : i32
      %parallel_loop3A_860 = arith.cmpi slt, %parallel_loop3A_856, %parallel_loop3A_859 : i32
      %parallel_loop3A_861 = arith.constant 0 : i32
      %parallel_loop3A_862 = arith.cmpi slt, %parallel_loop3A_855, %parallel_loop3A_861 : i32
      %parallel_loop3A_863 = arith.xori %parallel_loop3A_860, %parallel_loop3A_862 : i1
      %parallel_loop3A_864 = arith.andi %parallel_loop3A_863, %parallel_loop3A_858 : i1
      %parallel_loop3A_865 = arith.addi %parallel_loop3A_856, %parallel_loop3A_855 : i32
      %parallel_loop3A_866 = arith.select %parallel_loop3A_864, %parallel_loop3A_865, %parallel_loop3A_856 : i32
      %parallel_loop3A_867 = arith.constant 0 : i32
      %parallel_loop3A_868 = arith.constant 0 : i32
      %parallel_loop3A_869 = arith.constant 0 : i32
      %parallel_loop3A_870 = arith.constant 0 : i32
      %parallel_loop3A_871 = tpu.memref_slice %arg7[%parallel_loop3A_427, %parallel_loop3A_868, %parallel_loop3A_869, %parallel_loop3A_870] : memref<2x6x128x32xf32, #tpu.memory_space<vmem>> -> memref<1x6x128x32xf32, #tpu.memory_space<vmem>>
      %parallel_loop3A_872 = tpu.memref_squeeze %parallel_loop3A_871 : memref<1x6x128x32xf32, #tpu.memory_space<vmem>> -> memref<6x128x32xf32, #tpu.memory_space<vmem>>
      %parallel_loop3A_873 = arith.index_cast %parallel_loop3A_867 : i32 to index
      %parallel_loop3A_874 = arith.index_cast %parallel_loop3A_826 : i32 to index
      %parallel_loop3A_875 = arith.constant 0 : index
      %parallel_loop3A_876 = tpu.vector_load %parallel_loop3A_872[%parallel_loop3A_873, %parallel_loop3A_874, %parallel_loop3A_875] {strides = array<i32>} : memref<6x128x32xf32, #tpu.memory_space<vmem>>, vector<16xf32>,
      %parallel_loop3A_877 = arith.constant 0 : i32
      %parallel_loop3A_878 = arith.constant 0 : i32
      %parallel_loop3A_879 = arith.constant 0 : i32
      %parallel_loop3A_880 = arith.constant 0 : i32
      %parallel_loop3A_881 = arith.constant 0 : i32
      %parallel_loop3A_882 = tpu.memref_slice %arg8[%parallel_loop3A_428, %parallel_loop3A_878, %parallel_loop3A_879, %parallel_loop3A_880, %parallel_loop3A_881] : memref<2x16x2x8x128xf32, #tpu.memory_space<vmem>> -> memref<1x16x2x8x128xf32, #tpu.memory_space<vmem>>
      %parallel_loop3A_883 = tpu.memref_squeeze %parallel_loop3A_882 : memref<1x16x2x8x128xf32, #tpu.memory_space<vmem>> -> memref<16x2x8x128xf32, #tpu.memory_space<vmem>>
      %parallel_loop3A_884 = arith.index_cast %parallel_loop3A_850 : i32 to index
      %parallel_loop3A_885 = arith.index_cast %parallel_loop3A_877 : i32 to index
      %parallel_loop3A_886 = arith.index_cast %parallel_loop3A_866 : i32 to index
      %parallel_loop3A_887 = arith.constant 0 : index
      %parallel_loop3A_888 = tpu.vector_load %parallel_loop3A_883[%parallel_loop3A_884, %parallel_loop3A_885, %parallel_loop3A_886, %parallel_loop3A_887] {strides = array<i32>} : memref<16x2x8x128xf32, #tpu.memory_space<vmem>>, vector<16xf32>,
      tpu.vector_store %parallel_loop3A_883[%parallel_loop3A_884, %parallel_loop3A_885, %parallel_loop3A_886, %parallel_loop3A_887], %parallel_loop3A_876 {strides = array<i32>} : memref<16x2x8x128xf32, #tpu.memory_space<vmem>>, vector<16xf32>,
      %parallel_loop3A_889 = arith.constant 0 : i32
      %parallel_loop3A_890 = arith.constant 0 : i32
      %parallel_loop3A_891 = arith.constant 0 : i32
      %parallel_loop3A_892 = arith.constant 0 : i32
      %parallel_loop3A_893 = tpu.memref_slice %arg7[%parallel_loop3A_427, %parallel_loop3A_890, %parallel_loop3A_891, %parallel_loop3A_892] : memref<2x6x128x32xf32, #tpu.memory_space<vmem>> -> memref<1x6x128x32xf32, #tpu.memory_space<vmem>>
      %parallel_loop3A_894 = tpu.memref_squeeze %parallel_loop3A_893 : memref<1x6x128x32xf32, #tpu.memory_space<vmem>> -> memref<6x128x32xf32, #tpu.memory_space<vmem>>
      %parallel_loop3A_895 = arith.index_cast %parallel_loop3A_889 : i32 to index
      %parallel_loop3A_896 = arith.index_cast %parallel_loop3A_826 : i32 to index
      %parallel_loop3A_897 = arith.constant 16 : index
      %parallel_loop3A_898 = tpu.vector_load %parallel_loop3A_894[%parallel_loop3A_895, %parallel_loop3A_896, %parallel_loop3A_897] {strides = array<i32>} : memref<6x128x32xf32, #tpu.memory_space<vmem>>, vector<16xf32>,
      %parallel_loop3A_899 = arith.constant 0 : i32
      %parallel_loop3A_900 = arith.constant 0 : i32
      %parallel_loop3A_901 = arith.constant 0 : i32
      %parallel_loop3A_902 = arith.constant 0 : i32
      %parallel_loop3A_903 = arith.constant 0 : i32
      %parallel_loop3A_904 = tpu.memref_slice %arg8[%parallel_loop3A_428, %parallel_loop3A_900, %parallel_loop3A_901, %parallel_loop3A_902, %parallel_loop3A_903] : memref<2x16x2x8x128xf32, #tpu.memory_space<vmem>> -> memref<1x16x2x8x128xf32, #tpu.memory_space<vmem>>
      %parallel_loop3A_905 = tpu.memref_squeeze %parallel_loop3A_904 : memref<1x16x2x8x128xf32, #tpu.memory_space<vmem>> -> memref<16x2x8x128xf32, #tpu.memory_space<vmem>>
      %parallel_loop3A_906 = arith.index_cast %parallel_loop3A_850 : i32 to index
      %parallel_loop3A_907 = arith.index_cast %parallel_loop3A_899 : i32 to index
      %parallel_loop3A_908 = arith.index_cast %parallel_loop3A_866 : i32 to index
      %parallel_loop3A_909 = arith.constant 16 : index
      %parallel_loop3A_910 = tpu.vector_load %parallel_loop3A_905[%parallel_loop3A_906, %parallel_loop3A_907, %parallel_loop3A_908, %parallel_loop3A_909] {strides = array<i32>} : memref<16x2x8x128xf32, #tpu.memory_space<vmem>>, vector<16xf32>,
      tpu.vector_store %parallel_loop3A_905[%parallel_loop3A_906, %parallel_loop3A_907, %parallel_loop3A_908, %parallel_loop3A_909], %parallel_loop3A_898 {strides = array<i32>} : memref<16x2x8x128xf32, #tpu.memory_space<vmem>>, vector<16xf32>,
      %parallel_loop3A_911 = arith.constant 1 : i32
      %parallel_loop3A_912 = arith.constant 0 : i32
      %parallel_loop3A_913 = arith.constant 0 : i32
      %parallel_loop3A_914 = arith.constant 0 : i32
      %parallel_loop3A_915 = tpu.memref_slice %arg7[%parallel_loop3A_427, %parallel_loop3A_912, %parallel_loop3A_913, %parallel_loop3A_914] : memref<2x6x128x32xf32, #tpu.memory_space<vmem>> -> memref<1x6x128x32xf32, #tpu.memory_space<vmem>>
      %parallel_loop3A_916 = tpu.memref_squeeze %parallel_loop3A_915 : memref<1x6x128x32xf32, #tpu.memory_space<vmem>> -> memref<6x128x32xf32, #tpu.memory_space<vmem>>
      %parallel_loop3A_917 = arith.index_cast %parallel_loop3A_911 : i32 to index
      %parallel_loop3A_918 = arith.index_cast %parallel_loop3A_826 : i32 to index
      %parallel_loop3A_919 = arith.constant 0 : index
      %parallel_loop3A_920 = tpu.vector_load %parallel_loop3A_916[%parallel_loop3A_917, %parallel_loop3A_918, %parallel_loop3A_919] {strides = array<i32>} : memref<6x128x32xf32, #tpu.memory_space<vmem>>, vector<16xf32>,
      %parallel_loop3A_921 = arith.constant 0 : i32
      %parallel_loop3A_922 = arith.constant 0 : i32
      %parallel_loop3A_923 = arith.constant 0 : i32
      %parallel_loop3A_924 = arith.constant 0 : i32
      %parallel_loop3A_925 = arith.constant 0 : i32
      %parallel_loop3A_926 = tpu.memref_slice %arg8[%parallel_loop3A_428, %parallel_loop3A_922, %parallel_loop3A_923, %parallel_loop3A_924, %parallel_loop3A_925] : memref<2x16x2x8x128xf32, #tpu.memory_space<vmem>> -> memref<1x16x2x8x128xf32, #tpu.memory_space<vmem>>
      %parallel_loop3A_927 = tpu.memref_squeeze %parallel_loop3A_926 : memref<1x16x2x8x128xf32, #tpu.memory_space<vmem>> -> memref<16x2x8x128xf32, #tpu.memory_space<vmem>>
      %parallel_loop3A_928 = arith.index_cast %parallel_loop3A_850 : i32 to index
      %parallel_loop3A_929 = arith.index_cast %parallel_loop3A_921 : i32 to index
      %parallel_loop3A_930 = arith.index_cast %parallel_loop3A_866 : i32 to index
      %parallel_loop3A_931 = arith.constant 32 : index
      %parallel_loop3A_932 = tpu.vector_load %parallel_loop3A_927[%parallel_loop3A_928, %parallel_loop3A_929, %parallel_loop3A_930, %parallel_loop3A_931] {strides = array<i32>} : memref<16x2x8x128xf32, #tpu.memory_space<vmem>>, vector<16xf32>,
      tpu.vector_store %parallel_loop3A_927[%parallel_loop3A_928, %parallel_loop3A_929, %parallel_loop3A_930, %parallel_loop3A_931], %parallel_loop3A_920 {strides = array<i32>} : memref<16x2x8x128xf32, #tpu.memory_space<vmem>>, vector<16xf32>,
      %parallel_loop3A_933 = arith.constant 1 : i32
      %parallel_loop3A_934 = arith.constant 0 : i32
      %parallel_loop3A_935 = arith.constant 0 : i32
      %parallel_loop3A_936 = arith.constant 0 : i32
      %parallel_loop3A_937 = tpu.memref_slice %arg7[%parallel_loop3A_427, %parallel_loop3A_934, %parallel_loop3A_935, %parallel_loop3A_936] : memref<2x6x128x32xf32, #tpu.memory_space<vmem>> -> memref<1x6x128x32xf32, #tpu.memory_space<vmem>>
      %parallel_loop3A_938 = tpu.memref_squeeze %parallel_loop3A_937 : memref<1x6x128x32xf32, #tpu.memory_space<vmem>> -> memref<6x128x32xf32, #tpu.memory_space<vmem>>
      %parallel_loop3A_939 = arith.index_cast %parallel_loop3A_933 : i32 to index
      %parallel_loop3A_940 = arith.index_cast %parallel_loop3A_826 : i32 to index
      %parallel_loop3A_941 = arith.constant 16 : index
      %parallel_loop3A_942 = tpu.vector_load %parallel_loop3A_938[%parallel_loop3A_939, %parallel_loop3A_940, %parallel_loop3A_941] {strides = array<i32>} : memref<6x128x32xf32, #tpu.memory_space<vmem>>, vector<16xf32>,
      %parallel_loop3A_943 = arith.constant 0 : i32
      %parallel_loop3A_944 = arith.constant 0 : i32
      %parallel_loop3A_945 = arith.constant 0 : i32
      %parallel_loop3A_946 = arith.constant 0 : i32
      %parallel_loop3A_947 = arith.constant 0 : i32
      %parallel_loop3A_948 = tpu.memref_slice %arg8[%parallel_loop3A_428, %parallel_loop3A_944, %parallel_loop3A_945, %parallel_loop3A_946, %parallel_loop3A_947] : memref<2x16x2x8x128xf32, #tpu.memory_space<vmem>> -> memref<1x16x2x8x128xf32, #tpu.memory_space<vmem>>
      %parallel_loop3A_949 = tpu.memref_squeeze %parallel_loop3A_948 : memref<1x16x2x8x128xf32, #tpu.memory_space<vmem>> -> memref<16x2x8x128xf32, #tpu.memory_space<vmem>>
      %parallel_loop3A_950 = arith.index_cast %parallel_loop3A_850 : i32 to index
      %parallel_loop3A_951 = arith.index_cast %parallel_loop3A_943 : i32 to index
      %parallel_loop3A_952 = arith.index_cast %parallel_loop3A_866 : i32 to index
      %parallel_loop3A_953 = arith.constant 48 : index
      %parallel_loop3A_954 = tpu.vector_load %parallel_loop3A_949[%parallel_loop3A_950, %parallel_loop3A_951, %parallel_loop3A_952, %parallel_loop3A_953] {strides = array<i32>} : memref<16x2x8x128xf32, #tpu.memory_space<vmem>>, vector<16xf32>,
      tpu.vector_store %parallel_loop3A_949[%parallel_loop3A_950, %parallel_loop3A_951, %parallel_loop3A_952, %parallel_loop3A_953], %parallel_loop3A_942 {strides = array<i32>} : memref<16x2x8x128xf32, #tpu.memory_space<vmem>>, vector<16xf32>,
      %parallel_loop3A_955 = arith.constant 2 : i32
      %parallel_loop3A_956 = arith.constant 0 : i32
      %parallel_loop3A_957 = arith.constant 0 : i32
      %parallel_loop3A_958 = arith.constant 0 : i32
      %parallel_loop3A_959 = tpu.memref_slice %arg7[%parallel_loop3A_427, %parallel_loop3A_956, %parallel_loop3A_957, %parallel_loop3A_958] : memref<2x6x128x32xf32, #tpu.memory_space<vmem>> -> memref<1x6x128x32xf32, #tpu.memory_space<vmem>>
      %parallel_loop3A_960 = tpu.memref_squeeze %parallel_loop3A_959 : memref<1x6x128x32xf32, #tpu.memory_space<vmem>> -> memref<6x128x32xf32, #tpu.memory_space<vmem>>
      %parallel_loop3A_961 = arith.index_cast %parallel_loop3A_955 : i32 to index
      %parallel_loop3A_962 = arith.index_cast %parallel_loop3A_826 : i32 to index
      %parallel_loop3A_963 = arith.constant 0 : index
      %parallel_loop3A_964 = tpu.vector_load %parallel_loop3A_960[%parallel_loop3A_961, %parallel_loop3A_962, %parallel_loop3A_963] {strides = array<i32>} : memref<6x128x32xf32, #tpu.memory_space<vmem>>, vector<16xf32>,
      %parallel_loop3A_965 = arith.constant 0 : i32
      %parallel_loop3A_966 = arith.constant 0 : i32
      %parallel_loop3A_967 = arith.constant 0 : i32
      %parallel_loop3A_968 = arith.constant 0 : i32
      %parallel_loop3A_969 = arith.constant 0 : i32
      %parallel_loop3A_970 = tpu.memref_slice %arg8[%parallel_loop3A_428, %parallel_loop3A_966, %parallel_loop3A_967, %parallel_loop3A_968, %parallel_loop3A_969] : memref<2x16x2x8x128xf32, #tpu.memory_space<vmem>> -> memref<1x16x2x8x128xf32, #tpu.memory_space<vmem>>
      %parallel_loop3A_971 = tpu.memref_squeeze %parallel_loop3A_970 : memref<1x16x2x8x128xf32, #tpu.memory_space<vmem>> -> memref<16x2x8x128xf32, #tpu.memory_space<vmem>>
      %parallel_loop3A_972 = arith.index_cast %parallel_loop3A_850 : i32 to index
      %parallel_loop3A_973 = arith.index_cast %parallel_loop3A_965 : i32 to index
      %parallel_loop3A_974 = arith.index_cast %parallel_loop3A_866 : i32 to index
      %parallel_loop3A_975 = arith.constant 64 : index
      %parallel_loop3A_976 = tpu.vector_load %parallel_loop3A_971[%parallel_loop3A_972, %parallel_loop3A_973, %parallel_loop3A_974, %parallel_loop3A_975] {strides = array<i32>} : memref<16x2x8x128xf32, #tpu.memory_space<vmem>>, vector<16xf32>,
      tpu.vector_store %parallel_loop3A_971[%parallel_loop3A_972, %parallel_loop3A_973, %parallel_loop3A_974, %parallel_loop3A_975], %parallel_loop3A_964 {strides = array<i32>} : memref<16x2x8x128xf32, #tpu.memory_space<vmem>>, vector<16xf32>,
      %parallel_loop3A_977 = arith.constant 2 : i32
      %parallel_loop3A_978 = arith.constant 0 : i32
      %parallel_loop3A_979 = arith.constant 0 : i32
      %parallel_loop3A_980 = arith.constant 0 : i32
      %parallel_loop3A_981 = tpu.memref_slice %arg7[%parallel_loop3A_427, %parallel_loop3A_978, %parallel_loop3A_979, %parallel_loop3A_980] : memref<2x6x128x32xf32, #tpu.memory_space<vmem>> -> memref<1x6x128x32xf32, #tpu.memory_space<vmem>>
      %parallel_loop3A_982 = tpu.memref_squeeze %parallel_loop3A_981 : memref<1x6x128x32xf32, #tpu.memory_space<vmem>> -> memref<6x128x32xf32, #tpu.memory_space<vmem>>
      %parallel_loop3A_983 = arith.index_cast %parallel_loop3A_977 : i32 to index
      %parallel_loop3A_984 = arith.index_cast %parallel_loop3A_826 : i32 to index
      %parallel_loop3A_985 = arith.constant 16 : index
      %parallel_loop3A_986 = tpu.vector_load %parallel_loop3A_982[%parallel_loop3A_983, %parallel_loop3A_984, %parallel_loop3A_985] {strides = array<i32>} : memref<6x128x32xf32, #tpu.memory_space<vmem>>, vector<16xf32>,
      %parallel_loop3A_987 = arith.constant 0 : i32
      %parallel_loop3A_988 = arith.constant 0 : i32
      %parallel_loop3A_989 = arith.constant 0 : i32
      %parallel_loop3A_990 = arith.constant 0 : i32
      %parallel_loop3A_991 = arith.constant 0 : i32
      %parallel_loop3A_992 = tpu.memref_slice %arg8[%parallel_loop3A_428, %parallel_loop3A_988, %parallel_loop3A_989, %parallel_loop3A_990, %parallel_loop3A_991] : memref<2x16x2x8x128xf32, #tpu.memory_space<vmem>> -> memref<1x16x2x8x128xf32, #tpu.memory_space<vmem>>
      %parallel_loop3A_993 = tpu.memref_squeeze %parallel_loop3A_992 : memref<1x16x2x8x128xf32, #tpu.memory_space<vmem>> -> memref<16x2x8x128xf32, #tpu.memory_space<vmem>>
      %parallel_loop3A_994 = arith.index_cast %parallel_loop3A_850 : i32 to index
      %parallel_loop3A_995 = arith.index_cast %parallel_loop3A_987 : i32 to index
      %parallel_loop3A_996 = arith.index_cast %parallel_loop3A_866 : i32 to index
      %parallel_loop3A_997 = arith.constant 80 : index
      %parallel_loop3A_998 = tpu.vector_load %parallel_loop3A_993[%parallel_loop3A_994, %parallel_loop3A_995, %parallel_loop3A_996, %parallel_loop3A_997] {strides = array<i32>} : memref<16x2x8x128xf32, #tpu.memory_space<vmem>>, vector<16xf32>,
      tpu.vector_store %parallel_loop3A_993[%parallel_loop3A_994, %parallel_loop3A_995, %parallel_loop3A_996, %parallel_loop3A_997], %parallel_loop3A_986 {strides = array<i32>} : memref<16x2x8x128xf32, #tpu.memory_space<vmem>>, vector<16xf32>,
      %parallel_loop3A_999 = arith.constant 3 : i32
      %parallel_loop3A_1000 = arith.constant 0 : i32
      %parallel_loop3A_1001 = arith.constant 0 : i32
      %parallel_loop3A_1002 = arith.constant 0 : i32
      %parallel_loop3A_1003 = tpu.memref_slice %arg7[%parallel_loop3A_427, %parallel_loop3A_1000, %parallel_loop3A_1001, %parallel_loop3A_1002] : memref<2x6x128x32xf32, #tpu.memory_space<vmem>> -> memref<1x6x128x32xf32, #tpu.memory_space<vmem>>
      %parallel_loop3A_1004 = tpu.memref_squeeze %parallel_loop3A_1003 : memref<1x6x128x32xf32, #tpu.memory_space<vmem>> -> memref<6x128x32xf32, #tpu.memory_space<vmem>>
      %parallel_loop3A_1005 = arith.index_cast %parallel_loop3A_999 : i32 to index
      %parallel_loop3A_1006 = arith.index_cast %parallel_loop3A_826 : i32 to index
      %parallel_loop3A_1007 = arith.constant 0 : index
      %parallel_loop3A_1008 = tpu.vector_load %parallel_loop3A_1004[%parallel_loop3A_1005, %parallel_loop3A_1006, %parallel_loop3A_1007] {strides = array<i32>} : memref<6x128x32xf32, #tpu.memory_space<vmem>>, vector<16xf32>,
      %parallel_loop3A_1009 = arith.constant 0 : i32
      %parallel_loop3A_1010 = arith.constant 0 : i32
      %parallel_loop3A_1011 = arith.constant 0 : i32
      %parallel_loop3A_1012 = arith.constant 0 : i32
      %parallel_loop3A_1013 = arith.constant 0 : i32
      %parallel_loop3A_1014 = tpu.memref_slice %arg8[%parallel_loop3A_428, %parallel_loop3A_1010, %parallel_loop3A_1011, %parallel_loop3A_1012, %parallel_loop3A_1013] : memref<2x16x2x8x128xf32, #tpu.memory_space<vmem>> -> memref<1x16x2x8x128xf32, #tpu.memory_space<vmem>>
      %parallel_loop3A_1015 = tpu.memref_squeeze %parallel_loop3A_1014 : memref<1x16x2x8x128xf32, #tpu.memory_space<vmem>> -> memref<16x2x8x128xf32, #tpu.memory_space<vmem>>
      %parallel_loop3A_1016 = arith.index_cast %parallel_loop3A_850 : i32 to index
      %parallel_loop3A_1017 = arith.index_cast %parallel_loop3A_1009 : i32 to index
      %parallel_loop3A_1018 = arith.index_cast %parallel_loop3A_866 : i32 to index
      %parallel_loop3A_1019 = arith.constant 96 : index
      %parallel_loop3A_1020 = tpu.vector_load %parallel_loop3A_1015[%parallel_loop3A_1016, %parallel_loop3A_1017, %parallel_loop3A_1018, %parallel_loop3A_1019] {strides = array<i32>} : memref<16x2x8x128xf32, #tpu.memory_space<vmem>>, vector<16xf32>,
      tpu.vector_store %parallel_loop3A_1015[%parallel_loop3A_1016, %parallel_loop3A_1017, %parallel_loop3A_1018, %parallel_loop3A_1019], %parallel_loop3A_1008 {strides = array<i32>} : memref<16x2x8x128xf32, #tpu.memory_space<vmem>>, vector<16xf32>,
      %parallel_loop3A_1021 = arith.constant 3 : i32
      %parallel_loop3A_1022 = arith.constant 0 : i32
      %parallel_loop3A_1023 = arith.constant 0 : i32
      %parallel_loop3A_1024 = arith.constant 0 : i32
      %parallel_loop3A_1025 = tpu.memref_slice %arg7[%parallel_loop3A_427, %parallel_loop3A_1022, %parallel_loop3A_1023, %parallel_loop3A_1024] : memref<2x6x128x32xf32, #tpu.memory_space<vmem>> -> memref<1x6x128x32xf32, #tpu.memory_space<vmem>>
      %parallel_loop3A_1026 = tpu.memref_squeeze %parallel_loop3A_1025 : memref<1x6x128x32xf32, #tpu.memory_space<vmem>> -> memref<6x128x32xf32, #tpu.memory_space<vmem>>
      %parallel_loop3A_1027 = arith.index_cast %parallel_loop3A_1021 : i32 to index
      %parallel_loop3A_1028 = arith.index_cast %parallel_loop3A_826 : i32 to index
      %parallel_loop3A_1029 = arith.constant 16 : index
      %parallel_loop3A_1030 = tpu.vector_load %parallel_loop3A_1026[%parallel_loop3A_1027, %parallel_loop3A_1028, %parallel_loop3A_1029] {strides = array<i32>} : memref<6x128x32xf32, #tpu.memory_space<vmem>>, vector<16xf32>,
      %parallel_loop3A_1031 = arith.constant 0 : i32
      %parallel_loop3A_1032 = arith.constant 0 : i32
      %parallel_loop3A_1033 = arith.constant 0 : i32
      %parallel_loop3A_1034 = arith.constant 0 : i32
      %parallel_loop3A_1035 = arith.constant 0 : i32
      %parallel_loop3A_1036 = tpu.memref_slice %arg8[%parallel_loop3A_428, %parallel_loop3A_1032, %parallel_loop3A_1033, %parallel_loop3A_1034, %parallel_loop3A_1035] : memref<2x16x2x8x128xf32, #tpu.memory_space<vmem>> -> memref<1x16x2x8x128xf32, #tpu.memory_space<vmem>>
      %parallel_loop3A_1037 = tpu.memref_squeeze %parallel_loop3A_1036 : memref<1x16x2x8x128xf32, #tpu.memory_space<vmem>> -> memref<16x2x8x128xf32, #tpu.memory_space<vmem>>
      %parallel_loop3A_1038 = arith.index_cast %parallel_loop3A_850 : i32 to index
      %parallel_loop3A_1039 = arith.index_cast %parallel_loop3A_1031 : i32 to index
      %parallel_loop3A_1040 = arith.index_cast %parallel_loop3A_866 : i32 to index
      %parallel_loop3A_1041 = arith.constant 112 : index
      %parallel_loop3A_1042 = tpu.vector_load %parallel_loop3A_1037[%parallel_loop3A_1038, %parallel_loop3A_1039, %parallel_loop3A_1040, %parallel_loop3A_1041] {strides = array<i32>} : memref<16x2x8x128xf32, #tpu.memory_space<vmem>>, vector<16xf32>,
      tpu.vector_store %parallel_loop3A_1037[%parallel_loop3A_1038, %parallel_loop3A_1039, %parallel_loop3A_1040, %parallel_loop3A_1041], %parallel_loop3A_1030 {strides = array<i32>} : memref<16x2x8x128xf32, #tpu.memory_space<vmem>>, vector<16xf32>,
      %parallel_loop3A_1043 = arith.constant 4 : i32
      %parallel_loop3A_1044 = arith.constant 0 : i32
      %parallel_loop3A_1045 = arith.constant 0 : i32
      %parallel_loop3A_1046 = arith.constant 0 : i32
      %parallel_loop3A_1047 = tpu.memref_slice %arg7[%parallel_loop3A_427, %parallel_loop3A_1044, %parallel_loop3A_1045, %parallel_loop3A_1046] : memref<2x6x128x32xf32, #tpu.memory_space<vmem>> -> memref<1x6x128x32xf32, #tpu.memory_space<vmem>>
      %parallel_loop3A_1048 = tpu.memref_squeeze %parallel_loop3A_1047 : memref<1x6x128x32xf32, #tpu.memory_space<vmem>> -> memref<6x128x32xf32, #tpu.memory_space<vmem>>
      %parallel_loop3A_1049 = arith.index_cast %parallel_loop3A_1043 : i32 to index
      %parallel_loop3A_1050 = arith.index_cast %parallel_loop3A_826 : i32 to index
      %parallel_loop3A_1051 = arith.constant 0 : index
      %parallel_loop3A_1052 = tpu.vector_load %parallel_loop3A_1048[%parallel_loop3A_1049, %parallel_loop3A_1050, %parallel_loop3A_1051] {strides = array<i32>} : memref<6x128x32xf32, #tpu.memory_space<vmem>>, vector<16xf32>,
      %parallel_loop3A_1053 = arith.constant 1 : i32
      %parallel_loop3A_1054 = arith.constant 0 : i32
      %parallel_loop3A_1055 = arith.constant 0 : i32
      %parallel_loop3A_1056 = arith.constant 0 : i32
      %parallel_loop3A_1057 = arith.constant 0 : i32
      %parallel_loop3A_1058 = tpu.memref_slice %arg8[%parallel_loop3A_428, %parallel_loop3A_1054, %parallel_loop3A_1055, %parallel_loop3A_1056, %parallel_loop3A_1057] : memref<2x16x2x8x128xf32, #tpu.memory_space<vmem>> -> memref<1x16x2x8x128xf32, #tpu.memory_space<vmem>>
      %parallel_loop3A_1059 = tpu.memref_squeeze %parallel_loop3A_1058 : memref<1x16x2x8x128xf32, #tpu.memory_space<vmem>> -> memref<16x2x8x128xf32, #tpu.memory_space<vmem>>
      %parallel_loop3A_1060 = arith.index_cast %parallel_loop3A_850 : i32 to index
      %parallel_loop3A_1061 = arith.index_cast %parallel_loop3A_1053 : i32 to index
      %parallel_loop3A_1062 = arith.index_cast %parallel_loop3A_866 : i32 to index
      %parallel_loop3A_1063 = arith.constant 0 : index
      %parallel_loop3A_1064 = tpu.vector_load %parallel_loop3A_1059[%parallel_loop3A_1060, %parallel_loop3A_1061, %parallel_loop3A_1062, %parallel_loop3A_1063] {strides = array<i32>} : memref<16x2x8x128xf32, #tpu.memory_space<vmem>>, vector<16xf32>,
      tpu.vector_store %parallel_loop3A_1059[%parallel_loop3A_1060, %parallel_loop3A_1061, %parallel_loop3A_1062, %parallel_loop3A_1063], %parallel_loop3A_1052 {strides = array<i32>} : memref<16x2x8x128xf32, #tpu.memory_space<vmem>>, vector<16xf32>,
      %parallel_loop3A_1065 = arith.constant 4 : i32
      %parallel_loop3A_1066 = arith.constant 0 : i32
      %parallel_loop3A_1067 = arith.constant 0 : i32
      %parallel_loop3A_1068 = arith.constant 0 : i32
      %parallel_loop3A_1069 = tpu.memref_slice %arg7[%parallel_loop3A_427, %parallel_loop3A_1066, %parallel_loop3A_1067, %parallel_loop3A_1068] : memref<2x6x128x32xf32, #tpu.memory_space<vmem>> -> memref<1x6x128x32xf32, #tpu.memory_space<vmem>>
      %parallel_loop3A_1070 = tpu.memref_squeeze %parallel_loop3A_1069 : memref<1x6x128x32xf32, #tpu.memory_space<vmem>> -> memref<6x128x32xf32, #tpu.memory_space<vmem>>
      %parallel_loop3A_1071 = arith.index_cast %parallel_loop3A_1065 : i32 to index
      %parallel_loop3A_1072 = arith.index_cast %parallel_loop3A_826 : i32 to index
      %parallel_loop3A_1073 = arith.constant 16 : index
      %parallel_loop3A_1074 = tpu.vector_load %parallel_loop3A_1070[%parallel_loop3A_1071, %parallel_loop3A_1072, %parallel_loop3A_1073] {strides = array<i32>} : memref<6x128x32xf32, #tpu.memory_space<vmem>>, vector<16xf32>,
      %parallel_loop3A_1075 = arith.constant 1 : i32
      %parallel_loop3A_1076 = arith.constant 0 : i32
      %parallel_loop3A_1077 = arith.constant 0 : i32
      %parallel_loop3A_1078 = arith.constant 0 : i32
      %parallel_loop3A_1079 = arith.constant 0 : i32
      %parallel_loop3A_1080 = tpu.memref_slice %arg8[%parallel_loop3A_428, %parallel_loop3A_1076, %parallel_loop3A_1077, %parallel_loop3A_1078, %parallel_loop3A_1079] : memref<2x16x2x8x128xf32, #tpu.memory_space<vmem>> -> memref<1x16x2x8x128xf32, #tpu.memory_space<vmem>>
      %parallel_loop3A_1081 = tpu.memref_squeeze %parallel_loop3A_1080 : memref<1x16x2x8x128xf32, #tpu.memory_space<vmem>> -> memref<16x2x8x128xf32, #tpu.memory_space<vmem>>
      %parallel_loop3A_1082 = arith.index_cast %parallel_loop3A_850 : i32 to index
      %parallel_loop3A_1083 = arith.index_cast %parallel_loop3A_1075 : i32 to index
      %parallel_loop3A_1084 = arith.index_cast %parallel_loop3A_866 : i32 to index
      %parallel_loop3A_1085 = arith.constant 16 : index
      %parallel_loop3A_1086 = tpu.vector_load %parallel_loop3A_1081[%parallel_loop3A_1082, %parallel_loop3A_1083, %parallel_loop3A_1084, %parallel_loop3A_1085] {strides = array<i32>} : memref<16x2x8x128xf32, #tpu.memory_space<vmem>>, vector<16xf32>,
      tpu.vector_store %parallel_loop3A_1081[%parallel_loop3A_1082, %parallel_loop3A_1083, %parallel_loop3A_1084, %parallel_loop3A_1085], %parallel_loop3A_1074 {strides = array<i32>} : memref<16x2x8x128xf32, #tpu.memory_space<vmem>>, vector<16xf32>,
      %parallel_loop3A_1087 = arith.constant 5 : i32
      %parallel_loop3A_1088 = arith.constant 0 : i32
      %parallel_loop3A_1089 = arith.constant 0 : i32
      %parallel_loop3A_1090 = arith.constant 0 : i32
      %parallel_loop3A_1091 = tpu.memref_slice %arg7[%parallel_loop3A_427, %parallel_loop3A_1088, %parallel_loop3A_1089, %parallel_loop3A_1090] : memref<2x6x128x32xf32, #tpu.memory_space<vmem>> -> memref<1x6x128x32xf32, #tpu.memory_space<vmem>>
      %parallel_loop3A_1092 = tpu.memref_squeeze %parallel_loop3A_1091 : memref<1x6x128x32xf32, #tpu.memory_space<vmem>> -> memref<6x128x32xf32, #tpu.memory_space<vmem>>
      %parallel_loop3A_1093 = arith.index_cast %parallel_loop3A_1087 : i32 to index
      %parallel_loop3A_1094 = arith.index_cast %parallel_loop3A_826 : i32 to index
      %parallel_loop3A_1095 = arith.constant 0 : index
      %parallel_loop3A_1096 = tpu.vector_load %parallel_loop3A_1092[%parallel_loop3A_1093, %parallel_loop3A_1094, %parallel_loop3A_1095] {strides = array<i32>} : memref<6x128x32xf32, #tpu.memory_space<vmem>>, vector<16xf32>,
      %parallel_loop3A_1097 = arith.constant 1 : i32
      %parallel_loop3A_1098 = arith.constant 0 : i32
      %parallel_loop3A_1099 = arith.constant 0 : i32
      %parallel_loop3A_1100 = arith.constant 0 : i32
      %parallel_loop3A_1101 = arith.constant 0 : i32
      %parallel_loop3A_1102 = tpu.memref_slice %arg8[%parallel_loop3A_428, %parallel_loop3A_1098, %parallel_loop3A_1099, %parallel_loop3A_1100, %parallel_loop3A_1101] : memref<2x16x2x8x128xf32, #tpu.memory_space<vmem>> -> memref<1x16x2x8x128xf32, #tpu.memory_space<vmem>>
      %parallel_loop3A_1103 = tpu.memref_squeeze %parallel_loop3A_1102 : memref<1x16x2x8x128xf32, #tpu.memory_space<vmem>> -> memref<16x2x8x128xf32, #tpu.memory_space<vmem>>
      %parallel_loop3A_1104 = arith.index_cast %parallel_loop3A_850 : i32 to index
      %parallel_loop3A_1105 = arith.index_cast %parallel_loop3A_1097 : i32 to index
      %parallel_loop3A_1106 = arith.index_cast %parallel_loop3A_866 : i32 to index
      %parallel_loop3A_1107 = arith.constant 32 : index
      %parallel_loop3A_1108 = tpu.vector_load %parallel_loop3A_1103[%parallel_loop3A_1104, %parallel_loop3A_1105, %parallel_loop3A_1106, %parallel_loop3A_1107] {strides = array<i32>} : memref<16x2x8x128xf32, #tpu.memory_space<vmem>>, vector<16xf32>,
      tpu.vector_store %parallel_loop3A_1103[%parallel_loop3A_1104, %parallel_loop3A_1105, %parallel_loop3A_1106, %parallel_loop3A_1107], %parallel_loop3A_1096 {strides = array<i32>} : memref<16x2x8x128xf32, #tpu.memory_space<vmem>>, vector<16xf32>,
      %parallel_loop3A_1109 = arith.constant 5 : i32
      %parallel_loop3A_1110 = arith.constant 0 : i32
      %parallel_loop3A_1111 = arith.constant 0 : i32
      %parallel_loop3A_1112 = arith.constant 0 : i32
      %parallel_loop3A_1113 = tpu.memref_slice %arg7[%parallel_loop3A_427, %parallel_loop3A_1110, %parallel_loop3A_1111, %parallel_loop3A_1112] : memref<2x6x128x32xf32, #tpu.memory_space<vmem>> -> memref<1x6x128x32xf32, #tpu.memory_space<vmem>>
      %parallel_loop3A_1114 = tpu.memref_squeeze %parallel_loop3A_1113 : memref<1x6x128x32xf32, #tpu.memory_space<vmem>> -> memref<6x128x32xf32, #tpu.memory_space<vmem>>
      %parallel_loop3A_1115 = arith.index_cast %parallel_loop3A_1109 : i32 to index
      %parallel_loop3A_1116 = arith.index_cast %parallel_loop3A_826 : i32 to index
      %parallel_loop3A_1117 = arith.constant 16 : index
      %parallel_loop3A_1118 = tpu.vector_load %parallel_loop3A_1114[%parallel_loop3A_1115, %parallel_loop3A_1116, %parallel_loop3A_1117] {strides = array<i32>} : memref<6x128x32xf32, #tpu.memory_space<vmem>>, vector<16xf32>,
      %parallel_loop3A_1119 = arith.constant 1 : i32
      %parallel_loop3A_1120 = arith.constant 0 : i32
      %parallel_loop3A_1121 = arith.constant 0 : i32
      %parallel_loop3A_1122 = arith.constant 0 : i32
      %parallel_loop3A_1123 = arith.constant 0 : i32
      %parallel_loop3A_1124 = tpu.memref_slice %arg8[%parallel_loop3A_428, %parallel_loop3A_1120, %parallel_loop3A_1121, %parallel_loop3A_1122, %parallel_loop3A_1123] : memref<2x16x2x8x128xf32, #tpu.memory_space<vmem>> -> memref<1x16x2x8x128xf32, #tpu.memory_space<vmem>>
      %parallel_loop3A_1125 = tpu.memref_squeeze %parallel_loop3A_1124 : memref<1x16x2x8x128xf32, #tpu.memory_space<vmem>> -> memref<16x2x8x128xf32, #tpu.memory_space<vmem>>
      %parallel_loop3A_1126 = arith.index_cast %parallel_loop3A_850 : i32 to index
      %parallel_loop3A_1127 = arith.index_cast %parallel_loop3A_1119 : i32 to index
      %parallel_loop3A_1128 = arith.index_cast %parallel_loop3A_866 : i32 to index
      %parallel_loop3A_1129 = arith.constant 48 : index
      %parallel_loop3A_1130 = tpu.vector_load %parallel_loop3A_1125[%parallel_loop3A_1126, %parallel_loop3A_1127, %parallel_loop3A_1128, %parallel_loop3A_1129] {strides = array<i32>} : memref<16x2x8x128xf32, #tpu.memory_space<vmem>>, vector<16xf32>,
      tpu.vector_store %parallel_loop3A_1125[%parallel_loop3A_1126, %parallel_loop3A_1127, %parallel_loop3A_1128, %parallel_loop3A_1129], %parallel_loop3A_1118 {strides = array<i32>} : memref<16x2x8x128xf32, #tpu.memory_space<vmem>>, vector<16xf32>,
    } {sc.loop_unroll_factor = 4 : i64, sc.parallel_access}
    %add3A_429 = arith.constant 16 : i32
    %add3A_430 = arith.addi %mul3A_2, %add3A_429 : i32
    %dma_start3A_431 = arith.constant 1 : i32
    %dma_start3A_432 = arith.constant 0 : i32
    %dma_start3A_433 = arith.constant 0 : i32
    %dma_start3A_434 = arith.constant 0 : i32
    %dma_start3A_435 = arith.constant 0 : i32
    %dma_start3A_436 = tpu.memref_slice %arg8[%dma_start3A_431, %dma_start3A_432, %dma_start3A_433, %dma_start3A_434, %dma_start3A_435] : memref<2x16x2x8x128xf32, #tpu.memory_space<vmem>> -> memref<1x16x2x8x128xf32, #tpu.memory_space<vmem>>
    %dma_start3A_437 = tpu.memref_squeeze %dma_start3A_436 : memref<1x16x2x8x128xf32, #tpu.memory_space<vmem>> -> memref<16x2x8x128xf32, #tpu.memory_space<vmem>>
    %dma_start3A_438 = arith.constant 0 : i32
    %dma_start3A_439 = arith.constant 0 : i32
    %dma_start3A_440 = arith.constant 0 : i32
    %dma_start3A_441 = tpu.memref_slice %arg5[%add3A_430, %dma_start3A_438, %dma_start3A_439, %dma_start3A_440] : memref<2048x2x8x128xf32, #tpu.memory_space<hbm>> -> memref<16x2x8x128xf32, #tpu.memory_space<hbm>>
    %dma_start3A_442 = arith.constant 0 : i32
    %dma_start3A_443 = arith.constant 0 : i32
    %dma_start3A_444 = arith.constant 0 : i32
    %dma_start3A_445 = tpu.memref_slice %arg5[%add3A_430, %dma_start3A_442, %dma_start3A_443, %dma_start3A_444] : memref<2048x2x8x128xf32, #tpu.memory_space<hbm>> -> memref<16x2x8x128xf32, #tpu.memory_space<hbm>>
    %dma_start3A_446 = arith.constant 0 : i32
    %dma_start3A_447 = arith.constant 0 : i32
    %dma_start3A_448 = arith.constant 0 : i32
    %dma_start3A_449 = arith.constant 0 : i32
    %dma_start3A_450 = tpu.memref_slice %arg8[%dma_start3A_431, %dma_start3A_446, %dma_start3A_447, %dma_start3A_448, %dma_start3A_449] : memref<2x16x2x8x128xf32, #tpu.memory_space<vmem>> -> memref<1x16x2x8x128xf32, #tpu.memory_space<vmem>>
    %dma_start3A_451 = tpu.memref_squeeze %dma_start3A_450 : memref<1x16x2x8x128xf32, #tpu.memory_space<vmem>> -> memref<16x2x8x128xf32, #tpu.memory_space<vmem>>
    tpu.enqueue_dma source(%dma_start3A_451 : memref<16x2x8x128xf32, #tpu.memory_space<vmem>>) target(%dma_start3A_445 : memref<16x2x8x128xf32, #tpu.memory_space<hbm>>) target_semaphore(%arg10 : memref<!tpu.dma_semaphore, #tpu.memory_space<semaphore_mem>>)
    %dma_start3A_452 = arith.constant 3 : i32
    %dma_start3A_453 = arith.constant 1 : i32
    %dma_start3A_454 = arith.constant 0 : i32
    %dma_start3A_455 = arith.constant 0 : i32
    %dma_start3A_456 = arith.constant 0 : i32
    %dma_start3A_457 = tpu.memref_slice %arg7[%dma_start3A_453, %dma_start3A_454, %dma_start3A_455, %dma_start3A_456] : memref<2x6x128x32xf32, #tpu.memory_space<vmem>> -> memref<1x1x128x32xf32, #tpu.memory_space<vmem>>
    %dma_start3A_458 = tpu.memref_squeeze %dma_start3A_457 : memref<1x1x128x32xf32, #tpu.memory_space<vmem>> -> memref<128x32xf32, #tpu.memory_space<vmem>>
    %dma_start3A_459 = arith.constant 0 : i32
    %dma_start3A_460 = tpu.memref_slice %arg6[%dma_start3A_452, %dma_start3A_459] : memref<24x128xi32, #tpu.memory_space<vmem>> -> memref<1x128xi32, #tpu.memory_space<vmem>>
    %dma_start3A_461 = tpu.memref_squeeze %dma_start3A_460 : memref<1x128xi32, #tpu.memory_space<vmem>> -> memref<128xi32, #tpu.memory_space<vmem>>
    %dma_start3A_462 = arith.constant 0 : i32
    %dma_start3A_463 = arith.constant 0 : i32
    %dma_start3A_464 = tpu.memref_slice %arg2[%dma_start3A_462, %dma_start3A_463] : memref<1000x32xf32, #tpu.memory_space<hbm>> -> memref<1000x32xf32, #tpu.memory_space<hbm>>
    tpu.enqueue_indirect_dma source(%dma_start3A_464 : memref<1000x32xf32, #tpu.memory_space<hbm>>) target(%dma_start3A_458 : memref<128x32xf32, #tpu.memory_space<vmem>>) offsets(%dma_start3A_461 : memref<128xi32, #tpu.memory_space<vmem>>) semaphore(%arg9 : memref<!tpu.dma_semaphore, #tpu.memory_space<semaphore_mem>>)
    %dma_start3A_465 = arith.constant 7 : i32
    %dma_start3A_466 = arith.constant 1 : i32
    %dma_start3A_467 = arith.constant 1 : i32
    %dma_start3A_468 = arith.constant 0 : i32
    %dma_start3A_469 = arith.constant 0 : i32
    %dma_start3A_470 = tpu.memref_slice %arg7[%dma_start3A_466, %dma_start3A_467, %dma_start3A_468, %dma_start3A_469] : memref<2x6x128x32xf32, #tpu.memory_space<vmem>> -> memref<1x1x128x32xf32, #tpu.memory_space<vmem>>
    %dma_start3A_471 = tpu.memref_squeeze %dma_start3A_470 : memref<1x1x128x32xf32, #tpu.memory_space<vmem>> -> memref<128x32xf32, #tpu.memory_space<vmem>>
    %dma_start3A_472 = arith.constant 0 : i32
    %dma_start3A_473 = tpu.memref_slice %arg6[%dma_start3A_465, %dma_start3A_472] : memref<24x128xi32, #tpu.memory_space<vmem>> -> memref<1x128xi32, #tpu.memory_space<vmem>>
    %dma_start3A_474 = tpu.memref_squeeze %dma_start3A_473 : memref<1x128xi32, #tpu.memory_space<vmem>> -> memref<128xi32, #tpu.memory_space<vmem>>
    %dma_start3A_475 = arith.constant 0 : i32
    %dma_start3A_476 = arith.constant 0 : i32
    %dma_start3A_477 = tpu.memref_slice %arg2[%dma_start3A_475, %dma_start3A_476] : memref<1000x32xf32, #tpu.memory_space<hbm>> -> memref<1000x32xf32, #tpu.memory_space<hbm>>
    tpu.enqueue_indirect_dma source(%dma_start3A_477 : memref<1000x32xf32, #tpu.memory_space<hbm>>) target(%dma_start3A_471 : memref<128x32xf32, #tpu.memory_space<vmem>>) offsets(%dma_start3A_474 : memref<128xi32, #tpu.memory_space<vmem>>) semaphore(%arg9 : memref<!tpu.dma_semaphore, #tpu.memory_space<semaphore_mem>>)
    %dma_start3A_478 = arith.constant 11 : i32
    %dma_start3A_479 = arith.constant 1 : i32
    %dma_start3A_480 = arith.constant 2 : i32
    %dma_start3A_481 = arith.constant 0 : i32
    %dma_start3A_482 = arith.constant 0 : i32
    %dma_start3A_483 = tpu.memref_slice %arg7[%dma_start3A_479, %dma_start3A_480, %dma_start3A_481, %dma_start3A_482] : memref<2x6x128x32xf32, #tpu.memory_space<vmem>> -> memref<1x1x128x32xf32, #tpu.memory_space<vmem>>
    %dma_start3A_484 = tpu.memref_squeeze %dma_start3A_483 : memref<1x1x128x32xf32, #tpu.memory_space<vmem>> -> memref<128x32xf32, #tpu.memory_space<vmem>>
    %dma_start3A_485 = arith.constant 0 : i32
    %dma_start3A_486 = tpu.memref_slice %arg6[%dma_start3A_478, %dma_start3A_485] : memref<24x128xi32, #tpu.memory_space<vmem>> -> memref<1x128xi32, #tpu.memory_space<vmem>>
    %dma_start3A_487 = tpu.memref_squeeze %dma_start3A_486 : memref<1x128xi32, #tpu.memory_space<vmem>> -> memref<128xi32, #tpu.memory_space<vmem>>
    %dma_start3A_488 = arith.constant 0 : i32
    %dma_start3A_489 = arith.constant 0 : i32
    %dma_start3A_490 = tpu.memref_slice %arg3[%dma_start3A_488, %dma_start3A_489] : memref<1000x32xf32, #tpu.memory_space<hbm>> -> memref<1000x32xf32, #tpu.memory_space<hbm>>
    tpu.enqueue_indirect_dma source(%dma_start3A_490 : memref<1000x32xf32, #tpu.memory_space<hbm>>) target(%dma_start3A_484 : memref<128x32xf32, #tpu.memory_space<vmem>>) offsets(%dma_start3A_487 : memref<128xi32, #tpu.memory_space<vmem>>) semaphore(%arg9 : memref<!tpu.dma_semaphore, #tpu.memory_space<semaphore_mem>>)
    %dma_start3A_491 = arith.constant 15 : i32
    %dma_start3A_492 = arith.constant 1 : i32
    %dma_start3A_493 = arith.constant 3 : i32
    %dma_start3A_494 = arith.constant 0 : i32
    %dma_start3A_495 = arith.constant 0 : i32
    %dma_start3A_496 = tpu.memref_slice %arg7[%dma_start3A_492, %dma_start3A_493, %dma_start3A_494, %dma_start3A_495] : memref<2x6x128x32xf32, #tpu.memory_space<vmem>> -> memref<1x1x128x32xf32, #tpu.memory_space<vmem>>
    %dma_start3A_497 = tpu.memref_squeeze %dma_start3A_496 : memref<1x1x128x32xf32, #tpu.memory_space<vmem>> -> memref<128x32xf32, #tpu.memory_space<vmem>>
    %dma_start3A_498 = arith.constant 0 : i32
    %dma_start3A_499 = tpu.memref_slice %arg6[%dma_start3A_491, %dma_start3A_498] : memref<24x128xi32, #tpu.memory_space<vmem>> -> memref<1x128xi32, #tpu.memory_space<vmem>>
    %dma_start3A_500 = tpu.memref_squeeze %dma_start3A_499 : memref<1x128xi32, #tpu.memory_space<vmem>> -> memref<128xi32, #tpu.memory_space<vmem>>
    %dma_start3A_501 = arith.constant 0 : i32
    %dma_start3A_502 = arith.constant 0 : i32
    %dma_start3A_503 = tpu.memref_slice %arg3[%dma_start3A_501, %dma_start3A_502] : memref<1000x32xf32, #tpu.memory_space<hbm>> -> memref<1000x32xf32, #tpu.memory_space<hbm>>
    tpu.enqueue_indirect_dma source(%dma_start3A_503 : memref<1000x32xf32, #tpu.memory_space<hbm>>) target(%dma_start3A_497 : memref<128x32xf32, #tpu.memory_space<vmem>>) offsets(%dma_start3A_500 : memref<128xi32, #tpu.memory_space<vmem>>) semaphore(%arg9 : memref<!tpu.dma_semaphore, #tpu.memory_space<semaphore_mem>>)
    %dma_start3A_504 = arith.constant 19 : i32
    %dma_start3A_505 = arith.constant 1 : i32
    %dma_start3A_506 = arith.constant 4 : i32
    %dma_start3A_507 = arith.constant 0 : i32
    %dma_start3A_508 = arith.constant 0 : i32
    %dma_start3A_509 = tpu.memref_slice %arg7[%dma_start3A_505, %dma_start3A_506, %dma_start3A_507, %dma_start3A_508] : memref<2x6x128x32xf32, #tpu.memory_space<vmem>> -> memref<1x1x128x32xf32, #tpu.memory_space<vmem>>
    %dma_start3A_510 = tpu.memref_squeeze %dma_start3A_509 : memref<1x1x128x32xf32, #tpu.memory_space<vmem>> -> memref<128x32xf32, #tpu.memory_space<vmem>>
    %dma_start3A_511 = arith.constant 0 : i32
    %dma_start3A_512 = tpu.memref_slice %arg6[%dma_start3A_504, %dma_start3A_511] : memref<24x128xi32, #tpu.memory_space<vmem>> -> memref<1x128xi32, #tpu.memory_space<vmem>>
    %dma_start3A_513 = tpu.memref_squeeze %dma_start3A_512 : memref<1x128xi32, #tpu.memory_space<vmem>> -> memref<128xi32, #tpu.memory_space<vmem>>
    %dma_start3A_514 = arith.constant 0 : i32
    %dma_start3A_515 = arith.constant 0 : i32
    %dma_start3A_516 = tpu.memref_slice %arg3[%dma_start3A_514, %dma_start3A_515] : memref<1000x32xf32, #tpu.memory_space<hbm>> -> memref<1000x32xf32, #tpu.memory_space<hbm>>
    tpu.enqueue_indirect_dma source(%dma_start3A_516 : memref<1000x32xf32, #tpu.memory_space<hbm>>) target(%dma_start3A_510 : memref<128x32xf32, #tpu.memory_space<vmem>>) offsets(%dma_start3A_513 : memref<128xi32, #tpu.memory_space<vmem>>) semaphore(%arg9 : memref<!tpu.dma_semaphore, #tpu.memory_space<semaphore_mem>>)
    %dma_start3A_517 = arith.constant 23 : i32
    %dma_start3A_518 = arith.constant 1 : i32
    %dma_start3A_519 = arith.constant 5 : i32
    %dma_start3A_520 = arith.constant 0 : i32
    %dma_start3A_521 = arith.constant 0 : i32
    %dma_start3A_522 = tpu.memref_slice %arg7[%dma_start3A_518, %dma_start3A_519, %dma_start3A_520, %dma_start3A_521] : memref<2x6x128x32xf32, #tpu.memory_space<vmem>> -> memref<1x1x128x32xf32, #tpu.memory_space<vmem>>
    %dma_start3A_523 = tpu.memref_squeeze %dma_start3A_522 : memref<1x1x128x32xf32, #tpu.memory_space<vmem>> -> memref<128x32xf32, #tpu.memory_space<vmem>>
    %dma_start3A_524 = arith.constant 0 : i32
    %dma_start3A_525 = tpu.memref_slice %arg6[%dma_start3A_517, %dma_start3A_524] : memref<24x128xi32, #tpu.memory_space<vmem>> -> memref<1x128xi32, #tpu.memory_space<vmem>>
    %dma_start3A_526 = tpu.memref_squeeze %dma_start3A_525 : memref<1x128xi32, #tpu.memory_space<vmem>> -> memref<128xi32, #tpu.memory_space<vmem>>
    %dma_start3A_527 = arith.constant 0 : i32
    %dma_start3A_528 = arith.constant 0 : i32
    %dma_start3A_529 = tpu.memref_slice %arg3[%dma_start3A_527, %dma_start3A_528] : memref<1000x32xf32, #tpu.memory_space<hbm>> -> memref<1000x32xf32, #tpu.memory_space<hbm>>
    tpu.enqueue_indirect_dma source(%dma_start3A_529 : memref<1000x32xf32, #tpu.memory_space<hbm>>) target(%dma_start3A_523 : memref<128x32xf32, #tpu.memory_space<vmem>>) offsets(%dma_start3A_526 : memref<128xi32, #tpu.memory_space<vmem>>) semaphore(%arg9 : memref<!tpu.dma_semaphore, #tpu.memory_space<semaphore_mem>>)
    %dma_wait3A_530 = arith.constant 2 : i32
    %dma_wait3A_531 = arith.constant 0 : i32
    %dma_wait3A_532 = arith.constant 0 : i32
    %dma_wait3A_533 = arith.constant 0 : i32
    %dma_wait3A_534 = arith.constant 0 : i32
    %dma_wait3A_535 = tpu.memref_slice %arg7[%dma_wait3A_531, %dma_wait3A_532, %dma_wait3A_533, %dma_wait3A_534] : memref<2x6x128x32xf32, #tpu.memory_space<vmem>> -> memref<1x1x128x32xf32, #tpu.memory_space<vmem>>
    %dma_wait3A_536 = tpu.memref_squeeze %dma_wait3A_535 : memref<1x1x128x32xf32, #tpu.memory_space<vmem>> -> memref<128x32xf32, #tpu.memory_space<vmem>>
    %dma_wait3A_537 = arith.constant 0 : i32
    %dma_wait3A_538 = tpu.memref_slice %arg6[%dma_wait3A_530, %dma_wait3A_537] : memref<24x128xi32, #tpu.memory_space<vmem>> -> memref<1x128xi32, #tpu.memory_space<vmem>>
    %dma_wait3A_539 = tpu.memref_squeeze %dma_wait3A_538 : memref<1x128xi32, #tpu.memory_space<vmem>> -> memref<128xi32, #tpu.memory_space<vmem>>
    %dma_wait3A_540 = arith.constant 0 : i32
    %dma_wait3A_541 = arith.constant 0 : i32
    %dma_wait3A_542 = tpu.memref_slice %arg2[%dma_wait3A_540, %dma_wait3A_541] : memref<1000x32xf32, #tpu.memory_space<hbm>> -> memref<1000x32xf32, #tpu.memory_space<hbm>>
    tpu.wait_indirect_dma semaphore(%arg9 : memref<!tpu.dma_semaphore, #tpu.memory_space<semaphore_mem>>) src(%dma_wait3A_542 : memref<1000x32xf32, #tpu.memory_space<hbm>>) dst(%dma_wait3A_536 : memref<128x32xf32, #tpu.memory_space<vmem>>)
    %dma_wait3A_543 = arith.constant 6 : i32
    %dma_wait3A_544 = arith.constant 0 : i32
    %dma_wait3A_545 = arith.constant 1 : i32
    %dma_wait3A_546 = arith.constant 0 : i32
    %dma_wait3A_547 = arith.constant 0 : i32
    %dma_wait3A_548 = tpu.memref_slice %arg7[%dma_wait3A_544, %dma_wait3A_545, %dma_wait3A_546, %dma_wait3A_547] : memref<2x6x128x32xf32, #tpu.memory_space<vmem>> -> memref<1x1x128x32xf32, #tpu.memory_space<vmem>>
    %dma_wait3A_549 = tpu.memref_squeeze %dma_wait3A_548 : memref<1x1x128x32xf32, #tpu.memory_space<vmem>> -> memref<128x32xf32, #tpu.memory_space<vmem>>
    %dma_wait3A_550 = arith.constant 0 : i32
    %dma_wait3A_551 = tpu.memref_slice %arg6[%dma_wait3A_543, %dma_wait3A_550] : memref<24x128xi32, #tpu.memory_space<vmem>> -> memref<1x128xi32, #tpu.memory_space<vmem>>
    %dma_wait3A_552 = tpu.memref_squeeze %dma_wait3A_551 : memref<1x128xi32, #tpu.memory_space<vmem>> -> memref<128xi32, #tpu.memory_space<vmem>>
    %dma_wait3A_553 = arith.constant 0 : i32
    %dma_wait3A_554 = arith.constant 0 : i32
    %dma_wait3A_555 = tpu.memref_slice %arg2[%dma_wait3A_553, %dma_wait3A_554] : memref<1000x32xf32, #tpu.memory_space<hbm>> -> memref<1000x32xf32, #tpu.memory_space<hbm>>
    tpu.wait_indirect_dma semaphore(%arg9 : memref<!tpu.dma_semaphore, #tpu.memory_space<semaphore_mem>>) src(%dma_wait3A_555 : memref<1000x32xf32, #tpu.memory_space<hbm>>) dst(%dma_wait3A_549 : memref<128x32xf32, #tpu.memory_space<vmem>>)
    %dma_wait3A_556 = arith.constant 10 : i32
    %dma_wait3A_557 = arith.constant 0 : i32
    %dma_wait3A_558 = arith.constant 2 : i32
    %dma_wait3A_559 = arith.constant 0 : i32
    %dma_wait3A_560 = arith.constant 0 : i32
    %dma_wait3A_561 = tpu.memref_slice %arg7[%dma_wait3A_557, %dma_wait3A_558, %dma_wait3A_559, %dma_wait3A_560] : memref<2x6x128x32xf32, #tpu.memory_space<vmem>> -> memref<1x1x128x32xf32, #tpu.memory_space<vmem>>
    %dma_wait3A_562 = tpu.memref_squeeze %dma_wait3A_561 : memref<1x1x128x32xf32, #tpu.memory_space<vmem>> -> memref<128x32xf32, #tpu.memory_space<vmem>>
    %dma_wait3A_563 = arith.constant 0 : i32
    %dma_wait3A_564 = tpu.memref_slice %arg6[%dma_wait3A_556, %dma_wait3A_563] : memref<24x128xi32, #tpu.memory_space<vmem>> -> memref<1x128xi32, #tpu.memory_space<vmem>>
    %dma_wait3A_565 = tpu.memref_squeeze %dma_wait3A_564 : memref<1x128xi32, #tpu.memory_space<vmem>> -> memref<128xi32, #tpu.memory_space<vmem>>
    %dma_wait3A_566 = arith.constant 0 : i32
    %dma_wait3A_567 = arith.constant 0 : i32
    %dma_wait3A_568 = tpu.memref_slice %arg3[%dma_wait3A_566, %dma_wait3A_567] : memref<1000x32xf32, #tpu.memory_space<hbm>> -> memref<1000x32xf32, #tpu.memory_space<hbm>>
    tpu.wait_indirect_dma semaphore(%arg9 : memref<!tpu.dma_semaphore, #tpu.memory_space<semaphore_mem>>) src(%dma_wait3A_568 : memref<1000x32xf32, #tpu.memory_space<hbm>>) dst(%dma_wait3A_562 : memref<128x32xf32, #tpu.memory_space<vmem>>)
    %dma_wait3A_569 = arith.constant 14 : i32
    %dma_wait3A_570 = arith.constant 0 : i32
    %dma_wait3A_571 = arith.constant 3 : i32
    %dma_wait3A_572 = arith.constant 0 : i32
    %dma_wait3A_573 = arith.constant 0 : i32
    %dma_wait3A_574 = tpu.memref_slice %arg7[%dma_wait3A_570, %dma_wait3A_571, %dma_wait3A_572, %dma_wait3A_573] : memref<2x6x128x32xf32, #tpu.memory_space<vmem>> -> memref<1x1x128x32xf32, #tpu.memory_space<vmem>>
    %dma_wait3A_575 = tpu.memref_squeeze %dma_wait3A_574 : memref<1x1x128x32xf32, #tpu.memory_space<vmem>> -> memref<128x32xf32, #tpu.memory_space<vmem>>
    %dma_wait3A_576 = arith.constant 0 : i32
    %dma_wait3A_577 = tpu.memref_slice %arg6[%dma_wait3A_569, %dma_wait3A_576] : memref<24x128xi32, #tpu.memory_space<vmem>> -> memref<1x128xi32, #tpu.memory_space<vmem>>
    %dma_wait3A_578 = tpu.memref_squeeze %dma_wait3A_577 : memref<1x128xi32, #tpu.memory_space<vmem>> -> memref<128xi32, #tpu.memory_space<vmem>>
    %dma_wait3A_579 = arith.constant 0 : i32
    %dma_wait3A_580 = arith.constant 0 : i32
    %dma_wait3A_581 = tpu.memref_slice %arg3[%dma_wait3A_579, %dma_wait3A_580] : memref<1000x32xf32, #tpu.memory_space<hbm>> -> memref<1000x32xf32, #tpu.memory_space<hbm>>
    tpu.wait_indirect_dma semaphore(%arg9 : memref<!tpu.dma_semaphore, #tpu.memory_space<semaphore_mem>>) src(%dma_wait3A_581 : memref<1000x32xf32, #tpu.memory_space<hbm>>) dst(%dma_wait3A_575 : memref<128x32xf32, #tpu.memory_space<vmem>>)
    %dma_wait3A_582 = arith.constant 18 : i32
    %dma_wait3A_583 = arith.constant 0 : i32
    %dma_wait3A_584 = arith.constant 4 : i32
    %dma_wait3A_585 = arith.constant 0 : i32
    %dma_wait3A_586 = arith.constant 0 : i32
    %dma_wait3A_587 = tpu.memref_slice %arg7[%dma_wait3A_583, %dma_wait3A_584, %dma_wait3A_585, %dma_wait3A_586] : memref<2x6x128x32xf32, #tpu.memory_space<vmem>> -> memref<1x1x128x32xf32, #tpu.memory_space<vmem>>
    %dma_wait3A_588 = tpu.memref_squeeze %dma_wait3A_587 : memref<1x1x128x32xf32, #tpu.memory_space<vmem>> -> memref<128x32xf32, #tpu.memory_space<vmem>>
    %dma_wait3A_589 = arith.constant 0 : i32
    %dma_wait3A_590 = tpu.memref_slice %arg6[%dma_wait3A_582, %dma_wait3A_589] : memref<24x128xi32, #tpu.memory_space<vmem>> -> memref<1x128xi32, #tpu.memory_space<vmem>>
    %dma_wait3A_591 = tpu.memref_squeeze %dma_wait3A_590 : memref<1x128xi32, #tpu.memory_space<vmem>> -> memref<128xi32, #tpu.memory_space<vmem>>
    %dma_wait3A_592 = arith.constant 0 : i32
    %dma_wait3A_593 = arith.constant 0 : i32
    %dma_wait3A_594 = tpu.memref_slice %arg3[%dma_wait3A_592, %dma_wait3A_593] : memref<1000x32xf32, #tpu.memory_space<hbm>> -> memref<1000x32xf32, #tpu.memory_space<hbm>>
    tpu.wait_indirect_dma semaphore(%arg9 : memref<!tpu.dma_semaphore, #tpu.memory_space<semaphore_mem>>) src(%dma_wait3A_594 : memref<1000x32xf32, #tpu.memory_space<hbm>>) dst(%dma_wait3A_588 : memref<128x32xf32, #tpu.memory_space<vmem>>)
    %dma_wait3A_595 = arith.constant 22 : i32
    %dma_wait3A_596 = arith.constant 0 : i32
    %dma_wait3A_597 = arith.constant 5 : i32
    %dma_wait3A_598 = arith.constant 0 : i32
    %dma_wait3A_599 = arith.constant 0 : i32
    %dma_wait3A_600 = tpu.memref_slice %arg7[%dma_wait3A_596, %dma_wait3A_597, %dma_wait3A_598, %dma_wait3A_599] : memref<2x6x128x32xf32, #tpu.memory_space<vmem>> -> memref<1x1x128x32xf32, #tpu.memory_space<vmem>>
    %dma_wait3A_601 = tpu.memref_squeeze %dma_wait3A_600 : memref<1x1x128x32xf32, #tpu.memory_space<vmem>> -> memref<128x32xf32, #tpu.memory_space<vmem>>
    %dma_wait3A_602 = arith.constant 0 : i32
    %dma_wait3A_603 = tpu.memref_slice %arg6[%dma_wait3A_595, %dma_wait3A_602] : memref<24x128xi32, #tpu.memory_space<vmem>> -> memref<1x128xi32, #tpu.memory_space<vmem>>
    %dma_wait3A_604 = tpu.memref_squeeze %dma_wait3A_603 : memref<1x128xi32, #tpu.memory_space<vmem>> -> memref<128xi32, #tpu.memory_space<vmem>>
    %dma_wait3A_605 = arith.constant 0 : i32
    %dma_wait3A_606 = arith.constant 0 : i32
    %dma_wait3A_607 = tpu.memref_slice %arg3[%dma_wait3A_605, %dma_wait3A_606] : memref<1000x32xf32, #tpu.memory_space<hbm>> -> memref<1000x32xf32, #tpu.memory_space<hbm>>
    tpu.wait_indirect_dma semaphore(%arg9 : memref<!tpu.dma_semaphore, #tpu.memory_space<semaphore_mem>>) src(%dma_wait3A_607 : memref<1000x32xf32, #tpu.memory_space<hbm>>) dst(%dma_wait3A_601 : memref<128x32xf32, #tpu.memory_space<vmem>>)
    %dma_wait3A_608 = arith.constant 0 : i32
    %dma_wait3A_609 = arith.constant 0 : i32
    %dma_wait3A_610 = arith.constant 0 : i32
    %dma_wait3A_611 = arith.constant 0 : i32
    %dma_wait3A_612 = arith.constant 0 : i32
    %dma_wait3A_613 = tpu.memref_slice %arg8[%dma_wait3A_608, %dma_wait3A_609, %dma_wait3A_610, %dma_wait3A_611, %dma_wait3A_612] : memref<2x16x2x8x128xf32, #tpu.memory_space<vmem>> -> memref<1x16x2x8x128xf32, #tpu.memory_space<vmem>>
    %dma_wait3A_614 = tpu.memref_squeeze %dma_wait3A_613 : memref<1x16x2x8x128xf32, #tpu.memory_space<vmem>> -> memref<16x2x8x128xf32, #tpu.memory_space<vmem>>
    %dma_wait3A_615 = arith.constant 0 : i32
    %dma_wait3A_616 = arith.constant 0 : i32
    %dma_wait3A_617 = arith.constant 0 : i32
    %dma_wait3A_618 = tpu.memref_slice %arg5[%add3A_246, %dma_wait3A_615, %dma_wait3A_616, %dma_wait3A_617] : memref<2048x2x8x128xf32, #tpu.memory_space<hbm>> -> memref<16x2x8x128xf32, #tpu.memory_space<hbm>>
    %dma_wait3A_619 = arith.constant 0 : i32
    %dma_wait3A_620 = arith.constant 0 : i32
    %dma_wait3A_621 = arith.constant 0 : i32
    %dma_wait3A_622 = tpu.memref_slice %arg5[%add3A_246, %dma_wait3A_619, %dma_wait3A_620, %dma_wait3A_621] : memref<2048x2x8x128xf32, #tpu.memory_space<hbm>> -> memref<16x2x8x128xf32, #tpu.memory_space<hbm>>
    %dma_wait3A_623 = arith.constant 0 : i32
    %dma_wait3A_624 = arith.constant 0 : i32
    %dma_wait3A_625 = arith.constant 0 : i32
    %dma_wait3A_626 = arith.constant 0 : i32
    %dma_wait3A_627 = tpu.memref_slice %arg8[%dma_wait3A_608, %dma_wait3A_623, %dma_wait3A_624, %dma_wait3A_625, %dma_wait3A_626] : memref<2x16x2x8x128xf32, #tpu.memory_space<vmem>> -> memref<1x16x2x8x128xf32, #tpu.memory_space<vmem>>
    %dma_wait3A_628 = tpu.memref_squeeze %dma_wait3A_627 : memref<1x16x2x8x128xf32, #tpu.memory_space<vmem>> -> memref<16x2x8x128xf32, #tpu.memory_space<vmem>>
    tpu.wait_dma2 semaphore(%arg10 : memref<!tpu.dma_semaphore, #tpu.memory_space<semaphore_mem>>) src(%dma_wait3A_628 : memref<16x2x8x128xf32, #tpu.memory_space<vmem>>) dst(%dma_wait3A_622 : memref<16x2x8x128xf32, #tpu.memory_space<hbm>>)
    %parallel_loop3A_629 = arith.constant 0 : i32
    %parallel_loop3A_630 = arith.constant 128 : i32
    %parallel_loop3A_631 = arith.constant 1 : i32
    %parallel_loop3A_632 = arith.constant 0 : i32
    %parallel_loop3A_633 = arith.constant 0 : i32
    scf.for %parallel_loop3A_826 = %parallel_loop3A_629 to %parallel_loop3A_630 step %parallel_loop3A_631  : i32 {
      %parallel_loop3A_827 = arith.constant 8 : i32
      %parallel_loop3A_828 = arith.divsi %parallel_loop3A_826, %parallel_loop3A_827 : i32
      %parallel_loop3A_829 = arith.constant 0 : i32
      %parallel_loop3A_830 = arith.cmpi sgt, %parallel_loop3A_826, %parallel_loop3A_829 : i32
      %parallel_loop3A_831 = arith.extui %parallel_loop3A_830 : i1 to i32
      %parallel_loop3A_832 = arith.constant 0 : i32
      %parallel_loop3A_833 = arith.cmpi slt, %parallel_loop3A_826, %parallel_loop3A_832 : i32
      %parallel_loop3A_834 = arith.extui %parallel_loop3A_833 : i1 to i32
      %parallel_loop3A_835 = arith.subi %parallel_loop3A_831, %parallel_loop3A_834 : i32
      %parallel_loop3A_836 = arith.constant 0 : i32
      %parallel_loop3A_837 = arith.cmpi sgt, %parallel_loop3A_827, %parallel_loop3A_836 : i32
      %parallel_loop3A_838 = arith.extui %parallel_loop3A_837 : i1 to i32
      %parallel_loop3A_839 = arith.constant 0 : i32
      %parallel_loop3A_840 = arith.cmpi slt, %parallel_loop3A_827, %parallel_loop3A_839 : i32
      %parallel_loop3A_841 = arith.extui %parallel_loop3A_840 : i1 to i32
      %parallel_loop3A_842 = arith.subi %parallel_loop3A_838, %parallel_loop3A_841 : i32
      %parallel_loop3A_843 = arith.cmpi ne, %parallel_loop3A_835, %parallel_loop3A_842 : i32
      %parallel_loop3A_844 = arith.remsi %parallel_loop3A_826, %parallel_loop3A_827 : i32
      %parallel_loop3A_845 = arith.constant 0 : i32
      %parallel_loop3A_846 = arith.cmpi ne, %parallel_loop3A_844, %parallel_loop3A_845 : i32
      %parallel_loop3A_847 = arith.andi %parallel_loop3A_843, %parallel_loop3A_846 : i1
      %parallel_loop3A_848 = arith.constant 1 : i32
      %parallel_loop3A_849 = arith.subi %parallel_loop3A_828, %parallel_loop3A_848 : i32
      %parallel_loop3A_850 = arith.select %parallel_loop3A_847, %parallel_loop3A_849, %parallel_loop3A_828 : i32
      %parallel_loop3A_851 = arith.constant 8 : i32
      %parallel_loop3A_852 = arith.constant 0 : i32
      %parallel_loop3A_853 = arith.cmpi eq, %parallel_loop3A_851, %parallel_loop3A_852 : i32
      %parallel_loop3A_854 = arith.constant 1 : i32
      %parallel_loop3A_855 = arith.select %parallel_loop3A_853, %parallel_loop3A_854, %parallel_loop3A_851 : i32
      %parallel_loop3A_856 = arith.remsi %parallel_loop3A_826, %parallel_loop3A_855 : i32
      %parallel_loop3A_857 = arith.constant 0 : i32
      %parallel_loop3A_858 = arith.cmpi ne, %parallel_loop3A_856, %parallel_loop3A_857 : i32
      %parallel_loop3A_859 = arith.constant 0 : i32
      %parallel_loop3A_860 = arith.cmpi slt, %parallel_loop3A_856, %parallel_loop3A_859 : i32
      %parallel_loop3A_861 = arith.constant 0 : i32
      %parallel_loop3A_862 = arith.cmpi slt, %parallel_loop3A_855, %parallel_loop3A_861 : i32
      %parallel_loop3A_863 = arith.xori %parallel_loop3A_860, %parallel_loop3A_862 : i1
      %parallel_loop3A_864 = arith.andi %parallel_loop3A_863, %parallel_loop3A_858 : i1
      %parallel_loop3A_865 = arith.addi %parallel_loop3A_856, %parallel_loop3A_855 : i32
      %parallel_loop3A_866 = arith.select %parallel_loop3A_864, %parallel_loop3A_865, %parallel_loop3A_856 : i32
      %parallel_loop3A_867 = arith.constant 0 : i32
      %parallel_loop3A_868 = arith.constant 0 : i32
      %parallel_loop3A_869 = arith.constant 0 : i32
      %parallel_loop3A_870 = arith.constant 0 : i32
      %parallel_loop3A_871 = tpu.memref_slice %arg7[%parallel_loop3A_632, %parallel_loop3A_868, %parallel_loop3A_869, %parallel_loop3A_870] : memref<2x6x128x32xf32, #tpu.memory_space<vmem>> -> memref<1x6x128x32xf32, #tpu.memory_space<vmem>>
      %parallel_loop3A_872 = tpu.memref_squeeze %parallel_loop3A_871 : memref<1x6x128x32xf32, #tpu.memory_space<vmem>> -> memref<6x128x32xf32, #tpu.memory_space<vmem>>
      %parallel_loop3A_873 = arith.index_cast %parallel_loop3A_867 : i32 to index
      %parallel_loop3A_874 = arith.index_cast %parallel_loop3A_826 : i32 to index
      %parallel_loop3A_875 = arith.constant 0 : index
      %parallel_loop3A_876 = tpu.vector_load %parallel_loop3A_872[%parallel_loop3A_873, %parallel_loop3A_874, %parallel_loop3A_875] {strides = array<i32>} : memref<6x128x32xf32, #tpu.memory_space<vmem>>, vector<16xf32>,
      %parallel_loop3A_877 = arith.constant 0 : i32
      %parallel_loop3A_878 = arith.constant 0 : i32
      %parallel_loop3A_879 = arith.constant 0 : i32
      %parallel_loop3A_880 = arith.constant 0 : i32
      %parallel_loop3A_881 = arith.constant 0 : i32
      %parallel_loop3A_882 = tpu.memref_slice %arg8[%parallel_loop3A_633, %parallel_loop3A_878, %parallel_loop3A_879, %parallel_loop3A_880, %parallel_loop3A_881] : memref<2x16x2x8x128xf32, #tpu.memory_space<vmem>> -> memref<1x16x2x8x128xf32, #tpu.memory_space<vmem>>
      %parallel_loop3A_883 = tpu.memref_squeeze %parallel_loop3A_882 : memref<1x16x2x8x128xf32, #tpu.memory_space<vmem>> -> memref<16x2x8x128xf32, #tpu.memory_space<vmem>>
      %parallel_loop3A_884 = arith.index_cast %parallel_loop3A_850 : i32 to index
      %parallel_loop3A_885 = arith.index_cast %parallel_loop3A_877 : i32 to index
      %parallel_loop3A_886 = arith.index_cast %parallel_loop3A_866 : i32 to index
      %parallel_loop3A_887 = arith.constant 0 : index
      %parallel_loop3A_888 = tpu.vector_load %parallel_loop3A_883[%parallel_loop3A_884, %parallel_loop3A_885, %parallel_loop3A_886, %parallel_loop3A_887] {strides = array<i32>} : memref<16x2x8x128xf32, #tpu.memory_space<vmem>>, vector<16xf32>,
      tpu.vector_store %parallel_loop3A_883[%parallel_loop3A_884, %parallel_loop3A_885, %parallel_loop3A_886, %parallel_loop3A_887], %parallel_loop3A_876 {strides = array<i32>} : memref<16x2x8x128xf32, #tpu.memory_space<vmem>>, vector<16xf32>,
      %parallel_loop3A_889 = arith.constant 0 : i32
      %parallel_loop3A_890 = arith.constant 0 : i32
      %parallel_loop3A_891 = arith.constant 0 : i32
      %parallel_loop3A_892 = arith.constant 0 : i32
      %parallel_loop3A_893 = tpu.memref_slice %arg7[%parallel_loop3A_632, %parallel_loop3A_890, %parallel_loop3A_891, %parallel_loop3A_892] : memref<2x6x128x32xf32, #tpu.memory_space<vmem>> -> memref<1x6x128x32xf32, #tpu.memory_space<vmem>>
      %parallel_loop3A_894 = tpu.memref_squeeze %parallel_loop3A_893 : memref<1x6x128x32xf32, #tpu.memory_space<vmem>> -> memref<6x128x32xf32, #tpu.memory_space<vmem>>
      %parallel_loop3A_895 = arith.index_cast %parallel_loop3A_889 : i32 to index
      %parallel_loop3A_896 = arith.index_cast %parallel_loop3A_826 : i32 to index
      %parallel_loop3A_897 = arith.constant 16 : index
      %parallel_loop3A_898 = tpu.vector_load %parallel_loop3A_894[%parallel_loop3A_895, %parallel_loop3A_896, %parallel_loop3A_897] {strides = array<i32>} : memref<6x128x32xf32, #tpu.memory_space<vmem>>, vector<16xf32>,
      %parallel_loop3A_899 = arith.constant 0 : i32
      %parallel_loop3A_900 = arith.constant 0 : i32
      %parallel_loop3A_901 = arith.constant 0 : i32
      %parallel_loop3A_902 = arith.constant 0 : i32
      %parallel_loop3A_903 = arith.constant 0 : i32
      %parallel_loop3A_904 = tpu.memref_slice %arg8[%parallel_loop3A_633, %parallel_loop3A_900, %parallel_loop3A_901, %parallel_loop3A_902, %parallel_loop3A_903] : memref<2x16x2x8x128xf32, #tpu.memory_space<vmem>> -> memref<1x16x2x8x128xf32, #tpu.memory_space<vmem>>
      %parallel_loop3A_905 = tpu.memref_squeeze %parallel_loop3A_904 : memref<1x16x2x8x128xf32, #tpu.memory_space<vmem>> -> memref<16x2x8x128xf32, #tpu.memory_space<vmem>>
      %parallel_loop3A_906 = arith.index_cast %parallel_loop3A_850 : i32 to index
      %parallel_loop3A_907 = arith.index_cast %parallel_loop3A_899 : i32 to index
      %parallel_loop3A_908 = arith.index_cast %parallel_loop3A_866 : i32 to index
      %parallel_loop3A_909 = arith.constant 16 : index
      %parallel_loop3A_910 = tpu.vector_load %parallel_loop3A_905[%parallel_loop3A_906, %parallel_loop3A_907, %parallel_loop3A_908, %parallel_loop3A_909] {strides = array<i32>} : memref<16x2x8x128xf32, #tpu.memory_space<vmem>>, vector<16xf32>,
      tpu.vector_store %parallel_loop3A_905[%parallel_loop3A_906, %parallel_loop3A_907, %parallel_loop3A_908, %parallel_loop3A_909], %parallel_loop3A_898 {strides = array<i32>} : memref<16x2x8x128xf32, #tpu.memory_space<vmem>>, vector<16xf32>,
      %parallel_loop3A_911 = arith.constant 1 : i32
      %parallel_loop3A_912 = arith.constant 0 : i32
      %parallel_loop3A_913 = arith.constant 0 : i32
      %parallel_loop3A_914 = arith.constant 0 : i32
      %parallel_loop3A_915 = tpu.memref_slice %arg7[%parallel_loop3A_632, %parallel_loop3A_912, %parallel_loop3A_913, %parallel_loop3A_914] : memref<2x6x128x32xf32, #tpu.memory_space<vmem>> -> memref<1x6x128x32xf32, #tpu.memory_space<vmem>>
      %parallel_loop3A_916 = tpu.memref_squeeze %parallel_loop3A_915 : memref<1x6x128x32xf32, #tpu.memory_space<vmem>> -> memref<6x128x32xf32, #tpu.memory_space<vmem>>
      %parallel_loop3A_917 = arith.index_cast %parallel_loop3A_911 : i32 to index
      %parallel_loop3A_918 = arith.index_cast %parallel_loop3A_826 : i32 to index
      %parallel_loop3A_919 = arith.constant 0 : index
      %parallel_loop3A_920 = tpu.vector_load %parallel_loop3A_916[%parallel_loop3A_917, %parallel_loop3A_918, %parallel_loop3A_919] {strides = array<i32>} : memref<6x128x32xf32, #tpu.memory_space<vmem>>, vector<16xf32>,
      %parallel_loop3A_921 = arith.constant 0 : i32
      %parallel_loop3A_922 = arith.constant 0 : i32
      %parallel_loop3A_923 = arith.constant 0 : i32
      %parallel_loop3A_924 = arith.constant 0 : i32
      %parallel_loop3A_925 = arith.constant 0 : i32
      %parallel_loop3A_926 = tpu.memref_slice %arg8[%parallel_loop3A_633, %parallel_loop3A_922, %parallel_loop3A_923, %parallel_loop3A_924, %parallel_loop3A_925] : memref<2x16x2x8x128xf32, #tpu.memory_space<vmem>> -> memref<1x16x2x8x128xf32, #tpu.memory_space<vmem>>
      %parallel_loop3A_927 = tpu.memref_squeeze %parallel_loop3A_926 : memref<1x16x2x8x128xf32, #tpu.memory_space<vmem>> -> memref<16x2x8x128xf32, #tpu.memory_space<vmem>>
      %parallel_loop3A_928 = arith.index_cast %parallel_loop3A_850 : i32 to index
      %parallel_loop3A_929 = arith.index_cast %parallel_loop3A_921 : i32 to index
      %parallel_loop3A_930 = arith.index_cast %parallel_loop3A_866 : i32 to index
      %parallel_loop3A_931 = arith.constant 32 : index
      %parallel_loop3A_932 = tpu.vector_load %parallel_loop3A_927[%parallel_loop3A_928, %parallel_loop3A_929, %parallel_loop3A_930, %parallel_loop3A_931] {strides = array<i32>} : memref<16x2x8x128xf32, #tpu.memory_space<vmem>>, vector<16xf32>,
      tpu.vector_store %parallel_loop3A_927[%parallel_loop3A_928, %parallel_loop3A_929, %parallel_loop3A_930, %parallel_loop3A_931], %parallel_loop3A_920 {strides = array<i32>} : memref<16x2x8x128xf32, #tpu.memory_space<vmem>>, vector<16xf32>,
      %parallel_loop3A_933 = arith.constant 1 : i32
      %parallel_loop3A_934 = arith.constant 0 : i32
      %parallel_loop3A_935 = arith.constant 0 : i32
      %parallel_loop3A_936 = arith.constant 0 : i32
      %parallel_loop3A_937 = tpu.memref_slice %arg7[%parallel_loop3A_632, %parallel_loop3A_934, %parallel_loop3A_935, %parallel_loop3A_936] : memref<2x6x128x32xf32, #tpu.memory_space<vmem>> -> memref<1x6x128x32xf32, #tpu.memory_space<vmem>>
      %parallel_loop3A_938 = tpu.memref_squeeze %parallel_loop3A_937 : memref<1x6x128x32xf32, #tpu.memory_space<vmem>> -> memref<6x128x32xf32, #tpu.memory_space<vmem>>
      %parallel_loop3A_939 = arith.index_cast %parallel_loop3A_933 : i32 to index
      %parallel_loop3A_940 = arith.index_cast %parallel_loop3A_826 : i32 to index
      %parallel_loop3A_941 = arith.constant 16 : index
      %parallel_loop3A_942 = tpu.vector_load %parallel_loop3A_938[%parallel_loop3A_939, %parallel_loop3A_940, %parallel_loop3A_941] {strides = array<i32>} : memref<6x128x32xf32, #tpu.memory_space<vmem>>, vector<16xf32>,
      %parallel_loop3A_943 = arith.constant 0 : i32
      %parallel_loop3A_944 = arith.constant 0 : i32
      %parallel_loop3A_945 = arith.constant 0 : i32
      %parallel_loop3A_946 = arith.constant 0 : i32
      %parallel_loop3A_947 = arith.constant 0 : i32
      %parallel_loop3A_948 = tpu.memref_slice %arg8[%parallel_loop3A_633, %parallel_loop3A_944, %parallel_loop3A_945, %parallel_loop3A_946, %parallel_loop3A_947] : memref<2x16x2x8x128xf32, #tpu.memory_space<vmem>> -> memref<1x16x2x8x128xf32, #tpu.memory_space<vmem>>
      %parallel_loop3A_949 = tpu.memref_squeeze %parallel_loop3A_948 : memref<1x16x2x8x128xf32, #tpu.memory_space<vmem>> -> memref<16x2x8x128xf32, #tpu.memory_space<vmem>>
      %parallel_loop3A_950 = arith.index_cast %parallel_loop3A_850 : i32 to index
      %parallel_loop3A_951 = arith.index_cast %parallel_loop3A_943 : i32 to index
      %parallel_loop3A_952 = arith.index_cast %parallel_loop3A_866 : i32 to index
      %parallel_loop3A_953 = arith.constant 48 : index
      %parallel_loop3A_954 = tpu.vector_load %parallel_loop3A_949[%parallel_loop3A_950, %parallel_loop3A_951, %parallel_loop3A_952, %parallel_loop3A_953] {strides = array<i32>} : memref<16x2x8x128xf32, #tpu.memory_space<vmem>>, vector<16xf32>,
      tpu.vector_store %parallel_loop3A_949[%parallel_loop3A_950, %parallel_loop3A_951, %parallel_loop3A_952, %parallel_loop3A_953], %parallel_loop3A_942 {strides = array<i32>} : memref<16x2x8x128xf32, #tpu.memory_space<vmem>>, vector<16xf32>,
      %parallel_loop3A_955 = arith.constant 2 : i32
      %parallel_loop3A_956 = arith.constant 0 : i32
      %parallel_loop3A_957 = arith.constant 0 : i32
      %parallel_loop3A_958 = arith.constant 0 : i32
      %parallel_loop3A_959 = tpu.memref_slice %arg7[%parallel_loop3A_632, %parallel_loop3A_956, %parallel_loop3A_957, %parallel_loop3A_958] : memref<2x6x128x32xf32, #tpu.memory_space<vmem>> -> memref<1x6x128x32xf32, #tpu.memory_space<vmem>>
      %parallel_loop3A_960 = tpu.memref_squeeze %parallel_loop3A_959 : memref<1x6x128x32xf32, #tpu.memory_space<vmem>> -> memref<6x128x32xf32, #tpu.memory_space<vmem>>
      %parallel_loop3A_961 = arith.index_cast %parallel_loop3A_955 : i32 to index
      %parallel_loop3A_962 = arith.index_cast %parallel_loop3A_826 : i32 to index
      %parallel_loop3A_963 = arith.constant 0 : index
      %parallel_loop3A_964 = tpu.vector_load %parallel_loop3A_960[%parallel_loop3A_961, %parallel_loop3A_962, %parallel_loop3A_963] {strides = array<i32>} : memref<6x128x32xf32, #tpu.memory_space<vmem>>, vector<16xf32>,
      %parallel_loop3A_965 = arith.constant 0 : i32
      %parallel_loop3A_966 = arith.constant 0 : i32
      %parallel_loop3A_967 = arith.constant 0 : i32
      %parallel_loop3A_968 = arith.constant 0 : i32
      %parallel_loop3A_969 = arith.constant 0 : i32
      %parallel_loop3A_970 = tpu.memref_slice %arg8[%parallel_loop3A_633, %parallel_loop3A_966, %parallel_loop3A_967, %parallel_loop3A_968, %parallel_loop3A_969] : memref<2x16x2x8x128xf32, #tpu.memory_space<vmem>> -> memref<1x16x2x8x128xf32, #tpu.memory_space<vmem>>
      %parallel_loop3A_971 = tpu.memref_squeeze %parallel_loop3A_970 : memref<1x16x2x8x128xf32, #tpu.memory_space<vmem>> -> memref<16x2x8x128xf32, #tpu.memory_space<vmem>>
      %parallel_loop3A_972 = arith.index_cast %parallel_loop3A_850 : i32 to index
      %parallel_loop3A_973 = arith.index_cast %parallel_loop3A_965 : i32 to index
      %parallel_loop3A_974 = arith.index_cast %parallel_loop3A_866 : i32 to index
      %parallel_loop3A_975 = arith.constant 64 : index
      %parallel_loop3A_976 = tpu.vector_load %parallel_loop3A_971[%parallel_loop3A_972, %parallel_loop3A_973, %parallel_loop3A_974, %parallel_loop3A_975] {strides = array<i32>} : memref<16x2x8x128xf32, #tpu.memory_space<vmem>>, vector<16xf32>,
      tpu.vector_store %parallel_loop3A_971[%parallel_loop3A_972, %parallel_loop3A_973, %parallel_loop3A_974, %parallel_loop3A_975], %parallel_loop3A_964 {strides = array<i32>} : memref<16x2x8x128xf32, #tpu.memory_space<vmem>>, vector<16xf32>,
      %parallel_loop3A_977 = arith.constant 2 : i32
      %parallel_loop3A_978 = arith.constant 0 : i32
      %parallel_loop3A_979 = arith.constant 0 : i32
      %parallel_loop3A_980 = arith.constant 0 : i32
      %parallel_loop3A_981 = tpu.memref_slice %arg7[%parallel_loop3A_632, %parallel_loop3A_978, %parallel_loop3A_979, %parallel_loop3A_980] : memref<2x6x128x32xf32, #tpu.memory_space<vmem>> -> memref<1x6x128x32xf32, #tpu.memory_space<vmem>>
      %parallel_loop3A_982 = tpu.memref_squeeze %parallel_loop3A_981 : memref<1x6x128x32xf32, #tpu.memory_space<vmem>> -> memref<6x128x32xf32, #tpu.memory_space<vmem>>
      %parallel_loop3A_983 = arith.index_cast %parallel_loop3A_977 : i32 to index
      %parallel_loop3A_984 = arith.index_cast %parallel_loop3A_826 : i32 to index
      %parallel_loop3A_985 = arith.constant 16 : index
      %parallel_loop3A_986 = tpu.vector_load %parallel_loop3A_982[%parallel_loop3A_983, %parallel_loop3A_984, %parallel_loop3A_985] {strides = array<i32>} : memref<6x128x32xf32, #tpu.memory_space<vmem>>, vector<16xf32>,
      %parallel_loop3A_987 = arith.constant 0 : i32
      %parallel_loop3A_988 = arith.constant 0 : i32
      %parallel_loop3A_989 = arith.constant 0 : i32
      %parallel_loop3A_990 = arith.constant 0 : i32
      %parallel_loop3A_991 = arith.constant 0 : i32
      %parallel_loop3A_992 = tpu.memref_slice %arg8[%parallel_loop3A_633, %parallel_loop3A_988, %parallel_loop3A_989, %parallel_loop3A_990, %parallel_loop3A_991] : memref<2x16x2x8x128xf32, #tpu.memory_space<vmem>> -> memref<1x16x2x8x128xf32, #tpu.memory_space<vmem>>
      %parallel_loop3A_993 = tpu.memref_squeeze %parallel_loop3A_992 : memref<1x16x2x8x128xf32, #tpu.memory_space<vmem>> -> memref<16x2x8x128xf32, #tpu.memory_space<vmem>>
      %parallel_loop3A_994 = arith.index_cast %parallel_loop3A_850 : i32 to index
      %parallel_loop3A_995 = arith.index_cast %parallel_loop3A_987 : i32 to index
      %parallel_loop3A_996 = arith.index_cast %parallel_loop3A_866 : i32 to index
      %parallel_loop3A_997 = arith.constant 80 : index
      %parallel_loop3A_998 = tpu.vector_load %parallel_loop3A_993[%parallel_loop3A_994, %parallel_loop3A_995, %parallel_loop3A_996, %parallel_loop3A_997] {strides = array<i32>} : memref<16x2x8x128xf32, #tpu.memory_space<vmem>>, vector<16xf32>,
      tpu.vector_store %parallel_loop3A_993[%parallel_loop3A_994, %parallel_loop3A_995, %parallel_loop3A_996, %parallel_loop3A_997], %parallel_loop3A_986 {strides = array<i32>} : memref<16x2x8x128xf32, #tpu.memory_space<vmem>>, vector<16xf32>,
      %parallel_loop3A_999 = arith.constant 3 : i32
      %parallel_loop3A_1000 = arith.constant 0 : i32
      %parallel_loop3A_1001 = arith.constant 0 : i32
      %parallel_loop3A_1002 = arith.constant 0 : i32
      %parallel_loop3A_1003 = tpu.memref_slice %arg7[%parallel_loop3A_632, %parallel_loop3A_1000, %parallel_loop3A_1001, %parallel_loop3A_1002] : memref<2x6x128x32xf32, #tpu.memory_space<vmem>> -> memref<1x6x128x32xf32, #tpu.memory_space<vmem>>
      %parallel_loop3A_1004 = tpu.memref_squeeze %parallel_loop3A_1003 : memref<1x6x128x32xf32, #tpu.memory_space<vmem>> -> memref<6x128x32xf32, #tpu.memory_space<vmem>>
      %parallel_loop3A_1005 = arith.index_cast %parallel_loop3A_999 : i32 to index
      %parallel_loop3A_1006 = arith.index_cast %parallel_loop3A_826 : i32 to index
      %parallel_loop3A_1007 = arith.constant 0 : index
      %parallel_loop3A_1008 = tpu.vector_load %parallel_loop3A_1004[%parallel_loop3A_1005, %parallel_loop3A_1006, %parallel_loop3A_1007] {strides = array<i32>} : memref<6x128x32xf32, #tpu.memory_space<vmem>>, vector<16xf32>,
      %parallel_loop3A_1009 = arith.constant 0 : i32
      %parallel_loop3A_1010 = arith.constant 0 : i32
      %parallel_loop3A_1011 = arith.constant 0 : i32
      %parallel_loop3A_1012 = arith.constant 0 : i32
      %parallel_loop3A_1013 = arith.constant 0 : i32
      %parallel_loop3A_1014 = tpu.memref_slice %arg8[%parallel_loop3A_633, %parallel_loop3A_1010, %parallel_loop3A_1011, %parallel_loop3A_1012, %parallel_loop3A_1013] : memref<2x16x2x8x128xf32, #tpu.memory_space<vmem>> -> memref<1x16x2x8x128xf32, #tpu.memory_space<vmem>>
      %parallel_loop3A_1015 = tpu.memref_squeeze %parallel_loop3A_1014 : memref<1x16x2x8x128xf32, #tpu.memory_space<vmem>> -> memref<16x2x8x128xf32, #tpu.memory_space<vmem>>
      %parallel_loop3A_1016 = arith.index_cast %parallel_loop3A_850 : i32 to index
      %parallel_loop3A_1017 = arith.index_cast %parallel_loop3A_1009 : i32 to index
      %parallel_loop3A_1018 = arith.index_cast %parallel_loop3A_866 : i32 to index
      %parallel_loop3A_1019 = arith.constant 96 : index
      %parallel_loop3A_1020 = tpu.vector_load %parallel_loop3A_1015[%parallel_loop3A_1016, %parallel_loop3A_1017, %parallel_loop3A_1018, %parallel_loop3A_1019] {strides = array<i32>} : memref<16x2x8x128xf32, #tpu.memory_space<vmem>>, vector<16xf32>,
      tpu.vector_store %parallel_loop3A_1015[%parallel_loop3A_1016, %parallel_loop3A_1017, %parallel_loop3A_1018, %parallel_loop3A_1019], %parallel_loop3A_1008 {strides = array<i32>} : memref<16x2x8x128xf32, #tpu.memory_space<vmem>>, vector<16xf32>,
      %parallel_loop3A_1021 = arith.constant 3 : i32
      %parallel_loop3A_1022 = arith.constant 0 : i32
      %parallel_loop3A_1023 = arith.constant 0 : i32
      %parallel_loop3A_1024 = arith.constant 0 : i32
      %parallel_loop3A_1025 = tpu.memref_slice %arg7[%parallel_loop3A_632, %parallel_loop3A_1022, %parallel_loop3A_1023, %parallel_loop3A_1024] : memref<2x6x128x32xf32, #tpu.memory_space<vmem>> -> memref<1x6x128x32xf32, #tpu.memory_space<vmem>>
      %parallel_loop3A_1026 = tpu.memref_squeeze %parallel_loop3A_1025 : memref<1x6x128x32xf32, #tpu.memory_space<vmem>> -> memref<6x128x32xf32, #tpu.memory_space<vmem>>
      %parallel_loop3A_1027 = arith.index_cast %parallel_loop3A_1021 : i32 to index
      %parallel_loop3A_1028 = arith.index_cast %parallel_loop3A_826 : i32 to index
      %parallel_loop3A_1029 = arith.constant 16 : index
      %parallel_loop3A_1030 = tpu.vector_load %parallel_loop3A_1026[%parallel_loop3A_1027, %parallel_loop3A_1028, %parallel_loop3A_1029] {strides = array<i32>} : memref<6x128x32xf32, #tpu.memory_space<vmem>>, vector<16xf32>,
      %parallel_loop3A_1031 = arith.constant 0 : i32
      %parallel_loop3A_1032 = arith.constant 0 : i32
      %parallel_loop3A_1033 = arith.constant 0 : i32
      %parallel_loop3A_1034 = arith.constant 0 : i32
      %parallel_loop3A_1035 = arith.constant 0 : i32
      %parallel_loop3A_1036 = tpu.memref_slice %arg8[%parallel_loop3A_633, %parallel_loop3A_1032, %parallel_loop3A_1033, %parallel_loop3A_1034, %parallel_loop3A_1035] : memref<2x16x2x8x128xf32, #tpu.memory_space<vmem>> -> memref<1x16x2x8x128xf32, #tpu.memory_space<vmem>>
      %parallel_loop3A_1037 = tpu.memref_squeeze %parallel_loop3A_1036 : memref<1x16x2x8x128xf32, #tpu.memory_space<vmem>> -> memref<16x2x8x128xf32, #tpu.memory_space<vmem>>
      %parallel_loop3A_1038 = arith.index_cast %parallel_loop3A_850 : i32 to index
      %parallel_loop3A_1039 = arith.index_cast %parallel_loop3A_1031 : i32 to index
      %parallel_loop3A_1040 = arith.index_cast %parallel_loop3A_866 : i32 to index
      %parallel_loop3A_1041 = arith.constant 112 : index
      %parallel_loop3A_1042 = tpu.vector_load %parallel_loop3A_1037[%parallel_loop3A_1038, %parallel_loop3A_1039, %parallel_loop3A_1040, %parallel_loop3A_1041] {strides = array<i32>} : memref<16x2x8x128xf32, #tpu.memory_space<vmem>>, vector<16xf32>,
      tpu.vector_store %parallel_loop3A_1037[%parallel_loop3A_1038, %parallel_loop3A_1039, %parallel_loop3A_1040, %parallel_loop3A_1041], %parallel_loop3A_1030 {strides = array<i32>} : memref<16x2x8x128xf32, #tpu.memory_space<vmem>>, vector<16xf32>,
      %parallel_loop3A_1043 = arith.constant 4 : i32
      %parallel_loop3A_1044 = arith.constant 0 : i32
      %parallel_loop3A_1045 = arith.constant 0 : i32
      %parallel_loop3A_1046 = arith.constant 0 : i32
      %parallel_loop3A_1047 = tpu.memref_slice %arg7[%parallel_loop3A_632, %parallel_loop3A_1044, %parallel_loop3A_1045, %parallel_loop3A_1046] : memref<2x6x128x32xf32, #tpu.memory_space<vmem>> -> memref<1x6x128x32xf32, #tpu.memory_space<vmem>>
      %parallel_loop3A_1048 = tpu.memref_squeeze %parallel_loop3A_1047 : memref<1x6x128x32xf32, #tpu.memory_space<vmem>> -> memref<6x128x32xf32, #tpu.memory_space<vmem>>
      %parallel_loop3A_1049 = arith.index_cast %parallel_loop3A_1043 : i32 to index
      %parallel_loop3A_1050 = arith.index_cast %parallel_loop3A_826 : i32 to index
      %parallel_loop3A_1051 = arith.constant 0 : index
      %parallel_loop3A_1052 = tpu.vector_load %parallel_loop3A_1048[%parallel_loop3A_1049, %parallel_loop3A_1050, %parallel_loop3A_1051] {strides = array<i32>} : memref<6x128x32xf32, #tpu.memory_space<vmem>>, vector<16xf32>,
      %parallel_loop3A_1053 = arith.constant 1 : i32
      %parallel_loop3A_1054 = arith.constant 0 : i32
      %parallel_loop3A_1055 = arith.constant 0 : i32
      %parallel_loop3A_1056 = arith.constant 0 : i32
      %parallel_loop3A_1057 = arith.constant 0 : i32
      %parallel_loop3A_1058 = tpu.memref_slice %arg8[%parallel_loop3A_633, %parallel_loop3A_1054, %parallel_loop3A_1055, %parallel_loop3A_1056, %parallel_loop3A_1057] : memref<2x16x2x8x128xf32, #tpu.memory_space<vmem>> -> memref<1x16x2x8x128xf32, #tpu.memory_space<vmem>>
      %parallel_loop3A_1059 = tpu.memref_squeeze %parallel_loop3A_1058 : memref<1x16x2x8x128xf32, #tpu.memory_space<vmem>> -> memref<16x2x8x128xf32, #tpu.memory_space<vmem>>
      %parallel_loop3A_1060 = arith.index_cast %parallel_loop3A_850 : i32 to index
      %parallel_loop3A_1061 = arith.index_cast %parallel_loop3A_1053 : i32 to index
      %parallel_loop3A_1062 = arith.index_cast %parallel_loop3A_866 : i32 to index
      %parallel_loop3A_1063 = arith.constant 0 : index
      %parallel_loop3A_1064 = tpu.vector_load %parallel_loop3A_1059[%parallel_loop3A_1060, %parallel_loop3A_1061, %parallel_loop3A_1062, %parallel_loop3A_1063] {strides = array<i32>} : memref<16x2x8x128xf32, #tpu.memory_space<vmem>>, vector<16xf32>,
      tpu.vector_store %parallel_loop3A_1059[%parallel_loop3A_1060, %parallel_loop3A_1061, %parallel_loop3A_1062, %parallel_loop3A_1063], %parallel_loop3A_1052 {strides = array<i32>} : memref<16x2x8x128xf32, #tpu.memory_space<vmem>>, vector<16xf32>,
      %parallel_loop3A_1065 = arith.constant 4 : i32
      %parallel_loop3A_1066 = arith.constant 0 : i32
      %parallel_loop3A_1067 = arith.constant 0 : i32
      %parallel_loop3A_1068 = arith.constant 0 : i32
      %parallel_loop3A_1069 = tpu.memref_slice %arg7[%parallel_loop3A_632, %parallel_loop3A_1066, %parallel_loop3A_1067, %parallel_loop3A_1068] : memref<2x6x128x32xf32, #tpu.memory_space<vmem>> -> memref<1x6x128x32xf32, #tpu.memory_space<vmem>>
      %parallel_loop3A_1070 = tpu.memref_squeeze %parallel_loop3A_1069 : memref<1x6x128x32xf32, #tpu.memory_space<vmem>> -> memref<6x128x32xf32, #tpu.memory_space<vmem>>
      %parallel_loop3A_1071 = arith.index_cast %parallel_loop3A_1065 : i32 to index
      %parallel_loop3A_1072 = arith.index_cast %parallel_loop3A_826 : i32 to index
      %parallel_loop3A_1073 = arith.constant 16 : index
      %parallel_loop3A_1074 = tpu.vector_load %parallel_loop3A_1070[%parallel_loop3A_1071, %parallel_loop3A_1072, %parallel_loop3A_1073] {strides = array<i32>} : memref<6x128x32xf32, #tpu.memory_space<vmem>>, vector<16xf32>,
      %parallel_loop3A_1075 = arith.constant 1 : i32
      %parallel_loop3A_1076 = arith.constant 0 : i32
      %parallel_loop3A_1077 = arith.constant 0 : i32
      %parallel_loop3A_1078 = arith.constant 0 : i32
      %parallel_loop3A_1079 = arith.constant 0 : i32
      %parallel_loop3A_1080 = tpu.memref_slice %arg8[%parallel_loop3A_633, %parallel_loop3A_1076, %parallel_loop3A_1077, %parallel_loop3A_1078, %parallel_loop3A_1079] : memref<2x16x2x8x128xf32, #tpu.memory_space<vmem>> -> memref<1x16x2x8x128xf32, #tpu.memory_space<vmem>>
      %parallel_loop3A_1081 = tpu.memref_squeeze %parallel_loop3A_1080 : memref<1x16x2x8x128xf32, #tpu.memory_space<vmem>> -> memref<16x2x8x128xf32, #tpu.memory_space<vmem>>
      %parallel_loop3A_1082 = arith.index_cast %parallel_loop3A_850 : i32 to index
      %parallel_loop3A_1083 = arith.index_cast %parallel_loop3A_1075 : i32 to index
      %parallel_loop3A_1084 = arith.index_cast %parallel_loop3A_866 : i32 to index
      %parallel_loop3A_1085 = arith.constant 16 : index
      %parallel_loop3A_1086 = tpu.vector_load %parallel_loop3A_1081[%parallel_loop3A_1082, %parallel_loop3A_1083, %parallel_loop3A_1084, %parallel_loop3A_1085] {strides = array<i32>} : memref<16x2x8x128xf32, #tpu.memory_space<vmem>>, vector<16xf32>,
      tpu.vector_store %parallel_loop3A_1081[%parallel_loop3A_1082, %parallel_loop3A_1083, %parallel_loop3A_1084, %parallel_loop3A_1085], %parallel_loop3A_1074 {strides = array<i32>} : memref<16x2x8x128xf32, #tpu.memory_space<vmem>>, vector<16xf32>,
      %parallel_loop3A_1087 = arith.constant 5 : i32
      %parallel_loop3A_1088 = arith.constant 0 : i32
      %parallel_loop3A_1089 = arith.constant 0 : i32
      %parallel_loop3A_1090 = arith.constant 0 : i32
      %parallel_loop3A_1091 = tpu.memref_slice %arg7[%parallel_loop3A_632, %parallel_loop3A_1088, %parallel_loop3A_1089, %parallel_loop3A_1090] : memref<2x6x128x32xf32, #tpu.memory_space<vmem>> -> memref<1x6x128x32xf32, #tpu.memory_space<vmem>>
      %parallel_loop3A_1092 = tpu.memref_squeeze %parallel_loop3A_1091 : memref<1x6x128x32xf32, #tpu.memory_space<vmem>> -> memref<6x128x32xf32, #tpu.memory_space<vmem>>
      %parallel_loop3A_1093 = arith.index_cast %parallel_loop3A_1087 : i32 to index
      %parallel_loop3A_1094 = arith.index_cast %parallel_loop3A_826 : i32 to index
      %parallel_loop3A_1095 = arith.constant 0 : index
      %parallel_loop3A_1096 = tpu.vector_load %parallel_loop3A_1092[%parallel_loop3A_1093, %parallel_loop3A_1094, %parallel_loop3A_1095] {strides = array<i32>} : memref<6x128x32xf32, #tpu.memory_space<vmem>>, vector<16xf32>,
      %parallel_loop3A_1097 = arith.constant 1 : i32
      %parallel_loop3A_1098 = arith.constant 0 : i32
      %parallel_loop3A_1099 = arith.constant 0 : i32
      %parallel_loop3A_1100 = arith.constant 0 : i32
      %parallel_loop3A_1101 = arith.constant 0 : i32
      %parallel_loop3A_1102 = tpu.memref_slice %arg8[%parallel_loop3A_633, %parallel_loop3A_1098, %parallel_loop3A_1099, %parallel_loop3A_1100, %parallel_loop3A_1101] : memref<2x16x2x8x128xf32, #tpu.memory_space<vmem>> -> memref<1x16x2x8x128xf32, #tpu.memory_space<vmem>>
      %parallel_loop3A_1103 = tpu.memref_squeeze %parallel_loop3A_1102 : memref<1x16x2x8x128xf32, #tpu.memory_space<vmem>> -> memref<16x2x8x128xf32, #tpu.memory_space<vmem>>
      %parallel_loop3A_1104 = arith.index_cast %parallel_loop3A_850 : i32 to index
      %parallel_loop3A_1105 = arith.index_cast %parallel_loop3A_1097 : i32 to index
      %parallel_loop3A_1106 = arith.index_cast %parallel_loop3A_866 : i32 to index
      %parallel_loop3A_1107 = arith.constant 32 : index
      %parallel_loop3A_1108 = tpu.vector_load %parallel_loop3A_1103[%parallel_loop3A_1104, %parallel_loop3A_1105, %parallel_loop3A_1106, %parallel_loop3A_1107] {strides = array<i32>} : memref<16x2x8x128xf32, #tpu.memory_space<vmem>>, vector<16xf32>,
      tpu.vector_store %parallel_loop3A_1103[%parallel_loop3A_1104, %parallel_loop3A_1105, %parallel_loop3A_1106, %parallel_loop3A_1107], %parallel_loop3A_1096 {strides = array<i32>} : memref<16x2x8x128xf32, #tpu.memory_space<vmem>>, vector<16xf32>,
      %parallel_loop3A_1109 = arith.constant 5 : i32
      %parallel_loop3A_1110 = arith.constant 0 : i32
      %parallel_loop3A_1111 = arith.constant 0 : i32
      %parallel_loop3A_1112 = arith.constant 0 : i32
      %parallel_loop3A_1113 = tpu.memref_slice %arg7[%parallel_loop3A_632, %parallel_loop3A_1110, %parallel_loop3A_1111, %parallel_loop3A_1112] : memref<2x6x128x32xf32, #tpu.memory_space<vmem>> -> memref<1x6x128x32xf32, #tpu.memory_space<vmem>>
      %parallel_loop3A_1114 = tpu.memref_squeeze %parallel_loop3A_1113 : memref<1x6x128x32xf32, #tpu.memory_space<vmem>> -> memref<6x128x32xf32, #tpu.memory_space<vmem>>
      %parallel_loop3A_1115 = arith.index_cast %parallel_loop3A_1109 : i32 to index
      %parallel_loop3A_1116 = arith.index_cast %parallel_loop3A_826 : i32 to index
      %parallel_loop3A_1117 = arith.constant 16 : index
      %parallel_loop3A_1118 = tpu.vector_load %parallel_loop3A_1114[%parallel_loop3A_1115, %parallel_loop3A_1116, %parallel_loop3A_1117] {strides = array<i32>} : memref<6x128x32xf32, #tpu.memory_space<vmem>>, vector<16xf32>,
      %parallel_loop3A_1119 = arith.constant 1 : i32
      %parallel_loop3A_1120 = arith.constant 0 : i32
      %parallel_loop3A_1121 = arith.constant 0 : i32
      %parallel_loop3A_1122 = arith.constant 0 : i32
      %parallel_loop3A_1123 = arith.constant 0 : i32
      %parallel_loop3A_1124 = tpu.memref_slice %arg8[%parallel_loop3A_633, %parallel_loop3A_1120, %parallel_loop3A_1121, %parallel_loop3A_1122, %parallel_loop3A_1123] : memref<2x16x2x8x128xf32, #tpu.memory_space<vmem>> -> memref<1x16x2x8x128xf32, #tpu.memory_space<vmem>>
      %parallel_loop3A_1125 = tpu.memref_squeeze %parallel_loop3A_1124 : memref<1x16x2x8x128xf32, #tpu.memory_space<vmem>> -> memref<16x2x8x128xf32, #tpu.memory_space<vmem>>
      %parallel_loop3A_1126 = arith.index_cast %parallel_loop3A_850 : i32 to index
      %parallel_loop3A_1127 = arith.index_cast %parallel_loop3A_1119 : i32 to index
      %parallel_loop3A_1128 = arith.index_cast %parallel_loop3A_866 : i32 to index
      %parallel_loop3A_1129 = arith.constant 48 : index
      %parallel_loop3A_1130 = tpu.vector_load %parallel_loop3A_1125[%parallel_loop3A_1126, %parallel_loop3A_1127, %parallel_loop3A_1128, %parallel_loop3A_1129] {strides = array<i32>} : memref<16x2x8x128xf32, #tpu.memory_space<vmem>>, vector<16xf32>,
      tpu.vector_store %parallel_loop3A_1125[%parallel_loop3A_1126, %parallel_loop3A_1127, %parallel_loop3A_1128, %parallel_loop3A_1129], %parallel_loop3A_1118 {strides = array<i32>} : memref<16x2x8x128xf32, #tpu.memory_space<vmem>>, vector<16xf32>,
    } {sc.loop_unroll_factor = 4 : i64, sc.parallel_access}
    %add3A_634 = arith.constant 32 : i32
    %add3A_635 = arith.addi %mul3A_2, %add3A_634 : i32
    %dma_start3A_636 = arith.constant 0 : i32
    %dma_start3A_637 = arith.constant 0 : i32
    %dma_start3A_638 = arith.constant 0 : i32
    %dma_start3A_639 = arith.constant 0 : i32
    %dma_start3A_640 = arith.constant 0 : i32
    %dma_start3A_641 = tpu.memref_slice %arg8[%dma_start3A_636, %dma_start3A_637, %dma_start3A_638, %dma_start3A_639, %dma_start3A_640] : memref<2x16x2x8x128xf32, #tpu.memory_space<vmem>> -> memref<1x16x2x8x128xf32, #tpu.memory_space<vmem>>
    %dma_start3A_642 = tpu.memref_squeeze %dma_start3A_641 : memref<1x16x2x8x128xf32, #tpu.memory_space<vmem>> -> memref<16x2x8x128xf32, #tpu.memory_space<vmem>>
    %dma_start3A_643 = arith.constant 0 : i32
    %dma_start3A_644 = arith.constant 0 : i32
    %dma_start3A_645 = arith.constant 0 : i32
    %dma_start3A_646 = tpu.memref_slice %arg5[%add3A_635, %dma_start3A_643, %dma_start3A_644, %dma_start3A_645] : memref<2048x2x8x128xf32, #tpu.memory_space<hbm>> -> memref<16x2x8x128xf32, #tpu.memory_space<hbm>>
    %dma_start3A_647 = arith.constant 0 : i32
    %dma_start3A_648 = arith.constant 0 : i32
    %dma_start3A_649 = arith.constant 0 : i32
    %dma_start3A_650 = tpu.memref_slice %arg5[%add3A_635, %dma_start3A_647, %dma_start3A_648, %dma_start3A_649] : memref<2048x2x8x128xf32, #tpu.memory_space<hbm>> -> memref<16x2x8x128xf32, #tpu.memory_space<hbm>>
    %dma_start3A_651 = arith.constant 0 : i32
    %dma_start3A_652 = arith.constant 0 : i32
    %dma_start3A_653 = arith.constant 0 : i32
    %dma_start3A_654 = arith.constant 0 : i32
    %dma_start3A_655 = tpu.memref_slice %arg8[%dma_start3A_636, %dma_start3A_651, %dma_start3A_652, %dma_start3A_653, %dma_start3A_654] : memref<2x16x2x8x128xf32, #tpu.memory_space<vmem>> -> memref<1x16x2x8x128xf32, #tpu.memory_space<vmem>>
    %dma_start3A_656 = tpu.memref_squeeze %dma_start3A_655 : memref<1x16x2x8x128xf32, #tpu.memory_space<vmem>> -> memref<16x2x8x128xf32, #tpu.memory_space<vmem>>
    tpu.enqueue_dma source(%dma_start3A_656 : memref<16x2x8x128xf32, #tpu.memory_space<vmem>>) target(%dma_start3A_650 : memref<16x2x8x128xf32, #tpu.memory_space<hbm>>) target_semaphore(%arg10 : memref<!tpu.dma_semaphore, #tpu.memory_space<semaphore_mem>>)
    %dma_wait3A_657 = arith.constant 3 : i32
    %dma_wait3A_658 = arith.constant 1 : i32
    %dma_wait3A_659 = arith.constant 0 : i32
    %dma_wait3A_660 = arith.constant 0 : i32
    %dma_wait3A_661 = arith.constant 0 : i32
    %dma_wait3A_662 = tpu.memref_slice %arg7[%dma_wait3A_658, %dma_wait3A_659, %dma_wait3A_660, %dma_wait3A_661] : memref<2x6x128x32xf32, #tpu.memory_space<vmem>> -> memref<1x1x128x32xf32, #tpu.memory_space<vmem>>
    %dma_wait3A_663 = tpu.memref_squeeze %dma_wait3A_662 : memref<1x1x128x32xf32, #tpu.memory_space<vmem>> -> memref<128x32xf32, #tpu.memory_space<vmem>>
    %dma_wait3A_664 = arith.constant 0 : i32
    %dma_wait3A_665 = tpu.memref_slice %arg6[%dma_wait3A_657, %dma_wait3A_664] : memref<24x128xi32, #tpu.memory_space<vmem>> -> memref<1x128xi32, #tpu.memory_space<vmem>>
    %dma_wait3A_666 = tpu.memref_squeeze %dma_wait3A_665 : memref<1x128xi32, #tpu.memory_space<vmem>> -> memref<128xi32, #tpu.memory_space<vmem>>
    %dma_wait3A_667 = arith.constant 0 : i32
    %dma_wait3A_668 = arith.constant 0 : i32
    %dma_wait3A_669 = tpu.memref_slice %arg2[%dma_wait3A_667, %dma_wait3A_668] : memref<1000x32xf32, #tpu.memory_space<hbm>> -> memref<1000x32xf32, #tpu.memory_space<hbm>>
    tpu.wait_indirect_dma semaphore(%arg9 : memref<!tpu.dma_semaphore, #tpu.memory_space<semaphore_mem>>) src(%dma_wait3A_669 : memref<1000x32xf32, #tpu.memory_space<hbm>>) dst(%dma_wait3A_663 : memref<128x32xf32, #tpu.memory_space<vmem>>)
    %dma_wait3A_670 = arith.constant 7 : i32
    %dma_wait3A_671 = arith.constant 1 : i32
    %dma_wait3A_672 = arith.constant 1 : i32
    %dma_wait3A_673 = arith.constant 0 : i32
    %dma_wait3A_674 = arith.constant 0 : i32
    %dma_wait3A_675 = tpu.memref_slice %arg7[%dma_wait3A_671, %dma_wait3A_672, %dma_wait3A_673, %dma_wait3A_674] : memref<2x6x128x32xf32, #tpu.memory_space<vmem>> -> memref<1x1x128x32xf32, #tpu.memory_space<vmem>>
    %dma_wait3A_676 = tpu.memref_squeeze %dma_wait3A_675 : memref<1x1x128x32xf32, #tpu.memory_space<vmem>> -> memref<128x32xf32, #tpu.memory_space<vmem>>
    %dma_wait3A_677 = arith.constant 0 : i32
    %dma_wait3A_678 = tpu.memref_slice %arg6[%dma_wait3A_670, %dma_wait3A_677] : memref<24x128xi32, #tpu.memory_space<vmem>> -> memref<1x128xi32, #tpu.memory_space<vmem>>
    %dma_wait3A_679 = tpu.memref_squeeze %dma_wait3A_678 : memref<1x128xi32, #tpu.memory_space<vmem>> -> memref<128xi32, #tpu.memory_space<vmem>>
    %dma_wait3A_680 = arith.constant 0 : i32
    %dma_wait3A_681 = arith.constant 0 : i32
    %dma_wait3A_682 = tpu.memref_slice %arg2[%dma_wait3A_680, %dma_wait3A_681] : memref<1000x32xf32, #tpu.memory_space<hbm>> -> memref<1000x32xf32, #tpu.memory_space<hbm>>
    tpu.wait_indirect_dma semaphore(%arg9 : memref<!tpu.dma_semaphore, #tpu.memory_space<semaphore_mem>>) src(%dma_wait3A_682 : memref<1000x32xf32, #tpu.memory_space<hbm>>) dst(%dma_wait3A_676 : memref<128x32xf32, #tpu.memory_space<vmem>>)
    %dma_wait3A_683 = arith.constant 11 : i32
    %dma_wait3A_684 = arith.constant 1 : i32
    %dma_wait3A_685 = arith.constant 2 : i32
    %dma_wait3A_686 = arith.constant 0 : i32
    %dma_wait3A_687 = arith.constant 0 : i32
    %dma_wait3A_688 = tpu.memref_slice %arg7[%dma_wait3A_684, %dma_wait3A_685, %dma_wait3A_686, %dma_wait3A_687] : memref<2x6x128x32xf32, #tpu.memory_space<vmem>> -> memref<1x1x128x32xf32, #tpu.memory_space<vmem>>
    %dma_wait3A_689 = tpu.memref_squeeze %dma_wait3A_688 : memref<1x1x128x32xf32, #tpu.memory_space<vmem>> -> memref<128x32xf32, #tpu.memory_space<vmem>>
    %dma_wait3A_690 = arith.constant 0 : i32
    %dma_wait3A_691 = tpu.memref_slice %arg6[%dma_wait3A_683, %dma_wait3A_690] : memref<24x128xi32, #tpu.memory_space<vmem>> -> memref<1x128xi32, #tpu.memory_space<vmem>>
    %dma_wait3A_692 = tpu.memref_squeeze %dma_wait3A_691 : memref<1x128xi32, #tpu.memory_space<vmem>> -> memref<128xi32, #tpu.memory_space<vmem>>
    %dma_wait3A_693 = arith.constant 0 : i32
    %dma_wait3A_694 = arith.constant 0 : i32
    %dma_wait3A_695 = tpu.memref_slice %arg3[%dma_wait3A_693, %dma_wait3A_694] : memref<1000x32xf32, #tpu.memory_space<hbm>> -> memref<1000x32xf32, #tpu.memory_space<hbm>>
    tpu.wait_indirect_dma semaphore(%arg9 : memref<!tpu.dma_semaphore, #tpu.memory_space<semaphore_mem>>) src(%dma_wait3A_695 : memref<1000x32xf32, #tpu.memory_space<hbm>>) dst(%dma_wait3A_689 : memref<128x32xf32, #tpu.memory_space<vmem>>)
    %dma_wait3A_696 = arith.constant 15 : i32
    %dma_wait3A_697 = arith.constant 1 : i32
    %dma_wait3A_698 = arith.constant 3 : i32
    %dma_wait3A_699 = arith.constant 0 : i32
    %dma_wait3A_700 = arith.constant 0 : i32
    %dma_wait3A_701 = tpu.memref_slice %arg7[%dma_wait3A_697, %dma_wait3A_698, %dma_wait3A_699, %dma_wait3A_700] : memref<2x6x128x32xf32, #tpu.memory_space<vmem>> -> memref<1x1x128x32xf32, #tpu.memory_space<vmem>>
    %dma_wait3A_702 = tpu.memref_squeeze %dma_wait3A_701 : memref<1x1x128x32xf32, #tpu.memory_space<vmem>> -> memref<128x32xf32, #tpu.memory_space<vmem>>
    %dma_wait3A_703 = arith.constant 0 : i32
    %dma_wait3A_704 = tpu.memref_slice %arg6[%dma_wait3A_696, %dma_wait3A_703] : memref<24x128xi32, #tpu.memory_space<vmem>> -> memref<1x128xi32, #tpu.memory_space<vmem>>
    %dma_wait3A_705 = tpu.memref_squeeze %dma_wait3A_704 : memref<1x128xi32, #tpu.memory_space<vmem>> -> memref<128xi32, #tpu.memory_space<vmem>>
    %dma_wait3A_706 = arith.constant 0 : i32
    %dma_wait3A_707 = arith.constant 0 : i32
    %dma_wait3A_708 = tpu.memref_slice %arg3[%dma_wait3A_706, %dma_wait3A_707] : memref<1000x32xf32, #tpu.memory_space<hbm>> -> memref<1000x32xf32, #tpu.memory_space<hbm>>
    tpu.wait_indirect_dma semaphore(%arg9 : memref<!tpu.dma_semaphore, #tpu.memory_space<semaphore_mem>>) src(%dma_wait3A_708 : memref<1000x32xf32, #tpu.memory_space<hbm>>) dst(%dma_wait3A_702 : memref<128x32xf32, #tpu.memory_space<vmem>>)
    %dma_wait3A_709 = arith.constant 19 : i32
    %dma_wait3A_710 = arith.constant 1 : i32
    %dma_wait3A_711 = arith.constant 4 : i32
    %dma_wait3A_712 = arith.constant 0 : i32
    %dma_wait3A_713 = arith.constant 0 : i32
    %dma_wait3A_714 = tpu.memref_slice %arg7[%dma_wait3A_710, %dma_wait3A_711, %dma_wait3A_712, %dma_wait3A_713] : memref<2x6x128x32xf32, #tpu.memory_space<vmem>> -> memref<1x1x128x32xf32, #tpu.memory_space<vmem>>
    %dma_wait3A_715 = tpu.memref_squeeze %dma_wait3A_714 : memref<1x1x128x32xf32, #tpu.memory_space<vmem>> -> memref<128x32xf32, #tpu.memory_space<vmem>>
    %dma_wait3A_716 = arith.constant 0 : i32
    %dma_wait3A_717 = tpu.memref_slice %arg6[%dma_wait3A_709, %dma_wait3A_716] : memref<24x128xi32, #tpu.memory_space<vmem>> -> memref<1x128xi32, #tpu.memory_space<vmem>>
    %dma_wait3A_718 = tpu.memref_squeeze %dma_wait3A_717 : memref<1x128xi32, #tpu.memory_space<vmem>> -> memref<128xi32, #tpu.memory_space<vmem>>
    %dma_wait3A_719 = arith.constant 0 : i32
    %dma_wait3A_720 = arith.constant 0 : i32
    %dma_wait3A_721 = tpu.memref_slice %arg3[%dma_wait3A_719, %dma_wait3A_720] : memref<1000x32xf32, #tpu.memory_space<hbm>> -> memref<1000x32xf32, #tpu.memory_space<hbm>>
    tpu.wait_indirect_dma semaphore(%arg9 : memref<!tpu.dma_semaphore, #tpu.memory_space<semaphore_mem>>) src(%dma_wait3A_721 : memref<1000x32xf32, #tpu.memory_space<hbm>>) dst(%dma_wait3A_715 : memref<128x32xf32, #tpu.memory_space<vmem>>)
    %dma_wait3A_722 = arith.constant 23 : i32
    %dma_wait3A_723 = arith.constant 1 : i32
    %dma_wait3A_724 = arith.constant 5 : i32
    %dma_wait3A_725 = arith.constant 0 : i32
    %dma_wait3A_726 = arith.constant 0 : i32
    %dma_wait3A_727 = tpu.memref_slice %arg7[%dma_wait3A_723, %dma_wait3A_724, %dma_wait3A_725, %dma_wait3A_726] : memref<2x6x128x32xf32, #tpu.memory_space<vmem>> -> memref<1x1x128x32xf32, #tpu.memory_space<vmem>>
    %dma_wait3A_728 = tpu.memref_squeeze %dma_wait3A_727 : memref<1x1x128x32xf32, #tpu.memory_space<vmem>> -> memref<128x32xf32, #tpu.memory_space<vmem>>
    %dma_wait3A_729 = arith.constant 0 : i32
    %dma_wait3A_730 = tpu.memref_slice %arg6[%dma_wait3A_722, %dma_wait3A_729] : memref<24x128xi32, #tpu.memory_space<vmem>> -> memref<1x128xi32, #tpu.memory_space<vmem>>
    %dma_wait3A_731 = tpu.memref_squeeze %dma_wait3A_730 : memref<1x128xi32, #tpu.memory_space<vmem>> -> memref<128xi32, #tpu.memory_space<vmem>>
    %dma_wait3A_732 = arith.constant 0 : i32
    %dma_wait3A_733 = arith.constant 0 : i32
    %dma_wait3A_734 = tpu.memref_slice %arg3[%dma_wait3A_732, %dma_wait3A_733] : memref<1000x32xf32, #tpu.memory_space<hbm>> -> memref<1000x32xf32, #tpu.memory_space<hbm>>
    tpu.wait_indirect_dma semaphore(%arg9 : memref<!tpu.dma_semaphore, #tpu.memory_space<semaphore_mem>>) src(%dma_wait3A_734 : memref<1000x32xf32, #tpu.memory_space<hbm>>) dst(%dma_wait3A_728 : memref<128x32xf32, #tpu.memory_space<vmem>>)
    %dma_wait3A_735 = arith.constant 1 : i32
    %dma_wait3A_736 = arith.constant 0 : i32
    %dma_wait3A_737 = arith.constant 0 : i32
    %dma_wait3A_738 = arith.constant 0 : i32
    %dma_wait3A_739 = arith.constant 0 : i32
    %dma_wait3A_740 = tpu.memref_slice %arg8[%dma_wait3A_735, %dma_wait3A_736, %dma_wait3A_737, %dma_wait3A_738, %dma_wait3A_739] : memref<2x16x2x8x128xf32, #tpu.memory_space<vmem>> -> memref<1x16x2x8x128xf32, #tpu.memory_space<vmem>>
    %dma_wait3A_741 = tpu.memref_squeeze %dma_wait3A_740 : memref<1x16x2x8x128xf32, #tpu.memory_space<vmem>> -> memref<16x2x8x128xf32, #tpu.memory_space<vmem>>
    %dma_wait3A_742 = arith.constant 0 : i32
    %dma_wait3A_743 = arith.constant 0 : i32
    %dma_wait3A_744 = arith.constant 0 : i32
    %dma_wait3A_745 = tpu.memref_slice %arg5[%add3A_430, %dma_wait3A_742, %dma_wait3A_743, %dma_wait3A_744] : memref<2048x2x8x128xf32, #tpu.memory_space<hbm>> -> memref<16x2x8x128xf32, #tpu.memory_space<hbm>>
    %dma_wait3A_746 = arith.constant 0 : i32
    %dma_wait3A_747 = arith.constant 0 : i32
    %dma_wait3A_748 = arith.constant 0 : i32
    %dma_wait3A_749 = tpu.memref_slice %arg5[%add3A_430, %dma_wait3A_746, %dma_wait3A_747, %dma_wait3A_748] : memref<2048x2x8x128xf32, #tpu.memory_space<hbm>> -> memref<16x2x8x128xf32, #tpu.memory_space<hbm>>
    %dma_wait3A_750 = arith.constant 0 : i32
    %dma_wait3A_751 = arith.constant 0 : i32
    %dma_wait3A_752 = arith.constant 0 : i32
    %dma_wait3A_753 = arith.constant 0 : i32
    %dma_wait3A_754 = tpu.memref_slice %arg8[%dma_wait3A_735, %dma_wait3A_750, %dma_wait3A_751, %dma_wait3A_752, %dma_wait3A_753] : memref<2x16x2x8x128xf32, #tpu.memory_space<vmem>> -> memref<1x16x2x8x128xf32, #tpu.memory_space<vmem>>
    %dma_wait3A_755 = tpu.memref_squeeze %dma_wait3A_754 : memref<1x16x2x8x128xf32, #tpu.memory_space<vmem>> -> memref<16x2x8x128xf32, #tpu.memory_space<vmem>>
    tpu.wait_dma2 semaphore(%arg10 : memref<!tpu.dma_semaphore, #tpu.memory_space<semaphore_mem>>) src(%dma_wait3A_755 : memref<16x2x8x128xf32, #tpu.memory_space<vmem>>) dst(%dma_wait3A_749 : memref<16x2x8x128xf32, #tpu.memory_space<hbm>>)
    %parallel_loop3A_756 = arith.constant 0 : i32
    %parallel_loop3A_757 = arith.constant 128 : i32
    %parallel_loop3A_758 = arith.constant 1 : i32
    %parallel_loop3A_759 = arith.constant 1 : i32
    %parallel_loop3A_760 = arith.constant 1 : i32
    scf.for %parallel_loop3A_826 = %parallel_loop3A_756 to %parallel_loop3A_757 step %parallel_loop3A_758  : i32 {
      %parallel_loop3A_827 = arith.constant 8 : i32
      %parallel_loop3A_828 = arith.divsi %parallel_loop3A_826, %parallel_loop3A_827 : i32
      %parallel_loop3A_829 = arith.constant 0 : i32
      %parallel_loop3A_830 = arith.cmpi sgt, %parallel_loop3A_826, %parallel_loop3A_829 : i32
      %parallel_loop3A_831 = arith.extui %parallel_loop3A_830 : i1 to i32
      %parallel_loop3A_832 = arith.constant 0 : i32
      %parallel_loop3A_833 = arith.cmpi slt, %parallel_loop3A_826, %parallel_loop3A_832 : i32
      %parallel_loop3A_834 = arith.extui %parallel_loop3A_833 : i1 to i32
      %parallel_loop3A_835 = arith.subi %parallel_loop3A_831, %parallel_loop3A_834 : i32
      %parallel_loop3A_836 = arith.constant 0 : i32
      %parallel_loop3A_837 = arith.cmpi sgt, %parallel_loop3A_827, %parallel_loop3A_836 : i32
      %parallel_loop3A_838 = arith.extui %parallel_loop3A_837 : i1 to i32
      %parallel_loop3A_839 = arith.constant 0 : i32
      %parallel_loop3A_840 = arith.cmpi slt, %parallel_loop3A_827, %parallel_loop3A_839 : i32
      %parallel_loop3A_841 = arith.extui %parallel_loop3A_840 : i1 to i32
      %parallel_loop3A_842 = arith.subi %parallel_loop3A_838, %parallel_loop3A_841 : i32
      %parallel_loop3A_843 = arith.cmpi ne, %parallel_loop3A_835, %parallel_loop3A_842 : i32
      %parallel_loop3A_844 = arith.remsi %parallel_loop3A_826, %parallel_loop3A_827 : i32
      %parallel_loop3A_845 = arith.constant 0 : i32
      %parallel_loop3A_846 = arith.cmpi ne, %parallel_loop3A_844, %parallel_loop3A_845 : i32
      %parallel_loop3A_847 = arith.andi %parallel_loop3A_843, %parallel_loop3A_846 : i1
      %parallel_loop3A_848 = arith.constant 1 : i32
      %parallel_loop3A_849 = arith.subi %parallel_loop3A_828, %parallel_loop3A_848 : i32
      %parallel_loop3A_850 = arith.select %parallel_loop3A_847, %parallel_loop3A_849, %parallel_loop3A_828 : i32
      %parallel_loop3A_851 = arith.constant 8 : i32
      %parallel_loop3A_852 = arith.constant 0 : i32
      %parallel_loop3A_853 = arith.cmpi eq, %parallel_loop3A_851, %parallel_loop3A_852 : i32
      %parallel_loop3A_854 = arith.constant 1 : i32
      %parallel_loop3A_855 = arith.select %parallel_loop3A_853, %parallel_loop3A_854, %parallel_loop3A_851 : i32
      %parallel_loop3A_856 = arith.remsi %parallel_loop3A_826, %parallel_loop3A_855 : i32
      %parallel_loop3A_857 = arith.constant 0 : i32
      %parallel_loop3A_858 = arith.cmpi ne, %parallel_loop3A_856, %parallel_loop3A_857 : i32
      %parallel_loop3A_859 = arith.constant 0 : i32
      %parallel_loop3A_860 = arith.cmpi slt, %parallel_loop3A_856, %parallel_loop3A_859 : i32
      %parallel_loop3A_861 = arith.constant 0 : i32
      %parallel_loop3A_862 = arith.cmpi slt, %parallel_loop3A_855, %parallel_loop3A_861 : i32
      %parallel_loop3A_863 = arith.xori %parallel_loop3A_860, %parallel_loop3A_862 : i1
      %parallel_loop3A_864 = arith.andi %parallel_loop3A_863, %parallel_loop3A_858 : i1
      %parallel_loop3A_865 = arith.addi %parallel_loop3A_856, %parallel_loop3A_855 : i32
      %parallel_loop3A_866 = arith.select %parallel_loop3A_864, %parallel_loop3A_865, %parallel_loop3A_856 : i32
      %parallel_loop3A_867 = arith.constant 0 : i32
      %parallel_loop3A_868 = arith.constant 0 : i32
      %parallel_loop3A_869 = arith.constant 0 : i32
      %parallel_loop3A_870 = arith.constant 0 : i32
      %parallel_loop3A_871 = tpu.memref_slice %arg7[%parallel_loop3A_759, %parallel_loop3A_868, %parallel_loop3A_869, %parallel_loop3A_870] : memref<2x6x128x32xf32, #tpu.memory_space<vmem>> -> memref<1x6x128x32xf32, #tpu.memory_space<vmem>>
      %parallel_loop3A_872 = tpu.memref_squeeze %parallel_loop3A_871 : memref<1x6x128x32xf32, #tpu.memory_space<vmem>> -> memref<6x128x32xf32, #tpu.memory_space<vmem>>
      %parallel_loop3A_873 = arith.index_cast %parallel_loop3A_867 : i32 to index
      %parallel_loop3A_874 = arith.index_cast %parallel_loop3A_826 : i32 to index
      %parallel_loop3A_875 = arith.constant 0 : index
      %parallel_loop3A_876 = tpu.vector_load %parallel_loop3A_872[%parallel_loop3A_873, %parallel_loop3A_874, %parallel_loop3A_875] {strides = array<i32>} : memref<6x128x32xf32, #tpu.memory_space<vmem>>, vector<16xf32>,
      %parallel_loop3A_877 = arith.constant 0 : i32
      %parallel_loop3A_878 = arith.constant 0 : i32
      %parallel_loop3A_879 = arith.constant 0 : i32
      %parallel_loop3A_880 = arith.constant 0 : i32
      %parallel_loop3A_881 = arith.constant 0 : i32
      %parallel_loop3A_882 = tpu.memref_slice %arg8[%parallel_loop3A_760, %parallel_loop3A_878, %parallel_loop3A_879, %parallel_loop3A_880, %parallel_loop3A_881] : memref<2x16x2x8x128xf32, #tpu.memory_space<vmem>> -> memref<1x16x2x8x128xf32, #tpu.memory_space<vmem>>
      %parallel_loop3A_883 = tpu.memref_squeeze %parallel_loop3A_882 : memref<1x16x2x8x128xf32, #tpu.memory_space<vmem>> -> memref<16x2x8x128xf32, #tpu.memory_space<vmem>>
      %parallel_loop3A_884 = arith.index_cast %parallel_loop3A_850 : i32 to index
      %parallel_loop3A_885 = arith.index_cast %parallel_loop3A_877 : i32 to index
      %parallel_loop3A_886 = arith.index_cast %parallel_loop3A_866 : i32 to index
      %parallel_loop3A_887 = arith.constant 0 : index
      %parallel_loop3A_888 = tpu.vector_load %parallel_loop3A_883[%parallel_loop3A_884, %parallel_loop3A_885, %parallel_loop3A_886, %parallel_loop3A_887] {strides = array<i32>} : memref<16x2x8x128xf32, #tpu.memory_space<vmem>>, vector<16xf32>,
      tpu.vector_store %parallel_loop3A_883[%parallel_loop3A_884, %parallel_loop3A_885, %parallel_loop3A_886, %parallel_loop3A_887], %parallel_loop3A_876 {strides = array<i32>} : memref<16x2x8x128xf32, #tpu.memory_space<vmem>>, vector<16xf32>,
      %parallel_loop3A_889 = arith.constant 0 : i32
      %parallel_loop3A_890 = arith.constant 0 : i32
      %parallel_loop3A_891 = arith.constant 0 : i32
      %parallel_loop3A_892 = arith.constant 0 : i32
      %parallel_loop3A_893 = tpu.memref_slice %arg7[%parallel_loop3A_759, %parallel_loop3A_890, %parallel_loop3A_891, %parallel_loop3A_892] : memref<2x6x128x32xf32, #tpu.memory_space<vmem>> -> memref<1x6x128x32xf32, #tpu.memory_space<vmem>>
      %parallel_loop3A_894 = tpu.memref_squeeze %parallel_loop3A_893 : memref<1x6x128x32xf32, #tpu.memory_space<vmem>> -> memref<6x128x32xf32, #tpu.memory_space<vmem>>
      %parallel_loop3A_895 = arith.index_cast %parallel_loop3A_889 : i32 to index
      %parallel_loop3A_896 = arith.index_cast %parallel_loop3A_826 : i32 to index
      %parallel_loop3A_897 = arith.constant 16 : index
      %parallel_loop3A_898 = tpu.vector_load %parallel_loop3A_894[%parallel_loop3A_895, %parallel_loop3A_896, %parallel_loop3A_897] {strides = array<i32>} : memref<6x128x32xf32, #tpu.memory_space<vmem>>, vector<16xf32>,
      %parallel_loop3A_899 = arith.constant 0 : i32
      %parallel_loop3A_900 = arith.constant 0 : i32
      %parallel_loop3A_901 = arith.constant 0 : i32
      %parallel_loop3A_902 = arith.constant 0 : i32
      %parallel_loop3A_903 = arith.constant 0 : i32
      %parallel_loop3A_904 = tpu.memref_slice %arg8[%parallel_loop3A_760, %parallel_loop3A_900, %parallel_loop3A_901, %parallel_loop3A_902, %parallel_loop3A_903] : memref<2x16x2x8x128xf32, #tpu.memory_space<vmem>> -> memref<1x16x2x8x128xf32, #tpu.memory_space<vmem>>
      %parallel_loop3A_905 = tpu.memref_squeeze %parallel_loop3A_904 : memref<1x16x2x8x128xf32, #tpu.memory_space<vmem>> -> memref<16x2x8x128xf32, #tpu.memory_space<vmem>>
      %parallel_loop3A_906 = arith.index_cast %parallel_loop3A_850 : i32 to index
      %parallel_loop3A_907 = arith.index_cast %parallel_loop3A_899 : i32 to index
      %parallel_loop3A_908 = arith.index_cast %parallel_loop3A_866 : i32 to index
      %parallel_loop3A_909 = arith.constant 16 : index
      %parallel_loop3A_910 = tpu.vector_load %parallel_loop3A_905[%parallel_loop3A_906, %parallel_loop3A_907, %parallel_loop3A_908, %parallel_loop3A_909] {strides = array<i32>} : memref<16x2x8x128xf32, #tpu.memory_space<vmem>>, vector<16xf32>,
      tpu.vector_store %parallel_loop3A_905[%parallel_loop3A_906, %parallel_loop3A_907, %parallel_loop3A_908, %parallel_loop3A_909], %parallel_loop3A_898 {strides = array<i32>} : memref<16x2x8x128xf32, #tpu.memory_space<vmem>>, vector<16xf32>,
      %parallel_loop3A_911 = arith.constant 1 : i32
      %parallel_loop3A_912 = arith.constant 0 : i32
      %parallel_loop3A_913 = arith.constant 0 : i32
      %parallel_loop3A_914 = arith.constant 0 : i32
      %parallel_loop3A_915 = tpu.memref_slice %arg7[%parallel_loop3A_759, %parallel_loop3A_912, %parallel_loop3A_913, %parallel_loop3A_914] : memref<2x6x128x32xf32, #tpu.memory_space<vmem>> -> memref<1x6x128x32xf32, #tpu.memory_space<vmem>>
      %parallel_loop3A_916 = tpu.memref_squeeze %parallel_loop3A_915 : memref<1x6x128x32xf32, #tpu.memory_space<vmem>> -> memref<6x128x32xf32, #tpu.memory_space<vmem>>
      %parallel_loop3A_917 = arith.index_cast %parallel_loop3A_911 : i32 to index
      %parallel_loop3A_918 = arith.index_cast %parallel_loop3A_826 : i32 to index
      %parallel_loop3A_919 = arith.constant 0 : index
      %parallel_loop3A_920 = tpu.vector_load %parallel_loop3A_916[%parallel_loop3A_917, %parallel_loop3A_918, %parallel_loop3A_919] {strides = array<i32>} : memref<6x128x32xf32, #tpu.memory_space<vmem>>, vector<16xf32>,
      %parallel_loop3A_921 = arith.constant 0 : i32
      %parallel_loop3A_922 = arith.constant 0 : i32
      %parallel_loop3A_923 = arith.constant 0 : i32
      %parallel_loop3A_924 = arith.constant 0 : i32
      %parallel_loop3A_925 = arith.constant 0 : i32
      %parallel_loop3A_926 = tpu.memref_slice %arg8[%parallel_loop3A_760, %parallel_loop3A_922, %parallel_loop3A_923, %parallel_loop3A_924, %parallel_loop3A_925] : memref<2x16x2x8x128xf32, #tpu.memory_space<vmem>> -> memref<1x16x2x8x128xf32, #tpu.memory_space<vmem>>
      %parallel_loop3A_927 = tpu.memref_squeeze %parallel_loop3A_926 : memref<1x16x2x8x128xf32, #tpu.memory_space<vmem>> -> memref<16x2x8x128xf32, #tpu.memory_space<vmem>>
      %parallel_loop3A_928 = arith.index_cast %parallel_loop3A_850 : i32 to index
      %parallel_loop3A_929 = arith.index_cast %parallel_loop3A_921 : i32 to index
      %parallel_loop3A_930 = arith.index_cast %parallel_loop3A_866 : i32 to index
      %parallel_loop3A_931 = arith.constant 32 : index
      %parallel_loop3A_932 = tpu.vector_load %parallel_loop3A_927[%parallel_loop3A_928, %parallel_loop3A_929, %parallel_loop3A_930, %parallel_loop3A_931] {strides = array<i32>} : memref<16x2x8x128xf32, #tpu.memory_space<vmem>>, vector<16xf32>,
      tpu.vector_store %parallel_loop3A_927[%parallel_loop3A_928, %parallel_loop3A_929, %parallel_loop3A_930, %parallel_loop3A_931], %parallel_loop3A_920 {strides = array<i32>} : memref<16x2x8x128xf32, #tpu.memory_space<vmem>>, vector<16xf32>,
      %parallel_loop3A_933 = arith.constant 1 : i32
      %parallel_loop3A_934 = arith.constant 0 : i32
      %parallel_loop3A_935 = arith.constant 0 : i32
      %parallel_loop3A_936 = arith.constant 0 : i32
      %parallel_loop3A_937 = tpu.memref_slice %arg7[%parallel_loop3A_759, %parallel_loop3A_934, %parallel_loop3A_935, %parallel_loop3A_936] : memref<2x6x128x32xf32, #tpu.memory_space<vmem>> -> memref<1x6x128x32xf32, #tpu.memory_space<vmem>>
      %parallel_loop3A_938 = tpu.memref_squeeze %parallel_loop3A_937 : memref<1x6x128x32xf32, #tpu.memory_space<vmem>> -> memref<6x128x32xf32, #tpu.memory_space<vmem>>
      %parallel_loop3A_939 = arith.index_cast %parallel_loop3A_933 : i32 to index
      %parallel_loop3A_940 = arith.index_cast %parallel_loop3A_826 : i32 to index
      %parallel_loop3A_941 = arith.constant 16 : index
      %parallel_loop3A_942 = tpu.vector_load %parallel_loop3A_938[%parallel_loop3A_939, %parallel_loop3A_940, %parallel_loop3A_941] {strides = array<i32>} : memref<6x128x32xf32, #tpu.memory_space<vmem>>, vector<16xf32>,
      %parallel_loop3A_943 = arith.constant 0 : i32
      %parallel_loop3A_944 = arith.constant 0 : i32
      %parallel_loop3A_945 = arith.constant 0 : i32
      %parallel_loop3A_946 = arith.constant 0 : i32
      %parallel_loop3A_947 = arith.constant 0 : i32
      %parallel_loop3A_948 = tpu.memref_slice %arg8[%parallel_loop3A_760, %parallel_loop3A_944, %parallel_loop3A_945, %parallel_loop3A_946, %parallel_loop3A_947] : memref<2x16x2x8x128xf32, #tpu.memory_space<vmem>> -> memref<1x16x2x8x128xf32, #tpu.memory_space<vmem>>
      %parallel_loop3A_949 = tpu.memref_squeeze %parallel_loop3A_948 : memref<1x16x2x8x128xf32, #tpu.memory_space<vmem>> -> memref<16x2x8x128xf32, #tpu.memory_space<vmem>>
      %parallel_loop3A_950 = arith.index_cast %parallel_loop3A_850 : i32 to index
      %parallel_loop3A_951 = arith.index_cast %parallel_loop3A_943 : i32 to index
      %parallel_loop3A_952 = arith.index_cast %parallel_loop3A_866 : i32 to index
      %parallel_loop3A_953 = arith.constant 48 : index
      %parallel_loop3A_954 = tpu.vector_load %parallel_loop3A_949[%parallel_loop3A_950, %parallel_loop3A_951, %parallel_loop3A_952, %parallel_loop3A_953] {strides = array<i32>} : memref<16x2x8x128xf32, #tpu.memory_space<vmem>>, vector<16xf32>,
      tpu.vector_store %parallel_loop3A_949[%parallel_loop3A_950, %parallel_loop3A_951, %parallel_loop3A_952, %parallel_loop3A_953], %parallel_loop3A_942 {strides = array<i32>} : memref<16x2x8x128xf32, #tpu.memory_space<vmem>>, vector<16xf32>,
      %parallel_loop3A_955 = arith.constant 2 : i32
      %parallel_loop3A_956 = arith.constant 0 : i32
      %parallel_loop3A_957 = arith.constant 0 : i32
      %parallel_loop3A_958 = arith.constant 0 : i32
      %parallel_loop3A_959 = tpu.memref_slice %arg7[%parallel_loop3A_759, %parallel_loop3A_956, %parallel_loop3A_957, %parallel_loop3A_958] : memref<2x6x128x32xf32, #tpu.memory_space<vmem>> -> memref<1x6x128x32xf32, #tpu.memory_space<vmem>>
      %parallel_loop3A_960 = tpu.memref_squeeze %parallel_loop3A_959 : memref<1x6x128x32xf32, #tpu.memory_space<vmem>> -> memref<6x128x32xf32, #tpu.memory_space<vmem>>
      %parallel_loop3A_961 = arith.index_cast %parallel_loop3A_955 : i32 to index
      %parallel_loop3A_962 = arith.index_cast %parallel_loop3A_826 : i32 to index
      %parallel_loop3A_963 = arith.constant 0 : index
      %parallel_loop3A_964 = tpu.vector_load %parallel_loop3A_960[%parallel_loop3A_961, %parallel_loop3A_962, %parallel_loop3A_963] {strides = array<i32>} : memref<6x128x32xf32, #tpu.memory_space<vmem>>, vector<16xf32>,
      %parallel_loop3A_965 = arith.constant 0 : i32
      %parallel_loop3A_966 = arith.constant 0 : i32
      %parallel_loop3A_967 = arith.constant 0 : i32
      %parallel_loop3A_968 = arith.constant 0 : i32
      %parallel_loop3A_969 = arith.constant 0 : i32
      %parallel_loop3A_970 = tpu.memref_slice %arg8[%parallel_loop3A_760, %parallel_loop3A_966, %parallel_loop3A_967, %parallel_loop3A_968, %parallel_loop3A_969] : memref<2x16x2x8x128xf32, #tpu.memory_space<vmem>> -> memref<1x16x2x8x128xf32, #tpu.memory_space<vmem>>
      %parallel_loop3A_971 = tpu.memref_squeeze %parallel_loop3A_970 : memref<1x16x2x8x128xf32, #tpu.memory_space<vmem>> -> memref<16x2x8x128xf32, #tpu.memory_space<vmem>>
      %parallel_loop3A_972 = arith.index_cast %parallel_loop3A_850 : i32 to index
      %parallel_loop3A_973 = arith.index_cast %parallel_loop3A_965 : i32 to index
      %parallel_loop3A_974 = arith.index_cast %parallel_loop3A_866 : i32 to index
      %parallel_loop3A_975 = arith.constant 64 : index
      %parallel_loop3A_976 = tpu.vector_load %parallel_loop3A_971[%parallel_loop3A_972, %parallel_loop3A_973, %parallel_loop3A_974, %parallel_loop3A_975] {strides = array<i32>} : memref<16x2x8x128xf32, #tpu.memory_space<vmem>>, vector<16xf32>,
      tpu.vector_store %parallel_loop3A_971[%parallel_loop3A_972, %parallel_loop3A_973, %parallel_loop3A_974, %parallel_loop3A_975], %parallel_loop3A_964 {strides = array<i32>} : memref<16x2x8x128xf32, #tpu.memory_space<vmem>>, vector<16xf32>,
      %parallel_loop3A_977 = arith.constant 2 : i32
      %parallel_loop3A_978 = arith.constant 0 : i32
      %parallel_loop3A_979 = arith.constant 0 : i32
      %parallel_loop3A_980 = arith.constant 0 : i32
      %parallel_loop3A_981 = tpu.memref_slice %arg7[%parallel_loop3A_759, %parallel_loop3A_978, %parallel_loop3A_979, %parallel_loop3A_980] : memref<2x6x128x32xf32, #tpu.memory_space<vmem>> -> memref<1x6x128x32xf32, #tpu.memory_space<vmem>>
      %parallel_loop3A_982 = tpu.memref_squeeze %parallel_loop3A_981 : memref<1x6x128x32xf32, #tpu.memory_space<vmem>> -> memref<6x128x32xf32, #tpu.memory_space<vmem>>
      %parallel_loop3A_983 = arith.index_cast %parallel_loop3A_977 : i32 to index
      %parallel_loop3A_984 = arith.index_cast %parallel_loop3A_826 : i32 to index
      %parallel_loop3A_985 = arith.constant 16 : index
      %parallel_loop3A_986 = tpu.vector_load %parallel_loop3A_982[%parallel_loop3A_983, %parallel_loop3A_984, %parallel_loop3A_985] {strides = array<i32>} : memref<6x128x32xf32, #tpu.memory_space<vmem>>, vector<16xf32>,
      %parallel_loop3A_987 = arith.constant 0 : i32
      %parallel_loop3A_988 = arith.constant 0 : i32
      %parallel_loop3A_989 = arith.constant 0 : i32
      %parallel_loop3A_990 = arith.constant 0 : i32
      %parallel_loop3A_991 = arith.constant 0 : i32
      %parallel_loop3A_992 = tpu.memref_slice %arg8[%parallel_loop3A_760, %parallel_loop3A_988, %parallel_loop3A_989, %parallel_loop3A_990, %parallel_loop3A_991] : memref<2x16x2x8x128xf32, #tpu.memory_space<vmem>> -> memref<1x16x2x8x128xf32, #tpu.memory_space<vmem>>
      %parallel_loop3A_993 = tpu.memref_squeeze %parallel_loop3A_992 : memref<1x16x2x8x128xf32, #tpu.memory_space<vmem>> -> memref<16x2x8x128xf32, #tpu.memory_space<vmem>>
      %parallel_loop3A_994 = arith.index_cast %parallel_loop3A_850 : i32 to index
      %parallel_loop3A_995 = arith.index_cast %parallel_loop3A_987 : i32 to index
      %parallel_loop3A_996 = arith.index_cast %parallel_loop3A_866 : i32 to index
      %parallel_loop3A_997 = arith.constant 80 : index
      %parallel_loop3A_998 = tpu.vector_load %parallel_loop3A_993[%parallel_loop3A_994, %parallel_loop3A_995, %parallel_loop3A_996, %parallel_loop3A_997] {strides = array<i32>} : memref<16x2x8x128xf32, #tpu.memory_space<vmem>>, vector<16xf32>,
      tpu.vector_store %parallel_loop3A_993[%parallel_loop3A_994, %parallel_loop3A_995, %parallel_loop3A_996, %parallel_loop3A_997], %parallel_loop3A_986 {strides = array<i32>} : memref<16x2x8x128xf32, #tpu.memory_space<vmem>>, vector<16xf32>,
      %parallel_loop3A_999 = arith.constant 3 : i32
      %parallel_loop3A_1000 = arith.constant 0 : i32
      %parallel_loop3A_1001 = arith.constant 0 : i32
      %parallel_loop3A_1002 = arith.constant 0 : i32
      %parallel_loop3A_1003 = tpu.memref_slice %arg7[%parallel_loop3A_759, %parallel_loop3A_1000, %parallel_loop3A_1001, %parallel_loop3A_1002] : memref<2x6x128x32xf32, #tpu.memory_space<vmem>> -> memref<1x6x128x32xf32, #tpu.memory_space<vmem>>
      %parallel_loop3A_1004 = tpu.memref_squeeze %parallel_loop3A_1003 : memref<1x6x128x32xf32, #tpu.memory_space<vmem>> -> memref<6x128x32xf32, #tpu.memory_space<vmem>>
      %parallel_loop3A_1005 = arith.index_cast %parallel_loop3A_999 : i32 to index
      %parallel_loop3A_1006 = arith.index_cast %parallel_loop3A_826 : i32 to index
      %parallel_loop3A_1007 = arith.constant 0 : index
      %parallel_loop3A_1008 = tpu.vector_load %parallel_loop3A_1004[%parallel_loop3A_1005, %parallel_loop3A_1006, %parallel_loop3A_1007] {strides = array<i32>} : memref<6x128x32xf32, #tpu.memory_space<vmem>>, vector<16xf32>,
      %parallel_loop3A_1009 = arith.constant 0 : i32
      %parallel_loop3A_1010 = arith.constant 0 : i32
      %parallel_loop3A_1011 = arith.constant 0 : i32
      %parallel_loop3A_1012 = arith.constant 0 : i32
      %parallel_loop3A_1013 = arith.constant 0 : i32
      %parallel_loop3A_1014 = tpu.memref_slice %arg8[%parallel_loop3A_760, %parallel_loop3A_1010, %parallel_loop3A_1011, %parallel_loop3A_1012, %parallel_loop3A_1013] : memref<2x16x2x8x128xf32, #tpu.memory_space<vmem>> -> memref<1x16x2x8x128xf32, #tpu.memory_space<vmem>>
      %parallel_loop3A_1015 = tpu.memref_squeeze %parallel_loop3A_1014 : memref<1x16x2x8x128xf32, #tpu.memory_space<vmem>> -> memref<16x2x8x128xf32, #tpu.memory_space<vmem>>
      %parallel_loop3A_1016 = arith.index_cast %parallel_loop3A_850 : i32 to index
      %parallel_loop3A_1017 = arith.index_cast %parallel_loop3A_1009 : i32 to index
      %parallel_loop3A_1018 = arith.index_cast %parallel_loop3A_866 : i32 to index
      %parallel_loop3A_1019 = arith.constant 96 : index
      %parallel_loop3A_1020 = tpu.vector_load %parallel_loop3A_1015[%parallel_loop3A_1016, %parallel_loop3A_1017, %parallel_loop3A_1018, %parallel_loop3A_1019] {strides = array<i32>} : memref<16x2x8x128xf32, #tpu.memory_space<vmem>>, vector<16xf32>,
      tpu.vector_store %parallel_loop3A_1015[%parallel_loop3A_1016, %parallel_loop3A_1017, %parallel_loop3A_1018, %parallel_loop3A_1019], %parallel_loop3A_1008 {strides = array<i32>} : memref<16x2x8x128xf32, #tpu.memory_space<vmem>>, vector<16xf32>,
      %parallel_loop3A_1021 = arith.constant 3 : i32
      %parallel_loop3A_1022 = arith.constant 0 : i32
      %parallel_loop3A_1023 = arith.constant 0 : i32
      %parallel_loop3A_1024 = arith.constant 0 : i32
      %parallel_loop3A_1025 = tpu.memref_slice %arg7[%parallel_loop3A_759, %parallel_loop3A_1022, %parallel_loop3A_1023, %parallel_loop3A_1024] : memref<2x6x128x32xf32, #tpu.memory_space<vmem>> -> memref<1x6x128x32xf32, #tpu.memory_space<vmem>>
      %parallel_loop3A_1026 = tpu.memref_squeeze %parallel_loop3A_1025 : memref<1x6x128x32xf32, #tpu.memory_space<vmem>> -> memref<6x128x32xf32, #tpu.memory_space<vmem>>
      %parallel_loop3A_1027 = arith.index_cast %parallel_loop3A_1021 : i32 to index
      %parallel_loop3A_1028 = arith.index_cast %parallel_loop3A_826 : i32 to index
      %parallel_loop3A_1029 = arith.constant 16 : index
      %parallel_loop3A_1030 = tpu.vector_load %parallel_loop3A_1026[%parallel_loop3A_1027, %parallel_loop3A_1028, %parallel_loop3A_1029] {strides = array<i32>} : memref<6x128x32xf32, #tpu.memory_space<vmem>>, vector<16xf32>,
      %parallel_loop3A_1031 = arith.constant 0 : i32
      %parallel_loop3A_1032 = arith.constant 0 : i32
      %parallel_loop3A_1033 = arith.constant 0 : i32
      %parallel_loop3A_1034 = arith.constant 0 : i32
      %parallel_loop3A_1035 = arith.constant 0 : i32
      %parallel_loop3A_1036 = tpu.memref_slice %arg8[%parallel_loop3A_760, %parallel_loop3A_1032, %parallel_loop3A_1033, %parallel_loop3A_1034, %parallel_loop3A_1035] : memref<2x16x2x8x128xf32, #tpu.memory_space<vmem>> -> memref<1x16x2x8x128xf32, #tpu.memory_space<vmem>>
      %parallel_loop3A_1037 = tpu.memref_squeeze %parallel_loop3A_1036 : memref<1x16x2x8x128xf32, #tpu.memory_space<vmem>> -> memref<16x2x8x128xf32, #tpu.memory_space<vmem>>
      %parallel_loop3A_1038 = arith.index_cast %parallel_loop3A_850 : i32 to index
      %parallel_loop3A_1039 = arith.index_cast %parallel_loop3A_1031 : i32 to index
      %parallel_loop3A_1040 = arith.index_cast %parallel_loop3A_866 : i32 to index
      %parallel_loop3A_1041 = arith.constant 112 : index
      %parallel_loop3A_1042 = tpu.vector_load %parallel_loop3A_1037[%parallel_loop3A_1038, %parallel_loop3A_1039, %parallel_loop3A_1040, %parallel_loop3A_1041] {strides = array<i32>} : memref<16x2x8x128xf32, #tpu.memory_space<vmem>>, vector<16xf32>,
      tpu.vector_store %parallel_loop3A_1037[%parallel_loop3A_1038, %parallel_loop3A_1039, %parallel_loop3A_1040, %parallel_loop3A_1041], %parallel_loop3A_1030 {strides = array<i32>} : memref<16x2x8x128xf32, #tpu.memory_space<vmem>>, vector<16xf32>,
      %parallel_loop3A_1043 = arith.constant 4 : i32
      %parallel_loop3A_1044 = arith.constant 0 : i32
      %parallel_loop3A_1045 = arith.constant 0 : i32
      %parallel_loop3A_1046 = arith.constant 0 : i32
      %parallel_loop3A_1047 = tpu.memref_slice %arg7[%parallel_loop3A_759, %parallel_loop3A_1044, %parallel_loop3A_1045, %parallel_loop3A_1046] : memref<2x6x128x32xf32, #tpu.memory_space<vmem>> -> memref<1x6x128x32xf32, #tpu.memory_space<vmem>>
      %parallel_loop3A_1048 = tpu.memref_squeeze %parallel_loop3A_1047 : memref<1x6x128x32xf32, #tpu.memory_space<vmem>> -> memref<6x128x32xf32, #tpu.memory_space<vmem>>
      %parallel_loop3A_1049 = arith.index_cast %parallel_loop3A_1043 : i32 to index
      %parallel_loop3A_1050 = arith.index_cast %parallel_loop3A_826 : i32 to index
      %parallel_loop3A_1051 = arith.constant 0 : index
      %parallel_loop3A_1052 = tpu.vector_load %parallel_loop3A_1048[%parallel_loop3A_1049, %parallel_loop3A_1050, %parallel_loop3A_1051] {strides = array<i32>} : memref<6x128x32xf32, #tpu.memory_space<vmem>>, vector<16xf32>,
      %parallel_loop3A_1053 = arith.constant 1 : i32
      %parallel_loop3A_1054 = arith.constant 0 : i32
      %parallel_loop3A_1055 = arith.constant 0 : i32
      %parallel_loop3A_1056 = arith.constant 0 : i32
      %parallel_loop3A_1057 = arith.constant 0 : i32
      %parallel_loop3A_1058 = tpu.memref_slice %arg8[%parallel_loop3A_760, %parallel_loop3A_1054, %parallel_loop3A_1055, %parallel_loop3A_1056, %parallel_loop3A_1057] : memref<2x16x2x8x128xf32, #tpu.memory_space<vmem>> -> memref<1x16x2x8x128xf32, #tpu.memory_space<vmem>>
      %parallel_loop3A_1059 = tpu.memref_squeeze %parallel_loop3A_1058 : memref<1x16x2x8x128xf32, #tpu.memory_space<vmem>> -> memref<16x2x8x128xf32, #tpu.memory_space<vmem>>
      %parallel_loop3A_1060 = arith.index_cast %parallel_loop3A_850 : i32 to index
      %parallel_loop3A_1061 = arith.index_cast %parallel_loop3A_1053 : i32 to index
      %parallel_loop3A_1062 = arith.index_cast %parallel_loop3A_866 : i32 to index
      %parallel_loop3A_1063 = arith.constant 0 : index
      %parallel_loop3A_1064 = tpu.vector_load %parallel_loop3A_1059[%parallel_loop3A_1060, %parallel_loop3A_1061, %parallel_loop3A_1062, %parallel_loop3A_1063] {strides = array<i32>} : memref<16x2x8x128xf32, #tpu.memory_space<vmem>>, vector<16xf32>,
      tpu.vector_store %parallel_loop3A_1059[%parallel_loop3A_1060, %parallel_loop3A_1061, %parallel_loop3A_1062, %parallel_loop3A_1063], %parallel_loop3A_1052 {strides = array<i32>} : memref<16x2x8x128xf32, #tpu.memory_space<vmem>>, vector<16xf32>,
      %parallel_loop3A_1065 = arith.constant 4 : i32
      %parallel_loop3A_1066 = arith.constant 0 : i32
      %parallel_loop3A_1067 = arith.constant 0 : i32
      %parallel_loop3A_1068 = arith.constant 0 : i32
      %parallel_loop3A_1069 = tpu.memref_slice %arg7[%parallel_loop3A_759, %parallel_loop3A_1066, %parallel_loop3A_1067, %parallel_loop3A_1068] : memref<2x6x128x32xf32, #tpu.memory_space<vmem>> -> memref<1x6x128x32xf32, #tpu.memory_space<vmem>>
      %parallel_loop3A_1070 = tpu.memref_squeeze %parallel_loop3A_1069 : memref<1x6x128x32xf32, #tpu.memory_space<vmem>> -> memref<6x128x32xf32, #tpu.memory_space<vmem>>
      %parallel_loop3A_1071 = arith.index_cast %parallel_loop3A_1065 : i32 to index
      %parallel_loop3A_1072 = arith.index_cast %parallel_loop3A_826 : i32 to index
      %parallel_loop3A_1073 = arith.constant 16 : index
      %parallel_loop3A_1074 = tpu.vector_load %parallel_loop3A_1070[%parallel_loop3A_1071, %parallel_loop3A_1072, %parallel_loop3A_1073] {strides = array<i32>} : memref<6x128x32xf32, #tpu.memory_space<vmem>>, vector<16xf32>,
      %parallel_loop3A_1075 = arith.constant 1 : i32
      %parallel_loop3A_1076 = arith.constant 0 : i32
      %parallel_loop3A_1077 = arith.constant 0 : i32
      %parallel_loop3A_1078 = arith.constant 0 : i32
      %parallel_loop3A_1079 = arith.constant 0 : i32
      %parallel_loop3A_1080 = tpu.memref_slice %arg8[%parallel_loop3A_760, %parallel_loop3A_1076, %parallel_loop3A_1077, %parallel_loop3A_1078, %parallel_loop3A_1079] : memref<2x16x2x8x128xf32, #tpu.memory_space<vmem>> -> memref<1x16x2x8x128xf32, #tpu.memory_space<vmem>>
      %parallel_loop3A_1081 = tpu.memref_squeeze %parallel_loop3A_1080 : memref<1x16x2x8x128xf32, #tpu.memory_space<vmem>> -> memref<16x2x8x128xf32, #tpu.memory_space<vmem>>
      %parallel_loop3A_1082 = arith.index_cast %parallel_loop3A_850 : i32 to index
      %parallel_loop3A_1083 = arith.index_cast %parallel_loop3A_1075 : i32 to index
      %parallel_loop3A_1084 = arith.index_cast %parallel_loop3A_866 : i32 to index
      %parallel_loop3A_1085 = arith.constant 16 : index
      %parallel_loop3A_1086 = tpu.vector_load %parallel_loop3A_1081[%parallel_loop3A_1082, %parallel_loop3A_1083, %parallel_loop3A_1084, %parallel_loop3A_1085] {strides = array<i32>} : memref<16x2x8x128xf32, #tpu.memory_space<vmem>>, vector<16xf32>,
      tpu.vector_store %parallel_loop3A_1081[%parallel_loop3A_1082, %parallel_loop3A_1083, %parallel_loop3A_1084, %parallel_loop3A_1085], %parallel_loop3A_1074 {strides = array<i32>} : memref<16x2x8x128xf32, #tpu.memory_space<vmem>>, vector<16xf32>,
      %parallel_loop3A_1087 = arith.constant 5 : i32
      %parallel_loop3A_1088 = arith.constant 0 : i32
      %parallel_loop3A_1089 = arith.constant 0 : i32
      %parallel_loop3A_1090 = arith.constant 0 : i32
      %parallel_loop3A_1091 = tpu.memref_slice %arg7[%parallel_loop3A_759, %parallel_loop3A_1088, %parallel_loop3A_1089, %parallel_loop3A_1090] : memref<2x6x128x32xf32, #tpu.memory_space<vmem>> -> memref<1x6x128x32xf32, #tpu.memory_space<vmem>>
      %parallel_loop3A_1092 = tpu.memref_squeeze %parallel_loop3A_1091 : memref<1x6x128x32xf32, #tpu.memory_space<vmem>> -> memref<6x128x32xf32, #tpu.memory_space<vmem>>
      %parallel_loop3A_1093 = arith.index_cast %parallel_loop3A_1087 : i32 to index
      %parallel_loop3A_1094 = arith.index_cast %parallel_loop3A_826 : i32 to index
      %parallel_loop3A_1095 = arith.constant 0 : index
      %parallel_loop3A_1096 = tpu.vector_load %parallel_loop3A_1092[%parallel_loop3A_1093, %parallel_loop3A_1094, %parallel_loop3A_1095] {strides = array<i32>} : memref<6x128x32xf32, #tpu.memory_space<vmem>>, vector<16xf32>,
      %parallel_loop3A_1097 = arith.constant 1 : i32
      %parallel_loop3A_1098 = arith.constant 0 : i32
      %parallel_loop3A_1099 = arith.constant 0 : i32
      %parallel_loop3A_1100 = arith.constant 0 : i32
      %parallel_loop3A_1101 = arith.constant 0 : i32
      %parallel_loop3A_1102 = tpu.memref_slice %arg8[%parallel_loop3A_760, %parallel_loop3A_1098, %parallel_loop3A_1099, %parallel_loop3A_1100, %parallel_loop3A_1101] : memref<2x16x2x8x128xf32, #tpu.memory_space<vmem>> -> memref<1x16x2x8x128xf32, #tpu.memory_space<vmem>>
      %parallel_loop3A_1103 = tpu.memref_squeeze %parallel_loop3A_1102 : memref<1x16x2x8x128xf32, #tpu.memory_space<vmem>> -> memref<16x2x8x128xf32, #tpu.memory_space<vmem>>
      %parallel_loop3A_1104 = arith.index_cast %parallel_loop3A_850 : i32 to index
      %parallel_loop3A_1105 = arith.index_cast %parallel_loop3A_1097 : i32 to index
      %parallel_loop3A_1106 = arith.index_cast %parallel_loop3A_866 : i32 to index
      %parallel_loop3A_1107 = arith.constant 32 : index
      %parallel_loop3A_1108 = tpu.vector_load %parallel_loop3A_1103[%parallel_loop3A_1104, %parallel_loop3A_1105, %parallel_loop3A_1106, %parallel_loop3A_1107] {strides = array<i32>} : memref<16x2x8x128xf32, #tpu.memory_space<vmem>>, vector<16xf32>,
      tpu.vector_store %parallel_loop3A_1103[%parallel_loop3A_1104, %parallel_loop3A_1105, %parallel_loop3A_1106, %parallel_loop3A_1107], %parallel_loop3A_1096 {strides = array<i32>} : memref<16x2x8x128xf32, #tpu.memory_space<vmem>>, vector<16xf32>,
      %parallel_loop3A_1109 = arith.constant 5 : i32
      %parallel_loop3A_1110 = arith.constant 0 : i32
      %parallel_loop3A_1111 = arith.constant 0 : i32
      %parallel_loop3A_1112 = arith.constant 0 : i32
      %parallel_loop3A_1113 = tpu.memref_slice %arg7[%parallel_loop3A_759, %parallel_loop3A_1110, %parallel_loop3A_1111, %parallel_loop3A_1112] : memref<2x6x128x32xf32, #tpu.memory_space<vmem>> -> memref<1x6x128x32xf32, #tpu.memory_space<vmem>>
      %parallel_loop3A_1114 = tpu.memref_squeeze %parallel_loop3A_1113 : memref<1x6x128x32xf32, #tpu.memory_space<vmem>> -> memref<6x128x32xf32, #tpu.memory_space<vmem>>
      %parallel_loop3A_1115 = arith.index_cast %parallel_loop3A_1109 : i32 to index
      %parallel_loop3A_1116 = arith.index_cast %parallel_loop3A_826 : i32 to index
      %parallel_loop3A_1117 = arith.constant 16 : index
      %parallel_loop3A_1118 = tpu.vector_load %parallel_loop3A_1114[%parallel_loop3A_1115, %parallel_loop3A_1116, %parallel_loop3A_1117] {strides = array<i32>} : memref<6x128x32xf32, #tpu.memory_space<vmem>>, vector<16xf32>,
      %parallel_loop3A_1119 = arith.constant 1 : i32
      %parallel_loop3A_1120 = arith.constant 0 : i32
      %parallel_loop3A_1121 = arith.constant 0 : i32
      %parallel_loop3A_1122 = arith.constant 0 : i32
      %parallel_loop3A_1123 = arith.constant 0 : i32
      %parallel_loop3A_1124 = tpu.memref_slice %arg8[%parallel_loop3A_760, %parallel_loop3A_1120, %parallel_loop3A_1121, %parallel_loop3A_1122, %parallel_loop3A_1123] : memref<2x16x2x8x128xf32, #tpu.memory_space<vmem>> -> memref<1x16x2x8x128xf32, #tpu.memory_space<vmem>>
      %parallel_loop3A_1125 = tpu.memref_squeeze %parallel_loop3A_1124 : memref<1x16x2x8x128xf32, #tpu.memory_space<vmem>> -> memref<16x2x8x128xf32, #tpu.memory_space<vmem>>
      %parallel_loop3A_1126 = arith.index_cast %parallel_loop3A_850 : i32 to index
      %parallel_loop3A_1127 = arith.index_cast %parallel_loop3A_1119 : i32 to index
      %parallel_loop3A_1128 = arith.index_cast %parallel_loop3A_866 : i32 to index
      %parallel_loop3A_1129 = arith.constant 48 : index
      %parallel_loop3A_1130 = tpu.vector_load %parallel_loop3A_1125[%parallel_loop3A_1126, %parallel_loop3A_1127, %parallel_loop3A_1128, %parallel_loop3A_1129] {strides = array<i32>} : memref<16x2x8x128xf32, #tpu.memory_space<vmem>>, vector<16xf32>,
      tpu.vector_store %parallel_loop3A_1125[%parallel_loop3A_1126, %parallel_loop3A_1127, %parallel_loop3A_1128, %parallel_loop3A_1129], %parallel_loop3A_1118 {strides = array<i32>} : memref<16x2x8x128xf32, #tpu.memory_space<vmem>>, vector<16xf32>,
    } {sc.loop_unroll_factor = 4 : i64, sc.parallel_access}
    %add3A_761 = arith.constant 48 : i32
    %add3A_762 = arith.addi %mul3A_2, %add3A_761 : i32
    %dma_start3A_763 = arith.constant 1 : i32
    %dma_start3A_764 = arith.constant 0 : i32
    %dma_start3A_765 = arith.constant 0 : i32
    %dma_start3A_766 = arith.constant 0 : i32
    %dma_start3A_767 = arith.constant 0 : i32
    %dma_start3A_768 = tpu.memref_slice %arg8[%dma_start3A_763, %dma_start3A_764, %dma_start3A_765, %dma_start3A_766, %dma_start3A_767] : memref<2x16x2x8x128xf32, #tpu.memory_space<vmem>> -> memref<1x16x2x8x128xf32, #tpu.memory_space<vmem>>
    %dma_start3A_769 = tpu.memref_squeeze %dma_start3A_768 : memref<1x16x2x8x128xf32, #tpu.memory_space<vmem>> -> memref<16x2x8x128xf32, #tpu.memory_space<vmem>>
    %dma_start3A_770 = arith.constant 0 : i32
    %dma_start3A_771 = arith.constant 0 : i32
    %dma_start3A_772 = arith.constant 0 : i32
    %dma_start3A_773 = tpu.memref_slice %arg5[%add3A_762, %dma_start3A_770, %dma_start3A_771, %dma_start3A_772] : memref<2048x2x8x128xf32, #tpu.memory_space<hbm>> -> memref<16x2x8x128xf32, #tpu.memory_space<hbm>>
    %dma_start3A_774 = arith.constant 0 : i32
    %dma_start3A_775 = arith.constant 0 : i32
    %dma_start3A_776 = arith.constant 0 : i32
    %dma_start3A_777 = tpu.memref_slice %arg5[%add3A_762, %dma_start3A_774, %dma_start3A_775, %dma_start3A_776] : memref<2048x2x8x128xf32, #tpu.memory_space<hbm>> -> memref<16x2x8x128xf32, #tpu.memory_space<hbm>>
    %dma_start3A_778 = arith.constant 0 : i32
    %dma_start3A_779 = arith.constant 0 : i32
    %dma_start3A_780 = arith.constant 0 : i32
    %dma_start3A_781 = arith.constant 0 : i32
    %dma_start3A_782 = tpu.memref_slice %arg8[%dma_start3A_763, %dma_start3A_778, %dma_start3A_779, %dma_start3A_780, %dma_start3A_781] : memref<2x16x2x8x128xf32, #tpu.memory_space<vmem>> -> memref<1x16x2x8x128xf32, #tpu.memory_space<vmem>>
    %dma_start3A_783 = tpu.memref_squeeze %dma_start3A_782 : memref<1x16x2x8x128xf32, #tpu.memory_space<vmem>> -> memref<16x2x8x128xf32, #tpu.memory_space<vmem>>
    tpu.enqueue_dma source(%dma_start3A_783 : memref<16x2x8x128xf32, #tpu.memory_space<vmem>>) target(%dma_start3A_777 : memref<16x2x8x128xf32, #tpu.memory_space<hbm>>) target_semaphore(%arg10 : memref<!tpu.dma_semaphore, #tpu.memory_space<semaphore_mem>>)
    %dma_wait3A_784 = arith.constant 0 : i32
    %dma_wait3A_785 = arith.constant 0 : i32
    %dma_wait3A_786 = arith.constant 0 : i32
    %dma_wait3A_787 = arith.constant 0 : i32
    %dma_wait3A_788 = arith.constant 0 : i32
    %dma_wait3A_789 = tpu.memref_slice %arg8[%dma_wait3A_784, %dma_wait3A_785, %dma_wait3A_786, %dma_wait3A_787, %dma_wait3A_788] : memref<2x16x2x8x128xf32, #tpu.memory_space<vmem>> -> memref<1x16x2x8x128xf32, #tpu.memory_space<vmem>>
    %dma_wait3A_790 = tpu.memref_squeeze %dma_wait3A_789 : memref<1x16x2x8x128xf32, #tpu.memory_space<vmem>> -> memref<16x2x8x128xf32, #tpu.memory_space<vmem>>
    %dma_wait3A_791 = arith.constant 0 : i32
    %dma_wait3A_792 = arith.constant 0 : i32
    %dma_wait3A_793 = arith.constant 0 : i32
    %dma_wait3A_794 = tpu.memref_slice %arg5[%add3A_635, %dma_wait3A_791, %dma_wait3A_792, %dma_wait3A_793] : memref<2048x2x8x128xf32, #tpu.memory_space<hbm>> -> memref<16x2x8x128xf32, #tpu.memory_space<hbm>>
    %dma_wait3A_795 = arith.constant 0 : i32
    %dma_wait3A_796 = arith.constant 0 : i32
    %dma_wait3A_797 = arith.constant 0 : i32
    %dma_wait3A_798 = tpu.memref_slice %arg5[%add3A_635, %dma_wait3A_795, %dma_wait3A_796, %dma_wait3A_797] : memref<2048x2x8x128xf32, #tpu.memory_space<hbm>> -> memref<16x2x8x128xf32, #tpu.memory_space<hbm>>
    %dma_wait3A_799 = arith.constant 0 : i32
    %dma_wait3A_800 = arith.constant 0 : i32
    %dma_wait3A_801 = arith.constant 0 : i32
    %dma_wait3A_802 = arith.constant 0 : i32
    %dma_wait3A_803 = tpu.memref_slice %arg8[%dma_wait3A_784, %dma_wait3A_799, %dma_wait3A_800, %dma_wait3A_801, %dma_wait3A_802] : memref<2x16x2x8x128xf32, #tpu.memory_space<vmem>> -> memref<1x16x2x8x128xf32, #tpu.memory_space<vmem>>
    %dma_wait3A_804 = tpu.memref_squeeze %dma_wait3A_803 : memref<1x16x2x8x128xf32, #tpu.memory_space<vmem>> -> memref<16x2x8x128xf32, #tpu.memory_space<vmem>>
    tpu.wait_dma2 semaphore(%arg10 : memref<!tpu.dma_semaphore, #tpu.memory_space<semaphore_mem>>) src(%dma_wait3A_804 : memref<16x2x8x128xf32, #tpu.memory_space<vmem>>) dst(%dma_wait3A_798 : memref<16x2x8x128xf32, #tpu.memory_space<hbm>>)
    %dma_wait3A_805 = arith.constant 1 : i32
    %dma_wait3A_806 = arith.constant 0 : i32
    %dma_wait3A_807 = arith.constant 0 : i32
    %dma_wait3A_808 = arith.constant 0 : i32
    %dma_wait3A_809 = arith.constant 0 : i32
    %dma_wait3A_810 = tpu.memref_slice %arg8[%dma_wait3A_805, %dma_wait3A_806, %dma_wait3A_807, %dma_wait3A_808, %dma_wait3A_809] : memref<2x16x2x8x128xf32, #tpu.memory_space<vmem>> -> memref<1x16x2x8x128xf32, #tpu.memory_space<vmem>>
    %dma_wait3A_811 = tpu.memref_squeeze %dma_wait3A_810 : memref<1x16x2x8x128xf32, #tpu.memory_space<vmem>> -> memref<16x2x8x128xf32, #tpu.memory_space<vmem>>
    %dma_wait3A_812 = arith.constant 0 : i32
    %dma_wait3A_813 = arith.constant 0 : i32
    %dma_wait3A_814 = arith.constant 0 : i32
    %dma_wait3A_815 = tpu.memref_slice %arg5[%add3A_762, %dma_wait3A_812, %dma_wait3A_813, %dma_wait3A_814] : memref<2048x2x8x128xf32, #tpu.memory_space<hbm>> -> memref<16x2x8x128xf32, #tpu.memory_space<hbm>>
    %dma_wait3A_816 = arith.constant 0 : i32
    %dma_wait3A_817 = arith.constant 0 : i32
    %dma_wait3A_818 = arith.constant 0 : i32
    %dma_wait3A_819 = tpu.memref_slice %arg5[%add3A_762, %dma_wait3A_816, %dma_wait3A_817, %dma_wait3A_818] : memref<2048x2x8x128xf32, #tpu.memory_space<hbm>> -> memref<16x2x8x128xf32, #tpu.memory_space<hbm>>
    %dma_wait3A_820 = arith.constant 0 : i32
    %dma_wait3A_821 = arith.constant 0 : i32
    %dma_wait3A_822 = arith.constant 0 : i32
    %dma_wait3A_823 = arith.constant 0 : i32
    %dma_wait3A_824 = tpu.memref_slice %arg8[%dma_wait3A_805, %dma_wait3A_820, %dma_wait3A_821, %dma_wait3A_822, %dma_wait3A_823] : memref<2x16x2x8x128xf32, #tpu.memory_space<vmem>> -> memref<1x16x2x8x128xf32, #tpu.memory_space<vmem>>
    %dma_wait3A_825 = tpu.memref_squeeze %dma_wait3A_824 : memref<1x16x2x8x128xf32, #tpu.memory_space<vmem>> -> memref<16x2x8x128xf32, #tpu.memory_space<vmem>>
    tpu.wait_dma2 semaphore(%arg10 : memref<!tpu.dma_semaphore, #tpu.memory_space<semaphore_mem>>) src(%dma_wait3A_825 : memref<16x2x8x128xf32, #tpu.memory_space<vmem>>) dst(%dma_wait3A_819 : memref<16x2x8x128xf32, #tpu.memory_space<hbm>>)
    return
  }
}

module attributes {stable_mosaic.version = 14 : i64} {
  func.func @_mlp_body(%arg0: i32, %arg1: memref<512x2x8x128xf32, #tpu.memory_space<vmem>>, %arg2: memref<4096x10xf32, #tpu.memory_space<vmem>>, %arg3: memref<128x128xf32, #tpu.memory_space<vmem>>, %arg4: memref<128x128xf32, #tpu.memory_space<vmem>>, %arg5: memref<4x128xf32, #tpu.memory_space<vmem>>, %arg6: memref<1x128xf32, #tpu.memory_space<vmem>>, %arg7: memref<128x64xf32, #tpu.memory_space<vmem>>, %arg8: memref<1x64xf32, #tpu.memory_space<vmem>>, %arg9: memref<64x18xf32, #tpu.memory_space<vmem>>, %arg10: memref<1x18xf32, #tpu.memory_space<vmem>>, %arg11: memref<4096x18xf32, #tpu.memory_space<vmem>>) attributes {dimension_semantics = [#tpu.dimension_semantics<arbitrary>], iteration_bounds = array<i64: 4>, scalar_prefetch = 0 : i64, scratch_operands = 0 : i64, tpu.core_type = #tpu.core_type<tc>, window_params = [{transform_indices = @transform_0, window_bounds = array<i64: 512, 2, 8, 128>}, {transform_indices = @transform_1, window_bounds = array<i64: 4096, 10>}, {pipeline_mode = #tpu.pipeline_mode<synchronous>, transform_indices = @transform_2, window_bounds = array<i64: 128, 128>}, {pipeline_mode = #tpu.pipeline_mode<synchronous>, transform_indices = @transform_3, window_bounds = array<i64: 128, 128>}, {pipeline_mode = #tpu.pipeline_mode<synchronous>, transform_indices = @transform_4, window_bounds = array<i64: 4, 128>}, {pipeline_mode = #tpu.pipeline_mode<synchronous>, transform_indices = @transform_5, window_bounds = array<i64: 1, 128>}, {pipeline_mode = #tpu.pipeline_mode<synchronous>, transform_indices = @transform_6, window_bounds = array<i64: 128, 64>}, {pipeline_mode = #tpu.pipeline_mode<synchronous>, transform_indices = @transform_7, window_bounds = array<i64: 1, 64>}, {pipeline_mode = #tpu.pipeline_mode<synchronous>, transform_indices = @transform_8, window_bounds = array<i64: 64, 18>}, {pipeline_mode = #tpu.pipeline_mode<synchronous>, transform_indices = @transform_9, window_bounds = array<i64: 1, 18>}, {transform_indices = @transform_10, window_bounds = array<i64: 4096, 18>}]} {
    %get3A = arith.constant 0 : index
    %get3A_0 = arith.constant 0 : index
    %get3A_1 = arith.constant 0 : index
    %get3A_2 = arith.constant 0 : index
    %get3A_3 = vector.load %arg1[%get3A, %get3A_0, %get3A_1, %get3A_2] : memref<512x2x8x128xf32, #tpu.memory_space<vmem>>, vector<512x1x8x128xf32>
    %get3A_4 = vector.shape_cast %get3A_3 : vector<512x1x8x128xf32> to vector<512x8x128xf32>
    %reshape3A = vector.shape_cast %get3A_4 : vector<512x8x128xf32> to vector<4096x128xf32>
    %get3A_5 = arith.constant 0 : index
    %get3A_6 = arith.constant 1 : index
    %get3A_7 = arith.constant 0 : index
    %get3A_8 = arith.constant 0 : index
    %get3A_9 = vector.load %arg1[%get3A_5, %get3A_6, %get3A_7, %get3A_8] : memref<512x2x8x128xf32, #tpu.memory_space<vmem>>, vector<512x1x8x128xf32>
    %get3A_10 = vector.shape_cast %get3A_9 : vector<512x1x8x128xf32> to vector<512x8x128xf32>
    %reshape3A_11 = vector.shape_cast %get3A_10 : vector<512x8x128xf32> to vector<4096x128xf32>
    %get3A_12 = arith.constant 0 : index
    %get3A_13 = arith.constant 0 : index
    %get3A_14 = vector.load %arg3[%get3A_12, %get3A_13] : memref<128x128xf32, #tpu.memory_space<vmem>>, vector<128x128xf32>
    %dot_general3A = arith.constant dense<0.000000e+00> : vector<4096x128xf32>
    %dot_general3A_15 = tpu.matmul %reshape3A, %get3A_14, %dot_general3A {dimension_numbers = #tpu.dot_dimension_numbers<[1], [0], [0], [1], [0, 0, 1, 1], [], []>, transpose_lhs_hint = false} : vector<4096x128xf32>, vector<128x128xf32>, vector<4096x128xf32> -> vector<4096x128xf32>
    %get3A_16 = arith.constant 0 : index
    %get3A_17 = arith.constant 0 : index
    %get3A_18 = vector.load %arg4[%get3A_16, %get3A_17] : memref<128x128xf32, #tpu.memory_space<vmem>>, vector<128x128xf32>
    %dot_general3A_19 = arith.constant dense<0.000000e+00> : vector<4096x128xf32>
    %dot_general3A_20 = tpu.matmul %reshape3A_11, %get3A_18, %dot_general3A_19 {dimension_numbers = #tpu.dot_dimension_numbers<[1], [0], [0], [1], [0, 0, 1, 1], [], []>, transpose_lhs_hint = false} : vector<4096x128xf32>, vector<128x128xf32>, vector<4096x128xf32> -> vector<4096x128xf32>
    %add3A = arith.addf %dot_general3A_15, %dot_general3A_20 : vector<4096x128xf32>
    %get3A_21 = arith.constant 0 : index
    %get3A_22 = arith.constant 6 : index
    %get3A_23 = vector.load %arg2[%get3A_21, %get3A_22] : memref<4096x10xf32, #tpu.memory_space<vmem>>, vector<4096x4xf32>
    %get3A_24 = arith.constant 0 : index
    %get3A_25 = arith.constant 0 : index
    %get3A_26 = vector.load %arg5[%get3A_24, %get3A_25] : memref<4x128xf32, #tpu.memory_space<vmem>>, vector<4x128xf32>
    %dot_general3A_27 = arith.constant dense<0.000000e+00> : vector<4096x128xf32>
    %dot_general3A_28 = tpu.matmul %get3A_23, %get3A_26, %dot_general3A_27 {dimension_numbers = #tpu.dot_dimension_numbers<[1], [0], [0], [1], [0, 0, 1, 1], [], []>, transpose_lhs_hint = false} : vector<4096x4xf32>, vector<4x128xf32>, vector<4096x128xf32> -> vector<4096x128xf32>
    %add3A_29 = arith.addf %add3A, %dot_general3A_28 : vector<4096x128xf32>
    %get3A_30 = arith.constant 0 : index
    %get3A_31 = arith.constant 0 : index
    %get3A_32 = vector.load %arg6[%get3A_30, %get3A_31] : memref<1x128xf32, #tpu.memory_space<vmem>>, vector<1x128xf32>
    %add3A_33 = vector.broadcast %get3A_32 : vector<1x128xf32> to vector<4096x128xf32>
    %add3A_34 = arith.addf %add3A_29, %add3A_33 : vector<4096x128xf32>
    %max3A = arith.constant 0.000000e+00 : f32
    %max3A_35 = vector.broadcast %max3A : f32 to vector<4096x128xf32>
    %max3A_36 = arith.maximumf %add3A_34, %max3A_35 : vector<4096x128xf32>
    %get3A_37 = arith.constant 0 : index
    %get3A_38 = arith.constant 0 : index
    %get3A_39 = vector.load %arg7[%get3A_37, %get3A_38] : memref<128x64xf32, #tpu.memory_space<vmem>>, vector<128x64xf32>
    %dot_general3A_40 = arith.constant dense<0.000000e+00> : vector<4096x64xf32>
    %dot_general3A_41 = tpu.matmul %max3A_36, %get3A_39, %dot_general3A_40 {dimension_numbers = #tpu.dot_dimension_numbers<[1], [0], [0], [1], [0, 0, 1, 1], [], []>, transpose_lhs_hint = false} : vector<4096x128xf32>, vector<128x64xf32>, vector<4096x64xf32> -> vector<4096x64xf32>
    %get3A_42 = arith.constant 0 : index
    %get3A_43 = arith.constant 0 : index
    %get3A_44 = vector.load %arg8[%get3A_42, %get3A_43] : memref<1x64xf32, #tpu.memory_space<vmem>>, vector<1x64xf32>
    %add3A_45 = vector.broadcast %get3A_44 : vector<1x64xf32> to vector<4096x64xf32>
    %add3A_46 = arith.addf %dot_general3A_41, %add3A_45 : vector<4096x64xf32>
    %max3A_47 = arith.constant 0.000000e+00 : f32
    %max3A_48 = vector.broadcast %max3A_47 : f32 to vector<4096x64xf32>
    %max3A_49 = arith.maximumf %add3A_46, %max3A_48 : vector<4096x64xf32>
    %get3A_50 = arith.constant 0 : index
    %get3A_51 = arith.constant 0 : index
    %get3A_52 = vector.load %arg9[%get3A_50, %get3A_51] : memref<64x18xf32, #tpu.memory_space<vmem>>, vector<64x18xf32>
    %dot_general3A_53 = arith.constant dense<0.000000e+00> : vector<4096x18xf32>
    %dot_general3A_54 = tpu.matmul %max3A_49, %get3A_52, %dot_general3A_53 {dimension_numbers = #tpu.dot_dimension_numbers<[1], [0], [0], [1], [0, 0, 1, 1], [], []>, transpose_lhs_hint = false} : vector<4096x64xf32>, vector<64x18xf32>, vector<4096x18xf32> -> vector<4096x18xf32>
    %get3A_55 = arith.constant 0 : index
    %get3A_56 = arith.constant 0 : index
    %get3A_57 = vector.load %arg10[%get3A_55, %get3A_56] : memref<1x18xf32, #tpu.memory_space<vmem>>, vector<1x18xf32>
    %add3A_58 = vector.broadcast %get3A_57 : vector<1x18xf32> to vector<4096x18xf32>
    %add3A_59 = arith.addf %dot_general3A_54, %add3A_58 : vector<4096x18xf32>
    %swap3A = arith.constant 0 : index
    %swap3A_60 = arith.constant 0 : index
    %swap3A_61 = vector.load %arg11[%swap3A, %swap3A_60] : memref<4096x18xf32, #tpu.memory_space<vmem>>, vector<4096x18xf32>
    tpu.vector_store %arg11[%swap3A, %swap3A_60], %add3A_59 {strides = array<i32>} : memref<4096x18xf32, #tpu.memory_space<vmem>>, vector<4096x18xf32>,
    return
  }
  func.func @transform_0(%arg0: i32) -> (i32, i32, i32, i32) {
    %c0_i32 = arith.constant 0 : i32
    %c0_i32_0 = arith.constant 0 : i32
    %c0_i32_1 = arith.constant 0 : i32
    %c0_i32_2 = arith.constant 0 : i32
    return %arg0, %c0_i32, %c0_i32_0, %c0_i32_1 : i32, i32, i32, i32
  }
  func.func @transform_1(%arg0: i32) -> (i32, i32) {
    %c0_i32 = arith.constant 0 : i32
    %c0_i32_0 = arith.constant 0 : i32
    return %arg0, %c0_i32 : i32, i32
  }
  func.func @transform_2(%arg0: i32) -> (i32, i32) {
    %c0_i32 = arith.constant 0 : i32
    %c0_i32_0 = arith.constant 0 : i32
    %c0_i32_1 = arith.constant 0 : i32
    return %c0_i32, %c0_i32_0 : i32, i32
  }
  func.func @transform_3(%arg0: i32) -> (i32, i32) {
    %c0_i32 = arith.constant 0 : i32
    %c0_i32_0 = arith.constant 0 : i32
    %c0_i32_1 = arith.constant 0 : i32
    return %c0_i32, %c0_i32_0 : i32, i32
  }
  func.func @transform_4(%arg0: i32) -> (i32, i32) {
    %c0_i32 = arith.constant 0 : i32
    %c0_i32_0 = arith.constant 0 : i32
    %c0_i32_1 = arith.constant 0 : i32
    return %c0_i32, %c0_i32_0 : i32, i32
  }
  func.func @transform_5(%arg0: i32) -> (i32, i32) {
    %c0_i32 = arith.constant 0 : i32
    %c0_i32_0 = arith.constant 0 : i32
    %c0_i32_1 = arith.constant 0 : i32
    return %c0_i32, %c0_i32_0 : i32, i32
  }
  func.func @transform_6(%arg0: i32) -> (i32, i32) {
    %c0_i32 = arith.constant 0 : i32
    %c0_i32_0 = arith.constant 0 : i32
    %c0_i32_1 = arith.constant 0 : i32
    return %c0_i32, %c0_i32_0 : i32, i32
  }
  func.func @transform_7(%arg0: i32) -> (i32, i32) {
    %c0_i32 = arith.constant 0 : i32
    %c0_i32_0 = arith.constant 0 : i32
    %c0_i32_1 = arith.constant 0 : i32
    return %c0_i32, %c0_i32_0 : i32, i32
  }
  func.func @transform_8(%arg0: i32) -> (i32, i32) {
    %c0_i32 = arith.constant 0 : i32
    %c0_i32_0 = arith.constant 0 : i32
    %c0_i32_1 = arith.constant 0 : i32
    return %c0_i32, %c0_i32_0 : i32, i32
  }
  func.func @transform_9(%arg0: i32) -> (i32, i32) {
    %c0_i32 = arith.constant 0 : i32
    %c0_i32_0 = arith.constant 0 : i32
    %c0_i32_1 = arith.constant 0 : i32
    return %c0_i32, %c0_i32_0 : i32, i32
  }
  func.func @transform_10(%arg0: i32) -> (i32, i32) {
    %c0_i32 = arith.constant 0 : i32
    %c0_i32_0 = arith.constant 0 : i32
    return %arg0, %c0_i32 : i32, i32
  }
}

</mosaic_0001>

<sc_bundles>
// kernel: kernel.4.cloned.1.call-start
scs
__scs_entry_jumppad:
0x0: {  	(pc) =	sbr.rel $0x88, $3  }
0x1: {  	(tag) =	ssettag $0x0;
	lr =	simm.s32 $0x1  }
0x2: {  	[smem:$0x3F98] =	sst lr;
	_ =	strace $0xD0000000  }
0x3: {  	_ = 	snop  }
0x4: {  	_ = 	snop  }
0x5: {  	_ = 	snop  }
0x6: {  	_ = 	snop  }
0x7: {  	_ = 	snop  }
__scs_overlays_trampoline_lowered:
0x8: {  	[smem:$0x3FA7] =	sst s0  }
0x9: {  	[smem:$0x3FA8] =	sst s1  }
0xa: {  	[smem:$0x3FA9] =	sst s2  }
0xb: {  	[smem:$0x3FAA] =	sst s3  }
0xc: {  	[smem:$0x3FAB] =	sst s4  }
0xd: {  	[smem:$0x3FAC] =	sst s5  }
0xe: {  	[smem:$0x3FAD] =	sst s6  }
0xf: {  	[smem:$0x3FAE] =	sst s7  }
0x10: {  	[smem:$0x3FAF] =	sst s8  }
0x11: {  	[smem:$0x3FB0] =	sst s9;
	s0 =	simm.s32 @!p0 $0x0  }
0x12: {  	s1 =	sld [smem:$0x3F96];
	s0 =	simm.s32 @p0 $0x1  }
0x13: {  	[smem:$0x3FB1] =	sst s0;
	s0 =	simm.s32 @!p1 $0x0  }
0x14: {  	s2 =	sld [smem:$0x3F95];
	s0 =	simm.s32 @p1 $0x1  }
0x15: {  	[smem:$0x3FB2] =	sst s0;
	s0 =	simm.s32 @!p2 $0x0  }
0x16: {  	s3 =	sld [smem:$0x3FDB];
	s0 =	simm.s32 @p2 $0x1  }
0x17: {  	s4 =	simm.s32 $0x1BF5;
	[smem:$0x3FB4] =	sst s0  }
0x18: {  	s0 =	sld [smem:$0x3F97];
	_ =	swait.ge [sflag:s4], $0x0  }
0x19: {  	s7 =	sld [smem:$0x3F98]  }
0x1a: {  	s8 =	sadd.s32 $0xFFFFE003, lr  }
0x1b: {  	s9 =	sadd.s32 $0xFFFFFEF7, lr;
	s5 =	simm.s32 $0xFFFFFFFF;
	p2 =	slt.u32 s8, $0xFFFFF086  }
0x1c: {  	p1 =	slt.u32 s9, $0xF7A;
	s5 =	simm.s32 @!p2 $0x0  }
0x1d: {  	s5 =	simm.s32 @p1 $0x1;
	p0 =	seq.s32 s7, s2  }
0x1e: {  	s7 =	smul.u32 @!p0 $0xF7A, s2;
	p2 =	seq.s32 @!p0 s5, $0x0  }
0x1f: {  	s9 =	smul.u32 $0xF7A, s1;
	s8 =	simm.s32 @!p0 $0x1BF5;
	p2 =	por !p2, p0  }
0x20: {  	[sflag:s8] =	ssyncset.s32 @!p0 $0xFFFFF086;
	s6 =	sadd.s32 @!p0 s3, s7;
	s7 =	simm.s32 @!p0 $0x108  }
0x21: {  	s3 =	sadd.s32 s3, s9;
	s6 =	sadd.s32 @!p0 $0x88, s6;
	s7 =	simm.s32 @p2 $0x1082  }
0x22: {  	[simem:s7], [sflag:s8] =	dma.local @!p0 [hbm:s6], $0xF7A  }
0x23: {  	s9 =	sor.u32 $0xD0000000, s2;
	s6 =	simm.s32 $0x108;
	_ =	swait.ge @!p0 [sflag:s8], $0x0  }
0x24: {  	s3 =	sadd.s32 $0x88, s3;
	s6 =	simm.s32 @!p1 $0x1082;
	[sflag:s4] =	ssyncset.s32 $0xFFFFF086  }
0x25: {  	[simem:s6], [sflag:s4] =	dma.local [hbm:s3], $0xF7A  }
0x26: {  	[smem:$0x3F98] =	sst s1;
	(tag) =	ssettag s2;
	_ =	strace s9  }
0x27: {  	s1 =	sld [smem:$0x3FA8]  }
0x28: {  	s2 =	sld [smem:$0x3FA9]  }
0x29: {  	s4 =	sld [smem:$0x3FAB]  }
0x2a: {  	p0 =	seq.s32 s5, $0x0;
	s5 =	sld [smem:$0x3FAC]  }
0x2b: {  	s6 =	sld [smem:$0x3FAD]  }
0x2c: {  	s7 =	sld [smem:$0x3FAE]  }
0x2d: {  	s3 =	simm.s32 $0x108;
	s8 =	sld [smem:$0x3FAF]  }
0x2e: {  	s3 =	simm.s32 @!p0 $0x1082;
	s9 =	sld [smem:$0x3FB0]  }
0x2f: {  	lr =	sadd.s32 s0, s3;
	s0 =	sld [smem:$0x3FA7]  }
0x30: {  	s3 =	sld [smem:$0x3FAA]  }
0x31: {  	[smem:$0x3FB3] =	sst s10  }
0x32: {  	s10 =	sld [smem:$0x3FB1];
	_ =	sdelay $0x3  }
0x33: {  	p0 =	seq.s32 s10, $0x1;
	s10 =	sld [smem:$0x3FB3];
	_ =	sdelay $0x3  }
0x34: {  	[smem:$0x3FB3] =	sst s10  }
0x35: {  	s10 =	sld [smem:$0x3FB2];
	_ =	sdelay $0x3  }
0x36: {  	p1 =	seq.s32 s10, $0x1;
	s10 =	sld [smem:$0x3FB3];
	_ =	sdelay $0x3  }
0x37: {  	[smem:$0x3FB3] =	sst s10  }
0x38: {  	s10 =	sld [smem:$0x3FB4]  }
0x39: {  	_ = 	snop;
	(pc) =	sbr.ind lr, $3  }
0x3a: {  	_ = 	snop  }
0x3b: {  	_ = 	snop  }
0x3c: {  	p2 =	seq.s32 s10, $0x1;
	s10 =	sld [smem:$0x3FB3]  }
0x3d: {  	_ =	shalt  }
0x3e: {  	_ =	shalt  }
0x3f: {  	_ =	shalt  }
0x40: {  	_ =	shalt  }
0x41: {  	_ =	shalt  }
0x42: {  	_ =	shalt  }
0x43: {  	_ =	shalt  }
0x44: {  	_ =	shalt  }
0x45: {  	_ =	shalt  }
0x46: {  	_ =	shalt  }
0x47: {  	_ =	shalt  }
0x48: {  	_ =	shalt  }
0x49: {  	_ =	shalt  }
0x4a: {  	_ =	shalt  }
0x4b: {  	_ =	shalt  }
0x4c: {  	_ =	shalt  }
0x4d: {  	_ =	shalt  }
0x4e: {  	_ =	shalt  }
0x4f: {  	_ =	shalt  }
0x50: {  	_ =	shalt  }
0x51: {  	_ =	shalt  }
0x52: {  	_ =	shalt  }
0x53: {  	_ =	shalt  }
0x54: {  	_ =	shalt  }
0x55: {  	_ =	shalt  }
0x56: {  	_ =	shalt  }
0x57: {  	_ =	shalt  }
0x58: {  	_ =	shalt  }
0x59: {  	_ =	shalt  }
0x5a: {  	_ =	shalt  }
0x5b: {  	_ =	shalt  }
0x5c: {  	_ =	shalt  }
0x5d: {  	_ =	shalt  }
0x5e: {  	_ =	shalt  }
0x5f: {  	_ =	shalt  }
0x60: {  	_ =	shalt  }
0x61: {  	_ =	shalt  }
0x62: {  	_ =	shalt  }
0x63: {  	_ =	shalt  }
0x64: {  	_ =	shalt  }
0x65: {  	_ =	shalt  }
0x66: {  	_ =	shalt  }
0x67: {  	_ =	shalt  }
0x68: {  	_ =	shalt  }
0x69: {  	_ =	shalt  }
0x6a: {  	_ =	shalt  }
0x6b: {  	_ =	shalt  }
0x6c: {  	_ =	shalt  }
0x6d: {  	_ =	shalt  }
0x6e: {  	_ =	shalt  }
0x6f: {  	_ =	shalt  }
0x70: {  	_ =	shalt  }
0x71: {  	_ =	shalt  }
0x72: {  	_ =	shalt  }
0x73: {  	_ =	shalt  }
0x74: {  	_ =	shalt  }
0x75: {  	_ =	shalt  }
0x76: {  	_ =	shalt  }
0x77: {  	_ =	shalt  }
0x78: {  	_ =	shalt  }
0x79: {  	_ =	shalt  }
0x7a: {  	_ =	shalt  }
0x7b: {  	_ =	shalt  }
0x7c: {  	_ =	shalt  }
0x7d: {  	_ =	shalt  }
0x7e: {  	_ =	shalt  }
0x7f: {  	_ =	shalt  }
0x80: {  	_ =	shalt  }
0x81: {  	_ =	shalt  }
0x82: {  	_ =	shalt  }
0x83: {  	_ =	shalt  }
0x84: {  	_ =	shalt  }
0x85: {  	_ =	shalt  }
0x86: {  	_ =	shalt  }
0x87: {  	_ =	shalt  }
.Lfunc_end0:
.L_simem_size_0:
called_computation_lowered:
.L_overlay_start_0:
0x88: {  	s2 =	sld [smem:$0x3FD9]  }
0x89: {  	s3 =	sld [smem:$0x3FFE];
	_ =	sdelay $0x1  }
0x8a: {  	s1 =	srdreg.scid  }
0x8b: {  	s0 =	sand.u32 $0x1, s1  }
0x8c: {  	s17 =	sshll.u32 s0, $0xA;
	s2 =	sadd.s32 s3, s2  }
0x8d: {  	s2 =	sadd.s32 s2, s17  }
0x8e: {  	[smem:$0x3FBF] =	sst s2  }
0x8f: {  	_ = 	snop  }
0x90: {  	s2 =	sld [smem:$0x3FD0];
	(tm) =	ssettm $0x1  }
0x91: {  	s18 =	sld [smem:$0x3FFB];
	_ =	sdelay $0x3  }
0x92: {  	_ =	strace s18  }
0x93: {  	s3 =	sld [smem:$0x3FFC];
	_ =	sdelay $0x3  }
0x94: {  	_ =	strace s3  }
0x95: {  	s3 =	sld [smem:$0x3FFD];
	_ =	sdelay $0x3  }
0x96: {  	_ =	strace s3  }
0x97: {  	_ =	strace $0x8FFFFFFF  }
0x98: {  	s19 =	sld [smem:$0x3FDB];
	_ =	sdelay $0x1  }
0x99: {  	s4 =	simm.s32 $_scs_section_size  }
0x9a: {  	s5 =	simm.s32 $_size__tile_overlayer_lowered;
	s6 =	simm.s32 $_tile_overlayer_lowered  }
0x9b: {  	s22 =	simm.s32 $0x1BFF;
	s21 =	sshll.u32 s6, $0x1;
	s3 =	sadd.s32 s4, s19  }
0x9c: {  	s7 =	simm.s32 $0x0;
	s20 =	sshll.u32 s5, $0x1;
	s5 =	sadd.s32 s21, s3  }
0x9d: {  	[timem:s7], [sflag:s22] =	dma.local [hbm:s5], s20  }
0x9e: {  	_ =	swait.ge [sflag:s22], s20  }
0x9f: {  	s4 =	ssub.s32 $0x0, s20;
	[sflag:s22] =	ssyncset.done $0x0  }
0xa0: {  	[sflag:s22] =	ssyncadd.s32 s4;
	_ =	sdelay $0x1  }
0xa1: {  	s23 =	simm.s32 $0x1B8B  }
0xa2: {  	_ =	swait.ge [sflag:s23], $0x1  }
0xa3: {  	[sflag:s23] =	ssyncset.done $0x0  }
0xa4: {  	s25 =	simm.s32 $0x1B8E;
	s24 =	sld [smem:$0x3FFE];
	[sflag:s23] =	ssyncadd.s32 $0xFFFFFFFF  }
0xa5: {  	s26 =	simm.s32 $execute0_lowered;
	[smem:$0x3FD2] =	sst s25  }
0xa6: {  	s5 =	sshll.u32 s26, $0x1;
	_ =	strace $0x80000046;
	[dreg:$0x1] =	wrdreg $0xFFFFFFFF  }
0xa7: {  	s28 =	simm.s32 $_size_execute0_lowered;
	s3 =	sadd.s32 s3, s5;
	[dreg:$0x0] =	wrdreg $0x0  }
0xa8: {  	s5 =	sshll.u32 s28, $0x1;
	[dreg:$0x2] =	wrdreg s3  }
0xa9: {  	[dreg:$0x3] =	wrdreg s5  }
0xaa: {  	[dreg:$0x4] =	wrdreg $0xC0  }
0xab: {  	_ =	task [dreg:s7], $0x5FFFF  }
0xac: {  	[dreg:$0x1] =	wrdreg $0xFFFFFFFF  }
0xad: {  	[dreg:$0x0] =	wrdreg $0x60  }
0xae: {  	[dreg:$0x2] =	wrdreg s24  }
0xaf: {  	[dreg:$0x3] =	wrdreg s2  }
0xb0: {  	[dreg:$0x4] =	wrdreg $0x9  }
0xb1: {  	_ =	task.clear_ibuf [dreg:s7], $0x5FFFF;
	_ =	strace $0x90000046  }
0xb2: {  	s29 =	simm.s32 $0x9;
	_ =	strace $0x80000048  }
0xb3: {  	_ =	swait.ge [sflag:s29], $0x1  }
0xb4: {  	[sflag:s29] =	ssyncadd.s32 $0xFFFFFFFF  }
0xb5: {  	_ =	strace $0x90000048  }
0xb6: {  	_ =	sfence  }
0xb7: {  	s30 =	sld [smem:$0x0];
	_ =	sdelay $0x2  }
0xb8: {  	s31 =	sshll.u32 s1, $0xD;
	s1 =	sshrl.u32 s1, $0x2  }
0xb9: {  	s3 =	sand.u32 $0x4000, s31;
	s1 =	sadd.s32 s1, s30  }
0xba: {  	s0 =	sor.u32 s3, s0;
	s1 =	sshll.u32 s1, $0x11  }
0xbb: {  	s0 =	sor.u32 s1, s0  }
0xbc: {  	s0 =	sadd.s32 $0x8F2B, s0  }
0xbd: {  	[sflag:s0] =	ssyncadd.remote.s32 $0x1  }
0xbe: {  	_ =	sfence.sel $0xFFFF  }
0xbf: {  	[dreg:$0x0] =	wrdreg $0xFFFFFFFF;
	(pc) =	sbr.abs _section_cstart, $3  }
0xc0: {  	[dreg:$0x1] =	wrdreg $0xFFFFFFFF  }
0xc1: {  	_ =	task.clear_ibuf [dreg:s7], $0x2FFFF;
	_ =	strace $0x9FFFFFFF  }
0xc2: {  	(tm) =	ssettm $0x7FFFFFFF  }
0xc3: {  	_ =	shalt  }
tec
execute0_lowered:
.L_overlay_start_1:
0x0: {  	(tag) =	ssettag $0x1  }
0x1: {  	s0 =	rddreg [dreg:$0x0]  }
0x2: {  	s1 =	rddreg [dreg:$0x1];
	s2 =	simm.s32 $0x0  }
0x3: {  	s3 =	srdreg.scid;
	s5 =	stileid.u32;
	s11 =	simm.s32 $0x3  }
0x4: {  	s12 =	simm.s32 $0x80;
	s18 =	simm.s32 $0x1;
	s20 =	simm.s32 $0xCC00  }
0x5: {  	s22 =	simm.s32 $0x14C00;
	s28 =	simm.s32 $0x2;
	s30 =	simm.s32 $0x0  }
0x6: {  	[smem:$0x7FF] =	sst s2;
	s4 =	sand.u32 $0x1, s3;
	s5 =	sshll.u32 s5, $0x1  }
0x7: {  	s3 =	sadd.s32 $0x1600, s0;
	_ =	strace $0x80000047;
	s5 =	sor.u32 s4, s5  }
0x8: {  	s7 =	ssub.s32 $0x2, s4;
	s6 =	sshll.u32 s5, $0xE;
	s5 =	smul.u32 $0x180, s5  }
0x9: {  	s4 =	sadd.s32 $0x2600, s0;
	s29 =	sshrl.u32 s7, $0x1;
	s0 =	sadd.s32 s6, s0  }
0xa: {  	s10 =	ssub.s32 s7, s29;
	s1 =	sadd.s32 s1, s5;
	s31 =	sadd.s32 $0x3600, s0  }
0xb: {  	s7 =	sadd.s32 $0x4600, s0;
	s8 =	sadd.s32 $0x5600, s0;
	[dreg:$0x3] =	wrdreg s1  }
0xc: {  	v0 =	vimm.f32 $0.0e+00;
	s9 =	sadd.s32 $0x6600, s0;
	s10 =	smax.u32 s10, $0x1;
	[dreg:$0x4] =	wrdreg s31  }
.LBB2_1:
0xd: {  	s0 =	rddreg [dreg:$0x3]  }
0xe: {  	[tilespmem:s2], [sflag:$0x3] =	stream.linear.gather [hbm4b:s0+s2], $0xC00, $0x38;
	[tilespmem:$0x1CC00] =	vst v63  }
0xf: {  	_ =	swait.ge [sflag:s11], $0xC00  }
0x10: {  	s31 =	sand.u32 $0x7800, s2;
	s13 =	sand.u32 $0x380, s2;
	[sflag:s11] =	ssyncset.done $0x0  }
0x11: {  	s0 =	sor.u32 s13, s31;
	[sflag:s11] =	ssyncadd.s32 $0xFFFFF400  }
0x12: {  	s13 =	sadd.s32 $0xCC00, s0;
	[tilespmem:s0+$0xD040] =	vst v0  }
0x13: {  	[tilespmem:s13+$0x8470] =	vst v0  }
0x14: {  	[tilespmem:s13+$0x8440] =	vst v0  }
0x15: {  	[tilespmem:s13+$0x8450] =	vst v0  }
0x16: {  	[tilespmem:s13+$0x8460] =	vst v0  }
0x17: {  	s14 =	simm.s32 $0x80;
	[tilespmem:s0+$0xD050] =	vst v0;
	s13 =	simm.s32 $0x100  }
0x18: {  	s17 =	sand.u32 $0x380, s14;
	s14 =	simm.s32 $0x100;
	[tilespmem:s0+$0xD060] =	vst v0;
	s15 =	sand.u32 $0x7800, s13  }
.LBB2_2:
0x19: {  	p0 =	sne.s32 s14, $0x3F80;
	[tilespmem:s0+$0xD070] =	vst v0;
	s0 =	sor.u32 s17, s15  }
0x1a: {  	s15 =	sadd.s32 $0xCC00, s0;
	[tilespmem:s0+$0xD040] =	vst v0  }
0x1b: {  	[tilespmem:s15+$0x8470] =	vst v0  }
.Ltmp0:
0x1c: {  	[tilespmem:s15+$0x8440] =	vst v0;
	(pc) =	sbr.rel @p0 .LBB2_2-.Ltmp0, $4  }
0x1d: {  	[tilespmem:s15+$0x8450] =	vst v0  }
0x1e: {  	[tilespmem:s15+$0x8460] =	vst v0  }
0x1f: {  	s13 =	sadd.s32 $0x100, s13;
	[tilespmem:s0+$0xD050] =	vst v0  }
0x20: {  	s17 =	sand.u32 $0x380, s14;
	s14 =	sadd.s32 $0x80, s14;
	s15 =	sand.u32 $0x7800, s13;
	[tilespmem:s0+$0xD060] =	vst v0  }
0x21: {  	s13 =	sor.u32 s17, s15;
	[tilespmem:s0+$0xD070] =	vst v0  }
0x22: {  	[tilespmem:s13+$0xD040] =	vst v0  }
0x23: {  	[tilespmem:s13+$0xD050] =	vst v0  }
0x24: {  	[tilespmem:s13+$0xD060] =	vst v0  }
0x25: {  	s21 =	sadd.s32 $0xCC00, s13;
	[tilespmem:s13+$0xD070] =	vst v0  }
0x26: {  	[tilespmem:s21+$0x8470] =	vst v0  }
0x27: {  	[tilespmem:s21+$0x8440] =	vst v0  }
0x28: {  	[tilespmem:s21+$0x8450] =	vst v0  }
0x29: {  	s23 =	simm.s32 $0xC00;
	s13 =	simm.s32 $0x0;
	[tilespmem:s21+$0x8460] =	vst v0  }
0x2a: {  	[tilespmem:s23], [sflag:$0x1] =	stream.indirect.gather [hbm4b:s3+s12], $0x20, s13, s12, $0xb8;
	[tilespmem:$0x1CC00] =	vst v63  }
0x2b: {  	s24 =	simm.s32 $0x200;
	s1 =	simm.s32 $0x1C00  }
0x2c: {  	[tilespmem:s1], [sflag:$0x1] =	stream.indirect.gather [hbm4b:s3+s12], $0x20, s24, s12, $0xb8;
	[tilespmem:$0x1CC00] =	vst v63  }
0x2d: {  	s25 =	simm.s32 $0x400;
	s26 =	simm.s32 $0x2C00  }
0x2e: {  	[tilespmem:s26], [sflag:$0x1] =	stream.indirect.gather [hbm4b:s4+s12], $0x20, s25, s12, $0xb8;
	[tilespmem:$0x1CC00] =	vst v63  }
0x2f: {  	s29 =	simm.s32 $0x600;
	s31 =	simm.s32 $0x3C00  }
0x30: {  	[tilespmem:s31], [sflag:$0x1] =	stream.indirect.gather [hbm4b:s4+s12], $0x20, s29, s12, $0xb8;
	[tilespmem:$0x1CC00] =	vst v63  }
0x31: {  	s5 =	simm.s32 $0x4C00;
	s1 =	simm.s32 $0x800  }
0x32: {  	[tilespmem:s5], [sflag:$0x1] =	stream.indirect.gather [hbm4b:s4+s12], $0x20, s1, s12, $0xb8;
	[tilespmem:$0x1CC00] =	vst v63  }
0x33: {  	s6 =	simm.s32 $0xA00;
	s14 =	simm.s32 $0x5C00  }
0x34: {  	[tilespmem:s14], [sflag:$0x1] =	stream.indirect.gather [hbm4b:s4+s12], $0x20, s6, s12, $0xb8;
	[tilespmem:$0x1CC00] =	vst v63  }
0x35: {  	s15 =	simm.s32 $0x6C00  }
0x36: {  	[tilespmem:s15], [sflag:$0x1] =	stream.indirect.gather [hbm4b:s3+s12], $0x20, s12, s12, $0xb8;
	[tilespmem:$0x1CC00] =	vst v63  }
0x37: {  	s16 =	simm.s32 $0x280;
	s17 =	simm.s32 $0x7C00  }
0x38: {  	[tilespmem:s17], [sflag:$0x1] =	stream.indirect.gather [hbm4b:s3+s12], $0x20, s16, s12, $0xb8;
	[tilespmem:$0x1CC00] =	vst v63  }
0x39: {  	s19 =	simm.s32 $0x480;
	s21 =	simm.s32 $0x8C00  }
0x3a: {  	[tilespmem:s21], [sflag:$0x1] =	stream.indirect.gather [hbm4b:s4+s12], $0x20, s19, s12, $0xb8;
	[tilespmem:$0x1CC00] =	vst v63  }
0x3b: {  	s23 =	simm.s32 $0x680;
	s24 =	simm.s32 $0x9C00  }
0x3c: {  	[tilespmem:s24], [sflag:$0x1] =	stream.indirect.gather [hbm4b:s4+s12], $0x20, s23, s12, $0xb8;
	[tilespmem:$0x1CC00] =	vst v63  }
0x3d: {  	s25 =	simm.s32 $0x880;
	s26 =	simm.s32 $0xAC00  }
0x3e: {  	[tilespmem:s26], [sflag:$0x1] =	stream.indirect.gather [hbm4b:s4+s12], $0x20, s25, s12, $0xb8;
	[tilespmem:$0x1CC00] =	vst v63  }
0x3f: {  	s29 =	simm.s32 $0xA80;
	s31 =	simm.s32 $0xBC00  }
0x40: {  	[tilespmem:s31], [sflag:$0x1] =	stream.indirect.gather [hbm4b:s4+s12], $0x20, s29, s12, $0xb8;
	[tilespmem:$0x1CC00] =	vst v63  }
0x41: {  	_ =	swait.ge [sflag:s18], $0x1000  }
0x42: {  	[sflag:s18] =	ssyncset.done $0x0  }
0x43: {  	[sflag:s18] =	ssyncadd.s32 $0xFFFFF000  }
0x44: {  	_ =	swait.ge [sflag:s18], $0x1000  }
0x45: {  	[sflag:s18] =	ssyncset.done $0x0  }
0x46: {  	[sflag:s18] =	ssyncadd.s32 $0xFFFFF000  }
0x47: {  	_ =	swait.ge [sflag:s18], $0x1000  }
0x48: {  	[sflag:s18] =	ssyncset.done $0x0  }
0x49: {  	[sflag:s18] =	ssyncadd.s32 $0xFFFFF000  }
0x4a: {  	_ =	swait.ge [sflag:s18], $0x1000  }
0x4b: {  	[sflag:s18] =	ssyncset.done $0x0  }
0x4c: {  	[sflag:s18] =	ssyncadd.s32 $0xFFFFF000  }
0x4d: {  	_ =	swait.ge [sflag:s18], $0x1000  }
0x4e: {  	[sflag:s18] =	ssyncset.done $0x0  }
0x4f: {  	[sflag:s18] =	ssyncadd.s32 $0xFFFFF000  }
0x50: {  	_ =	swait.ge [sflag:s18], $0x1000  }
0x51: {  	[sflag:s18] =	ssyncset.done $0x0  }
0x52: {  	s0 =	simm.s32 $0x0;
	[sflag:s18] =	ssyncadd.s32 $0xFFFFF000  }
0x53: {  	v1 =	vld [tilespmem:s0+$0xC60]  }
0x54: {  	v2 =	vld [tilespmem:s0+$0xC00]  }
0x55: {  	s1 =	simm.s32 $0x180;
	s14 =	sand.u32 $0x7800, s13  }
0x56: {  	s14 =	sadd.s32 $0xCC00, s14;
	s15 =	sand.u32 $0x380, s1;
	v3 =	vld [tilespmem:s0+$0xC20]  }
0x57: {  	s13 =	sand.u32 $0x200, s13;
	s24 =	sor.u32 s15, s14;
	v4 =	vld [tilespmem:s0+$0xC40]  }
0x58: {  	s5 =	simm.s32 $0x80;
	s26 =	sor.u32 s13, s14;
	[tilespmem:s24+$0x0] =	vst v1  }
0x59: {  	s6 =	simm.s32 $0x100;
	s15 =	sand.u32 $0x280, s5;
	[tilespmem:s26+$0x0] =	vst v2;
	v1 =	vld [tilespmem:s0+$0xC70]  }
0x5a: {  	s16 =	sand.u32 $0x300, s6;
	s25 =	sor.u32 s15, s14;
	v2 =	vld [tilespmem:s0+$0xC10]  }
0x5b: {  	s14 =	sor.u32 s16, s14;
	[tilespmem:s25+$0x0] =	vst v3  }
0x5c: {  	[tilespmem:s14+$0x0] =	vst v4;
	v3 =	vld [tilespmem:s0+$0xC30]  }
0x5d: {  	v4 =	vld [tilespmem:s0+$0xC50]  }
0x5e: {  	[tilespmem:s24+$0x10] =	vst v1  }
0x5f: {  	[tilespmem:s26+$0x10] =	vst v2;
	v1 =	vld [tilespmem:s0+$0x1C60]  }
0x60: {  	v2 =	vld [tilespmem:s0+$0x1C00]  }
0x61: {  	[tilespmem:s25+$0x10] =	vst v3  }
0x62: {  	[tilespmem:s14+$0x10] =	vst v4;
	v3 =	vld [tilespmem:s0+$0x1C20]  }
0x63: {  	v4 =	vld [tilespmem:s0+$0x1C40]  }
0x64: {  	[tilespmem:s24+$0x20] =	vst v1  }
0x65: {  	[tilespmem:s26+$0x20] =	vst v2;
	v1 =	vld [tilespmem:s0+$0x1C70]  }
0x66: {  	v2 =	vld [tilespmem:s0+$0x1C10]  }
0x67: {  	[tilespmem:s25+$0x20] =	vst v3  }
0x68: {  	[tilespmem:s14+$0x20] =	vst v4;
	v3 =	vld [tilespmem:s0+$0x1C30]  }
0x69: {  	v4 =	vld [tilespmem:s0+$0x1C50]  }
0x6a: {  	[tilespmem:s24+$0x30] =	vst v1  }
0x6b: {  	[tilespmem:s26+$0x30] =	vst v2;
	v1 =	vld [tilespmem:s0+$0x2C60]  }
0x6c: {  	v2 =	vld [tilespmem:s0+$0x2C00]  }
0x6d: {  	[tilespmem:s25+$0x30] =	vst v3  }
0x6e: {  	[tilespmem:s14+$0x30] =	vst v4;
	v3 =	vld [tilespmem:s0+$0x2C20]  }
0x6f: {  	v4 =	vld [tilespmem:s0+$0x2C40]  }
0x70: {  	[tilespmem:s24+$0x40] =	vst v1  }
0x71: {  	[tilespmem:s26+$0x40] =	vst v2;
	v1 =	vld [tilespmem:s0+$0x2C70]  }
0x72: {  	v2 =	vld [tilespmem:s0+$0x2C10]  }
0x73: {  	[tilespmem:s25+$0x40] =	vst v3  }
0x74: {  	[tilespmem:s14+$0x40] =	vst v4;
	v3 =	vld [tilespmem:s0+$0x2C30]  }
0x75: {  	v4 =	vld [tilespmem:s0+$0x2C50]  }
0x76: {  	[tilespmem:s24+$0x50] =	vst v1  }
0x77: {  	[tilespmem:s26+$0x50] =	vst v2;
	v1 =	vld [tilespmem:s0+$0x3C60]  }
0x78: {  	v2 =	vld [tilespmem:s0+$0x3C00]  }
0x79: {  	[tilespmem:s25+$0x50] =	vst v3  }
0x7a: {  	[tilespmem:s14+$0x50] =	vst v4;
	v3 =	vld [tilespmem:s0+$0x3C20]  }
0x7b: {  	v4 =	vld [tilespmem:s0+$0x3C40]  }
0x7c: {  	[tilespmem:s24+$0x60] =	vst v1  }
0x7d: {  	[tilespmem:s26+$0x60] =	vst v2;
	v1 =	vld [tilespmem:s0+$0x3C70]  }
0x7e: {  	s13 =	simm.s32 $0x80;
	v2 =	vld [tilespmem:s0+$0x3C10]  }
0x7f: {  	v5 =	vld [tilespmem:s13+$0xC60];
	[tilespmem:s25+$0x60] =	vst v3  }
0x80: {  	s23 =	simm.s32 $0x400;
	[tilespmem:s14+$0x60] =	vst v4;
	v3 =	vld [tilespmem:s0+$0x3C30]  }
0x81: {  	s19 =	simm.s32 $0x380;
	s17 =	sand.u32 $0x7800, s23;
	v4 =	vld [tilespmem:s0+$0x3C50]  }
0x82: {  	s21 =	sadd.s32 $0xCC00, s17;
	s29 =	sand.u32 $0x380, s19;
	[tilespmem:s24+$0x70] =	vst v1  }
0x83: {  	s15 =	sor.u32 s29, s21;
	[tilespmem:s26+$0x70] =	vst v2;
	v2 =	vld [tilespmem:s13+$0xC00]  }
0x84: {  	[tilespmem:s15+$0x0] =	vst v5;
	v1 =	vld [tilespmem:s0+$0x4C60]  }
0x85: {  	s31 =	simm.s32 $0x200;
	[tilespmem:s25+$0x70] =	vst v3;
	v3 =	vld [tilespmem:s13+$0xC20]  }
0x86: {  	s17 =	sand.u32 $0x200, s31;
	[tilespmem:s14+$0x70] =	vst v4;
	v4 =	vld [tilespmem:s13+$0xC40]  }
0x87: {  	s19 =	simm.s32 $0x280;
	s17 =	sor.u32 s17, s21;
	v6 =	vld [tilespmem:s13+$0xC70]  }
0x88: {  	s29 =	simm.s32 $0x300;
	s19 =	sand.u32 $0x280, s19;
	v5 =	vld [tilespmem:s0+$0x4C00];
	[tilespmem:s17+$0x0] =	vst v2  }
0x89: {  	s29 =	sand.u32 $0x300, s29;
	s19 =	sor.u32 s19, s21;
	[tilespmem:s24+$0x400] =	vst v1;
	v2 =	vld [tilespmem:s13+$0xC10]  }
0x8a: {  	s21 =	sor.u32 s29, s21;
	[tilespmem:s19+$0x0] =	vst v3;
	v1 =	vld [tilespmem:s0+$0x4C70]  }
0x8b: {  	[tilespmem:s21+$0x0] =	vst v4;
	v3 =	vld [tilespmem:s13+$0xC30]  }
0x8c: {  	[tilespmem:s15+$0x10] =	vst v6;
	v4 =	vld [tilespmem:s13+$0xC50]  }
0x8d: {  	v6 =	vld [tilespmem:s13+$0x1C60];
	[tilespmem:s26+$0x400] =	vst v5  }
0x8e: {  	v5 =	vld [tilespmem:s0+$0x4C20];
	[tilespmem:s17+$0x10] =	vst v2  }
0x8f: {  	[tilespmem:s24+$0x410] =	vst v1;
	v2 =	vld [tilespmem:s13+$0x1C00]  }
0x90: {  	[tilespmem:s19+$0x10] =	vst v3;
	v1 =	vld [tilespmem:s0+$0x5C60]  }
0x91: {  	[tilespmem:s21+$0x10] =	vst v4;
	v3 =	vld [tilespmem:s13+$0x1C20]  }
0x92: {  	[tilespmem:s15+$0x20] =	vst v6;
	v4 =	vld [tilespmem:s13+$0x1C40]  }
0x93: {  	v6 =	vld [tilespmem:s13+$0x1C70];
	[tilespmem:s25+$0x400] =	vst v5  }
0x94: {  	v5 =	vld [tilespmem:s0+$0x4C40];
	[tilespmem:s17+$0x20] =	vst v2  }
0x95: {  	[tilespmem:s24+$0x420] =	vst v1;
	v2 =	vld [tilespmem:s13+$0x1C10]  }
0x96: {  	[tilespmem:s19+$0x20] =	vst v3;
	v1 =	vld [tilespmem:s0+$0x5C70]  }
0x97: {  	[tilespmem:s21+$0x20] =	vst v4;
	v3 =	vld [tilespmem:s13+$0x1C30]  }
0x98: {  	[tilespmem:s15+$0x30] =	vst v6;
	v4 =	vld [tilespmem:s13+$0x1C50]  }
0x99: {  	v6 =	vld [tilespmem:s0+$0x4C30];
	[tilespmem:s14+$0x400] =	vst v5  }
0x9a: {  	v5 =	vld [tilespmem:s0+$0x4C10];
	[tilespmem:s17+$0x30] =	vst v2  }
0x9b: {  	[tilespmem:s24+$0x430] =	vst v1;
	v1 =	vld [tilespmem:s13+$0x2C60]  }
0x9c: {  	[tilespmem:s19+$0x30] =	vst v3;
	v2 =	vld [tilespmem:s13+$0x2C00]  }
0x9d: {  	[tilespmem:s21+$0x30] =	vst v4;
	v3 =	vld [tilespmem:s13+$0x2C20]  }
0x9e: {  	[tilespmem:s25+$0x410] =	vst v6;
	v4 =	vld [tilespmem:s13+$0x2C40]  }
0x9f: {  	[tilespmem:s26+$0x410] =	vst v5;
	v5 =	vld [tilespmem:s0+$0x4C50]  }
0xa0: {  	[tilespmem:s15+$0x40] =	vst v1;
	v1 =	vld [tilespmem:s0+$0x5C00]  }
0xa1: {  	[tilespmem:s17+$0x40] =	vst v2;
	v2 =	vld [tilespmem:s13+$0x2C70]  }
0xa2: {  	[tilespmem:s19+$0x40] =	vst v3;
	v6 =	vld [tilespmem:s13+$0x2C10]  }
0xa3: {  	[tilespmem:s21+$0x40] =	vst v4;
	v3 =	vld [tilespmem:s13+$0x2C30]  }
0xa4: {  	[tilespmem:s14+$0x410] =	vst v5;
	v4 =	vld [tilespmem:s13+$0x2C50]  }
0xa5: {  	[tilespmem:s26+$0x420] =	vst v1;
	v1 =	vld [tilespmem:s0+$0x5C20]  }
0xa6: {  	[tilespmem:s15+$0x50] =	vst v2;
	v2 =	vld [tilespmem:s0+$0x5C40]  }
0xa7: {  	[tilespmem:s17+$0x50] =	vst v6;
	v5 =	vld [tilespmem:s13+$0x3C60]  }
0xa8: {  	[tilespmem:s19+$0x50] =	vst v3;
	v6 =	vld [tilespmem:s13+$0x3C00]  }
0xa9: {  	[tilespmem:s21+$0x50] =	vst v4;
	v3 =	vld [tilespmem:s13+$0x3C20]  }
0xaa: {  	v7 =	vld [tilespmem:s13+$0x3C40];
	[tilespmem:s25+$0x420] =	vst v1  }
0xab: {  	v8 =	vld [tilespmem:s0+$0x5C10];
	[tilespmem:s14+$0x420] =	vst v2  }
0xac: {  	v1 =	vld [tilespmem:s0+$0x5C30];
	[tilespmem:s15+$0x60] =	vst v5  }
0xad: {  	[tilespmem:s17+$0x60] =	vst v6;
	v5 =	vld [tilespmem:s13+$0x3C70]  }
0xae: {  	[tilespmem:s19+$0x60] =	vst v3;
	v4 =	vld [tilespmem:s13+$0x3C10]  }
0xaf: {  	[tilespmem:s21+$0x60] =	vst v7;
	v3 =	vld [tilespmem:s13+$0x3C30]  }
0xb0: {  	s24 =	simm.s32 $0x4;
	[tilespmem:s26+$0x430] =	vst v8;
	s26 =	simm.s32 $0x400;
	v2 =	vld [tilespmem:s13+$0x3C50]  }
.LBB2_4:
0xb1: {  	s29 =	sshra.s32 s26, $0x2;
	s31 =	sadd.s32 $0x80, s26;
	s1 =	sadd.s32 $0x100, s26;
	[tilespmem:s25+$0x430] =	vst v1;
	v1 =	vld [tilespmem:s0+$0x5C50]  }
0xb2: {  	s24 =	sadd.s32 $0x4, s24;
	s25 =	sand.u32 $0x280, s31;
	s1 =	sand.u32 $0x300, s1;
	v6 =	vld [tilespmem:s29+$0xC60];
	[tilespmem:s15+$0x70] =	vst v5  }
0xb3: {  	s23 =	sadd.s32 $0x400, s23;
	s31 =	sand.u32 $0x200, s26;
	p0 =	slt.u32 s24, $0x7C;
	[tilespmem:s17+$0x70] =	vst v4;
	v4 =	vld [tilespmem:s13+$0x4C60]  }
0xb4: {  	s6 =	sadd.s32 $0x180, s26;
	s0 =	smov.u32 s13;
	s5 =	sand.u32 $0x7800, s23;
	v5 =	vld [tilespmem:s29+$0xC00];
	[tilespmem:s19+$0x70] =	vst v3  }
0xb5: {  	s6 =	sand.u32 $0x380, s6;
	s5 =	sadd.s32 $0xCC00, s5;
	s13 =	smov.u32 s29;
	v3 =	vld [tilespmem:s29+$0xC20];
	[tilespmem:s21+$0x70] =	vst v2  }
0xb6: {  	s16 =	sor.u32 s25, s5;
	s29 =	sor.u32 s31, s5;
	s31 =	sor.u32 s6, s5;
	v2 =	vld [tilespmem:s13+$0xC40];
	[tilespmem:s14+$0x430] =	vst v1  }
0xb7: {  	s1 =	sor.u32 s1, s5;
	s25 =	smov.u32 s19;
	s19 =	smov.u32 s16;
	[tilespmem:s31+$0x0] =	vst v6;
	v1 =	vld [tilespmem:s0+$0x4C00]  }
0xb8: {  	s14 =	smov.u32 s21;
	s21 =	smov.u32 s1;
	v6 =	vld [tilespmem:s13+$0xC70];
	[tilespmem:s15+$0x400] =	vst v4  }
0xb9: {  	[tilespmem:s29+$0x0] =	vst v5;
	v4 =	vld [tilespmem:s0+$0x4C70]  }
0xba: {  	v5 =	vld [tilespmem:s13+$0xC10];
	[tilespmem:s19+$0x0] =	vst v3  }
0xbb: {  	v3 =	vld [tilespmem:s13+$0xC30];
	[tilespmem:s21+$0x0] =	vst v2  }
0xbc: {  	v2 =	vld [tilespmem:s13+$0xC50];
	[tilespmem:s17+$0x400] =	vst v1  }
0xbd: {  	[tilespmem:s31+$0x10] =	vst v6;
	v1 =	vld [tilespmem:s0+$0x4C20]  }
0xbe: {  	v6 =	vld [tilespmem:s13+$0x1C60];
	[tilespmem:s15+$0x410] =	vst v4  }
0xbf: {  	[tilespmem:s29+$0x10] =	vst v5;
	v4 =	vld [tilespmem:s0+$0x5C60]  }
0xc0: {  	v5 =	vld [tilespmem:s13+$0x1C00];
	[tilespmem:s19+$0x10] =	vst v3  }
0xc1: {  	v3 =	vld [tilespmem:s13+$0x1C20];
	[tilespmem:s21+$0x10] =	vst v2  }
0xc2: {  	v2 =	vld [tilespmem:s13+$0x1C40];
	[tilespmem:s25+$0x400] =	vst v1  }
0xc3: {  	[tilespmem:s31+$0x20] =	vst v6;
	v1 =	vld [tilespmem:s0+$0x4C40]  }
0xc4: {  	v6 =	vld [tilespmem:s13+$0x1C70];
	[tilespmem:s15+$0x420] =	vst v4  }
0xc5: {  	[tilespmem:s29+$0x20] =	vst v5;
	v4 =	vld [tilespmem:s0+$0x5C70]  }
0xc6: {  	v5 =	vld [tilespmem:s13+$0x1C10];
	[tilespmem:s19+$0x20] =	vst v3  }
0xc7: {  	v3 =	vld [tilespmem:s13+$0x1C30];
	[tilespmem:s21+$0x20] =	vst v2  }
0xc8: {  	v2 =	vld [tilespmem:s13+$0x1C50];
	[tilespmem:s14+$0x400] =	vst v1  }
0xc9: {  	[tilespmem:s31+$0x30] =	vst v6;
	v1 =	vld [tilespmem:s0+$0x4C10]  }
0xca: {  	v6 =	vld [tilespmem:s0+$0x4C30];
	[tilespmem:s15+$0x430] =	vst v4;
	s15 =	smov.u32 s31  }
0xcb: {  	[tilespmem:s29+$0x30] =	vst v5;
	v4 =	vld [tilespmem:s13+$0x2C60]  }
0xcc: {  	v5 =	vld [tilespmem:s13+$0x2C00];
	[tilespmem:s19+$0x30] =	vst v3  }
0xcd: {  	v3 =	vld [tilespmem:s13+$0x2C20];
	[tilespmem:s21+$0x30] =	vst v2  }
0xce: {  	v2 =	vld [tilespmem:s13+$0x2C40];
	[tilespmem:s17+$0x410] =	vst v1  }
0xcf: {  	[tilespmem:s25+$0x410] =	vst v6;
	v1 =	vld [tilespmem:s0+$0x4C50]  }
0xd0: {  	[tilespmem:s15+$0x40] =	vst v4;
	v4 =	vld [tilespmem:s0+$0x5C00]  }
0xd1: {  	[tilespmem:s29+$0x40] =	vst v5;
	v5 =	vld [tilespmem:s13+$0x2C70]  }
0xd2: {  	v6 =	vld [tilespmem:s13+$0x2C10];
	[tilespmem:s19+$0x40] =	vst v3  }
0xd3: {  	v3 =	vld [tilespmem:s13+$0x2C30];
	[tilespmem:s21+$0x40] =	vst v2  }
0xd4: {  	v2 =	vld [tilespmem:s13+$0x2C50];
	[tilespmem:s14+$0x410] =	vst v1  }
0xd5: {  	[tilespmem:s17+$0x420] =	vst v4;
	v1 =	vld [tilespmem:s0+$0x5C20]  }
0xd6: {  	[tilespmem:s15+$0x50] =	vst v5;
	v4 =	vld [tilespmem:s0+$0x5C40]  }
0xd7: {  	[tilespmem:s29+$0x50] =	vst v6;
	v5 =	vld [tilespmem:s13+$0x3C60]  }
0xd8: {  	v6 =	vld [tilespmem:s13+$0x3C00];
	[tilespmem:s19+$0x50] =	vst v3  }
0xd9: {  	v3 =	vld [tilespmem:s13+$0x3C20];
	[tilespmem:s21+$0x50] =	vst v2  }
0xda: {  	v2 =	vld [tilespmem:s13+$0x3C40];
	[tilespmem:s25+$0x420] =	vst v1  }
0xdb: {  	v7 =	vld [tilespmem:s0+$0x5C10];
	[tilespmem:s14+$0x420] =	vst v4  }
.Ltmp1:
0xdc: {  	[tilespmem:s15+$0x60] =	vst v5;
	v1 =	vld [tilespmem:s0+$0x5C30];
	(pc) =	sbr.rel @p0 .LBB2_4-.Ltmp1, $4  }
0xdd: {  	[tilespmem:s29+$0x60] =	vst v6;
	v5 =	vld [tilespmem:s13+$0x3C70]  }
0xde: {  	v4 =	vld [tilespmem:s13+$0x3C10];
	[tilespmem:s19+$0x60] =	vst v3  }
0xdf: {  	v3 =	vld [tilespmem:s13+$0x3C30];
	[tilespmem:s21+$0x60] =	vst v2  }
0xe0: {  	s26 =	sadd.s32 $0x200, s26;
	v2 =	vld [tilespmem:s13+$0x3C50];
	[tilespmem:s17+$0x430] =	vst v7;
	s17 =	smov.u32 s29  }
0xe1: {  	_ = 	snop  }
0xe2: {  	[tilespmem:s15+$0x70] =	vst v5  }
0xe3: {  	[tilespmem:s17+$0x70] =	vst v4;
	v4 =	vld [tilespmem:s13+$0x4C60]  }
0xe4: {  	[tilespmem:s19+$0x70] =	vst v3;
	v3 =	vld [tilespmem:s13+$0x4C00]  }
0xe5: {  	[tilespmem:s21+$0x70] =	vst v2;
	v2 =	vld [tilespmem:s13+$0x4C20]  }
0xe6: {  	v5 =	vld [tilespmem:s13+$0x4C40];
	_ =	sdelay $0x1  }
0xe7: {  	[tilespmem:s15+$0x400] =	vst v4  }
0xe8: {  	v4 =	vld [tilespmem:s13+$0x4C70];
	[tilespmem:s17+$0x400] =	vst v3  }
0xe9: {  	[tilespmem:s19+$0x400] =	vst v2;
	v2 =	vld [tilespmem:s13+$0x4C10]  }
0xea: {  	[tilespmem:s21+$0x400] =	vst v5;
	v3 =	vld [tilespmem:s13+$0x4C30]  }
0xeb: {  	v5 =	vld [tilespmem:s13+$0x4C50];
	_ =	sdelay $0x1  }
0xec: {  	[tilespmem:s15+$0x410] =	vst v4  }
0xed: {  	v4 =	vld [tilespmem:s13+$0x5C60];
	[tilespmem:s17+$0x410] =	vst v2  }
0xee: {  	[tilespmem:s19+$0x410] =	vst v3;
	v2 =	vld [tilespmem:s13+$0x5C00]  }
0xef: {  	[tilespmem:s21+$0x410] =	vst v5;
	v3 =	vld [tilespmem:s13+$0x5C20]  }
0xf0: {  	v5 =	vld [tilespmem:s13+$0x5C40];
	_ =	sdelay $0x1  }
0xf1: {  	v6 =	vld [tilespmem:s0+$0x5C50];
	[tilespmem:s15+$0x420] =	vst v4  }
0xf2: {  	v4 =	vld [tilespmem:s13+$0x5C70];
	[tilespmem:s17+$0x420] =	vst v2  }
0xf3: {  	[tilespmem:s19+$0x420] =	vst v3;
	v2 =	vld [tilespmem:s13+$0x5C10]  }
0xf4: {  	[tilespmem:s21+$0x420] =	vst v5;
	v3 =	vld [tilespmem:s13+$0x5C30]  }
0xf5: {  	[tilespmem:s25+$0x430] =	vst v1;
	v1 =	vld [tilespmem:s13+$0x5C50]  }
0xf6: {  	[tilespmem:s14+$0x430] =	vst v6  }
0xf7: {  	[tilespmem:s15+$0x430] =	vst v4  }
0xf8: {  	[tilespmem:s17+$0x430] =	vst v2  }
0xf9: {  	[tilespmem:s19+$0x430] =	vst v3  }
0xfa: {  	[tilespmem:s21+$0x430] =	vst v1  }
0xfb: {  	s1 =	simm.s32 $0x0;
	s16 =	rddreg [dreg:$0x4]  }
0xfc: {  	[hbm4b:s16+s1] =	stream.linear.scatter [tilespmem:s20], [sflag:$0x2], $0x8000, $0x38;
	[tilespmem:$0x1CC00] =	vst v63  }
0xfd: {  	s5 =	simm.s32 $0x100;
	s17 =	simm.s32 $0xC00  }
0xfe: {  	[tilespmem:s17], [sflag:$0x1] =	stream.indirect.gather [hbm4b:s3+s12], $0x20, s5, s12, $0xb8;
	[tilespmem:$0x1CC00] =	vst v63  }
0xff: {  	s19 =	simm.s32 $0x1C00;
	s21 =	simm.s32 $0x300  }
0x100: {  	[tilespmem:s19], [sflag:$0x1] =	stream.indirect.gather [hbm4b:s3+s12], $0x20, s21, s12, $0xb8;
	[tilespmem:$0x1CC00] =	vst v63  }
0x101: {  	s23 =	simm.s32 $0x2C00;
	s24 =	simm.s32 $0x500  }
0x102: {  	[tilespmem:s23], [sflag:$0x1] =	stream.indirect.gather [hbm4b:s4+s12], $0x20, s24, s12, $0xb8;
	[tilespmem:$0x1CC00] =	vst v63  }
0x103: {  	s25 =	simm.s32 $0x3C00;
	s26 =	simm.s32 $0x700  }
0x104: {  	[tilespmem:s25], [sflag:$0x1] =	stream.indirect.gather [hbm4b:s4+s12], $0x20, s26, s12, $0xb8;
	[tilespmem:$0x1CC00] =	vst v63  }
0x105: {  	s29 =	simm.s32 $0x4C00;
	s31 =	simm.s32 $0x900  }
0x106: {  	[tilespmem:s29], [sflag:$0x1] =	stream.indirect.gather [hbm4b:s4+s12], $0x20, s31, s12, $0xb8;
	[tilespmem:$0x1CC00] =	vst v63  }
0x107: {  	s6 =	simm.s32 $0xB00;
	s5 =	simm.s32 $0x5C00  }
0x108: {  	[tilespmem:s5], [sflag:$0x1] =	stream.indirect.gather [hbm4b:s4+s12], $0x20, s6, s12, $0xb8;
	[tilespmem:$0x1CC00] =	vst v63  }
0x109: {  	_ =	swait.ge [sflag:s18], $0x1000  }
0x10a: {  	[sflag:s18] =	ssyncset.done $0x0  }
0x10b: {  	[sflag:s18] =	ssyncadd.s32 $0xFFFFF000  }
0x10c: {  	_ =	swait.ge [sflag:s18], $0x1000  }
0x10d: {  	[sflag:s18] =	ssyncset.done $0x0  }
0x10e: {  	[sflag:s18] =	ssyncadd.s32 $0xFFFFF000  }
0x10f: {  	_ =	swait.ge [sflag:s18], $0x1000  }
0x110: {  	[sflag:s18] =	ssyncset.done $0x0  }
0x111: {  	[sflag:s18] =	ssyncadd.s32 $0xFFFFF000  }
0x112: {  	_ =	swait.ge [sflag:s18], $0x1000  }
0x113: {  	[sflag:s18] =	ssyncset.done $0x0  }
0x114: {  	[sflag:s18] =	ssyncadd.s32 $0xFFFFF000  }
0x115: {  	_ =	swait.ge [sflag:s18], $0x1000  }
0x116: {  	[sflag:s18] =	ssyncset.done $0x0  }
0x117: {  	[sflag:s18] =	ssyncadd.s32 $0xFFFFF000  }
0x118: {  	_ =	swait.ge [sflag:s18], $0x1000  }
0x119: {  	[sflag:s18] =	ssyncset.done $0x0  }
0x11a: {  	s0 =	simm.s32 $0x0;
	[sflag:s18] =	ssyncadd.s32 $0xFFFFF000  }
0x11b: {  	v1 =	vld [tilespmem:s0+$0x6C60]  }
0x11c: {  	v2 =	vld [tilespmem:s0+$0x6C00]  }
0x11d: {  	s13 =	sand.u32 $0x7800, s1;
	s6 =	simm.s32 $0x180  }
0x11e: {  	s5 =	sadd.s32 $0x14C00, s13;
	s6 =	sand.u32 $0x380, s6;
	v3 =	vld [tilespmem:s0+$0x6C20]  }
0x11f: {  	s1 =	sand.u32 $0x200, s1;
	s24 =	sor.u32 s6, s5;
	v4 =	vld [tilespmem:s0+$0x6C40]  }
0x120: {  	s14 =	simm.s32 $0x80;
	s26 =	sor.u32 s1, s5;
	[tilespmem:s24+$0x0] =	vst v1  }
0x121: {  	s15 =	simm.s32 $0x100;
	s6 =	sand.u32 $0x280, s14;
	[tilespmem:s26+$0x0] =	vst v2;
	v1 =	vld [tilespmem:s0+$0x6C70]  }
0x122: {  	s16 =	sand.u32 $0x300, s15;
	s25 =	sor.u32 s6, s5;
	v2 =	vld [tilespmem:s0+$0x6C10]  }
0x123: {  	s14 =	sor.u32 s16, s5;
	[tilespmem:s25+$0x0] =	vst v3  }
0x124: {  	[tilespmem:s14+$0x0] =	vst v4;
	v3 =	vld [tilespmem:s0+$0x6C30]  }
0x125: {  	v4 =	vld [tilespmem:s0+$0x6C50]  }
0x126: {  	[tilespmem:s24+$0x10] =	vst v1  }
0x127: {  	[tilespmem:s26+$0x10] =	vst v2;
	v1 =	vld [tilespmem:s0+$0x7C60]  }
0x128: {  	v2 =	vld [tilespmem:s0+$0x7C00]  }
0x129: {  	[tilespmem:s25+$0x10] =	vst v3  }
0x12a: {  	[tilespmem:s14+$0x10] =	vst v4;
	v3 =	vld [tilespmem:s0+$0x7C20]  }
0x12b: {  	v4 =	vld [tilespmem:s0+$0x7C40]  }
0x12c: {  	[tilespmem:s24+$0x20] =	vst v1  }
0x12d: {  	[tilespmem:s26+$0x20] =	vst v2;
	v1 =	vld [tilespmem:s0+$0x7C70]  }
0x12e: {  	v2 =	vld [tilespmem:s0+$0x7C10]  }
0x12f: {  	[tilespmem:s25+$0x20] =	vst v3  }
0x130: {  	[tilespmem:s14+$0x20] =	vst v4;
	v3 =	vld [tilespmem:s0+$0x7C30]  }
0x131: {  	v4 =	vld [tilespmem:s0+$0x7C50]  }
0x132: {  	[tilespmem:s24+$0x30] =	vst v1  }
0x133: {  	[tilespmem:s26+$0x30] =	vst v2;
	v1 =	vld [tilespmem:s0+$0x8C60]  }
0x134: {  	v2 =	vld [tilespmem:s0+$0x8C00]  }
0x135: {  	[tilespmem:s25+$0x30] =	vst v3  }
0x136: {  	[tilespmem:s14+$0x30] =	vst v4;
	v3 =	vld [tilespmem:s0+$0x8C20]  }
0x137: {  	v4 =	vld [tilespmem:s0+$0x8C40]  }
0x138: {  	[tilespmem:s24+$0x40] =	vst v1  }
0x139: {  	[tilespmem:s26+$0x40] =	vst v2;
	v1 =	vld [tilespmem:s0+$0x8C70]  }
0x13a: {  	v2 =	vld [tilespmem:s0+$0x8C10]  }
0x13b: {  	[tilespmem:s25+$0x40] =	vst v3  }
0x13c: {  	[tilespmem:s14+$0x40] =	vst v4;
	v3 =	vld [tilespmem:s0+$0x8C30]  }
0x13d: {  	v4 =	vld [tilespmem:s0+$0x8C50]  }
0x13e: {  	[tilespmem:s24+$0x50] =	vst v1  }
0x13f: {  	[tilespmem:s26+$0x50] =	vst v2;
	v1 =	vld [tilespmem:s0+$0x9C60]  }
0x140: {  	v2 =	vld [tilespmem:s0+$0x9C00]  }
0x141: {  	[tilespmem:s25+$0x50] =	vst v3  }
0x142: {  	[tilespmem:s14+$0x50] =	vst v4;
	v3 =	vld [tilespmem:s0+$0x9C20]  }
0x143: {  	v4 =	vld [tilespmem:s0+$0x9C40]  }
0x144: {  	[tilespmem:s24+$0x60] =	vst v1  }
0x145: {  	[tilespmem:s26+$0x60] =	vst v2;
	v1 =	vld [tilespmem:s0+$0x9C70]  }
0x146: {  	s13 =	simm.s32 $0x80;
	v2 =	vld [tilespmem:s0+$0x9C10]  }
0x147: {  	v5 =	vld [tilespmem:s13+$0x6C60];
	[tilespmem:s25+$0x60] =	vst v3  }
0x148: {  	s23 =	simm.s32 $0x400;
	[tilespmem:s14+$0x60] =	vst v4;
	v3 =	vld [tilespmem:s0+$0x9C30]  }
0x149: {  	s19 =	simm.s32 $0x380;
	s17 =	sand.u32 $0x7800, s23;
	v4 =	vld [tilespmem:s0+$0x9C50]  }
0x14a: {  	s1 =	sadd.s32 $0x14C00, s17;
	s5 =	sand.u32 $0x380, s19;
	[tilespmem:s24+$0x70] =	vst v1  }
0x14b: {  	s15 =	sor.u32 s5, s1;
	[tilespmem:s26+$0x70] =	vst v2;
	v2 =	vld [tilespmem:s13+$0x6C00]  }
0x14c: {  	[tilespmem:s15+$0x0] =	vst v5;
	v1 =	vld [tilespmem:s0+$0xAC60]  }
0x14d: {  	s21 =	simm.s32 $0x200;
	[tilespmem:s25+$0x70] =	vst v3;
	v3 =	vld [tilespmem:s13+$0x6C20]  }
0x14e: {  	s6 =	sand.u32 $0x200, s21;
	[tilespmem:s14+$0x70] =	vst v4;
	v4 =	vld [tilespmem:s13+$0x6C40]  }
0x14f: {  	s29 =	simm.s32 $0x280;
	s17 =	sor.u32 s6, s1;
	v6 =	vld [tilespmem:s13+$0x6C70]  }
0x150: {  	s16 =	simm.s32 $0x300;
	s5 =	sand.u32 $0x280, s29;
	v5 =	vld [tilespmem:s0+$0xAC00];
	[tilespmem:s17+$0x0] =	vst v2  }
0x151: {  	s31 =	sand.u32 $0x300, s16;
	s19 =	sor.u32 s5, s1;
	[tilespmem:s24+$0x400] =	vst v1;
	v2 =	vld [tilespmem:s13+$0x6C10]  }
0x152: {  	s21 =	sor.u32 s31, s1;
	[tilespmem:s19+$0x0] =	vst v3;
	v1 =	vld [tilespmem:s0+$0xAC70]  }
0x153: {  	[tilespmem:s21+$0x0] =	vst v4;
	v3 =	vld [tilespmem:s13+$0x6C30]  }
0x154: {  	[tilespmem:s15+$0x10] =	vst v6;
	v4 =	vld [tilespmem:s13+$0x6C50]  }
0x155: {  	v6 =	vld [tilespmem:s13+$0x7C60];
	[tilespmem:s26+$0x400] =	vst v5  }
0x156: {  	v5 =	vld [tilespmem:s0+$0xAC20];
	[tilespmem:s17+$0x10] =	vst v2  }
0x157: {  	[tilespmem:s24+$0x410] =	vst v1;
	v2 =	vld [tilespmem:s13+$0x7C00]  }
0x158: {  	[tilespmem:s19+$0x10] =	vst v3;
	v1 =	vld [tilespmem:s0+$0xBC60]  }
0x159: {  	[tilespmem:s21+$0x10] =	vst v4;
	v3 =	vld [tilespmem:s13+$0x7C20]  }
0x15a: {  	[tilespmem:s15+$0x20] =	vst v6;
	v4 =	vld [tilespmem:s13+$0x7C40]  }
0x15b: {  	v6 =	vld [tilespmem:s13+$0x7C70];
	[tilespmem:s25+$0x400] =	vst v5  }
0x15c: {  	v5 =	vld [tilespmem:s0+$0xAC40];
	[tilespmem:s17+$0x20] =	vst v2  }
0x15d: {  	[tilespmem:s24+$0x420] =	vst v1;
	v2 =	vld [tilespmem:s13+$0x7C10]  }
0x15e: {  	[tilespmem:s19+$0x20] =	vst v3;
	v1 =	vld [tilespmem:s0+$0xBC70]  }
0x15f: {  	[tilespmem:s21+$0x20] =	vst v4;
	v3 =	vld [tilespmem:s13+$0x7C30]  }
0x160: {  	[tilespmem:s15+$0x30] =	vst v6;
	v4 =	vld [tilespmem:s13+$0x7C50]  }
0x161: {  	v6 =	vld [tilespmem:s0+$0xAC30];
	[tilespmem:s14+$0x400] =	vst v5  }
0x162: {  	v5 =	vld [tilespmem:s0+$0xAC10];
	[tilespmem:s17+$0x30] =	vst v2  }
0x163: {  	[tilespmem:s24+$0x430] =	vst v1;
	v1 =	vld [tilespmem:s13+$0x8C60]  }
0x164: {  	[tilespmem:s19+$0x30] =	vst v3;
	v2 =	vld [tilespmem:s13+$0x8C00]  }
0x165: {  	[tilespmem:s21+$0x30] =	vst v4;
	v3 =	vld [tilespmem:s13+$0x8C20]  }
0x166: {  	[tilespmem:s25+$0x410] =	vst v6;
	v4 =	vld [tilespmem:s13+$0x8C40]  }
0x167: {  	[tilespmem:s26+$0x410] =	vst v5;
	v5 =	vld [tilespmem:s0+$0xAC50]  }
0x168: {  	[tilespmem:s15+$0x40] =	vst v1;
	v1 =	vld [tilespmem:s0+$0xBC00]  }
0x169: {  	[tilespmem:s17+$0x40] =	vst v2;
	v2 =	vld [tilespmem:s13+$0x8C70]  }
0x16a: {  	[tilespmem:s19+$0x40] =	vst v3;
	v6 =	vld [tilespmem:s13+$0x8C10]  }
0x16b: {  	[tilespmem:s21+$0x40] =	vst v4;
	v3 =	vld [tilespmem:s13+$0x8C30]  }
0x16c: {  	[tilespmem:s14+$0x410] =	vst v5;
	v4 =	vld [tilespmem:s13+$0x8C50]  }
0x16d: {  	[tilespmem:s26+$0x420] =	vst v1;
	v1 =	vld [tilespmem:s0+$0xBC20]  }
0x16e: {  	[tilespmem:s15+$0x50] =	vst v2;
	v2 =	vld [tilespmem:s0+$0xBC40]  }
0x16f: {  	[tilespmem:s17+$0x50] =	vst v6;
	v5 =	vld [tilespmem:s13+$0x9C60]  }
0x170: {  	[tilespmem:s19+$0x50] =	vst v3;
	v6 =	vld [tilespmem:s13+$0x9C00]  }
0x171: {  	[tilespmem:s21+$0x50] =	vst v4;
	v3 =	vld [tilespmem:s13+$0x9C20]  }
0x172: {  	v7 =	vld [tilespmem:s13+$0x9C40];
	[tilespmem:s25+$0x420] =	vst v1  }
0x173: {  	v8 =	vld [tilespmem:s0+$0xBC10];
	[tilespmem:s14+$0x420] =	vst v2  }
0x174: {  	v1 =	vld [tilespmem:s0+$0xBC30];
	[tilespmem:s15+$0x60] =	vst v5  }
0x175: {  	[tilespmem:s17+$0x60] =	vst v6;
	v5 =	vld [tilespmem:s13+$0x9C70]  }
0x176: {  	[tilespmem:s19+$0x60] =	vst v3;
	v4 =	vld [tilespmem:s13+$0x9C10]  }
0x177: {  	[tilespmem:s21+$0x60] =	vst v7;
	v3 =	vld [tilespmem:s13+$0x9C30]  }
0x178: {  	s24 =	simm.s32 $0x4;
	[tilespmem:s26+$0x430] =	vst v8;
	s26 =	simm.s32 $0x400;
	v2 =	vld [tilespmem:s13+$0x9C50]  }
.LBB2_6:
0x179: {  	s1 =	sshra.s32 s26, $0x2;
	s5 =	sadd.s32 $0x80, s26;
	s6 =	sadd.s32 $0x100, s26;
	[tilespmem:s25+$0x430] =	vst v1;
	v1 =	vld [tilespmem:s0+$0xBC50]  }
0x17a: {  	s24 =	sadd.s32 $0x4, s24;
	s5 =	sand.u32 $0x280, s5;
	s6 =	sand.u32 $0x300, s6;
	v6 =	vld [tilespmem:s1+$0x6C60];
	[tilespmem:s15+$0x70] =	vst v5  }
0x17b: {  	s16 =	sand.u32 $0x200, s26;
	s23 =	sadd.s32 $0x400, s23;
	p0 =	slt.u32 s24, $0x7C;
	[tilespmem:s17+$0x70] =	vst v4;
	v4 =	vld [tilespmem:s13+$0xAC60]  }
0x17c: {  	s29 =	sadd.s32 $0x180, s26;
	s0 =	smov.u32 s13;
	s25 =	sand.u32 $0x7800, s23;
	v5 =	vld [tilespmem:s1+$0x6C00];
	[tilespmem:s19+$0x70] =	vst v3  }
0x17d: {  	s31 =	sand.u32 $0x380, s29;
	s25 =	sadd.s32 $0x14C00, s25;
	s13 =	smov.u32 s1;
	v3 =	vld [tilespmem:s1+$0x6C20];
	[tilespmem:s21+$0x70] =	vst v2  }
0x17e: {  	s29 =	sor.u32 s16, s25;
	s31 =	sor.u32 s31, s25;
	s1 =	sor.u32 s5, s25;
	v2 =	vld [tilespmem:s13+$0x6C40];
	[tilespmem:s14+$0x430] =	vst v1  }
0x17f: {  	s5 =	sor.u32 s6, s25;
	s25 =	smov.u32 s19;
	s19 =	smov.u32 s1;
	[tilespmem:s31+$0x0] =	vst v6;
	v1 =	vld [tilespmem:s0+$0xAC00]  }
0x180: {  	s14 =	smov.u32 s21;
	s21 =	smov.u32 s5;
	v6 =	vld [tilespmem:s13+$0x6C70];
	[tilespmem:s15+$0x400] =	vst v4  }
0x181: {  	[tilespmem:s29+$0x0] =	vst v5;
	v4 =	vld [tilespmem:s0+$0xAC70]  }
0x182: {  	v5 =	vld [tilespmem:s13+$0x6C10];
	[tilespmem:s19+$0x0] =	vst v3  }
0x183: {  	v3 =	vld [tilespmem:s13+$0x6C30];
	[tilespmem:s21+$0x0] =	vst v2  }
0x184: {  	v2 =	vld [tilespmem:s13+$0x6C50];
	[tilespmem:s17+$0x400] =	vst v1  }
0x185: {  	[tilespmem:s31+$0x10] =	vst v6;
	v1 =	vld [tilespmem:s0+$0xAC20]  }
0x186: {  	v6 =	vld [tilespmem:s13+$0x7C60];
	[tilespmem:s15+$0x410] =	vst v4  }
0x187: {  	[tilespmem:s29+$0x10] =	vst v5;
	v4 =	vld [tilespmem:s0+$0xBC60]  }
0x188: {  	v5 =	vld [tilespmem:s13+$0x7C00];
	[tilespmem:s19+$0x10] =	vst v3  }
0x189: {  	v3 =	vld [tilespmem:s13+$0x7C20];
	[tilespmem:s21+$0x10] =	vst v2  }
0x18a: {  	v2 =	vld [tilespmem:s13+$0x7C40];
	[tilespmem:s25+$0x400] =	vst v1  }
0x18b: {  	[tilespmem:s31+$0x20] =	vst v6;
	v1 =	vld [tilespmem:s0+$0xAC40]  }
0x18c: {  	v6 =	vld [tilespmem:s13+$0x7C70];
	[tilespmem:s15+$0x420] =	vst v4  }
0x18d: {  	[tilespmem:s29+$0x20] =	vst v5;
	v4 =	vld [tilespmem:s0+$0xBC70]  }
0x18e: {  	v5 =	vld [tilespmem:s13+$0x7C10];
	[tilespmem:s19+$0x20] =	vst v3  }
0x18f: {  	v3 =	vld [tilespmem:s13+$0x7C30];
	[tilespmem:s21+$0x20] =	vst v2  }
0x190: {  	v2 =	vld [tilespmem:s13+$0x7C50];
	[tilespmem:s14+$0x400] =	vst v1  }
0x191: {  	[tilespmem:s31+$0x30] =	vst v6;
	v1 =	vld [tilespmem:s0+$0xAC10]  }
0x192: {  	v6 =	vld [tilespmem:s0+$0xAC30];
	[tilespmem:s15+$0x430] =	vst v4;
	s15 =	smov.u32 s31  }
0x193: {  	[tilespmem:s29+$0x30] =	vst v5;
	v4 =	vld [tilespmem:s13+$0x8C60]  }
0x194: {  	v5 =	vld [tilespmem:s13+$0x8C00];
	[tilespmem:s19+$0x30] =	vst v3  }
0x195: {  	v3 =	vld [tilespmem:s13+$0x8C20];
	[tilespmem:s21+$0x30] =	vst v2  }
0x196: {  	v2 =	vld [tilespmem:s13+$0x8C40];
	[tilespmem:s17+$0x410] =	vst v1  }
0x197: {  	[tilespmem:s25+$0x410] =	vst v6;
	v1 =	vld [tilespmem:s0+$0xAC50]  }
0x198: {  	[tilespmem:s15+$0x40] =	vst v4;
	v4 =	vld [tilespmem:s0+$0xBC00]  }
0x199: {  	[tilespmem:s29+$0x40] =	vst v5;
	v5 =	vld [tilespmem:s13+$0x8C70]  }
0x19a: {  	v6 =	vld [tilespmem:s13+$0x8C10];
	[tilespmem:s19+$0x40] =	vst v3  }
0x19b: {  	v3 =	vld [tilespmem:s13+$0x8C30];
	[tilespmem:s21+$0x40] =	vst v2  }
0x19c: {  	v2 =	vld [tilespmem:s13+$0x8C50];
	[tilespmem:s14+$0x410] =	vst v1  }
0x19d: {  	[tilespmem:s17+$0x420] =	vst v4;
	v1 =	vld [tilespmem:s0+$0xBC20]  }
0x19e: {  	[tilespmem:s15+$0x50] =	vst v5;
	v4 =	vld [tilespmem:s0+$0xBC40]  }
0x19f: {  	[tilespmem:s29+$0x50] =	vst v6;
	v5 =	vld [tilespmem:s13+$0x9C60]  }
0x1a0: {  	v6 =	vld [tilespmem:s13+$0x9C00];
	[tilespmem:s19+$0x50] =	vst v3  }
0x1a1: {  	v3 =	vld [tilespmem:s13+$0x9C20];
	[tilespmem:s21+$0x50] =	vst v2  }
0x1a2: {  	v2 =	vld [tilespmem:s13+$0x9C40];
	[tilespmem:s25+$0x420] =	vst v1  }
0x1a3: {  	v7 =	vld [tilespmem:s0+$0xBC10];
	[tilespmem:s14+$0x420] =	vst v4  }
.Ltmp2:
0x1a4: {  	[tilespmem:s15+$0x60] =	vst v5;
	v1 =	vld [tilespmem:s0+$0xBC30];
	(pc) =	sbr.rel @p0 .LBB2_6-.Ltmp2, $4  }
0x1a5: {  	[tilespmem:s29+$0x60] =	vst v6;
	v5 =	vld [tilespmem:s13+$0x9C70]  }
0x1a6: {  	v4 =	vld [tilespmem:s13+$0x9C10];
	[tilespmem:s19+$0x60] =	vst v3  }
0x1a7: {  	v3 =	vld [tilespmem:s13+$0x9C30];
	[tilespmem:s21+$0x60] =	vst v2  }
0x1a8: {  	s26 =	sadd.s32 $0x200, s26;
	v2 =	vld [tilespmem:s13+$0x9C50];
	[tilespmem:s17+$0x430] =	vst v7;
	s17 =	smov.u32 s29  }
0x1a9: {  	_ = 	snop  }
0x1aa: {  	[tilespmem:s15+$0x70] =	vst v5  }
0x1ab: {  	[tilespmem:s17+$0x70] =	vst v4;
	v4 =	vld [tilespmem:s13+$0xAC60]  }
0x1ac: {  	[tilespmem:s19+$0x70] =	vst v3;
	v3 =	vld [tilespmem:s13+$0xAC00]  }
0x1ad: {  	[tilespmem:s21+$0x70] =	vst v2;
	v2 =	vld [tilespmem:s13+$0xAC20]  }
0x1ae: {  	v5 =	vld [tilespmem:s13+$0xAC40];
	_ =	sdelay $0x1  }
0x1af: {  	[tilespmem:s15+$0x400] =	vst v4  }
0x1b0: {  	v4 =	vld [tilespmem:s13+$0xAC70];
	[tilespmem:s17+$0x400] =	vst v3  }
0x1b1: {  	[tilespmem:s19+$0x400] =	vst v2;
	v2 =	vld [tilespmem:s13+$0xAC10]  }
0x1b2: {  	[tilespmem:s21+$0x400] =	vst v5;
	v3 =	vld [tilespmem:s13+$0xAC30]  }
0x1b3: {  	v5 =	vld [tilespmem:s13+$0xAC50];
	_ =	sdelay $0x1  }
0x1b4: {  	[tilespmem:s15+$0x410] =	vst v4  }
0x1b5: {  	v4 =	vld [tilespmem:s13+$0xBC60];
	[tilespmem:s17+$0x410] =	vst v2  }
0x1b6: {  	[tilespmem:s19+$0x410] =	vst v3;
	v2 =	vld [tilespmem:s13+$0xBC00]  }
0x1b7: {  	[tilespmem:s21+$0x410] =	vst v5;
	v3 =	vld [tilespmem:s13+$0xBC20]  }
0x1b8: {  	v5 =	vld [tilespmem:s13+$0xBC40];
	_ =	sdelay $0x1  }
0x1b9: {  	v6 =	vld [tilespmem:s0+$0xBC50];
	[tilespmem:s15+$0x420] =	vst v4  }
0x1ba: {  	v4 =	vld [tilespmem:s13+$0xBC70];
	[tilespmem:s17+$0x420] =	vst v2  }
0x1bb: {  	[tilespmem:s19+$0x420] =	vst v3;
	v2 =	vld [tilespmem:s13+$0xBC10]  }
0x1bc: {  	[tilespmem:s21+$0x420] =	vst v5;
	v3 =	vld [tilespmem:s13+$0xBC30]  }
0x1bd: {  	[tilespmem:s25+$0x430] =	vst v1;
	v1 =	vld [tilespmem:s13+$0xBC50]  }
0x1be: {  	[tilespmem:s14+$0x430] =	vst v6  }
0x1bf: {  	[tilespmem:s15+$0x430] =	vst v4  }
0x1c0: {  	[tilespmem:s17+$0x430] =	vst v2  }
0x1c1: {  	[tilespmem:s19+$0x430] =	vst v3  }
0x1c2: {  	s1 =	simm.s32 $0x0;
	[tilespmem:s21+$0x430] =	vst v1  }
0x1c3: {  	[hbm4b:s7+s1] =	stream.linear.scatter [tilespmem:s22], [sflag:$0x2], $0x8000, $0x38;
	[tilespmem:$0x1CC00] =	vst v63  }
0x1c4: {  	s5 =	simm.s32 $0x180;
	s17 =	simm.s32 $0x6C00  }
0x1c5: {  	[tilespmem:s17], [sflag:$0x1] =	stream.indirect.gather [hbm4b:s3+s12], $0x20, s5, s12, $0xb8;
	[tilespmem:$0x1CC00] =	vst v63  }
0x1c6: {  	s19 =	simm.s32 $0x7C00;
	s21 =	simm.s32 $0x380  }
0x1c7: {  	[tilespmem:s19], [sflag:$0x1] =	stream.indirect.gather [hbm4b:s3+s12], $0x20, s21, s12, $0xb8;
	[tilespmem:$0x1CC00] =	vst v63  }
0x1c8: {  	s23 =	simm.s32 $0x8C00;
	s24 =	simm.s32 $0x580  }
0x1c9: {  	[tilespmem:s23], [sflag:$0x1] =	stream.indirect.gather [hbm4b:s4+s12], $0x20, s24, s12, $0xb8;
	[tilespmem:$0x1CC00] =	vst v63  }
0x1ca: {  	s25 =	simm.s32 $0x9C00;
	s26 =	simm.s32 $0x780  }
0x1cb: {  	[tilespmem:s25], [sflag:$0x1] =	stream.indirect.gather [hbm4b:s4+s12], $0x20, s26, s12, $0xb8;
	[tilespmem:$0x1CC00] =	vst v63  }
0x1cc: {  	s29 =	simm.s32 $0xAC00;
	s31 =	simm.s32 $0x980  }
0x1cd: {  	[tilespmem:s29], [sflag:$0x1] =	stream.indirect.gather [hbm4b:s4+s12], $0x20, s31, s12, $0xb8;
	[tilespmem:$0x1CC00] =	vst v63  }
0x1ce: {  	s6 =	simm.s32 $0xB80;
	s5 =	simm.s32 $0xBC00  }
0x1cf: {  	[tilespmem:s5], [sflag:$0x1] =	stream.indirect.gather [hbm4b:s4+s12], $0x20, s6, s12, $0xb8;
	[tilespmem:$0x1CC00] =	vst v63  }
0x1d0: {  	_ =	swait.ge [sflag:s18], $0x1000  }
0x1d1: {  	[sflag:s18] =	ssyncset.done $0x0  }
0x1d2: {  	[sflag:s18] =	ssyncadd.s32 $0xFFFFF000  }
0x1d3: {  	_ =	swait.ge [sflag:s18], $0x1000  }
0x1d4: {  	[sflag:s18] =	ssyncset.done $0x0  }
0x1d5: {  	[sflag:s18] =	ssyncadd.s32 $0xFFFFF000  }
0x1d6: {  	_ =	swait.ge [sflag:s18], $0x1000  }
0x1d7: {  	[sflag:s18] =	ssyncset.done $0x0  }
0x1d8: {  	[sflag:s18] =	ssyncadd.s32 $0xFFFFF000  }
0x1d9: {  	_ =	swait.ge [sflag:s18], $0x1000  }
0x1da: {  	[sflag:s18] =	ssyncset.done $0x0  }
0x1db: {  	[sflag:s18] =	ssyncadd.s32 $0xFFFFF000  }
0x1dc: {  	_ =	swait.ge [sflag:s18], $0x1000  }
0x1dd: {  	[sflag:s18] =	ssyncset.done $0x0  }
0x1de: {  	[sflag:s18] =	ssyncadd.s32 $0xFFFFF000  }
0x1df: {  	_ =	swait.ge [sflag:s18], $0x1000  }
0x1e0: {  	[sflag:s18] =	ssyncset.done $0x0  }
0x1e1: {  	[sflag:s18] =	ssyncadd.s32 $0xFFFFF000  }
0x1e2: {  	_ =	swait.ge [sflag:s28], $0x8000  }
0x1e3: {  	[sflag:s28] =	ssyncset.done $0x0  }
0x1e4: {  	s0 =	simm.s32 $0x0;
	[sflag:s28] =	ssyncadd.s32 $0xFFFF8000  }
0x1e5: {  	v1 =	vld [tilespmem:s0+$0xC60]  }
0x1e6: {  	v2 =	vld [tilespmem:s0+$0xC00]  }
0x1e7: {  	s13 =	sand.u32 $0x7800, s1;
	s6 =	simm.s32 $0x180  }
0x1e8: {  	s5 =	sadd.s32 $0xCC00, s13;
	s6 =	sand.u32 $0x380, s6;
	v3 =	vld [tilespmem:s0+$0xC20]  }
0x1e9: {  	s1 =	sand.u32 $0x200, s1;
	s24 =	sor.u32 s6, s5;
	v4 =	vld [tilespmem:s0+$0xC40]  }
0x1ea: {  	s14 =	simm.s32 $0x80;
	s26 =	sor.u32 s1, s5;
	[tilespmem:s24+$0x0] =	vst v1  }
0x1eb: {  	s15 =	simm.s32 $0x100;
	s6 =	sand.u32 $0x280, s14;
	[tilespmem:s26+$0x0] =	vst v2;
	v1 =	vld [tilespmem:s0+$0xC70]  }
0x1ec: {  	s16 =	sand.u32 $0x300, s15;
	s25 =	sor.u32 s6, s5;
	v2 =	vld [tilespmem:s0+$0xC10]  }
0x1ed: {  	s14 =	sor.u32 s16, s5;
	[tilespmem:s25+$0x0] =	vst v3  }
0x1ee: {  	[tilespmem:s14+$0x0] =	vst v4;
	v3 =	vld [tilespmem:s0+$0xC30]  }
0x1ef: {  	v4 =	vld [tilespmem:s0+$0xC50]  }
0x1f0: {  	[tilespmem:s24+$0x10] =	vst v1  }
0x1f1: {  	[tilespmem:s26+$0x10] =	vst v2;
	v1 =	vld [tilespmem:s0+$0x1C60]  }
0x1f2: {  	v2 =	vld [tilespmem:s0+$0x1C00]  }
0x1f3: {  	[tilespmem:s25+$0x10] =	vst v3  }
0x1f4: {  	[tilespmem:s14+$0x10] =	vst v4;
	v3 =	vld [tilespmem:s0+$0x1C20]  }
0x1f5: {  	v4 =	vld [tilespmem:s0+$0x1C40]  }
0x1f6: {  	[tilespmem:s24+$0x20] =	vst v1  }
0x1f7: {  	[tilespmem:s26+$0x20] =	vst v2;
	v1 =	vld [tilespmem:s0+$0x1C70]  }
0x1f8: {  	v2 =	vld [tilespmem:s0+$0x1C10]  }
0x1f9: {  	[tilespmem:s25+$0x20] =	vst v3  }
0x1fa: {  	[tilespmem:s14+$0x20] =	vst v4;
	v3 =	vld [tilespmem:s0+$0x1C30]  }
0x1fb: {  	v4 =	vld [tilespmem:s0+$0x1C50]  }
0x1fc: {  	[tilespmem:s24+$0x30] =	vst v1  }
0x1fd: {  	[tilespmem:s26+$0x30] =	vst v2;
	v1 =	vld [tilespmem:s0+$0x2C60]  }
0x1fe: {  	v2 =	vld [tilespmem:s0+$0x2C00]  }
0x1ff: {  	[tilespmem:s25+$0x30] =	vst v3  }
0x200: {  	[tilespmem:s14+$0x30] =	vst v4;
	v3 =	vld [tilespmem:s0+$0x2C20]  }
0x201: {  	v4 =	vld [tilespmem:s0+$0x2C40]  }
0x202: {  	[tilespmem:s24+$0x40] =	vst v1  }
0x203: {  	[tilespmem:s26+$0x40] =	vst v2;
	v1 =	vld [tilespmem:s0+$0x2C70]  }
0x204: {  	v2 =	vld [tilespmem:s0+$0x2C10]  }
0x205: {  	[tilespmem:s25+$0x40] =	vst v3  }
0x206: {  	[tilespmem:s14+$0x40] =	vst v4;
	v3 =	vld [tilespmem:s0+$0x2C30]  }
0x207: {  	v4 =	vld [tilespmem:s0+$0x2C50]  }
0x208: {  	[tilespmem:s24+$0x50] =	vst v1  }
0x209: {  	[tilespmem:s26+$0x50] =	vst v2;
	v1 =	vld [tilespmem:s0+$0x3C60]  }
0x20a: {  	v2 =	vld [tilespmem:s0+$0x3C00]  }
0x20b: {  	[tilespmem:s25+$0x50] =	vst v3  }
0x20c: {  	[tilespmem:s14+$0x50] =	vst v4;
	v3 =	vld [tilespmem:s0+$0x3C20]  }
0x20d: {  	v4 =	vld [tilespmem:s0+$0x3C40]  }
0x20e: {  	[tilespmem:s24+$0x60] =	vst v1  }
0x20f: {  	[tilespmem:s26+$0x60] =	vst v2;
	v1 =	vld [tilespmem:s0+$0x3C70]  }
0x210: {  	s13 =	simm.s32 $0x80;
	v2 =	vld [tilespmem:s0+$0x3C10]  }
0x211: {  	v5 =	vld [tilespmem:s13+$0xC60];
	[tilespmem:s25+$0x60] =	vst v3  }
0x212: {  	s23 =	simm.s32 $0x400;
	[tilespmem:s14+$0x60] =	vst v4;
	v3 =	vld [tilespmem:s0+$0x3C30]  }
0x213: {  	s19 =	simm.s32 $0x380;
	s17 =	sand.u32 $0x7800, s23;
	v4 =	vld [tilespmem:s0+$0x3C50]  }
0x214: {  	s1 =	sadd.s32 $0xCC00, s17;
	s5 =	sand.u32 $0x380, s19;
	[tilespmem:s24+$0x70] =	vst v1  }
0x215: {  	s15 =	sor.u32 s5, s1;
	[tilespmem:s26+$0x70] =	vst v2;
	v2 =	vld [tilespmem:s13+$0xC00]  }
0x216: {  	[tilespmem:s15+$0x0] =	vst v5;
	v1 =	vld [tilespmem:s0+$0x4C60]  }
0x217: {  	s21 =	simm.s32 $0x200;
	[tilespmem:s25+$0x70] =	vst v3;
	v3 =	vld [tilespmem:s13+$0xC20]  }
0x218: {  	s6 =	sand.u32 $0x200, s21;
	[tilespmem:s14+$0x70] =	vst v4;
	v4 =	vld [tilespmem:s13+$0xC40]  }
0x219: {  	s29 =	simm.s32 $0x280;
	s17 =	sor.u32 s6, s1;
	v6 =	vld [tilespmem:s13+$0xC70]  }
0x21a: {  	s16 =	simm.s32 $0x300;
	s5 =	sand.u32 $0x280, s29;
	v5 =	vld [tilespmem:s0+$0x4C00];
	[tilespmem:s17+$0x0] =	vst v2  }
0x21b: {  	s31 =	sand.u32 $0x300, s16;
	s19 =	sor.u32 s5, s1;
	[tilespmem:s24+$0x400] =	vst v1;
	v2 =	vld [tilespmem:s13+$0xC10]  }
0x21c: {  	s21 =	sor.u32 s31, s1;
	[tilespmem:s19+$0x0] =	vst v3;
	v1 =	vld [tilespmem:s0+$0x4C70]  }
0x21d: {  	[tilespmem:s21+$0x0] =	vst v4;
	v3 =	vld [tilespmem:s13+$0xC30]  }
0x21e: {  	[tilespmem:s15+$0x10] =	vst v6;
	v4 =	vld [tilespmem:s13+$0xC50]  }
0x21f: {  	v6 =	vld [tilespmem:s13+$0x1C60];
	[tilespmem:s26+$0x400] =	vst v5  }
0x220: {  	v5 =	vld [tilespmem:s0+$0x4C20];
	[tilespmem:s17+$0x10] =	vst v2  }
0x221: {  	[tilespmem:s24+$0x410] =	vst v1;
	v2 =	vld [tilespmem:s13+$0x1C00]  }
0x222: {  	[tilespmem:s19+$0x10] =	vst v3;
	v1 =	vld [tilespmem:s0+$0x5C60]  }
0x223: {  	[tilespmem:s21+$0x10] =	vst v4;
	v3 =	vld [tilespmem:s13+$0x1C20]  }
0x224: {  	[tilespmem:s15+$0x20] =	vst v6;
	v4 =	vld [tilespmem:s13+$0x1C40]  }
0x225: {  	v6 =	vld [tilespmem:s13+$0x1C70];
	[tilespmem:s25+$0x400] =	vst v5  }
0x226: {  	v5 =	vld [tilespmem:s0+$0x4C40];
	[tilespmem:s17+$0x20] =	vst v2  }
0x227: {  	[tilespmem:s24+$0x420] =	vst v1;
	v2 =	vld [tilespmem:s13+$0x1C10]  }
0x228: {  	[tilespmem:s19+$0x20] =	vst v3;
	v1 =	vld [tilespmem:s0+$0x5C70]  }
0x229: {  	[tilespmem:s21+$0x20] =	vst v4;
	v3 =	vld [tilespmem:s13+$0x1C30]  }
0x22a: {  	[tilespmem:s15+$0x30] =	vst v6;
	v4 =	vld [tilespmem:s13+$0x1C50]  }
0x22b: {  	v6 =	vld [tilespmem:s0+$0x4C30];
	[tilespmem:s14+$0x400] =	vst v5  }
0x22c: {  	v5 =	vld [tilespmem:s0+$0x4C10];
	[tilespmem:s17+$0x30] =	vst v2  }
0x22d: {  	[tilespmem:s24+$0x430] =	vst v1;
	v1 =	vld [tilespmem:s13+$0x2C60]  }
0x22e: {  	[tilespmem:s19+$0x30] =	vst v3;
	v2 =	vld [tilespmem:s13+$0x2C00]  }
0x22f: {  	[tilespmem:s21+$0x30] =	vst v4;
	v3 =	vld [tilespmem:s13+$0x2C20]  }
0x230: {  	[tilespmem:s25+$0x410] =	vst v6;
	v4 =	vld [tilespmem:s13+$0x2C40]  }
0x231: {  	[tilespmem:s26+$0x410] =	vst v5;
	v5 =	vld [tilespmem:s0+$0x4C50]  }
0x232: {  	[tilespmem:s15+$0x40] =	vst v1;
	v1 =	vld [tilespmem:s0+$0x5C00]  }
0x233: {  	[tilespmem:s17+$0x40] =	vst v2;
	v2 =	vld [tilespmem:s13+$0x2C70]  }
0x234: {  	[tilespmem:s19+$0x40] =	vst v3;
	v6 =	vld [tilespmem:s13+$0x2C10]  }
0x235: {  	[tilespmem:s21+$0x40] =	vst v4;
	v3 =	vld [tilespmem:s13+$0x2C30]  }
0x236: {  	[tilespmem:s14+$0x410] =	vst v5;
	v4 =	vld [tilespmem:s13+$0x2C50]  }
0x237: {  	[tilespmem:s26+$0x420] =	vst v1;
	v1 =	vld [tilespmem:s0+$0x5C20]  }
0x238: {  	[tilespmem:s15+$0x50] =	vst v2;
	v2 =	vld [tilespmem:s0+$0x5C40]  }
0x239: {  	[tilespmem:s17+$0x50] =	vst v6;
	v5 =	vld [tilespmem:s13+$0x3C60]  }
0x23a: {  	[tilespmem:s19+$0x50] =	vst v3;
	v6 =	vld [tilespmem:s13+$0x3C00]  }
0x23b: {  	[tilespmem:s21+$0x50] =	vst v4;
	v3 =	vld [tilespmem:s13+$0x3C20]  }
0x23c: {  	v7 =	vld [tilespmem:s13+$0x3C40];
	[tilespmem:s25+$0x420] =	vst v1  }
0x23d: {  	v8 =	vld [tilespmem:s0+$0x5C10];
	[tilespmem:s14+$0x420] =	vst v2  }
0x23e: {  	v1 =	vld [tilespmem:s0+$0x5C30];
	[tilespmem:s15+$0x60] =	vst v5  }
0x23f: {  	[tilespmem:s17+$0x60] =	vst v6;
	v5 =	vld [tilespmem:s13+$0x3C70]  }
0x240: {  	[tilespmem:s19+$0x60] =	vst v3;
	v4 =	vld [tilespmem:s13+$0x3C10]  }
0x241: {  	[tilespmem:s21+$0x60] =	vst v7;
	v3 =	vld [tilespmem:s13+$0x3C30]  }
0x242: {  	s24 =	simm.s32 $0x4;
	[tilespmem:s26+$0x430] =	vst v8;
	s26 =	simm.s32 $0x400;
	v2 =	vld [tilespmem:s13+$0x3C50]  }
.LBB2_8:
0x243: {  	s1 =	sshra.s32 s26, $0x2;
	s5 =	sadd.s32 $0x80, s26;
	s6 =	sadd.s32 $0x100, s26;
	[tilespmem:s25+$0x430] =	vst v1;
	v1 =	vld [tilespmem:s0+$0x5C50]  }
0x244: {  	s24 =	sadd.s32 $0x4, s24;
	s5 =	sand.u32 $0x280, s5;
	s6 =	sand.u32 $0x300, s6;
	v6 =	vld [tilespmem:s1+$0xC60];
	[tilespmem:s15+$0x70] =	vst v5  }
0x245: {  	s16 =	sand.u32 $0x200, s26;
	s23 =	sadd.s32 $0x400, s23;
	p0 =	slt.u32 s24, $0x7C;
	[tilespmem:s17+$0x70] =	vst v4;
	v4 =	vld [tilespmem:s13+$0x4C60]  }
0x246: {  	s29 =	sadd.s32 $0x180, s26;
	s0 =	smov.u32 s13;
	s25 =	sand.u32 $0x7800, s23;
	v5 =	vld [tilespmem:s1+$0xC00];
	[tilespmem:s19+$0x70] =	vst v3  }
0x247: {  	s31 =	sand.u32 $0x380, s29;
	s25 =	sadd.s32 $0xCC00, s25;
	s13 =	smov.u32 s1;
	v3 =	vld [tilespmem:s1+$0xC20];
	[tilespmem:s21+$0x70] =	vst v2  }
0x248: {  	s29 =	sor.u32 s16, s25;
	s31 =	sor.u32 s31, s25;
	s1 =	sor.u32 s5, s25;
	v2 =	vld [tilespmem:s13+$0xC40];
	[tilespmem:s14+$0x430] =	vst v1  }
0x249: {  	s5 =	sor.u32 s6, s25;
	s25 =	smov.u32 s19;
	s19 =	smov.u32 s1;
	[tilespmem:s31+$0x0] =	vst v6;
	v1 =	vld [tilespmem:s0+$0x4C00]  }
0x24a: {  	s14 =	smov.u32 s21;
	s21 =	smov.u32 s5;
	v6 =	vld [tilespmem:s13+$0xC70];
	[tilespmem:s15+$0x400] =	vst v4  }
0x24b: {  	[tilespmem:s29+$0x0] =	vst v5;
	v4 =	vld [tilespmem:s0+$0x4C70]  }
0x24c: {  	v5 =	vld [tilespmem:s13+$0xC10];
	[tilespmem:s19+$0x0] =	vst v3  }
0x24d: {  	v3 =	vld [tilespmem:s13+$0xC30];
	[tilespmem:s21+$0x0] =	vst v2  }
0x24e: {  	v2 =	vld [tilespmem:s13+$0xC50];
	[tilespmem:s17+$0x400] =	vst v1  }
0x24f: {  	[tilespmem:s31+$0x10] =	vst v6;
	v1 =	vld [tilespmem:s0+$0x4C20]  }
0x250: {  	v6 =	vld [tilespmem:s13+$0x1C60];
	[tilespmem:s15+$0x410] =	vst v4  }
0x251: {  	[tilespmem:s29+$0x10] =	vst v5;
	v4 =	vld [tilespmem:s0+$0x5C60]  }
0x252: {  	v5 =	vld [tilespmem:s13+$0x1C00];
	[tilespmem:s19+$0x10] =	vst v3  }
0x253: {  	v3 =	vld [tilespmem:s13+$0x1C20];
	[tilespmem:s21+$0x10] =	vst v2  }
0x254: {  	v2 =	vld [tilespmem:s13+$0x1C40];
	[tilespmem:s25+$0x400] =	vst v1  }
0x255: {  	[tilespmem:s31+$0x20] =	vst v6;
	v1 =	vld [tilespmem:s0+$0x4C40]  }
0x256: {  	v6 =	vld [tilespmem:s13+$0x1C70];
	[tilespmem:s15+$0x420] =	vst v4  }
0x257: {  	[tilespmem:s29+$0x20] =	vst v5;
	v4 =	vld [tilespmem:s0+$0x5C70]  }
0x258: {  	v5 =	vld [tilespmem:s13+$0x1C10];
	[tilespmem:s19+$0x20] =	vst v3  }
0x259: {  	v3 =	vld [tilespmem:s13+$0x1C30];
	[tilespmem:s21+$0x20] =	vst v2  }
0x25a: {  	v2 =	vld [tilespmem:s13+$0x1C50];
	[tilespmem:s14+$0x400] =	vst v1  }
0x25b: {  	[tilespmem:s31+$0x30] =	vst v6;
	v1 =	vld [tilespmem:s0+$0x4C10]  }
0x25c: {  	v6 =	vld [tilespmem:s0+$0x4C30];
	[tilespmem:s15+$0x430] =	vst v4;
	s15 =	smov.u32 s31  }
0x25d: {  	[tilespmem:s29+$0x30] =	vst v5;
	v4 =	vld [tilespmem:s13+$0x2C60]  }
0x25e: {  	v5 =	vld [tilespmem:s13+$0x2C00];
	[tilespmem:s19+$0x30] =	vst v3  }
0x25f: {  	v3 =	vld [tilespmem:s13+$0x2C20];
	[tilespmem:s21+$0x30] =	vst v2  }
0x260: {  	v2 =	vld [tilespmem:s13+$0x2C40];
	[tilespmem:s17+$0x410] =	vst v1  }
0x261: {  	[tilespmem:s25+$0x410] =	vst v6;
	v1 =	vld [tilespmem:s0+$0x4C50]  }
0x262: {  	[tilespmem:s15+$0x40] =	vst v4;
	v4 =	vld [tilespmem:s0+$0x5C00]  }
0x263: {  	[tilespmem:s29+$0x40] =	vst v5;
	v5 =	vld [tilespmem:s13+$0x2C70]  }
0x264: {  	v6 =	vld [tilespmem:s13+$0x2C10];
	[tilespmem:s19+$0x40] =	vst v3  }
0x265: {  	v3 =	vld [tilespmem:s13+$0x2C30];
	[tilespmem:s21+$0x40] =	vst v2  }
0x266: {  	v2 =	vld [tilespmem:s13+$0x2C50];
	[tilespmem:s14+$0x410] =	vst v1  }
0x267: {  	[tilespmem:s17+$0x420] =	vst v4;
	v1 =	vld [tilespmem:s0+$0x5C20]  }
0x268: {  	[tilespmem:s15+$0x50] =	vst v5;
	v4 =	vld [tilespmem:s0+$0x5C40]  }
0x269: {  	[tilespmem:s29+$0x50] =	vst v6;
	v5 =	vld [tilespmem:s13+$0x3C60]  }
0x26a: {  	v6 =	vld [tilespmem:s13+$0x3C00];
	[tilespmem:s19+$0x50] =	vst v3  }
0x26b: {  	v3 =	vld [tilespmem:s13+$0x3C20];
	[tilespmem:s21+$0x50] =	vst v2  }
0x26c: {  	v2 =	vld [tilespmem:s13+$0x3C40];
	[tilespmem:s25+$0x420] =	vst v1  }
0x26d: {  	v7 =	vld [tilespmem:s0+$0x5C10];
	[tilespmem:s14+$0x420] =	vst v4  }
.Ltmp3:
0x26e: {  	[tilespmem:s15+$0x60] =	vst v5;
	v1 =	vld [tilespmem:s0+$0x5C30];
	(pc) =	sbr.rel @p0 .LBB2_8-.Ltmp3, $4  }
0x26f: {  	[tilespmem:s29+$0x60] =	vst v6;
	v5 =	vld [tilespmem:s13+$0x3C70]  }
0x270: {  	v4 =	vld [tilespmem:s13+$0x3C10];
	[tilespmem:s19+$0x60] =	vst v3  }
0x271: {  	v3 =	vld [tilespmem:s13+$0x3C30];
	[tilespmem:s21+$0x60] =	vst v2  }
0x272: {  	s26 =	sadd.s32 $0x200, s26;
	v2 =	vld [tilespmem:s13+$0x3C50];
	[tilespmem:s17+$0x430] =	vst v7;
	s17 =	smov.u32 s29  }
0x273: {  	_ = 	snop  }
0x274: {  	[tilespmem:s15+$0x70] =	vst v5  }
0x275: {  	[tilespmem:s17+$0x70] =	vst v4;
	v4 =	vld [tilespmem:s13+$0x4C60]  }
0x276: {  	[tilespmem:s19+$0x70] =	vst v3;
	v3 =	vld [tilespmem:s13+$0x4C00]  }
0x277: {  	[tilespmem:s21+$0x70] =	vst v2;
	v2 =	vld [tilespmem:s13+$0x4C20]  }
0x278: {  	v5 =	vld [tilespmem:s13+$0x4C40];
	_ =	sdelay $0x1  }
0x279: {  	[tilespmem:s15+$0x400] =	vst v4  }
0x27a: {  	v4 =	vld [tilespmem:s13+$0x4C70];
	[tilespmem:s17+$0x400] =	vst v3  }
0x27b: {  	[tilespmem:s19+$0x400] =	vst v2;
	v2 =	vld [tilespmem:s13+$0x4C10]  }
0x27c: {  	[tilespmem:s21+$0x400] =	vst v5;
	v3 =	vld [tilespmem:s13+$0x4C30]  }
0x27d: {  	v5 =	vld [tilespmem:s13+$0x4C50];
	_ =	sdelay $0x1  }
0x27e: {  	[tilespmem:s15+$0x410] =	vst v4  }
0x27f: {  	v4 =	vld [tilespmem:s13+$0x5C60];
	[tilespmem:s17+$0x410] =	vst v2  }
0x280: {  	[tilespmem:s19+$0x410] =	vst v3;
	v2 =	vld [tilespmem:s13+$0x5C00]  }
0x281: {  	[tilespmem:s21+$0x410] =	vst v5;
	v3 =	vld [tilespmem:s13+$0x5C20]  }
0x282: {  	v5 =	vld [tilespmem:s13+$0x5C40];
	_ =	sdelay $0x1  }
0x283: {  	v6 =	vld [tilespmem:s0+$0x5C50];
	[tilespmem:s15+$0x420] =	vst v4  }
0x284: {  	v4 =	vld [tilespmem:s13+$0x5C70];
	[tilespmem:s17+$0x420] =	vst v2  }
0x285: {  	[tilespmem:s19+$0x420] =	vst v3;
	v2 =	vld [tilespmem:s13+$0x5C10]  }
0x286: {  	[tilespmem:s21+$0x420] =	vst v5;
	v3 =	vld [tilespmem:s13+$0x5C30]  }
0x287: {  	[tilespmem:s25+$0x430] =	vst v1;
	v1 =	vld [tilespmem:s13+$0x5C50]  }
0x288: {  	[tilespmem:s14+$0x430] =	vst v6  }
0x289: {  	[tilespmem:s15+$0x430] =	vst v4  }
0x28a: {  	[tilespmem:s17+$0x430] =	vst v2  }
0x28b: {  	[tilespmem:s19+$0x430] =	vst v3  }
0x28c: {  	s1 =	simm.s32 $0x0;
	[tilespmem:s21+$0x430] =	vst v1  }
0x28d: {  	[hbm4b:s8+s1] =	stream.linear.scatter [tilespmem:s20], [sflag:$0x2], $0x8000, $0x38;
	[tilespmem:$0x1CC00] =	vst v63  }
0x28e: {  	_ =	swait.ge [sflag:s18], $0x1000  }
0x28f: {  	[sflag:s18] =	ssyncset.done $0x0  }
0x290: {  	[sflag:s18] =	ssyncadd.s32 $0xFFFFF000  }
0x291: {  	_ =	swait.ge [sflag:s18], $0x1000  }
0x292: {  	[sflag:s18] =	ssyncset.done $0x0  }
0x293: {  	[sflag:s18] =	ssyncadd.s32 $0xFFFFF000  }
0x294: {  	_ =	swait.ge [sflag:s18], $0x1000  }
0x295: {  	[sflag:s18] =	ssyncset.done $0x0  }
0x296: {  	[sflag:s18] =	ssyncadd.s32 $0xFFFFF000  }
0x297: {  	_ =	swait.ge [sflag:s18], $0x1000  }
0x298: {  	[sflag:s18] =	ssyncset.done $0x0  }
0x299: {  	[sflag:s18] =	ssyncadd.s32 $0xFFFFF000  }
0x29a: {  	_ =	swait.ge [sflag:s18], $0x1000  }
0x29b: {  	[sflag:s18] =	ssyncset.done $0x0  }
0x29c: {  	[sflag:s18] =	ssyncadd.s32 $0xFFFFF000  }
0x29d: {  	_ =	swait.ge [sflag:s18], $0x1000  }
0x29e: {  	[sflag:s18] =	ssyncset.done $0x0  }
0x29f: {  	[sflag:s18] =	ssyncadd.s32 $0xFFFFF000  }
0x2a0: {  	_ =	swait.ge [sflag:s28], $0x8000  }
0x2a1: {  	[sflag:s28] =	ssyncset.done $0x0  }
0x2a2: {  	s0 =	simm.s32 $0x0;
	[sflag:s28] =	ssyncadd.s32 $0xFFFF8000  }
0x2a3: {  	v1 =	vld [tilespmem:s0+$0x6C60]  }
0x2a4: {  	v2 =	vld [tilespmem:s0+$0x6C00]  }
0x2a5: {  	s6 =	simm.s32 $0x180;
	s5 =	sand.u32 $0x7800, s1  }
0x2a6: {  	s6 =	sand.u32 $0x380, s6;
	s5 =	sadd.s32 $0x14C00, s5;
	v3 =	vld [tilespmem:s0+$0x6C20]  }
0x2a7: {  	s24 =	sor.u32 s6, s5;
	s1 =	sand.u32 $0x200, s1;
	v4 =	vld [tilespmem:s0+$0x6C40]  }
0x2a8: {  	s14 =	simm.s32 $0x80;
	s29 =	sor.u32 s1, s5;
	[tilespmem:s24+$0x0] =	vst v1  }
0x2a9: {  	s6 =	sand.u32 $0x280, s14;
	s15 =	simm.s32 $0x100;
	[tilespmem:s29+$0x0] =	vst v2;
	v1 =	vld [tilespmem:s0+$0x6C70]  }
0x2aa: {  	s25 =	sor.u32 s6, s5;
	s16 =	sand.u32 $0x300, s15;
	v2 =	vld [tilespmem:s0+$0x6C10]  }
0x2ab: {  	s14 =	sor.u32 s16, s5;
	[tilespmem:s25+$0x0] =	vst v3  }
0x2ac: {  	[tilespmem:s14+$0x0] =	vst v4;
	v3 =	vld [tilespmem:s0+$0x6C30]  }
0x2ad: {  	v4 =	vld [tilespmem:s0+$0x6C50]  }
0x2ae: {  	[tilespmem:s24+$0x10] =	vst v1  }
0x2af: {  	[tilespmem:s29+$0x10] =	vst v2;
	v1 =	vld [tilespmem:s0+$0x7C60]  }
0x2b0: {  	v2 =	vld [tilespmem:s0+$0x7C00]  }
0x2b1: {  	[tilespmem:s25+$0x10] =	vst v3  }
0x2b2: {  	[tilespmem:s14+$0x10] =	vst v4;
	v3 =	vld [tilespmem:s0+$0x7C20]  }
0x2b3: {  	v4 =	vld [tilespmem:s0+$0x7C40]  }
0x2b4: {  	[tilespmem:s24+$0x20] =	vst v1  }
0x2b5: {  	[tilespmem:s29+$0x20] =	vst v2;
	v1 =	vld [tilespmem:s0+$0x7C70]  }
0x2b6: {  	v2 =	vld [tilespmem:s0+$0x7C10]  }
0x2b7: {  	[tilespmem:s25+$0x20] =	vst v3  }
0x2b8: {  	[tilespmem:s14+$0x20] =	vst v4;
	v3 =	vld [tilespmem:s0+$0x7C30]  }
0x2b9: {  	v4 =	vld [tilespmem:s0+$0x7C50]  }
0x2ba: {  	[tilespmem:s24+$0x30] =	vst v1  }
0x2bb: {  	[tilespmem:s29+$0x30] =	vst v2;
	v1 =	vld [tilespmem:s0+$0x8C60]  }
0x2bc: {  	v2 =	vld [tilespmem:s0+$0x8C00]  }
0x2bd: {  	[tilespmem:s25+$0x30] =	vst v3  }
0x2be: {  	[tilespmem:s14+$0x30] =	vst v4;
	v3 =	vld [tilespmem:s0+$0x8C20]  }
0x2bf: {  	v4 =	vld [tilespmem:s0+$0x8C40]  }
0x2c0: {  	[tilespmem:s24+$0x40] =	vst v1  }
0x2c1: {  	[tilespmem:s29+$0x40] =	vst v2;
	v1 =	vld [tilespmem:s0+$0x8C70]  }
0x2c2: {  	v2 =	vld [tilespmem:s0+$0x8C10]  }
0x2c3: {  	[tilespmem:s25+$0x40] =	vst v3  }
0x2c4: {  	[tilespmem:s14+$0x40] =	vst v4;
	v3 =	vld [tilespmem:s0+$0x8C30]  }
0x2c5: {  	v4 =	vld [tilespmem:s0+$0x8C50]  }
0x2c6: {  	[tilespmem:s24+$0x50] =	vst v1  }
0x2c7: {  	[tilespmem:s29+$0x50] =	vst v2;
	v1 =	vld [tilespmem:s0+$0x9C60]  }
0x2c8: {  	v2 =	vld [tilespmem:s0+$0x9C00]  }
0x2c9: {  	[tilespmem:s25+$0x50] =	vst v3  }
0x2ca: {  	[tilespmem:s14+$0x50] =	vst v4;
	v3 =	vld [tilespmem:s0+$0x9C20]  }
0x2cb: {  	v4 =	vld [tilespmem:s0+$0x9C40]  }
0x2cc: {  	[tilespmem:s24+$0x60] =	vst v1  }
0x2cd: {  	[tilespmem:s29+$0x60] =	vst v2;
	v1 =	vld [tilespmem:s0+$0x9C70]  }
0x2ce: {  	s13 =	simm.s32 $0x80;
	v2 =	vld [tilespmem:s0+$0x9C10]  }
0x2cf: {  	v5 =	vld [tilespmem:s13+$0x6C60];
	[tilespmem:s25+$0x60] =	vst v3  }
0x2d0: {  	s23 =	simm.s32 $0x400;
	[tilespmem:s14+$0x60] =	vst v4;
	v3 =	vld [tilespmem:s0+$0x9C30]  }
0x2d1: {  	s17 =	sand.u32 $0x7800, s23;
	s19 =	simm.s32 $0x380;
	v4 =	vld [tilespmem:s0+$0x9C50]  }
0x2d2: {  	s1 =	sadd.s32 $0x14C00, s17;
	s5 =	sand.u32 $0x380, s19;
	[tilespmem:s24+$0x70] =	vst v1  }
0x2d3: {  	s15 =	sor.u32 s5, s1;
	[tilespmem:s29+$0x70] =	vst v2;
	v2 =	vld [tilespmem:s13+$0x6C00]  }
0x2d4: {  	[tilespmem:s15+$0x0] =	vst v5;
	v1 =	vld [tilespmem:s0+$0xAC60]  }
0x2d5: {  	s21 =	simm.s32 $0x200;
	[tilespmem:s25+$0x70] =	vst v3;
	v3 =	vld [tilespmem:s13+$0x6C20]  }
0x2d6: {  	s6 =	sand.u32 $0x200, s21;
	[tilespmem:s14+$0x70] =	vst v4;
	v4 =	vld [tilespmem:s13+$0x6C40]  }
0x2d7: {  	s26 =	simm.s32 $0x280;
	s17 =	sor.u32 s6, s1;
	v6 =	vld [tilespmem:s13+$0x6C70]  }
0x2d8: {  	s16 =	simm.s32 $0x300;
	s5 =	sand.u32 $0x280, s26;
	v5 =	vld [tilespmem:s0+$0xAC00];
	[tilespmem:s17+$0x0] =	vst v2  }
0x2d9: {  	s31 =	sand.u32 $0x300, s16;
	s19 =	sor.u32 s5, s1;
	[tilespmem:s24+$0x400] =	vst v1;
	v2 =	vld [tilespmem:s13+$0x6C10]  }
0x2da: {  	s21 =	sor.u32 s31, s1;
	[tilespmem:s19+$0x0] =	vst v3;
	v1 =	vld [tilespmem:s0+$0xAC70]  }
0x2db: {  	[tilespmem:s21+$0x0] =	vst v4;
	v3 =	vld [tilespmem:s13+$0x6C30]  }
0x2dc: {  	[tilespmem:s15+$0x10] =	vst v6;
	v4 =	vld [tilespmem:s13+$0x6C50]  }
0x2dd: {  	v6 =	vld [tilespmem:s13+$0x7C60];
	[tilespmem:s29+$0x400] =	vst v5  }
0x2de: {  	v5 =	vld [tilespmem:s0+$0xAC20];
	[tilespmem:s17+$0x10] =	vst v2  }
0x2df: {  	[tilespmem:s24+$0x410] =	vst v1;
	v2 =	vld [tilespmem:s13+$0x7C00]  }
0x2e0: {  	[tilespmem:s19+$0x10] =	vst v3;
	v1 =	vld [tilespmem:s0+$0xBC60]  }
0x2e1: {  	[tilespmem:s21+$0x10] =	vst v4;
	v3 =	vld [tilespmem:s13+$0x7C20]  }
0x2e2: {  	[tilespmem:s15+$0x20] =	vst v6;
	v4 =	vld [tilespmem:s13+$0x7C40]  }
0x2e3: {  	v6 =	vld [tilespmem:s13+$0x7C70];
	[tilespmem:s25+$0x400] =	vst v5  }
0x2e4: {  	v5 =	vld [tilespmem:s0+$0xAC40];
	[tilespmem:s17+$0x20] =	vst v2  }
0x2e5: {  	[tilespmem:s24+$0x420] =	vst v1;
	v2 =	vld [tilespmem:s13+$0x7C10]  }
0x2e6: {  	[tilespmem:s19+$0x20] =	vst v3;
	v1 =	vld [tilespmem:s0+$0xBC70]  }
0x2e7: {  	[tilespmem:s21+$0x20] =	vst v4;
	v3 =	vld [tilespmem:s13+$0x7C30]  }
0x2e8: {  	[tilespmem:s15+$0x30] =	vst v6;
	v4 =	vld [tilespmem:s13+$0x7C50]  }
0x2e9: {  	v6 =	vld [tilespmem:s0+$0xAC30];
	[tilespmem:s14+$0x400] =	vst v5  }
0x2ea: {  	v5 =	vld [tilespmem:s0+$0xAC10];
	[tilespmem:s17+$0x30] =	vst v2  }
0x2eb: {  	[tilespmem:s24+$0x430] =	vst v1;
	v1 =	vld [tilespmem:s13+$0x8C60]  }
0x2ec: {  	[tilespmem:s19+$0x30] =	vst v3;
	v2 =	vld [tilespmem:s13+$0x8C00]  }
0x2ed: {  	[tilespmem:s21+$0x30] =	vst v4;
	v3 =	vld [tilespmem:s13+$0x8C20]  }
0x2ee: {  	[tilespmem:s25+$0x410] =	vst v6;
	v4 =	vld [tilespmem:s13+$0x8C40]  }
0x2ef: {  	[tilespmem:s29+$0x410] =	vst v5;
	v5 =	vld [tilespmem:s0+$0xAC50]  }
0x2f0: {  	[tilespmem:s15+$0x40] =	vst v1;
	v1 =	vld [tilespmem:s0+$0xBC00]  }
0x2f1: {  	[tilespmem:s17+$0x40] =	vst v2;
	v2 =	vld [tilespmem:s13+$0x8C70]  }
0x2f2: {  	[tilespmem:s19+$0x40] =	vst v3;
	v6 =	vld [tilespmem:s13+$0x8C10]  }
0x2f3: {  	[tilespmem:s21+$0x40] =	vst v4;
	v3 =	vld [tilespmem:s13+$0x8C30]  }
0x2f4: {  	[tilespmem:s14+$0x410] =	vst v5;
	v4 =	vld [tilespmem:s13+$0x8C50]  }
0x2f5: {  	[tilespmem:s29+$0x420] =	vst v1;
	v1 =	vld [tilespmem:s0+$0xBC20]  }
0x2f6: {  	[tilespmem:s15+$0x50] =	vst v2;
	v2 =	vld [tilespmem:s0+$0xBC40]  }
0x2f7: {  	[tilespmem:s17+$0x50] =	vst v6;
	v5 =	vld [tilespmem:s13+$0x9C60]  }
0x2f8: {  	[tilespmem:s19+$0x50] =	vst v3;
	v6 =	vld [tilespmem:s13+$0x9C00]  }
0x2f9: {  	[tilespmem:s21+$0x50] =	vst v4;
	v3 =	vld [tilespmem:s13+$0x9C20]  }
0x2fa: {  	v7 =	vld [tilespmem:s13+$0x9C40];
	[tilespmem:s25+$0x420] =	vst v1  }
0x2fb: {  	v8 =	vld [tilespmem:s0+$0xBC10];
	[tilespmem:s14+$0x420] =	vst v2  }
0x2fc: {  	v1 =	vld [tilespmem:s0+$0xBC30];
	[tilespmem:s15+$0x60] =	vst v5  }
0x2fd: {  	[tilespmem:s17+$0x60] =	vst v6;
	v5 =	vld [tilespmem:s13+$0x9C70]  }
0x2fe: {  	[tilespmem:s19+$0x60] =	vst v3;
	v4 =	vld [tilespmem:s13+$0x9C10]  }
0x2ff: {  	[tilespmem:s21+$0x60] =	vst v7;
	v3 =	vld [tilespmem:s13+$0x9C30]  }
0x300: {  	s26 =	simm.s32 $0x400;
	s24 =	simm.s32 $0x4;
	[tilespmem:s29+$0x430] =	vst v8;
	v2 =	vld [tilespmem:s13+$0x9C50]  }
.LBB2_10:
0x301: {  	s1 =	sshra.s32 s26, $0x2;
	s5 =	sadd.s32 $0x80, s26;
	s6 =	sadd.s32 $0x100, s26;
	[tilespmem:s25+$0x430] =	vst v1;
	v1 =	vld [tilespmem:s0+$0xBC50]  }
0x302: {  	s24 =	sadd.s32 $0x4, s24;
	s5 =	sand.u32 $0x280, s5;
	s6 =	sand.u32 $0x300, s6;
	v6 =	vld [tilespmem:s1+$0x6C60];
	[tilespmem:s15+$0x70] =	vst v5  }
0x303: {  	s16 =	sand.u32 $0x200, s26;
	s23 =	sadd.s32 $0x400, s23;
	p0 =	slt.u32 s24, $0x7C;
	[tilespmem:s17+$0x70] =	vst v4;
	v4 =	vld [tilespmem:s13+$0xAC60]  }
0x304: {  	s29 =	sadd.s32 $0x180, s26;
	s0 =	smov.u32 s13;
	s25 =	sand.u32 $0x7800, s23;
	v5 =	vld [tilespmem:s1+$0x6C00];
	[tilespmem:s19+$0x70] =	vst v3  }
0x305: {  	s31 =	sand.u32 $0x380, s29;
	s25 =	sadd.s32 $0x14C00, s25;
	s13 =	smov.u32 s1;
	v3 =	vld [tilespmem:s1+$0x6C20];
	[tilespmem:s21+$0x70] =	vst v2  }
0x306: {  	s29 =	sor.u32 s16, s25;
	s31 =	sor.u32 s31, s25;
	s1 =	sor.u32 s5, s25;
	v2 =	vld [tilespmem:s13+$0x6C40];
	[tilespmem:s14+$0x430] =	vst v1  }
0x307: {  	s5 =	sor.u32 s6, s25;
	s25 =	smov.u32 s19;
	s19 =	smov.u32 s1;
	[tilespmem:s31+$0x0] =	vst v6;
	v1 =	vld [tilespmem:s0+$0xAC00]  }
0x308: {  	s14 =	smov.u32 s21;
	s21 =	smov.u32 s5;
	v6 =	vld [tilespmem:s13+$0x6C70];
	[tilespmem:s15+$0x400] =	vst v4  }
0x309: {  	[tilespmem:s29+$0x0] =	vst v5;
	v4 =	vld [tilespmem:s0+$0xAC70]  }
0x30a: {  	v5 =	vld [tilespmem:s13+$0x6C10];
	[tilespmem:s19+$0x0] =	vst v3  }
0x30b: {  	v3 =	vld [tilespmem:s13+$0x6C30];
	[tilespmem:s21+$0x0] =	vst v2  }
0x30c: {  	v2 =	vld [tilespmem:s13+$0x6C50];
	[tilespmem:s17+$0x400] =	vst v1  }
0x30d: {  	[tilespmem:s31+$0x10] =	vst v6;
	v1 =	vld [tilespmem:s0+$0xAC20]  }
0x30e: {  	v6 =	vld [tilespmem:s13+$0x7C60];
	[tilespmem:s15+$0x410] =	vst v4  }
0x30f: {  	[tilespmem:s29+$0x10] =	vst v5;
	v4 =	vld [tilespmem:s0+$0xBC60]  }
0x310: {  	v5 =	vld [tilespmem:s13+$0x7C00];
	[tilespmem:s19+$0x10] =	vst v3  }
0x311: {  	v3 =	vld [tilespmem:s13+$0x7C20];
	[tilespmem:s21+$0x10] =	vst v2  }
0x312: {  	v2 =	vld [tilespmem:s13+$0x7C40];
	[tilespmem:s25+$0x400] =	vst v1  }
0x313: {  	[tilespmem:s31+$0x20] =	vst v6;
	v1 =	vld [tilespmem:s0+$0xAC40]  }
0x314: {  	v6 =	vld [tilespmem:s13+$0x7C70];
	[tilespmem:s15+$0x420] =	vst v4  }
0x315: {  	[tilespmem:s29+$0x20] =	vst v5;
	v4 =	vld [tilespmem:s0+$0xBC70]  }
0x316: {  	v5 =	vld [tilespmem:s13+$0x7C10];
	[tilespmem:s19+$0x20] =	vst v3  }
0x317: {  	v3 =	vld [tilespmem:s13+$0x7C30];
	[tilespmem:s21+$0x20] =	vst v2  }
0x318: {  	v2 =	vld [tilespmem:s13+$0x7C50];
	[tilespmem:s14+$0x400] =	vst v1  }
0x319: {  	[tilespmem:s31+$0x30] =	vst v6;
	v1 =	vld [tilespmem:s0+$0xAC10]  }
0x31a: {  	v6 =	vld [tilespmem:s0+$0xAC30];
	[tilespmem:s15+$0x430] =	vst v4;
	s15 =	smov.u32 s31  }
0x31b: {  	[tilespmem:s29+$0x30] =	vst v5;
	v4 =	vld [tilespmem:s13+$0x8C60]  }
0x31c: {  	v5 =	vld [tilespmem:s13+$0x8C00];
	[tilespmem:s19+$0x30] =	vst v3  }
0x31d: {  	v3 =	vld [tilespmem:s13+$0x8C20];
	[tilespmem:s21+$0x30] =	vst v2  }
0x31e: {  	v2 =	vld [tilespmem:s13+$0x8C40];
	[tilespmem:s17+$0x410] =	vst v1  }
0x31f: {  	[tilespmem:s25+$0x410] =	vst v6;
	v1 =	vld [tilespmem:s0+$0xAC50]  }
0x320: {  	[tilespmem:s15+$0x40] =	vst v4;
	v4 =	vld [tilespmem:s0+$0xBC00]  }
0x321: {  	[tilespmem:s29+$0x40] =	vst v5;
	v5 =	vld [tilespmem:s13+$0x8C70]  }
0x322: {  	v6 =	vld [tilespmem:s13+$0x8C10];
	[tilespmem:s19+$0x40] =	vst v3  }
0x323: {  	v3 =	vld [tilespmem:s13+$0x8C30];
	[tilespmem:s21+$0x40] =	vst v2  }
0x324: {  	v2 =	vld [tilespmem:s13+$0x8C50];
	[tilespmem:s14+$0x410] =	vst v1  }
0x325: {  	[tilespmem:s17+$0x420] =	vst v4;
	v1 =	vld [tilespmem:s0+$0xBC20]  }
0x326: {  	[tilespmem:s15+$0x50] =	vst v5;
	v4 =	vld [tilespmem:s0+$0xBC40]  }
0x327: {  	[tilespmem:s29+$0x50] =	vst v6;
	v5 =	vld [tilespmem:s13+$0x9C60]  }
0x328: {  	v6 =	vld [tilespmem:s13+$0x9C00];
	[tilespmem:s19+$0x50] =	vst v3  }
0x329: {  	v3 =	vld [tilespmem:s13+$0x9C20];
	[tilespmem:s21+$0x50] =	vst v2  }
0x32a: {  	v2 =	vld [tilespmem:s13+$0x9C40];
	[tilespmem:s25+$0x420] =	vst v1  }
0x32b: {  	v7 =	vld [tilespmem:s0+$0xBC10];
	[tilespmem:s14+$0x420] =	vst v4  }
.Ltmp4:
0x32c: {  	[tilespmem:s15+$0x60] =	vst v5;
	v1 =	vld [tilespmem:s0+$0xBC30];
	(pc) =	sbr.rel @p0 .LBB2_10-.Ltmp4, $4  }
0x32d: {  	[tilespmem:s29+$0x60] =	vst v6;
	v5 =	vld [tilespmem:s13+$0x9C70]  }
0x32e: {  	v4 =	vld [tilespmem:s13+$0x9C10];
	[tilespmem:s19+$0x60] =	vst v3  }
0x32f: {  	v3 =	vld [tilespmem:s13+$0x9C30];
	[tilespmem:s21+$0x60] =	vst v2  }
0x330: {  	s26 =	sadd.s32 $0x200, s26;
	v2 =	vld [tilespmem:s13+$0x9C50];
	[tilespmem:s17+$0x430] =	vst v7;
	s17 =	smov.u32 s29  }
0x331: {  	_ = 	snop  }
0x332: {  	[tilespmem:s15+$0x70] =	vst v5  }
0x333: {  	[tilespmem:s17+$0x70] =	vst v4;
	v60 =	vld [tilespmem:s13+$0xAC60]  }
0x334: {  	[tilespmem:s19+$0x70] =	vst v3;
	v3 =	vld [tilespmem:s13+$0xAC00]  }
0x335: {  	[tilespmem:s21+$0x70] =	vst v2;
	v2 =	vld [tilespmem:s13+$0xAC20]  }
0x336: {  	v61 =	vld [tilespmem:s13+$0xAC40];
	_ =	sdelay $0x1  }
0x337: {  	[tilespmem:s15+$0x400] =	vst v60  }
0x338: {  	v4 =	vld [tilespmem:s13+$0xAC70];
	[tilespmem:s17+$0x400] =	vst v3  }
0x339: {  	[tilespmem:s19+$0x400] =	vst v2;
	v2 =	vld [tilespmem:s13+$0xAC10]  }
0x33a: {  	[tilespmem:s21+$0x400] =	vst v61;
	v3 =	vld [tilespmem:s13+$0xAC30]  }
0x33b: {  	v5 =	vld [tilespmem:s13+$0xAC50];
	_ =	sdelay $0x1  }
0x33c: {  	[tilespmem:s15+$0x410] =	vst v4  }
0x33d: {  	v4 =	vld [tilespmem:s13+$0xBC60];
	[tilespmem:s17+$0x410] =	vst v2  }
0x33e: {  	[tilespmem:s19+$0x410] =	vst v3;
	v2 =	vld [tilespmem:s13+$0xBC00]  }
0x33f: {  	[tilespmem:s21+$0x410] =	vst v5;
	v3 =	vld [tilespmem:s13+$0xBC20]  }
0x340: {  	v5 =	vld [tilespmem:s13+$0xBC40];
	_ =	sdelay $0x1  }
0x341: {  	v62 =	vld [tilespmem:s0+$0xBC50];
	[tilespmem:s15+$0x420] =	vst v4  }
0x342: {  	[tilespmem:s17+$0x420] =	vst v2;
	v2 =	vld [tilespmem:s13+$0xBC70]  }
0x343: {  	[tilespmem:s19+$0x420] =	vst v3;
	v3 =	vld [tilespmem:s13+$0xBC10]  }
0x344: {  	[tilespmem:s21+$0x420] =	vst v5;
	v63 =	vld [tilespmem:s13+$0xBC30]  }
0x345: {  	[tilespmem:s25+$0x430] =	vst v1;
	v1 =	vld [tilespmem:s13+$0xBC50]  }
0x346: {  	[tilespmem:s14+$0x430] =	vst v62  }
0x347: {  	[tilespmem:s15+$0x430] =	vst v2  }
0x348: {  	[tilespmem:s17+$0x430] =	vst v3  }
0x349: {  	[tilespmem:s19+$0x430] =	vst v63  }
0x34a: {  	s30 =	sadd.s32 $0x1, s30;
	[tilespmem:s21+$0x430] =	vst v1  }
0x34b: {  	[hbm4b:s9+s2] =	stream.linear.scatter [tilespmem:s22], [sflag:$0x2], $0x8000, $0x38;
	[tilespmem:$0x1CC00] =	vst v63  }
0x34c: {  	p0 =	sne.s32 s30, s10;
	_ =	swait.ge [sflag:s28], $0x8000  }
.Ltmp5:
0x34d: {  	[sflag:s28] =	ssyncset.done $0x0;
	(pc) =	sbr.rel @p0 .LBB2_1-.Ltmp5, $4  }
0x34e: {  	[sflag:s28] =	ssyncadd.s32 $0xFFFF8000  }
0x34f: {  	_ =	swait.ge [sflag:s28], $0x8000  }
0x350: {  	[sflag:s28] =	ssyncset.done $0x0  }
0x351: {  	[sflag:s28] =	ssyncadd.s32 $0xFFFF8000  }
0x352: {  	_ =	sfence.sel $0x180000  }
0x353: {  	[bflag:$0x0] =	sbarrier.arrive $0xFFFF  }
0x354: {  	_ =	strace $0x90000047  }
0x355: {  	s0 =	stileid.u32;
	[bflag:$0x2] =	sbarrier.arrive $0xFFFF  }
0x356: {  	p0 =	sne.s32 s0, $0x0;
	s0 =	rddreg [dreg:$0x2]  }
0x357: {  	s0 =	sadd.s32 @!p0 $0x100000, s0  }
0x358: {  	[sflag:s0] =	ssyncadd.tile.s32 @!p0 $0x1;
	_ =	shalt  }
.Lfunc_end2:
_tile_overlayer_lowered:
.L_overlay_start_2:
0x359: {  	(tag) =	ssettag $0x2  }
0x35a: {  	s0 =	rddreg [dreg:$0x0];
	s2 =	stileid.u32  }
0x35b: {  	s1 =	rddreg [dreg:$0x1];
	p0 =	sne.s32 s2, $0x0  }
0x35c: {  	s3 =	rddreg [dreg:$0x2];
	[bflag:$0x3] =	sbarrier.arrive $0xFFFF;
	s2 =	simm.s32 @!p0 $0x1C03  }
0x35d: {  	[timem:s3], [sflag:s2] =	dma.local @!p0 [hbm:s0], s1  }
0x35e: {  	s0 =	simm.s32 @!p0 $0x3  }
0x35f: {  	_ =	swait.ge @!p0 [sflag:s0], s1  }
0x360: {  	s1 =	ssub.s32 @!p0 $0x0, s1;
	[sflag:s0] =	ssyncset.done @!p0 $0x0  }
0x361: {  	[sflag:s0] =	ssyncadd.s32 @!p0 s1  }
0x362: {  	[bflag:$0x3] =	sbarrier.arrive $0xFFFF  }
0x363: {  	_ =	shalt  }

</sc_bundles>
